<compile_context>
chip_gen: v7x
topology: tpu7x:2x2x1
jax: 0.10.2.dev20260603
libtpu: 0.0.44.dev20260713+nightly
codegen_flags: <defaults>
</compile_context>

<pallas_src>
import functools

import jax
import jax.numpy as jnp
from jax import lax
from jax.experimental import pallas as pl
from jax.experimental.pallas import tpu as pltpu
from jax.experimental.pallas import tpu_sc as plsc

_NC = 2
_NS = 16
_NW = _NC * _NS
_SB = 8


def _rows_per_tile(n):
    return 128 * (-(-(n + 1) // (_NS * 128)))



def _make_agg_kernel(n, d, chi):
    L = 128
    sb = _SB
    nb = chi // sb
    rpt = _rows_per_tile(n)
    npad = rpt * _NS
    wchunks = []
    off = 0
    while off < rpt:
        sz = min(2 * L, rpt - off)
        wchunks.append((off, sz))
        off += sz
    mesh = plsc.VectorSubcoreMesh(core_axis_name="c", subcore_axis_name="s")

    @functools.partial(
        pl.kernel, mesh=mesh,
        out_type=jax.ShapeDtypeStruct((_NC, npad, d), jnp.float32),
        scratch_types=[
            pltpu.VMEM((2, sb, L), jnp.int32),
            pltpu.VMEM((2, sb, L), jnp.int32),
            pltpu.VMEM((2 * L, d), jnp.float32),
            pltpu.VMEM_SHARED((npad, d), jnp.float32),
            pltpu.SemaphoreType.DMA,
            pltpu.SemaphoreType.DMA,
            pltpu.SemaphoreType.DMA,
            pltpu.SemaphoreType.DMA,
            pltpu.SemaphoreType.DMA,
            pltpu.SemaphoreType.DMA,
        ],
    )
    def agg_k(g_hbm, src_hbm, dst_hbm, out_hbm, sidx, didx, rows, acc,
              si0, si1, sr0, sr1, ss0, ss1):
        c = lax.axis_index("c")
        s = lax.axis_index("s")
        w = c * _NS + s
        semi = [si0, si1]
        semr = [sr0, sr1]
        sems = [ss0, ss1]
        buf = [rows.at[pl.ds(0, L), :], rows.at[pl.ds(L, L), :]]

        def zrow(i, carry):
            for t in range(d // 16):
                rows[i, pl.ds(t * 16, 16)] = jnp.zeros((16,), jnp.float32)
            return carry

        lax.fori_loop(0, 2 * L, zrow, 0)
        for off, sz in wchunks:
            pltpu.sync_copy(rows.at[pl.ds(0, sz), :],
                            acc.at[pl.ds(s * rpt + off, sz), :])
        plsc.subcore_barrier()

        def load_idx(m, slot):
            pltpu.async_copy(src_hbm.at[w, pl.ds(m * sb, sb), :],
                             sidx.at[slot], semi[slot])
            pltpu.async_copy(dst_hbm.at[w, pl.ds(m * sb, sb), :],
                             didx.at[slot], semi[slot])

        def wait_idx(m, slot):
            pltpu.make_async_copy(src_hbm.at[w, pl.ds(m * sb, sb), :],
                                  sidx.at[slot], semi[slot]).wait()
            pltpu.make_async_copy(dst_hbm.at[w, pl.ds(m * sb, sb), :],
                                  didx.at[slot], semi[slot]).wait()

        load_idx(0, 0)

        def do_block(m, slot, may_prefetch=True):
            wait_idx(m, slot)

            if may_prefetch:
                @pl.when(m + 1 < nb)
                def _():
                    load_idx(m + 1, slot ^ 1)

            gd = [
                pltpu.async_copy(g_hbm.at[sidx.at[slot, 0]], buf[0], semr[0]),
                pltpu.async_copy(g_hbm.at[sidx.at[slot, 1]], buf[1], semr[1]),
            ]
            for j in range(sb):
                bb = j % 2
                gd[bb].wait()
                pltpu.sync_copy(buf[bb], acc.at[didx.at[slot, j]], add=True)
                if j + 2 < sb:
                    gd[bb] = pltpu.async_copy(
                        g_hbm.at[sidx.at[slot, j + 2]], buf[bb], semr[bb])

        def pair(mm, carry):
            for half in range(2):
                do_block(2 * mm + half, half)
            return carry

        lax.fori_loop(0, nb // 2, pair, 0)
        if nb % 2:
            do_block(nb - 1, (nb - 1) % 2, may_prefetch=False)
        plsc.subcore_barrier()
        pltpu.sync_copy(acc.at[pl.ds(s * rpt, rpt), :],
                        out_hbm.at[c, pl.ds(s * rpt, rpt), :])

    return agg_k



def _dinv_from(degp):
    deg = 1.0 + degp[0][:, 0:1] + degp[1][:, 0:1]
    return lax.rsqrt(deg)


def _mm_scale_body(x_ref, w_ref, degp_ref, o_ref):
    dinv = _dinv_from(degp_ref[...])
    o_ref[...] = jnp.dot(
        x_ref[...], w_ref[...], preferred_element_type=jnp.float32) * dinv


def _mid_body(p_ref, g1_ref, degp_ref, b1_ref, w2_ref, o_ref):
    dinv = _dinv_from(degp_ref[...])
    p = p_ref[...]
    h = (p[0] + p[1] + g1_ref[...]) * dinv + b1_ref[...]
    h = jnp.maximum(h, 0.0)
    o_ref[...] = jnp.dot(
        h, w2_ref[...], preferred_element_type=jnp.float32) * dinv


def _fin_body(q_ref, g2_ref, degp_ref, b2_ref, o_ref):
    dinv = _dinv_from(degp_ref[...])
    q = q_ref[...]
    o_ref[...] = (q[0] + q[1] + g2_ref[...]) * dinv + b2_ref[...]


def kernel(x, edge_index, W1, b1, W2, b2):
    n, d_in = x.shape
    d_hid = W1.shape[1]
    d_out = W2.shape[1]
    e = edge_index.shape[1]
    r = 400

    chi = _SB * (-(-e // (_NW * 128 * _SB)))
    e2 = _NW * chi * 128
    pad = e2 - e
    rpt = _rows_per_tile(n)
    ngarb = rpt * _NS - n
    pad_i = jnp.arange(pad, dtype=edge_index.dtype)
    src_p = jnp.concatenate([edge_index[0], pad_i % n])
    dst_p = jnp.concatenate([edge_index[1], n + pad_i % ngarb])

    src3d = src_p.reshape(_NW, chi, 128)
    dst3d = dst_p.reshape(_NW, chi, 128)

    agg_hid = _make_agg_kernel(n, d_hid, chi)

    degp = agg_hid(jnp.ones((n, d_hid), jnp.float32), src3d, dst3d)

    full = lambda *shape: pl.BlockSpec(shape, lambda i: (0,) * len(shape))
    rows = lambda *shape: pl.BlockSpec((r,) + shape, lambda i: (i,) + (0,) * len(shape))
    degs = pl.BlockSpec((2, r, 128), lambda i: (0, i, 0))
    prt = lambda dd: pl.BlockSpec((2, r, dd), lambda i: (0, i, 0))

    g1 = pl.pallas_call(
        _mm_scale_body,
        grid=(n // r,),
        in_specs=[rows(d_in), full(d_in, d_hid), degs],
        out_specs=rows(d_hid),
        out_shape=jax.ShapeDtypeStruct((n, d_hid), jnp.float32),
    )(x, W1, degp)

    p = agg_hid(g1, src3d, dst3d)

    g2 = pl.pallas_call(
        _mid_body,
        grid=(n // r,),
        in_specs=[prt(d_hid), rows(d_hid), degs, full(1, d_hid), full(d_hid, d_out)],
        out_specs=rows(d_out),
        out_shape=jax.ShapeDtypeStruct((n, d_out), jnp.float32),
    )(p, g1, degp, b1.reshape(1, d_hid), W2)

    if d_out == d_hid:
        agg_out = agg_hid
    else:
        agg_out = _make_agg_kernel(n, d_out, chi)
    q = agg_out(g2, src3d, dst3d)

    out = pl.pallas_call(
        _fin_body,
        grid=(n // r,),
        in_specs=[prt(d_out), rows(d_out), degs, full(1, d_out)],
        out_specs=rows(d_out),
        out_shape=jax.ShapeDtypeStruct((n, d_out), jnp.float32),
    )(q, g2, degp, b2.reshape(1, d_out))

    return out

# --- scband reference (transcript-rebuilt; emitter-appended) ---
"""Pipeline reference for scband-tsguard-11321533792838 (READ-ONLY COPY).

The authoritative reference and input builder live on the scoring server;
editing this copy changes nothing except your own understanding.
"""

import jax, jax.numpy as jnp
import numpy as np

N = 10000
E = 320000
D_IN = 128
D_HID = 128
D_OUT = 128


def setup_inputs(seed: int = 0) -> dict:
    key = jax.random.key(seed)
    k1, k2, k3, k4 = jax.random.split(key, 4)
    x = jax.random.normal(k1, (N, D_IN), dtype=jnp.float32)
    edge_index = jax.random.randint(k2, (2, E), 0, N, dtype=jnp.int32)
    W1 = jax.random.normal(k3, (D_IN, D_HID), dtype=jnp.float32) * (1.0 / np.sqrt(D_IN))
    b1 = jnp.zeros((D_HID,), dtype=jnp.float32)
    W2 = jax.random.normal(k4, (D_HID, D_OUT), dtype=jnp.float32) * (1.0 / np.sqrt(D_HID))
    b2 = jnp.zeros((D_OUT,), dtype=jnp.float32)
    return {"x": x, "edge_index": edge_index, "W1": W1, "b1": b1, "W2": W2, "b2": b2}


def _gcn_layer(x, edge_index, W, b):
    # GCNConv: x' = D^{-1/2} (A + I) D^{-1/2} X W + b  (symmetric normalization, self-loops)
    n = x.shape[0]
    h = x @ W
    loop = jnp.arange(n, dtype=edge_index.dtype)
    src = jnp.concatenate([edge_index[0], loop])
    dst = jnp.concatenate([edge_index[1], loop])
    deg = jnp.zeros((n,), dtype=h.dtype).at[dst].add(1.0)
    dinv = 1.0 / jnp.sqrt(jnp.maximum(deg, 1.0))
    norm = dinv[src] * dinv[dst]
    msg = h[src] * norm[:, None]
    out = jnp.zeros_like(h).at[dst].add(msg)
    return out + b


def reference(x, edge_index, W1, b1, W2, b2):
    h = jax.nn.relu(_gcn_layer(x, edge_index, W1, b1))
    out = _gcn_layer(h, edge_index, W2, b2)
    return out

if __name__ == "__main__":
    import jax
    _d = setup_inputs()
    print(jax.jit(kernel)(*tuple(_d.values())))

</pallas_src>

<mosaic_0001>
#map = affine_map<(d0, d1) -> (0, 0)>
#map1 = affine_map<(d0, d1) -> (0, 0, 0)>
module attributes {stable_mosaic.version = 14 : i64} {
  func.func @agg_k(%arg0: i32, %arg1: i32, %arg2: memref<10000x128xf32, #tpu.memory_space<hbm>>, %arg3: memref<32x80x128xi32, #tpu.memory_space<hbm>>, %arg4: memref<32x80x128xi32, #tpu.memory_space<hbm>>, %arg5: memref<2x10240x128xf32, #tpu.memory_space<hbm>>, %arg6: memref<2x8x128xi32, #tpu.memory_space<vmem>>, %arg7: memref<2x8x128xi32, #tpu.memory_space<vmem>>, %arg8: memref<256x128xf32, #tpu.memory_space<vmem>>, %arg9: memref<10240x128xf32, #tpu.memory_space<vmem_shared>>, %arg10: memref<!tpu.dma_semaphore, #tpu.memory_space<semaphore_mem>>, %arg11: memref<!tpu.dma_semaphore, #tpu.memory_space<semaphore_mem>>, %arg12: memref<!tpu.dma_semaphore, #tpu.memory_space<semaphore_mem>>, %arg13: memref<!tpu.dma_semaphore, #tpu.memory_space<semaphore_mem>>, %arg14: memref<!tpu.dma_semaphore, #tpu.memory_space<semaphore_mem>>, %arg15: memref<!tpu.dma_semaphore, #tpu.memory_space<semaphore_mem>>) attributes {dimension_semantics = [#tpu.dimension_semantics<core_parallel>, #tpu.dimension_semantics<subcore_parallel>], iteration_bounds = array<i64: 2, 16>, scalar_prefetch = 0 : i64, scratch_operands = 10 : i64, tpu.core_type = #tpu.core_type<sc_vector_subcore>, window_params = [{transform_indices = #map}, {transform_indices = #map1}, {transform_indices = #map1}, {transform_indices = #map1}]} {
    %mul3A = arith.constant 16 : i32
    %mul3A_0 = arith.muli %arg0, %mul3A : i32
    %add3A = arith.addi %mul3A_0, %arg1 : i32
    %scan3A = arith.constant 0 : i32
    %scan3A_1 = arith.constant 0 : i32
    %scan3A_2 = arith.constant 256 : i32
    %scan3A_3 = arith.addi %scan3A_1, %scan3A_2 : i32
    %scan3A_4 = arith.constant 1 : i32
    scf.for %scan3A_62 = %scan3A_1 to %scan3A_3 step %scan3A_4  : i32 {
      %broadcast_in_dim3A = arith.constant 0.000000e+00 : f32
      %broadcast_in_dim3A_63 = vector.broadcast %broadcast_in_dim3A : f32 to vector<16xf32>
      %swap3A = arith.index_cast %scan3A_62 : i32 to index
      %swap3A_64 = arith.constant 0 : index
      %swap3A_65 = tpu.vector_load %arg8[%swap3A, %swap3A_64] {strides = array<i32>} : memref<256x128xf32, #tpu.memory_space<vmem>>, vector<1x16xf32>,
      %swap3A_66 = vector.shape_cast %swap3A_65 : vector<1x16xf32> to vector<16xf32>
      %swap3A_67 = vector.shape_cast %broadcast_in_dim3A_63 : vector<16xf32> to vector<1x16xf32>
      tpu.vector_store %arg8[%swap3A, %swap3A_64], %swap3A_67 {strides = array<i32>} : memref<256x128xf32, #tpu.memory_space<vmem>>, vector<1x16xf32>,
      %broadcast_in_dim3A_68 = arith.constant 0.000000e+00 : f32
      %broadcast_in_dim3A_69 = vector.broadcast %broadcast_in_dim3A_68 : f32 to vector<16xf32>
      %swap3A_70 = arith.index_cast %scan3A_62 : i32 to index
      %swap3A_71 = arith.constant 16 : index
      %swap3A_72 = tpu.vector_load %arg8[%swap3A_70, %swap3A_71] {strides = array<i32>} : memref<256x128xf32, #tpu.memory_space<vmem>>, vector<1x16xf32>,
      %swap3A_73 = vector.shape_cast %swap3A_72 : vector<1x16xf32> to vector<16xf32>
      %swap3A_74 = vector.shape_cast %broadcast_in_dim3A_69 : vector<16xf32> to vector<1x16xf32>
      tpu.vector_store %arg8[%swap3A_70, %swap3A_71], %swap3A_74 {strides = array<i32>} : memref<256x128xf32, #tpu.memory_space<vmem>>, vector<1x16xf32>,
      %broadcast_in_dim3A_75 = arith.constant 0.000000e+00 : f32
      %broadcast_in_dim3A_76 = vector.broadcast %broadcast_in_dim3A_75 : f32 to vector<16xf32>
      %swap3A_77 = arith.index_cast %scan3A_62 : i32 to index
      %swap3A_78 = arith.constant 32 : index
      %swap3A_79 = tpu.vector_load %arg8[%swap3A_77, %swap3A_78] {strides = array<i32>} : memref<256x128xf32, #tpu.memory_space<vmem>>, vector<1x16xf32>,
      %swap3A_80 = vector.shape_cast %swap3A_79 : vector<1x16xf32> to vector<16xf32>
      %swap3A_81 = vector.shape_cast %broadcast_in_dim3A_76 : vector<16xf32> to vector<1x16xf32>
      tpu.vector_store %arg8[%swap3A_77, %swap3A_78], %swap3A_81 {strides = array<i32>} : memref<256x128xf32, #tpu.memory_space<vmem>>, vector<1x16xf32>,
      %broadcast_in_dim3A_82 = arith.constant 0.000000e+00 : f32
      %broadcast_in_dim3A_83 = vector.broadcast %broadcast_in_dim3A_82 : f32 to vector<16xf32>
      %swap3A_84 = arith.index_cast %scan3A_62 : i32 to index
      %swap3A_85 = arith.constant 48 : index
      %swap3A_86 = tpu.vector_load %arg8[%swap3A_84, %swap3A_85] {strides = array<i32>} : memref<256x128xf32, #tpu.memory_space<vmem>>, vector<1x16xf32>,
      %swap3A_87 = vector.shape_cast %swap3A_86 : vector<1x16xf32> to vector<16xf32>
      %swap3A_88 = vector.shape_cast %broadcast_in_dim3A_83 : vector<16xf32> to vector<1x16xf32>
      tpu.vector_store %arg8[%swap3A_84, %swap3A_85], %swap3A_88 {strides = array<i32>} : memref<256x128xf32, #tpu.memory_space<vmem>>, vector<1x16xf32>,
      %broadcast_in_dim3A_89 = arith.constant 0.000000e+00 : f32
      %broadcast_in_dim3A_90 = vector.broadcast %broadcast_in_dim3A_89 : f32 to vector<16xf32>
      %swap3A_91 = arith.index_cast %scan3A_62 : i32 to index
      %swap3A_92 = arith.constant 64 : index
      %swap3A_93 = tpu.vector_load %arg8[%swap3A_91, %swap3A_92] {strides = array<i32>} : memref<256x128xf32, #tpu.memory_space<vmem>>, vector<1x16xf32>,
      %swap3A_94 = vector.shape_cast %swap3A_93 : vector<1x16xf32> to vector<16xf32>
      %swap3A_95 = vector.shape_cast %broadcast_in_dim3A_90 : vector<16xf32> to vector<1x16xf32>
      tpu.vector_store %arg8[%swap3A_91, %swap3A_92], %swap3A_95 {strides = array<i32>} : memref<256x128xf32, #tpu.memory_space<vmem>>, vector<1x16xf32>,
      %broadcast_in_dim3A_96 = arith.constant 0.000000e+00 : f32
      %broadcast_in_dim3A_97 = vector.broadcast %broadcast_in_dim3A_96 : f32 to vector<16xf32>
      %swap3A_98 = arith.index_cast %scan3A_62 : i32 to index
      %swap3A_99 = arith.constant 80 : index
      %swap3A_100 = tpu.vector_load %arg8[%swap3A_98, %swap3A_99] {strides = array<i32>} : memref<256x128xf32, #tpu.memory_space<vmem>>, vector<1x16xf32>,
      %swap3A_101 = vector.shape_cast %swap3A_100 : vector<1x16xf32> to vector<16xf32>
      %swap3A_102 = vector.shape_cast %broadcast_in_dim3A_97 : vector<16xf32> to vector<1x16xf32>
      tpu.vector_store %arg8[%swap3A_98, %swap3A_99], %swap3A_102 {strides = array<i32>} : memref<256x128xf32, #tpu.memory_space<vmem>>, vector<1x16xf32>,
      %broadcast_in_dim3A_103 = arith.constant 0.000000e+00 : f32
      %broadcast_in_dim3A_104 = vector.broadcast %broadcast_in_dim3A_103 : f32 to vector<16xf32>
      %swap3A_105 = arith.index_cast %scan3A_62 : i32 to index
      %swap3A_106 = arith.constant 96 : index
      %swap3A_107 = tpu.vector_load %arg8[%swap3A_105, %swap3A_106] {strides = array<i32>} : memref<256x128xf32, #tpu.memory_space<vmem>>, vector<1x16xf32>,
      %swap3A_108 = vector.shape_cast %swap3A_107 : vector<1x16xf32> to vector<16xf32>
      %swap3A_109 = vector.shape_cast %broadcast_in_dim3A_104 : vector<16xf32> to vector<1x16xf32>
      tpu.vector_store %arg8[%swap3A_105, %swap3A_106], %swap3A_109 {strides = array<i32>} : memref<256x128xf32, #tpu.memory_space<vmem>>, vector<1x16xf32>,
      %broadcast_in_dim3A_110 = arith.constant 0.000000e+00 : f32
      %broadcast_in_dim3A_111 = vector.broadcast %broadcast_in_dim3A_110 : f32 to vector<16xf32>
      %swap3A_112 = arith.index_cast %scan3A_62 : i32 to index
      %swap3A_113 = arith.constant 112 : index
      %swap3A_114 = tpu.vector_load %arg8[%swap3A_112, %swap3A_113] {strides = array<i32>} : memref<256x128xf32, #tpu.memory_space<vmem>>, vector<1x16xf32>,
      %swap3A_115 = vector.shape_cast %swap3A_114 : vector<1x16xf32> to vector<16xf32>
      %swap3A_116 = vector.shape_cast %broadcast_in_dim3A_111 : vector<16xf32> to vector<1x16xf32>
      tpu.vector_store %arg8[%swap3A_112, %swap3A_113], %swap3A_116 {strides = array<i32>} : memref<256x128xf32, #tpu.memory_space<vmem>>, vector<1x16xf32>,
    }
    %scan3A_5 = arith.constant 256 : i32
    %mul3A_6 = arith.constant 640 : i32
    %mul3A_7 = arith.muli %arg1, %mul3A_6 : i32
    %add3A_8 = arith.constant 0 : i32
    %add3A_9 = arith.addi %mul3A_7, %add3A_8 : i32
    "tpu.region"() ({
      %run_scoped3A = tpu.sem_alloc : memref<!tpu.dma_semaphore, #tpu.memory_space<semaphore_mem>>
      %dma_start3A_62 = arith.constant 0 : i32
      %dma_start3A_63 = arith.constant 0 : i32
      %dma_start3A_64 = tpu.memref_slice %arg8[%dma_start3A_62, %dma_start3A_63] : memref<256x128xf32, #tpu.memory_space<vmem>> -> memref<256x128xf32, #tpu.memory_space<vmem>>
      %dma_start3A_65 = arith.constant 0 : i32
      %dma_start3A_66 = tpu.memref_slice %arg9[%add3A_9, %dma_start3A_65] : memref<10240x128xf32, #tpu.memory_space<vmem_shared>> -> memref<256x128xf32, #tpu.memory_space<vmem_shared>>
      %dma_start3A_67 = arith.constant 0 : i32
      %dma_start3A_68 = tpu.memref_slice %arg9[%add3A_9, %dma_start3A_67] : memref<10240x128xf32, #tpu.memory_space<vmem_shared>> -> memref<256x128xf32, #tpu.memory_space<vmem_shared>>
      %dma_start3A_69 = arith.constant 0 : i32
      %dma_start3A_70 = arith.constant 0 : i32
      %dma_start3A_71 = tpu.memref_slice %arg8[%dma_start3A_69, %dma_start3A_70] : memref<256x128xf32, #tpu.memory_space<vmem>> -> memref<256x128xf32, #tpu.memory_space<vmem>>
      tpu.enqueue_dma source(%dma_start3A_71 : memref<256x128xf32, #tpu.memory_space<vmem>>) target(%dma_start3A_68 : memref<256x128xf32, #tpu.memory_space<vmem_shared>>) target_semaphore(%run_scoped3A : memref<!tpu.dma_semaphore, #tpu.memory_space<semaphore_mem>>)
      %dma_wait3A = arith.constant 0 : i32
      %dma_wait3A_72 = arith.constant 0 : i32
      %dma_wait3A_73 = tpu.memref_slice %arg8[%dma_wait3A, %dma_wait3A_72] : memref<256x128xf32, #tpu.memory_space<vmem>> -> memref<256x128xf32, #tpu.memory_space<vmem>>
      %dma_wait3A_74 = arith.constant 0 : i32
      %dma_wait3A_75 = tpu.memref_slice %arg9[%add3A_9, %dma_wait3A_74] : memref<10240x128xf32, #tpu.memory_space<vmem_shared>> -> memref<256x128xf32, #tpu.memory_space<vmem_shared>>
      %dma_wait3A_76 = arith.constant 0 : i32
      %dma_wait3A_77 = tpu.memref_slice %arg9[%add3A_9, %dma_wait3A_76] : memref<10240x128xf32, #tpu.memory_space<vmem_shared>> -> memref<256x128xf32, #tpu.memory_space<vmem_shared>>
      %dma_wait3A_78 = arith.constant 0 : i32
      %dma_wait3A_79 = arith.constant 0 : i32
      %dma_wait3A_80 = tpu.memref_slice %arg8[%dma_wait3A_78, %dma_wait3A_79] : memref<256x128xf32, #tpu.memory_space<vmem>> -> memref<256x128xf32, #tpu.memory_space<vmem>>
      tpu.wait_dma2 semaphore(%run_scoped3A : memref<!tpu.dma_semaphore, #tpu.memory_space<semaphore_mem>>) src(%dma_wait3A_80 : memref<256x128xf32, #tpu.memory_space<vmem>>) dst(%dma_wait3A_77 : memref<256x128xf32, #tpu.memory_space<vmem_shared>>)
      tpu.yield
    }) : () -> ()
    %mul3A_10 = arith.constant 640 : i32
    %mul3A_11 = arith.muli %arg1, %mul3A_10 : i32
    %add3A_12 = arith.constant 256 : i32
    %add3A_13 = arith.addi %mul3A_11, %add3A_12 : i32
    "tpu.region"() ({
      %run_scoped3A = tpu.sem_alloc : memref<!tpu.dma_semaphore, #tpu.memory_space<semaphore_mem>>
      %dma_start3A_62 = arith.constant 0 : i32
      %dma_start3A_63 = arith.constant 0 : i32
      %dma_start3A_64 = tpu.memref_slice %arg8[%dma_start3A_62, %dma_start3A_63] : memref<256x128xf32, #tpu.memory_space<vmem>> -> memref<256x128xf32, #tpu.memory_space<vmem>>
      %dma_start3A_65 = arith.constant 0 : i32
      %dma_start3A_66 = tpu.memref_slice %arg9[%add3A_13, %dma_start3A_65] : memref<10240x128xf32, #tpu.memory_space<vmem_shared>> -> memref<256x128xf32, #tpu.memory_space<vmem_shared>>
      %dma_start3A_67 = arith.constant 0 : i32
      %dma_start3A_68 = tpu.memref_slice %arg9[%add3A_13, %dma_start3A_67] : memref<10240x128xf32, #tpu.memory_space<vmem_shared>> -> memref<256x128xf32, #tpu.memory_space<vmem_shared>>
      %dma_start3A_69 = arith.constant 0 : i32
      %dma_start3A_70 = arith.constant 0 : i32
      %dma_start3A_71 = tpu.memref_slice %arg8[%dma_start3A_69, %dma_start3A_70] : memref<256x128xf32, #tpu.memory_space<vmem>> -> memref<256x128xf32, #tpu.memory_space<vmem>>
      tpu.enqueue_dma source(%dma_start3A_71 : memref<256x128xf32, #tpu.memory_space<vmem>>) target(%dma_start3A_68 : memref<256x128xf32, #tpu.memory_space<vmem_shared>>) target_semaphore(%run_scoped3A : memref<!tpu.dma_semaphore, #tpu.memory_space<semaphore_mem>>)
      %dma_wait3A = arith.constant 0 : i32
      %dma_wait3A_72 = arith.constant 0 : i32
      %dma_wait3A_73 = tpu.memref_slice %arg8[%dma_wait3A, %dma_wait3A_72] : memref<256x128xf32, #tpu.memory_space<vmem>> -> memref<256x128xf32, #tpu.memory_space<vmem>>
      %dma_wait3A_74 = arith.constant 0 : i32
      %dma_wait3A_75 = tpu.memref_slice %arg9[%add3A_13, %dma_wait3A_74] : memref<10240x128xf32, #tpu.memory_space<vmem_shared>> -> memref<256x128xf32, #tpu.memory_space<vmem_shared>>
      %dma_wait3A_76 = arith.constant 0 : i32
      %dma_wait3A_77 = tpu.memref_slice %arg9[%add3A_13, %dma_wait3A_76] : memref<10240x128xf32, #tpu.memory_space<vmem_shared>> -> memref<256x128xf32, #tpu.memory_space<vmem_shared>>
      %dma_wait3A_78 = arith.constant 0 : i32
      %dma_wait3A_79 = arith.constant 0 : i32
      %dma_wait3A_80 = tpu.memref_slice %arg8[%dma_wait3A_78, %dma_wait3A_79] : memref<256x128xf32, #tpu.memory_space<vmem>> -> memref<256x128xf32, #tpu.memory_space<vmem>>
      tpu.wait_dma2 semaphore(%run_scoped3A : memref<!tpu.dma_semaphore, #tpu.memory_space<semaphore_mem>>) src(%dma_wait3A_80 : memref<256x128xf32, #tpu.memory_space<vmem>>) dst(%dma_wait3A_77 : memref<256x128xf32, #tpu.memory_space<vmem_shared>>)
      tpu.yield
    }) : () -> ()
    %mul3A_14 = arith.constant 640 : i32
    %mul3A_15 = arith.muli %arg1, %mul3A_14 : i32
    %add3A_16 = arith.constant 512 : i32
    %add3A_17 = arith.addi %mul3A_15, %add3A_16 : i32
    "tpu.region"() ({
      %run_scoped3A = tpu.sem_alloc : memref<!tpu.dma_semaphore, #tpu.memory_space<semaphore_mem>>
      %dma_start3A_62 = arith.constant 0 : i32
      %dma_start3A_63 = arith.constant 0 : i32
      %dma_start3A_64 = tpu.memref_slice %arg8[%dma_start3A_62, %dma_start3A_63] : memref<256x128xf32, #tpu.memory_space<vmem>> -> memref<128x128xf32, #tpu.memory_space<vmem>>
      %dma_start3A_65 = arith.constant 0 : i32
      %dma_start3A_66 = tpu.memref_slice %arg9[%add3A_17, %dma_start3A_65] : memref<10240x128xf32, #tpu.memory_space<vmem_shared>> -> memref<128x128xf32, #tpu.memory_space<vmem_shared>>
      %dma_start3A_67 = arith.constant 0 : i32
      %dma_start3A_68 = tpu.memref_slice %arg9[%add3A_17, %dma_start3A_67] : memref<10240x128xf32, #tpu.memory_space<vmem_shared>> -> memref<128x128xf32, #tpu.memory_space<vmem_shared>>
      %dma_start3A_69 = arith.constant 0 : i32
      %dma_start3A_70 = arith.constant 0 : i32
      %dma_start3A_71 = tpu.memref_slice %arg8[%dma_start3A_69, %dma_start3A_70] : memref<256x128xf32, #tpu.memory_space<vmem>> -> memref<128x128xf32, #tpu.memory_space<vmem>>
      tpu.enqueue_dma source(%dma_start3A_71 : memref<128x128xf32, #tpu.memory_space<vmem>>) target(%dma_start3A_68 : memref<128x128xf32, #tpu.memory_space<vmem_shared>>) target_semaphore(%run_scoped3A : memref<!tpu.dma_semaphore, #tpu.memory_space<semaphore_mem>>)
      %dma_wait3A = arith.constant 0 : i32
      %dma_wait3A_72 = arith.constant 0 : i32
      %dma_wait3A_73 = tpu.memref_slice %arg8[%dma_wait3A, %dma_wait3A_72] : memref<256x128xf32, #tpu.memory_space<vmem>> -> memref<128x128xf32, #tpu.memory_space<vmem>>
      %dma_wait3A_74 = arith.constant 0 : i32
      %dma_wait3A_75 = tpu.memref_slice %arg9[%add3A_17, %dma_wait3A_74] : memref<10240x128xf32, #tpu.memory_space<vmem_shared>> -> memref<128x128xf32, #tpu.memory_space<vmem_shared>>
      %dma_wait3A_76 = arith.constant 0 : i32
      %dma_wait3A_77 = tpu.memref_slice %arg9[%add3A_17, %dma_wait3A_76] : memref<10240x128xf32, #tpu.memory_space<vmem_shared>> -> memref<128x128xf32, #tpu.memory_space<vmem_shared>>
      %dma_wait3A_78 = arith.constant 0 : i32
      %dma_wait3A_79 = arith.constant 0 : i32
      %dma_wait3A_80 = tpu.memref_slice %arg8[%dma_wait3A_78, %dma_wait3A_79] : memref<256x128xf32, #tpu.memory_space<vmem>> -> memref<128x128xf32, #tpu.memory_space<vmem>>
      tpu.wait_dma2 semaphore(%run_scoped3A : memref<!tpu.dma_semaphore, #tpu.memory_space<semaphore_mem>>) src(%dma_wait3A_80 : memref<128x128xf32, #tpu.memory_space<vmem>>) dst(%dma_wait3A_77 : memref<128x128xf32, #tpu.memory_space<vmem_shared>>)
      tpu.yield
    }) : () -> ()
    %barrier3A = arith.constant 0 : index
    tpu.barrier barrier_id(%barrier3A)
    %dma_start3A = arith.constant 0 : i32
    %dma_start3A_18 = arith.constant 0 : i32
    %dma_start3A_19 = arith.constant 0 : i32
    %dma_start3A_20 = tpu.memref_slice %arg6[%dma_start3A, %dma_start3A_18, %dma_start3A_19] : memref<2x8x128xi32, #tpu.memory_space<vmem>> -> memref<1x8x128xi32, #tpu.memory_space<vmem>>
    %dma_start3A_21 = tpu.memref_squeeze %dma_start3A_20 : memref<1x8x128xi32, #tpu.memory_space<vmem>> -> memref<8x128xi32, #tpu.memory_space<vmem>>
    %dma_start3A_22 = arith.constant 0 : i32
    %dma_start3A_23 = arith.constant 0 : i32
    %dma_start3A_24 = tpu.memref_slice %arg3[%add3A, %dma_start3A_22, %dma_start3A_23] : memref<32x80x128xi32, #tpu.memory_space<hbm>> -> memref<1x8x128xi32, #tpu.memory_space<hbm>>
    %dma_start3A_25 = tpu.memref_squeeze %dma_start3A_24 : memref<1x8x128xi32, #tpu.memory_space<hbm>> -> memref<8x128xi32, #tpu.memory_space<hbm>>
    %dma_start3A_26 = arith.constant 0 : i32
    %dma_start3A_27 = arith.constant 0 : i32
    %dma_start3A_28 = tpu.memref_slice %arg6[%dma_start3A, %dma_start3A_26, %dma_start3A_27] : memref<2x8x128xi32, #tpu.memory_space<vmem>> -> memref<1x8x128xi32, #tpu.memory_space<vmem>>
    %dma_start3A_29 = tpu.memref_squeeze %dma_start3A_28 : memref<1x8x128xi32, #tpu.memory_space<vmem>> -> memref<8x128xi32, #tpu.memory_space<vmem>>
    %dma_start3A_30 = arith.constant 0 : i32
    %dma_start3A_31 = arith.constant 0 : i32
    %dma_start3A_32 = tpu.memref_slice %arg3[%add3A, %dma_start3A_30, %dma_start3A_31] : memref<32x80x128xi32, #tpu.memory_space<hbm>> -> memref<1x8x128xi32, #tpu.memory_space<hbm>>
    %dma_start3A_33 = tpu.memref_squeeze %dma_start3A_32 : memref<1x8x128xi32, #tpu.memory_space<hbm>> -> memref<8x128xi32, #tpu.memory_space<hbm>>
    tpu.enqueue_dma source(%dma_start3A_33 : memref<8x128xi32, #tpu.memory_space<hbm>>) target(%dma_start3A_29 : memref<8x128xi32, #tpu.memory_space<vmem>>) target_semaphore(%arg10 : memref<!tpu.dma_semaphore, #tpu.memory_space<semaphore_mem>>)
    %dma_start3A_34 = arith.constant 0 : i32
    %dma_start3A_35 = arith.constant 0 : i32
    %dma_start3A_36 = arith.constant 0 : i32
    %dma_start3A_37 = tpu.memref_slice %arg7[%dma_start3A_34, %dma_start3A_35, %dma_start3A_36] : memref<2x8x128xi32, #tpu.memory_space<vmem>> -> memref<1x8x128xi32, #tpu.memory_space<vmem>>
    %dma_start3A_38 = tpu.memref_squeeze %dma_start3A_37 : memref<1x8x128xi32, #tpu.memory_space<vmem>> -> memref<8x128xi32, #tpu.memory_space<vmem>>
    %dma_start3A_39 = arith.constant 0 : i32
    %dma_start3A_40 = arith.constant 0 : i32
    %dma_start3A_41 = tpu.memref_slice %arg4[%add3A, %dma_start3A_39, %dma_start3A_40] : memref<32x80x128xi32, #tpu.memory_space<hbm>> -> memref<1x8x128xi32, #tpu.memory_space<hbm>>
    %dma_start3A_42 = tpu.memref_squeeze %dma_start3A_41 : memref<1x8x128xi32, #tpu.memory_space<hbm>> -> memref<8x128xi32, #tpu.memory_space<hbm>>
    %dma_start3A_43 = arith.constant 0 : i32
    %dma_start3A_44 = arith.constant 0 : i32
    %dma_start3A_45 = tpu.memref_slice %arg7[%dma_start3A_34, %dma_start3A_43, %dma_start3A_44] : memref<2x8x128xi32, #tpu.memory_space<vmem>> -> memref<1x8x128xi32, #tpu.memory_space<vmem>>
    %dma_start3A_46 = tpu.memref_squeeze %dma_start3A_45 : memref<1x8x128xi32, #tpu.memory_space<vmem>> -> memref<8x128xi32, #tpu.memory_space<vmem>>
    %dma_start3A_47 = arith.constant 0 : i32
    %dma_start3A_48 = arith.constant 0 : i32
    %dma_start3A_49 = tpu.memref_slice %arg4[%add3A, %dma_start3A_47, %dma_start3A_48] : memref<32x80x128xi32, #tpu.memory_space<hbm>> -> memref<1x8x128xi32, #tpu.memory_space<hbm>>
    %dma_start3A_50 = tpu.memref_squeeze %dma_start3A_49 : memref<1x8x128xi32, #tpu.memory_space<hbm>> -> memref<8x128xi32, #tpu.memory_space<hbm>>
    tpu.enqueue_dma source(%dma_start3A_50 : memref<8x128xi32, #tpu.memory_space<hbm>>) target(%dma_start3A_46 : memref<8x128xi32, #tpu.memory_space<vmem>>) target_semaphore(%arg10 : memref<!tpu.dma_semaphore, #tpu.memory_space<semaphore_mem>>)
    %scan3A_51 = arith.constant 0 : i32
    %scan3A_52 = arith.constant 0 : i32
    %scan3A_53 = arith.constant 5 : i32
    %scan3A_54 = arith.addi %scan3A_52, %scan3A_53 : i32
    %scan3A_55 = arith.constant 1 : i32
    scf.for %scan3A_62 = %scan3A_52 to %scan3A_54 step %scan3A_55  : i32 {
      %mul3A_63 = arith.constant 2 : i32
      %mul3A_64 = arith.muli %mul3A_63, %scan3A_62 : i32
      %add3A_65 = arith.constant 0 : i32
      %add3A_66 = arith.addi %mul3A_64, %add3A_65 : i32
      %mul3A_67 = arith.constant 8 : i32
      %mul3A_68 = arith.muli %add3A_66, %mul3A_67 : i32
      %dma_wait3A = arith.constant 0 : i32
      %dma_wait3A_69 = arith.constant 0 : i32
      %dma_wait3A_70 = arith.constant 0 : i32
      %dma_wait3A_71 = tpu.memref_slice %arg6[%dma_wait3A, %dma_wait3A_69, %dma_wait3A_70] : memref<2x8x128xi32, #tpu.memory_space<vmem>> -> memref<1x8x128xi32, #tpu.memory_space<vmem>>
      %dma_wait3A_72 = tpu.memref_squeeze %dma_wait3A_71 : memref<1x8x128xi32, #tpu.memory_space<vmem>> -> memref<8x128xi32, #tpu.memory_space<vmem>>
      %dma_wait3A_73 = arith.constant 0 : i32
      %dma_wait3A_74 = tpu.memref_slice %arg3[%add3A, %mul3A_68, %dma_wait3A_73] : memref<32x80x128xi32, #tpu.memory_space<hbm>> -> memref<1x8x128xi32, #tpu.memory_space<hbm>>
      %dma_wait3A_75 = tpu.memref_squeeze %dma_wait3A_74 : memref<1x8x128xi32, #tpu.memory_space<hbm>> -> memref<8x128xi32, #tpu.memory_space<hbm>>
      %dma_wait3A_76 = arith.constant 0 : i32
      %dma_wait3A_77 = arith.constant 0 : i32
      %dma_wait3A_78 = tpu.memref_slice %arg6[%dma_wait3A, %dma_wait3A_76, %dma_wait3A_77] : memref<2x8x128xi32, #tpu.memory_space<vmem>> -> memref<1x8x128xi32, #tpu.memory_space<vmem>>
      %dma_wait3A_79 = tpu.memref_squeeze %dma_wait3A_78 : memref<1x8x128xi32, #tpu.memory_space<vmem>> -> memref<8x128xi32, #tpu.memory_space<vmem>>
      %dma_wait3A_80 = arith.constant 0 : i32
      %dma_wait3A_81 = tpu.memref_slice %arg3[%add3A, %mul3A_68, %dma_wait3A_80] : memref<32x80x128xi32, #tpu.memory_space<hbm>> -> memref<1x8x128xi32, #tpu.memory_space<hbm>>
      %dma_wait3A_82 = tpu.memref_squeeze %dma_wait3A_81 : memref<1x8x128xi32, #tpu.memory_space<hbm>> -> memref<8x128xi32, #tpu.memory_space<hbm>>
      tpu.wait_dma2 semaphore(%arg10 : memref<!tpu.dma_semaphore, #tpu.memory_space<semaphore_mem>>) src(%dma_wait3A_82 : memref<8x128xi32, #tpu.memory_space<hbm>>) dst(%dma_wait3A_79 : memref<8x128xi32, #tpu.memory_space<vmem>>)
      %mul3A_83 = arith.constant 8 : i32
      %mul3A_84 = arith.muli %add3A_66, %mul3A_83 : i32
      %dma_wait3A_85 = arith.constant 0 : i32
      %dma_wait3A_86 = arith.constant 0 : i32
      %dma_wait3A_87 = arith.constant 0 : i32
      %dma_wait3A_88 = tpu.memref_slice %arg7[%dma_wait3A_85, %dma_wait3A_86, %dma_wait3A_87] : memref<2x8x128xi32, #tpu.memory_space<vmem>> -> memref<1x8x128xi32, #tpu.memory_space<vmem>>
      %dma_wait3A_89 = tpu.memref_squeeze %dma_wait3A_88 : memref<1x8x128xi32, #tpu.memory_space<vmem>> -> memref<8x128xi32, #tpu.memory_space<vmem>>
      %dma_wait3A_90 = arith.constant 0 : i32
      %dma_wait3A_91 = tpu.memref_slice %arg4[%add3A, %mul3A_84, %dma_wait3A_90] : memref<32x80x128xi32, #tpu.memory_space<hbm>> -> memref<1x8x128xi32, #tpu.memory_space<hbm>>
      %dma_wait3A_92 = tpu.memref_squeeze %dma_wait3A_91 : memref<1x8x128xi32, #tpu.memory_space<hbm>> -> memref<8x128xi32, #tpu.memory_space<hbm>>
      %dma_wait3A_93 = arith.constant 0 : i32
      %dma_wait3A_94 = arith.constant 0 : i32
      %dma_wait3A_95 = tpu.memref_slice %arg7[%dma_wait3A_85, %dma_wait3A_93, %dma_wait3A_94] : memref<2x8x128xi32, #tpu.memory_space<vmem>> -> memref<1x8x128xi32, #tpu.memory_space<vmem>>
      %dma_wait3A_96 = tpu.memref_squeeze %dma_wait3A_95 : memref<1x8x128xi32, #tpu.memory_space<vmem>> -> memref<8x128xi32, #tpu.memory_space<vmem>>
      %dma_wait3A_97 = arith.constant 0 : i32
      %dma_wait3A_98 = tpu.memref_slice %arg4[%add3A, %mul3A_84, %dma_wait3A_97] : memref<32x80x128xi32, #tpu.memory_space<hbm>> -> memref<1x8x128xi32, #tpu.memory_space<hbm>>
      %dma_wait3A_99 = tpu.memref_squeeze %dma_wait3A_98 : memref<1x8x128xi32, #tpu.memory_space<hbm>> -> memref<8x128xi32, #tpu.memory_space<hbm>>
      tpu.wait_dma2 semaphore(%arg10 : memref<!tpu.dma_semaphore, #tpu.memory_space<semaphore_mem>>) src(%dma_wait3A_99 : memref<8x128xi32, #tpu.memory_space<hbm>>) dst(%dma_wait3A_96 : memref<8x128xi32, #tpu.memory_space<vmem>>)
      %add3A_100 = arith.constant 1 : i32
      %add3A_101 = arith.addi %add3A_66, %add3A_100 : i32
      %lt3A = arith.constant 10 : i32
      %lt3A_102 = arith.cmpi slt, %add3A_101, %lt3A : i32
      %convert_element_type3A = arith.extui %lt3A_102 : i1 to i32
      %cond3A = arith.constant 0 : i32
      %cond3A_103 = arith.cmpi ne, %convert_element_type3A, %cond3A : i32
      scf.if %cond3A_103 {
        %add3A_532 = arith.constant 1 : i32
        %add3A_533 = arith.addi %add3A_66, %add3A_532 : i32
        %mul3A_534 = arith.constant 8 : i32
        %mul3A_535 = arith.muli %add3A_533, %mul3A_534 : i32
        %dma_start3A_536 = arith.constant 1 : i32
        %dma_start3A_537 = arith.constant 0 : i32
        %dma_start3A_538 = arith.constant 0 : i32
        %dma_start3A_539 = tpu.memref_slice %arg6[%dma_start3A_536, %dma_start3A_537, %dma_start3A_538] : memref<2x8x128xi32, #tpu.memory_space<vmem>> -> memref<1x8x128xi32, #tpu.memory_space<vmem>>
        %dma_start3A_540 = tpu.memref_squeeze %dma_start3A_539 : memref<1x8x128xi32, #tpu.memory_space<vmem>> -> memref<8x128xi32, #tpu.memory_space<vmem>>
        %dma_start3A_541 = arith.constant 0 : i32
        %dma_start3A_542 = tpu.memref_slice %arg3[%add3A, %mul3A_535, %dma_start3A_541] : memref<32x80x128xi32, #tpu.memory_space<hbm>> -> memref<1x8x128xi32, #tpu.memory_space<hbm>>
        %dma_start3A_543 = tpu.memref_squeeze %dma_start3A_542 : memref<1x8x128xi32, #tpu.memory_space<hbm>> -> memref<8x128xi32, #tpu.memory_space<hbm>>
        %dma_start3A_544 = arith.constant 0 : i32
        %dma_start3A_545 = arith.constant 0 : i32
        %dma_start3A_546 = tpu.memref_slice %arg6[%dma_start3A_536, %dma_start3A_544, %dma_start3A_545] : memref<2x8x128xi32, #tpu.memory_space<vmem>> -> memref<1x8x128xi32, #tpu.memory_space<vmem>>
        %dma_start3A_547 = tpu.memref_squeeze %dma_start3A_546 : memref<1x8x128xi32, #tpu.memory_space<vmem>> -> memref<8x128xi32, #tpu.memory_space<vmem>>
        %dma_start3A_548 = arith.constant 0 : i32
        %dma_start3A_549 = tpu.memref_slice %arg3[%add3A, %mul3A_535, %dma_start3A_548] : memref<32x80x128xi32, #tpu.memory_space<hbm>> -> memref<1x8x128xi32, #tpu.memory_space<hbm>>
        %dma_start3A_550 = tpu.memref_squeeze %dma_start3A_549 : memref<1x8x128xi32, #tpu.memory_space<hbm>> -> memref<8x128xi32, #tpu.memory_space<hbm>>
        tpu.enqueue_dma source(%dma_start3A_550 : memref<8x128xi32, #tpu.memory_space<hbm>>) target(%dma_start3A_547 : memref<8x128xi32, #tpu.memory_space<vmem>>) target_semaphore(%arg11 : memref<!tpu.dma_semaphore, #tpu.memory_space<semaphore_mem>>)
        %mul3A_551 = arith.constant 8 : i32
        %mul3A_552 = arith.muli %add3A_533, %mul3A_551 : i32
        %dma_start3A_553 = arith.constant 1 : i32
        %dma_start3A_554 = arith.constant 0 : i32
        %dma_start3A_555 = arith.constant 0 : i32
        %dma_start3A_556 = tpu.memref_slice %arg7[%dma_start3A_553, %dma_start3A_554, %dma_start3A_555] : memref<2x8x128xi32, #tpu.memory_space<vmem>> -> memref<1x8x128xi32, #tpu.memory_space<vmem>>
        %dma_start3A_557 = tpu.memref_squeeze %dma_start3A_556 : memref<1x8x128xi32, #tpu.memory_space<vmem>> -> memref<8x128xi32, #tpu.memory_space<vmem>>
        %dma_start3A_558 = arith.constant 0 : i32
        %dma_start3A_559 = tpu.memref_slice %arg4[%add3A, %mul3A_552, %dma_start3A_558] : memref<32x80x128xi32, #tpu.memory_space<hbm>> -> memref<1x8x128xi32, #tpu.memory_space<hbm>>
        %dma_start3A_560 = tpu.memref_squeeze %dma_start3A_559 : memref<1x8x128xi32, #tpu.memory_space<hbm>> -> memref<8x128xi32, #tpu.memory_space<hbm>>
        %dma_start3A_561 = arith.constant 0 : i32
        %dma_start3A_562 = arith.constant 0 : i32
        %dma_start3A_563 = tpu.memref_slice %arg7[%dma_start3A_553, %dma_start3A_561, %dma_start3A_562] : memref<2x8x128xi32, #tpu.memory_space<vmem>> -> memref<1x8x128xi32, #tpu.memory_space<vmem>>
        %dma_start3A_564 = tpu.memref_squeeze %dma_start3A_563 : memref<1x8x128xi32, #tpu.memory_space<vmem>> -> memref<8x128xi32, #tpu.memory_space<vmem>>
        %dma_start3A_565 = arith.constant 0 : i32
        %dma_start3A_566 = tpu.memref_slice %arg4[%add3A, %mul3A_552, %dma_start3A_565] : memref<32x80x128xi32, #tpu.memory_space<hbm>> -> memref<1x8x128xi32, #tpu.memory_space<hbm>>
        %dma_start3A_567 = tpu.memref_squeeze %dma_start3A_566 : memref<1x8x128xi32, #tpu.memory_space<hbm>> -> memref<8x128xi32, #tpu.memory_space<hbm>>
        tpu.enqueue_dma source(%dma_start3A_567 : memref<8x128xi32, #tpu.memory_space<hbm>>) target(%dma_start3A_564 : memref<8x128xi32, #tpu.memory_space<vmem>>) target_semaphore(%arg11 : memref<!tpu.dma_semaphore, #tpu.memory_space<semaphore_mem>>)
      } else {
      }
      %dma_start3A_104 = arith.constant 0 : i32
      %dma_start3A_105 = arith.constant 0 : i32
      %dma_start3A_106 = arith.constant 0 : i32
      %dma_start3A_107 = arith.constant 0 : i32
      %dma_start3A_108 = tpu.memref_slice %arg8[%dma_start3A_106, %dma_start3A_107] : memref<256x128xf32, #tpu.memory_space<vmem>> -> memref<128x128xf32, #tpu.memory_space<vmem>>
      %dma_start3A_109 = arith.constant 0 : i32
      %dma_start3A_110 = tpu.memref_slice %arg6[%dma_start3A_104, %dma_start3A_105, %dma_start3A_109] : memref<2x8x128xi32, #tpu.memory_space<vmem>> -> memref<1x1x128xi32, #tpu.memory_space<vmem>>
      %dma_start3A_111 = tpu.memref_squeeze %dma_start3A_110 : memref<1x1x128xi32, #tpu.memory_space<vmem>> -> memref<128xi32, #tpu.memory_space<vmem>>
      %dma_start3A_112 = arith.constant 0 : i32
      %dma_start3A_113 = arith.constant 0 : i32
      %dma_start3A_114 = tpu.memref_slice %arg2[%dma_start3A_112, %dma_start3A_113] : memref<10000x128xf32, #tpu.memory_space<hbm>> -> memref<10000x128xf32, #tpu.memory_space<hbm>>
      tpu.enqueue_indirect_dma source(%dma_start3A_114 : memref<10000x128xf32, #tpu.memory_space<hbm>>) target(%dma_start3A_108 : memref<128x128xf32, #tpu.memory_space<vmem>>) offsets(%dma_start3A_111 : memref<128xi32, #tpu.memory_space<vmem>>) semaphore(%arg12 : memref<!tpu.dma_semaphore, #tpu.memory_space<semaphore_mem>>)
      %dma_start3A_115 = arith.constant 0 : i32
      %dma_start3A_116 = arith.constant 1 : i32
      %dma_start3A_117 = arith.constant 128 : i32
      %dma_start3A_118 = arith.constant 0 : i32
      %dma_start3A_119 = tpu.memref_slice %arg8[%dma_start3A_117, %dma_start3A_118] : memref<256x128xf32, #tpu.memory_space<vmem>> -> memref<128x128xf32, #tpu.memory_space<vmem>>
      %dma_start3A_120 = arith.constant 0 : i32
      %dma_start3A_121 = tpu.memref_slice %arg6[%dma_start3A_115, %dma_start3A_116, %dma_start3A_120] : memref<2x8x128xi32, #tpu.memory_space<vmem>> -> memref<1x1x128xi32, #tpu.memory_space<vmem>>
      %dma_start3A_122 = tpu.memref_squeeze %dma_start3A_121 : memref<1x1x128xi32, #tpu.memory_space<vmem>> -> memref<128xi32, #tpu.memory_space<vmem>>
      %dma_start3A_123 = arith.constant 0 : i32
      %dma_start3A_124 = arith.constant 0 : i32
      %dma_start3A_125 = tpu.memref_slice %arg2[%dma_start3A_123, %dma_start3A_124] : memref<10000x128xf32, #tpu.memory_space<hbm>> -> memref<10000x128xf32, #tpu.memory_space<hbm>>
      tpu.enqueue_indirect_dma source(%dma_start3A_125 : memref<10000x128xf32, #tpu.memory_space<hbm>>) target(%dma_start3A_119 : memref<128x128xf32, #tpu.memory_space<vmem>>) offsets(%dma_start3A_122 : memref<128xi32, #tpu.memory_space<vmem>>) semaphore(%arg13 : memref<!tpu.dma_semaphore, #tpu.memory_space<semaphore_mem>>)
      %dma_wait3A_126 = arith.constant 0 : i32
      %dma_wait3A_127 = arith.constant 0 : i32
      %dma_wait3A_128 = arith.constant 0 : i32
      %dma_wait3A_129 = arith.constant 0 : i32
      %dma_wait3A_130 = tpu.memref_slice %arg8[%dma_wait3A_128, %dma_wait3A_129] : memref<256x128xf32, #tpu.memory_space<vmem>> -> memref<128x128xf32, #tpu.memory_space<vmem>>
      %dma_wait3A_131 = arith.constant 0 : i32
      %dma_wait3A_132 = tpu.memref_slice %arg6[%dma_wait3A_126, %dma_wait3A_127, %dma_wait3A_131] : memref<2x8x128xi32, #tpu.memory_space<vmem>> -> memref<1x1x128xi32, #tpu.memory_space<vmem>>
      %dma_wait3A_133 = tpu.memref_squeeze %dma_wait3A_132 : memref<1x1x128xi32, #tpu.memory_space<vmem>> -> memref<128xi32, #tpu.memory_space<vmem>>
      %dma_wait3A_134 = arith.constant 0 : i32
      %dma_wait3A_135 = arith.constant 0 : i32
      %dma_wait3A_136 = tpu.memref_slice %arg2[%dma_wait3A_134, %dma_wait3A_135] : memref<10000x128xf32, #tpu.memory_space<hbm>> -> memref<10000x128xf32, #tpu.memory_space<hbm>>
      tpu.wait_indirect_dma semaphore(%arg12 : memref<!tpu.dma_semaphore, #tpu.memory_space<semaphore_mem>>) src(%dma_wait3A_136 : memref<10000x128xf32, #tpu.memory_space<hbm>>) dst(%dma_wait3A_130 : memref<128x128xf32, #tpu.memory_space<vmem>>)
      %run_scoped3A = arith.constant 0 : i32
      %run_scoped3A_137 = arith.constant 0 : i32
      "tpu.region"() ({
        %run_scoped3A_532 = tpu.sem_alloc : memref<!tpu.dma_semaphore, #tpu.memory_space<semaphore_mem>>
        %dma_start3A_533 = arith.constant 0 : i32
        %dma_start3A_534 = arith.constant 0 : i32
        %dma_start3A_535 = tpu.memref_slice %arg8[%dma_start3A_533, %dma_start3A_534] : memref<256x128xf32, #tpu.memory_space<vmem>> -> memref<128x128xf32, #tpu.memory_space<vmem>>
        %dma_start3A_536 = arith.constant 0 : i32
        %dma_start3A_537 = tpu.memref_slice %arg7[%run_scoped3A, %run_scoped3A_137, %dma_start3A_536] : memref<2x8x128xi32, #tpu.memory_space<vmem>> -> memref<1x1x128xi32, #tpu.memory_space<vmem>>
        %dma_start3A_538 = tpu.memref_squeeze %dma_start3A_537 : memref<1x1x128xi32, #tpu.memory_space<vmem>> -> memref<128xi32, #tpu.memory_space<vmem>>
        %dma_start3A_539 = arith.constant 0 : i32
        %dma_start3A_540 = arith.constant 0 : i32
        %dma_start3A_541 = tpu.memref_slice %arg9[%dma_start3A_539, %dma_start3A_540] : memref<10240x128xf32, #tpu.memory_space<vmem_shared>> -> memref<10240x128xf32, #tpu.memory_space<vmem_shared>>
        tpu.enqueue_indirect_dma source(%dma_start3A_535 : memref<128x128xf32, #tpu.memory_space<vmem>>) target(%dma_start3A_541 : memref<10240x128xf32, #tpu.memory_space<vmem_shared>>) offsets(%dma_start3A_538 : memref<128xi32, #tpu.memory_space<vmem>>) semaphore(%run_scoped3A_532 : memref<!tpu.dma_semaphore, #tpu.memory_space<semaphore_mem>>) {add = true}
        %dma_wait3A_542 = arith.constant 0 : i32
        %dma_wait3A_543 = arith.constant 0 : i32
        %dma_wait3A_544 = tpu.memref_slice %arg8[%dma_wait3A_542, %dma_wait3A_543] : memref<256x128xf32, #tpu.memory_space<vmem>> -> memref<128x128xf32, #tpu.memory_space<vmem>>
        %dma_wait3A_545 = arith.constant 0 : i32
        %dma_wait3A_546 = tpu.memref_slice %arg7[%run_scoped3A, %run_scoped3A_137, %dma_wait3A_545] : memref<2x8x128xi32, #tpu.memory_space<vmem>> -> memref<1x1x128xi32, #tpu.memory_space<vmem>>
        %dma_wait3A_547 = tpu.memref_squeeze %dma_wait3A_546 : memref<1x1x128xi32, #tpu.memory_space<vmem>> -> memref<128xi32, #tpu.memory_space<vmem>>
        %dma_wait3A_548 = arith.constant 0 : i32
        %dma_wait3A_549 = arith.constant 0 : i32
        %dma_wait3A_550 = tpu.memref_slice %arg9[%dma_wait3A_548, %dma_wait3A_549] : memref<10240x128xf32, #tpu.memory_space<vmem_shared>> -> memref<10240x128xf32, #tpu.memory_space<vmem_shared>>
        tpu.wait_indirect_dma semaphore(%run_scoped3A_532 : memref<!tpu.dma_semaphore, #tpu.memory_space<semaphore_mem>>) src(%dma_wait3A_544 : memref<128x128xf32, #tpu.memory_space<vmem>>) dst(%dma_wait3A_550 : memref<10240x128xf32, #tpu.memory_space<vmem_shared>>)
        tpu.yield
      }) : () -> ()
      %dma_start3A_138 = arith.constant 0 : i32
      %dma_start3A_139 = arith.constant 2 : i32
      %dma_start3A_140 = arith.constant 0 : i32
      %dma_start3A_141 = arith.constant 0 : i32
      %dma_start3A_142 = tpu.memref_slice %arg8[%dma_start3A_140, %dma_start3A_141] : memref<256x128xf32, #tpu.memory_space<vmem>> -> memref<128x128xf32, #tpu.memory_space<vmem>>
      %dma_start3A_143 = arith.constant 0 : i32
      %dma_start3A_144 = tpu.memref_slice %arg6[%dma_start3A_138, %dma_start3A_139, %dma_start3A_143] : memref<2x8x128xi32, #tpu.memory_space<vmem>> -> memref<1x1x128xi32, #tpu.memory_space<vmem>>
      %dma_start3A_145 = tpu.memref_squeeze %dma_start3A_144 : memref<1x1x128xi32, #tpu.memory_space<vmem>> -> memref<128xi32, #tpu.memory_space<vmem>>
      %dma_start3A_146 = arith.constant 0 : i32
      %dma_start3A_147 = arith.constant 0 : i32
      %dma_start3A_148 = tpu.memref_slice %arg2[%dma_start3A_146, %dma_start3A_147] : memref<10000x128xf32, #tpu.memory_space<hbm>> -> memref<10000x128xf32, #tpu.memory_space<hbm>>
      tpu.enqueue_indirect_dma source(%dma_start3A_148 : memref<10000x128xf32, #tpu.memory_space<hbm>>) target(%dma_start3A_142 : memref<128x128xf32, #tpu.memory_space<vmem>>) offsets(%dma_start3A_145 : memref<128xi32, #tpu.memory_space<vmem>>) semaphore(%arg12 : memref<!tpu.dma_semaphore, #tpu.memory_space<semaphore_mem>>)
      %dma_wait3A_149 = arith.constant 0 : i32
      %dma_wait3A_150 = arith.constant 1 : i32
      %dma_wait3A_151 = arith.constant 128 : i32
      %dma_wait3A_152 = arith.constant 0 : i32
      %dma_wait3A_153 = tpu.memref_slice %arg8[%dma_wait3A_151, %dma_wait3A_152] : memref<256x128xf32, #tpu.memory_space<vmem>> -> memref<128x128xf32, #tpu.memory_space<vmem>>
      %dma_wait3A_154 = arith.constant 0 : i32
      %dma_wait3A_155 = tpu.memref_slice %arg6[%dma_wait3A_149, %dma_wait3A_150, %dma_wait3A_154] : memref<2x8x128xi32, #tpu.memory_space<vmem>> -> memref<1x1x128xi32, #tpu.memory_space<vmem>>
      %dma_wait3A_156 = tpu.memref_squeeze %dma_wait3A_155 : memref<1x1x128xi32, #tpu.memory_space<vmem>> -> memref<128xi32, #tpu.memory_space<vmem>>
      %dma_wait3A_157 = arith.constant 0 : i32
      %dma_wait3A_158 = arith.constant 0 : i32
      %dma_wait3A_159 = tpu.memref_slice %arg2[%dma_wait3A_157, %dma_wait3A_158] : memref<10000x128xf32, #tpu.memory_space<hbm>> -> memref<10000x128xf32, #tpu.memory_space<hbm>>
      tpu.wait_indirect_dma semaphore(%arg13 : memref<!tpu.dma_semaphore, #tpu.memory_space<semaphore_mem>>) src(%dma_wait3A_159 : memref<10000x128xf32, #tpu.memory_space<hbm>>) dst(%dma_wait3A_153 : memref<128x128xf32, #tpu.memory_space<vmem>>)
      %run_scoped3A_160 = arith.constant 0 : i32
      %run_scoped3A_161 = arith.constant 1 : i32
      "tpu.region"() ({
        %run_scoped3A_532 = tpu.sem_alloc : memref<!tpu.dma_semaphore, #tpu.memory_space<semaphore_mem>>
        %dma_start3A_533 = arith.constant 128 : i32
        %dma_start3A_534 = arith.constant 0 : i32
        %dma_start3A_535 = tpu.memref_slice %arg8[%dma_start3A_533, %dma_start3A_534] : memref<256x128xf32, #tpu.memory_space<vmem>> -> memref<128x128xf32, #tpu.memory_space<vmem>>
        %dma_start3A_536 = arith.constant 0 : i32
        %dma_start3A_537 = tpu.memref_slice %arg7[%run_scoped3A_160, %run_scoped3A_161, %dma_start3A_536] : memref<2x8x128xi32, #tpu.memory_space<vmem>> -> memref<1x1x128xi32, #tpu.memory_space<vmem>>
        %dma_start3A_538 = tpu.memref_squeeze %dma_start3A_537 : memref<1x1x128xi32, #tpu.memory_space<vmem>> -> memref<128xi32, #tpu.memory_space<vmem>>
        %dma_start3A_539 = arith.constant 0 : i32
        %dma_start3A_540 = arith.constant 0 : i32
        %dma_start3A_541 = tpu.memref_slice %arg9[%dma_start3A_539, %dma_start3A_540] : memref<10240x128xf32, #tpu.memory_space<vmem_shared>> -> memref<10240x128xf32, #tpu.memory_space<vmem_shared>>
        tpu.enqueue_indirect_dma source(%dma_start3A_535 : memref<128x128xf32, #tpu.memory_space<vmem>>) target(%dma_start3A_541 : memref<10240x128xf32, #tpu.memory_space<vmem_shared>>) offsets(%dma_start3A_538 : memref<128xi32, #tpu.memory_space<vmem>>) semaphore(%run_scoped3A_532 : memref<!tpu.dma_semaphore, #tpu.memory_space<semaphore_mem>>) {add = true}
        %dma_wait3A_542 = arith.constant 128 : i32
        %dma_wait3A_543 = arith.constant 0 : i32
        %dma_wait3A_544 = tpu.memref_slice %arg8[%dma_wait3A_542, %dma_wait3A_543] : memref<256x128xf32, #tpu.memory_space<vmem>> -> memref<128x128xf32, #tpu.memory_space<vmem>>
        %dma_wait3A_545 = arith.constant 0 : i32
        %dma_wait3A_546 = tpu.memref_slice %arg7[%run_scoped3A_160, %run_scoped3A_161, %dma_wait3A_545] : memref<2x8x128xi32, #tpu.memory_space<vmem>> -> memref<1x1x128xi32, #tpu.memory_space<vmem>>
        %dma_wait3A_547 = tpu.memref_squeeze %dma_wait3A_546 : memref<1x1x128xi32, #tpu.memory_space<vmem>> -> memref<128xi32, #tpu.memory_space<vmem>>
        %dma_wait3A_548 = arith.constant 0 : i32
        %dma_wait3A_549 = arith.constant 0 : i32
        %dma_wait3A_550 = tpu.memref_slice %arg9[%dma_wait3A_548, %dma_wait3A_549] : memref<10240x128xf32, #tpu.memory_space<vmem_shared>> -> memref<10240x128xf32, #tpu.memory_space<vmem_shared>>
        tpu.wait_indirect_dma semaphore(%run_scoped3A_532 : memref<!tpu.dma_semaphore, #tpu.memory_space<semaphore_mem>>) src(%dma_wait3A_544 : memref<128x128xf32, #tpu.memory_space<vmem>>) dst(%dma_wait3A_550 : memref<10240x128xf32, #tpu.memory_space<vmem_shared>>)
        tpu.yield
      }) : () -> ()
      %dma_start3A_162 = arith.constant 0 : i32
      %dma_start3A_163 = arith.constant 3 : i32
      %dma_start3A_164 = arith.constant 128 : i32
      %dma_start3A_165 = arith.constant 0 : i32
      %dma_start3A_166 = tpu.memref_slice %arg8[%dma_start3A_164, %dma_start3A_165] : memref<256x128xf32, #tpu.memory_space<vmem>> -> memref<128x128xf32, #tpu.memory_space<vmem>>
      %dma_start3A_167 = arith.constant 0 : i32
      %dma_start3A_168 = tpu.memref_slice %arg6[%dma_start3A_162, %dma_start3A_163, %dma_start3A_167] : memref<2x8x128xi32, #tpu.memory_space<vmem>> -> memref<1x1x128xi32, #tpu.memory_space<vmem>>
      %dma_start3A_169 = tpu.memref_squeeze %dma_start3A_168 : memref<1x1x128xi32, #tpu.memory_space<vmem>> -> memref<128xi32, #tpu.memory_space<vmem>>
      %dma_start3A_170 = arith.constant 0 : i32
      %dma_start3A_171 = arith.constant 0 : i32
      %dma_start3A_172 = tpu.memref_slice %arg2[%dma_start3A_170, %dma_start3A_171] : memref<10000x128xf32, #tpu.memory_space<hbm>> -> memref<10000x128xf32, #tpu.memory_space<hbm>>
      tpu.enqueue_indirect_dma source(%dma_start3A_172 : memref<10000x128xf32, #tpu.memory_space<hbm>>) target(%dma_start3A_166 : memref<128x128xf32, #tpu.memory_space<vmem>>) offsets(%dma_start3A_169 : memref<128xi32, #tpu.memory_space<vmem>>) semaphore(%arg13 : memref<!tpu.dma_semaphore, #tpu.memory_space<semaphore_mem>>)
      %dma_wait3A_173 = arith.constant 0 : i32
      %dma_wait3A_174 = arith.constant 2 : i32
      %dma_wait3A_175 = arith.constant 0 : i32
      %dma_wait3A_176 = arith.constant 0 : i32
      %dma_wait3A_177 = tpu.memref_slice %arg8[%dma_wait3A_175, %dma_wait3A_176] : memref<256x128xf32, #tpu.memory_space<vmem>> -> memref<128x128xf32, #tpu.memory_space<vmem>>
      %dma_wait3A_178 = arith.constant 0 : i32
      %dma_wait3A_179 = tpu.memref_slice %arg6[%dma_wait3A_173, %dma_wait3A_174, %dma_wait3A_178] : memref<2x8x128xi32, #tpu.memory_space<vmem>> -> memref<1x1x128xi32, #tpu.memory_space<vmem>>
      %dma_wait3A_180 = tpu.memref_squeeze %dma_wait3A_179 : memref<1x1x128xi32, #tpu.memory_space<vmem>> -> memref<128xi32, #tpu.memory_space<vmem>>
      %dma_wait3A_181 = arith.constant 0 : i32
      %dma_wait3A_182 = arith.constant 0 : i32
      %dma_wait3A_183 = tpu.memref_slice %arg2[%dma_wait3A_181, %dma_wait3A_182] : memref<10000x128xf32, #tpu.memory_space<hbm>> -> memref<10000x128xf32, #tpu.memory_space<hbm>>
      tpu.wait_indirect_dma semaphore(%arg12 : memref<!tpu.dma_semaphore, #tpu.memory_space<semaphore_mem>>) src(%dma_wait3A_183 : memref<10000x128xf32, #tpu.memory_space<hbm>>) dst(%dma_wait3A_177 : memref<128x128xf32, #tpu.memory_space<vmem>>)
      %run_scoped3A_184 = arith.constant 0 : i32
      %run_scoped3A_185 = arith.constant 2 : i32
      "tpu.region"() ({
        %run_scoped3A_532 = tpu.sem_alloc : memref<!tpu.dma_semaphore, #tpu.memory_space<semaphore_mem>>
        %dma_start3A_533 = arith.constant 0 : i32
        %dma_start3A_534 = arith.constant 0 : i32
        %dma_start3A_535 = tpu.memref_slice %arg8[%dma_start3A_533, %dma_start3A_534] : memref<256x128xf32, #tpu.memory_space<vmem>> -> memref<128x128xf32, #tpu.memory_space<vmem>>
        %dma_start3A_536 = arith.constant 0 : i32
        %dma_start3A_537 = tpu.memref_slice %arg7[%run_scoped3A_184, %run_scoped3A_185, %dma_start3A_536] : memref<2x8x128xi32, #tpu.memory_space<vmem>> -> memref<1x1x128xi32, #tpu.memory_space<vmem>>
        %dma_start3A_538 = tpu.memref_squeeze %dma_start3A_537 : memref<1x1x128xi32, #tpu.memory_space<vmem>> -> memref<128xi32, #tpu.memory_space<vmem>>
        %dma_start3A_539 = arith.constant 0 : i32
        %dma_start3A_540 = arith.constant 0 : i32
        %dma_start3A_541 = tpu.memref_slice %arg9[%dma_start3A_539, %dma_start3A_540] : memref<10240x128xf32, #tpu.memory_space<vmem_shared>> -> memref<10240x128xf32, #tpu.memory_space<vmem_shared>>
        tpu.enqueue_indirect_dma source(%dma_start3A_535 : memref<128x128xf32, #tpu.memory_space<vmem>>) target(%dma_start3A_541 : memref<10240x128xf32, #tpu.memory_space<vmem_shared>>) offsets(%dma_start3A_538 : memref<128xi32, #tpu.memory_space<vmem>>) semaphore(%run_scoped3A_532 : memref<!tpu.dma_semaphore, #tpu.memory_space<semaphore_mem>>) {add = true}
        %dma_wait3A_542 = arith.constant 0 : i32
        %dma_wait3A_543 = arith.constant 0 : i32
        %dma_wait3A_544 = tpu.memref_slice %arg8[%dma_wait3A_542, %dma_wait3A_543] : memref<256x128xf32, #tpu.memory_space<vmem>> -> memref<128x128xf32, #tpu.memory_space<vmem>>
        %dma_wait3A_545 = arith.constant 0 : i32
        %dma_wait3A_546 = tpu.memref_slice %arg7[%run_scoped3A_184, %run_scoped3A_185, %dma_wait3A_545] : memref<2x8x128xi32, #tpu.memory_space<vmem>> -> memref<1x1x128xi32, #tpu.memory_space<vmem>>
        %dma_wait3A_547 = tpu.memref_squeeze %dma_wait3A_546 : memref<1x1x128xi32, #tpu.memory_space<vmem>> -> memref<128xi32, #tpu.memory_space<vmem>>
        %dma_wait3A_548 = arith.constant 0 : i32
        %dma_wait3A_549 = arith.constant 0 : i32
        %dma_wait3A_550 = tpu.memref_slice %arg9[%dma_wait3A_548, %dma_wait3A_549] : memref<10240x128xf32, #tpu.memory_space<vmem_shared>> -> memref<10240x128xf32, #tpu.memory_space<vmem_shared>>
        tpu.wait_indirect_dma semaphore(%run_scoped3A_532 : memref<!tpu.dma_semaphore, #tpu.memory_space<semaphore_mem>>) src(%dma_wait3A_544 : memref<128x128xf32, #tpu.memory_space<vmem>>) dst(%dma_wait3A_550 : memref<10240x128xf32, #tpu.memory_space<vmem_shared>>)
        tpu.yield
      }) : () -> ()
      %dma_start3A_186 = arith.constant 0 : i32
      %dma_start3A_187 = arith.constant 4 : i32
      %dma_start3A_188 = arith.constant 0 : i32
      %dma_start3A_189 = arith.constant 0 : i32
      %dma_start3A_190 = tpu.memref_slice %arg8[%dma_start3A_188, %dma_start3A_189] : memref<256x128xf32, #tpu.memory_space<vmem>> -> memref<128x128xf32, #tpu.memory_space<vmem>>
      %dma_start3A_191 = arith.constant 0 : i32
      %dma_start3A_192 = tpu.memref_slice %arg6[%dma_start3A_186, %dma_start3A_187, %dma_start3A_191] : memref<2x8x128xi32, #tpu.memory_space<vmem>> -> memref<1x1x128xi32, #tpu.memory_space<vmem>>
      %dma_start3A_193 = tpu.memref_squeeze %dma_start3A_192 : memref<1x1x128xi32, #tpu.memory_space<vmem>> -> memref<128xi32, #tpu.memory_space<vmem>>
      %dma_start3A_194 = arith.constant 0 : i32
      %dma_start3A_195 = arith.constant 0 : i32
      %dma_start3A_196 = tpu.memref_slice %arg2[%dma_start3A_194, %dma_start3A_195] : memref<10000x128xf32, #tpu.memory_space<hbm>> -> memref<10000x128xf32, #tpu.memory_space<hbm>>
      tpu.enqueue_indirect_dma source(%dma_start3A_196 : memref<10000x128xf32, #tpu.memory_space<hbm>>) target(%dma_start3A_190 : memref<128x128xf32, #tpu.memory_space<vmem>>) offsets(%dma_start3A_193 : memref<128xi32, #tpu.memory_space<vmem>>) semaphore(%arg12 : memref<!tpu.dma_semaphore, #tpu.memory_space<semaphore_mem>>)
      %dma_wait3A_197 = arith.constant 0 : i32
      %dma_wait3A_198 = arith.constant 3 : i32
      %dma_wait3A_199 = arith.constant 128 : i32
      %dma_wait3A_200 = arith.constant 0 : i32
      %dma_wait3A_201 = tpu.memref_slice %arg8[%dma_wait3A_199, %dma_wait3A_200] : memref<256x128xf32, #tpu.memory_space<vmem>> -> memref<128x128xf32, #tpu.memory_space<vmem>>
      %dma_wait3A_202 = arith.constant 0 : i32
      %dma_wait3A_203 = tpu.memref_slice %arg6[%dma_wait3A_197, %dma_wait3A_198, %dma_wait3A_202] : memref<2x8x128xi32, #tpu.memory_space<vmem>> -> memref<1x1x128xi32, #tpu.memory_space<vmem>>
      %dma_wait3A_204 = tpu.memref_squeeze %dma_wait3A_203 : memref<1x1x128xi32, #tpu.memory_space<vmem>> -> memref<128xi32, #tpu.memory_space<vmem>>
      %dma_wait3A_205 = arith.constant 0 : i32
      %dma_wait3A_206 = arith.constant 0 : i32
      %dma_wait3A_207 = tpu.memref_slice %arg2[%dma_wait3A_205, %dma_wait3A_206] : memref<10000x128xf32, #tpu.memory_space<hbm>> -> memref<10000x128xf32, #tpu.memory_space<hbm>>
      tpu.wait_indirect_dma semaphore(%arg13 : memref<!tpu.dma_semaphore, #tpu.memory_space<semaphore_mem>>) src(%dma_wait3A_207 : memref<10000x128xf32, #tpu.memory_space<hbm>>) dst(%dma_wait3A_201 : memref<128x128xf32, #tpu.memory_space<vmem>>)
      %run_scoped3A_208 = arith.constant 0 : i32
      %run_scoped3A_209 = arith.constant 3 : i32
      "tpu.region"() ({
        %run_scoped3A_532 = tpu.sem_alloc : memref<!tpu.dma_semaphore, #tpu.memory_space<semaphore_mem>>
        %dma_start3A_533 = arith.constant 128 : i32
        %dma_start3A_534 = arith.constant 0 : i32
        %dma_start3A_535 = tpu.memref_slice %arg8[%dma_start3A_533, %dma_start3A_534] : memref<256x128xf32, #tpu.memory_space<vmem>> -> memref<128x128xf32, #tpu.memory_space<vmem>>
        %dma_start3A_536 = arith.constant 0 : i32
        %dma_start3A_537 = tpu.memref_slice %arg7[%run_scoped3A_208, %run_scoped3A_209, %dma_start3A_536] : memref<2x8x128xi32, #tpu.memory_space<vmem>> -> memref<1x1x128xi32, #tpu.memory_space<vmem>>
        %dma_start3A_538 = tpu.memref_squeeze %dma_start3A_537 : memref<1x1x128xi32, #tpu.memory_space<vmem>> -> memref<128xi32, #tpu.memory_space<vmem>>
        %dma_start3A_539 = arith.constant 0 : i32
        %dma_start3A_540 = arith.constant 0 : i32
        %dma_start3A_541 = tpu.memref_slice %arg9[%dma_start3A_539, %dma_start3A_540] : memref<10240x128xf32, #tpu.memory_space<vmem_shared>> -> memref<10240x128xf32, #tpu.memory_space<vmem_shared>>
        tpu.enqueue_indirect_dma source(%dma_start3A_535 : memref<128x128xf32, #tpu.memory_space<vmem>>) target(%dma_start3A_541 : memref<10240x128xf32, #tpu.memory_space<vmem_shared>>) offsets(%dma_start3A_538 : memref<128xi32, #tpu.memory_space<vmem>>) semaphore(%run_scoped3A_532 : memref<!tpu.dma_semaphore, #tpu.memory_space<semaphore_mem>>) {add = true}
        %dma_wait3A_542 = arith.constant 128 : i32
        %dma_wait3A_543 = arith.constant 0 : i32
        %dma_wait3A_544 = tpu.memref_slice %arg8[%dma_wait3A_542, %dma_wait3A_543] : memref<256x128xf32, #tpu.memory_space<vmem>> -> memref<128x128xf32, #tpu.memory_space<vmem>>
        %dma_wait3A_545 = arith.constant 0 : i32
        %dma_wait3A_546 = tpu.memref_slice %arg7[%run_scoped3A_208, %run_scoped3A_209, %dma_wait3A_545] : memref<2x8x128xi32, #tpu.memory_space<vmem>> -> memref<1x1x128xi32, #tpu.memory_space<vmem>>
        %dma_wait3A_547 = tpu.memref_squeeze %dma_wait3A_546 : memref<1x1x128xi32, #tpu.memory_space<vmem>> -> memref<128xi32, #tpu.memory_space<vmem>>
        %dma_wait3A_548 = arith.constant 0 : i32
        %dma_wait3A_549 = arith.constant 0 : i32
        %dma_wait3A_550 = tpu.memref_slice %arg9[%dma_wait3A_548, %dma_wait3A_549] : memref<10240x128xf32, #tpu.memory_space<vmem_shared>> -> memref<10240x128xf32, #tpu.memory_space<vmem_shared>>
        tpu.wait_indirect_dma semaphore(%run_scoped3A_532 : memref<!tpu.dma_semaphore, #tpu.memory_space<semaphore_mem>>) src(%dma_wait3A_544 : memref<128x128xf32, #tpu.memory_space<vmem>>) dst(%dma_wait3A_550 : memref<10240x128xf32, #tpu.memory_space<vmem_shared>>)
        tpu.yield
      }) : () -> ()
      %dma_start3A_210 = arith.constant 0 : i32
      %dma_start3A_211 = arith.constant 5 : i32
      %dma_start3A_212 = arith.constant 128 : i32
      %dma_start3A_213 = arith.constant 0 : i32
      %dma_start3A_214 = tpu.memref_slice %arg8[%dma_start3A_212, %dma_start3A_213] : memref<256x128xf32, #tpu.memory_space<vmem>> -> memref<128x128xf32, #tpu.memory_space<vmem>>
      %dma_start3A_215 = arith.constant 0 : i32
      %dma_start3A_216 = tpu.memref_slice %arg6[%dma_start3A_210, %dma_start3A_211, %dma_start3A_215] : memref<2x8x128xi32, #tpu.memory_space<vmem>> -> memref<1x1x128xi32, #tpu.memory_space<vmem>>
      %dma_start3A_217 = tpu.memref_squeeze %dma_start3A_216 : memref<1x1x128xi32, #tpu.memory_space<vmem>> -> memref<128xi32, #tpu.memory_space<vmem>>
      %dma_start3A_218 = arith.constant 0 : i32
      %dma_start3A_219 = arith.constant 0 : i32
      %dma_start3A_220 = tpu.memref_slice %arg2[%dma_start3A_218, %dma_start3A_219] : memref<10000x128xf32, #tpu.memory_space<hbm>> -> memref<10000x128xf32, #tpu.memory_space<hbm>>
      tpu.enqueue_indirect_dma source(%dma_start3A_220 : memref<10000x128xf32, #tpu.memory_space<hbm>>) target(%dma_start3A_214 : memref<128x128xf32, #tpu.memory_space<vmem>>) offsets(%dma_start3A_217 : memref<128xi32, #tpu.memory_space<vmem>>) semaphore(%arg13 : memref<!tpu.dma_semaphore, #tpu.memory_space<semaphore_mem>>)
      %dma_wait3A_221 = arith.constant 0 : i32
      %dma_wait3A_222 = arith.constant 4 : i32
      %dma_wait3A_223 = arith.constant 0 : i32
      %dma_wait3A_224 = arith.constant 0 : i32
      %dma_wait3A_225 = tpu.memref_slice %arg8[%dma_wait3A_223, %dma_wait3A_224] : memref<256x128xf32, #tpu.memory_space<vmem>> -> memref<128x128xf32, #tpu.memory_space<vmem>>
      %dma_wait3A_226 = arith.constant 0 : i32
      %dma_wait3A_227 = tpu.memref_slice %arg6[%dma_wait3A_221, %dma_wait3A_222, %dma_wait3A_226] : memref<2x8x128xi32, #tpu.memory_space<vmem>> -> memref<1x1x128xi32, #tpu.memory_space<vmem>>
      %dma_wait3A_228 = tpu.memref_squeeze %dma_wait3A_227 : memref<1x1x128xi32, #tpu.memory_space<vmem>> -> memref<128xi32, #tpu.memory_space<vmem>>
      %dma_wait3A_229 = arith.constant 0 : i32
      %dma_wait3A_230 = arith.constant 0 : i32
      %dma_wait3A_231 = tpu.memref_slice %arg2[%dma_wait3A_229, %dma_wait3A_230] : memref<10000x128xf32, #tpu.memory_space<hbm>> -> memref<10000x128xf32, #tpu.memory_space<hbm>>
      tpu.wait_indirect_dma semaphore(%arg12 : memref<!tpu.dma_semaphore, #tpu.memory_space<semaphore_mem>>) src(%dma_wait3A_231 : memref<10000x128xf32, #tpu.memory_space<hbm>>) dst(%dma_wait3A_225 : memref<128x128xf32, #tpu.memory_space<vmem>>)
      %run_scoped3A_232 = arith.constant 0 : i32
      %run_scoped3A_233 = arith.constant 4 : i32
      "tpu.region"() ({
        %run_scoped3A_532 = tpu.sem_alloc : memref<!tpu.dma_semaphore, #tpu.memory_space<semaphore_mem>>
        %dma_start3A_533 = arith.constant 0 : i32
        %dma_start3A_534 = arith.constant 0 : i32
        %dma_start3A_535 = tpu.memref_slice %arg8[%dma_start3A_533, %dma_start3A_534] : memref<256x128xf32, #tpu.memory_space<vmem>> -> memref<128x128xf32, #tpu.memory_space<vmem>>
        %dma_start3A_536 = arith.constant 0 : i32
        %dma_start3A_537 = tpu.memref_slice %arg7[%run_scoped3A_232, %run_scoped3A_233, %dma_start3A_536] : memref<2x8x128xi32, #tpu.memory_space<vmem>> -> memref<1x1x128xi32, #tpu.memory_space<vmem>>
        %dma_start3A_538 = tpu.memref_squeeze %dma_start3A_537 : memref<1x1x128xi32, #tpu.memory_space<vmem>> -> memref<128xi32, #tpu.memory_space<vmem>>
        %dma_start3A_539 = arith.constant 0 : i32
        %dma_start3A_540 = arith.constant 0 : i32
        %dma_start3A_541 = tpu.memref_slice %arg9[%dma_start3A_539, %dma_start3A_540] : memref<10240x128xf32, #tpu.memory_space<vmem_shared>> -> memref<10240x128xf32, #tpu.memory_space<vmem_shared>>
        tpu.enqueue_indirect_dma source(%dma_start3A_535 : memref<128x128xf32, #tpu.memory_space<vmem>>) target(%dma_start3A_541 : memref<10240x128xf32, #tpu.memory_space<vmem_shared>>) offsets(%dma_start3A_538 : memref<128xi32, #tpu.memory_space<vmem>>) semaphore(%run_scoped3A_532 : memref<!tpu.dma_semaphore, #tpu.memory_space<semaphore_mem>>) {add = true}
        %dma_wait3A_542 = arith.constant 0 : i32
        %dma_wait3A_543 = arith.constant 0 : i32
        %dma_wait3A_544 = tpu.memref_slice %arg8[%dma_wait3A_542, %dma_wait3A_543] : memref<256x128xf32, #tpu.memory_space<vmem>> -> memref<128x128xf32, #tpu.memory_space<vmem>>
        %dma_wait3A_545 = arith.constant 0 : i32
        %dma_wait3A_546 = tpu.memref_slice %arg7[%run_scoped3A_232, %run_scoped3A_233, %dma_wait3A_545] : memref<2x8x128xi32, #tpu.memory_space<vmem>> -> memref<1x1x128xi32, #tpu.memory_space<vmem>>
        %dma_wait3A_547 = tpu.memref_squeeze %dma_wait3A_546 : memref<1x1x128xi32, #tpu.memory_space<vmem>> -> memref<128xi32, #tpu.memory_space<vmem>>
        %dma_wait3A_548 = arith.constant 0 : i32
        %dma_wait3A_549 = arith.constant 0 : i32
        %dma_wait3A_550 = tpu.memref_slice %arg9[%dma_wait3A_548, %dma_wait3A_549] : memref<10240x128xf32, #tpu.memory_space<vmem_shared>> -> memref<10240x128xf32, #tpu.memory_space<vmem_shared>>
        tpu.wait_indirect_dma semaphore(%run_scoped3A_532 : memref<!tpu.dma_semaphore, #tpu.memory_space<semaphore_mem>>) src(%dma_wait3A_544 : memref<128x128xf32, #tpu.memory_space<vmem>>) dst(%dma_wait3A_550 : memref<10240x128xf32, #tpu.memory_space<vmem_shared>>)
        tpu.yield
      }) : () -> ()
      %dma_start3A_234 = arith.constant 0 : i32
      %dma_start3A_235 = arith.constant 6 : i32
      %dma_start3A_236 = arith.constant 0 : i32
      %dma_start3A_237 = arith.constant 0 : i32
      %dma_start3A_238 = tpu.memref_slice %arg8[%dma_start3A_236, %dma_start3A_237] : memref<256x128xf32, #tpu.memory_space<vmem>> -> memref<128x128xf32, #tpu.memory_space<vmem>>
      %dma_start3A_239 = arith.constant 0 : i32
      %dma_start3A_240 = tpu.memref_slice %arg6[%dma_start3A_234, %dma_start3A_235, %dma_start3A_239] : memref<2x8x128xi32, #tpu.memory_space<vmem>> -> memref<1x1x128xi32, #tpu.memory_space<vmem>>
      %dma_start3A_241 = tpu.memref_squeeze %dma_start3A_240 : memref<1x1x128xi32, #tpu.memory_space<vmem>> -> memref<128xi32, #tpu.memory_space<vmem>>
      %dma_start3A_242 = arith.constant 0 : i32
      %dma_start3A_243 = arith.constant 0 : i32
      %dma_start3A_244 = tpu.memref_slice %arg2[%dma_start3A_242, %dma_start3A_243] : memref<10000x128xf32, #tpu.memory_space<hbm>> -> memref<10000x128xf32, #tpu.memory_space<hbm>>
      tpu.enqueue_indirect_dma source(%dma_start3A_244 : memref<10000x128xf32, #tpu.memory_space<hbm>>) target(%dma_start3A_238 : memref<128x128xf32, #tpu.memory_space<vmem>>) offsets(%dma_start3A_241 : memref<128xi32, #tpu.memory_space<vmem>>) semaphore(%arg12 : memref<!tpu.dma_semaphore, #tpu.memory_space<semaphore_mem>>)
      %dma_wait3A_245 = arith.constant 0 : i32
      %dma_wait3A_246 = arith.constant 5 : i32
      %dma_wait3A_247 = arith.constant 128 : i32
      %dma_wait3A_248 = arith.constant 0 : i32
      %dma_wait3A_249 = tpu.memref_slice %arg8[%dma_wait3A_247, %dma_wait3A_248] : memref<256x128xf32, #tpu.memory_space<vmem>> -> memref<128x128xf32, #tpu.memory_space<vmem>>
      %dma_wait3A_250 = arith.constant 0 : i32
      %dma_wait3A_251 = tpu.memref_slice %arg6[%dma_wait3A_245, %dma_wait3A_246, %dma_wait3A_250] : memref<2x8x128xi32, #tpu.memory_space<vmem>> -> memref<1x1x128xi32, #tpu.memory_space<vmem>>
      %dma_wait3A_252 = tpu.memref_squeeze %dma_wait3A_251 : memref<1x1x128xi32, #tpu.memory_space<vmem>> -> memref<128xi32, #tpu.memory_space<vmem>>
      %dma_wait3A_253 = arith.constant 0 : i32
      %dma_wait3A_254 = arith.constant 0 : i32
      %dma_wait3A_255 = tpu.memref_slice %arg2[%dma_wait3A_253, %dma_wait3A_254] : memref<10000x128xf32, #tpu.memory_space<hbm>> -> memref<10000x128xf32, #tpu.memory_space<hbm>>
      tpu.wait_indirect_dma semaphore(%arg13 : memref<!tpu.dma_semaphore, #tpu.memory_space<semaphore_mem>>) src(%dma_wait3A_255 : memref<10000x128xf32, #tpu.memory_space<hbm>>) dst(%dma_wait3A_249 : memref<128x128xf32, #tpu.memory_space<vmem>>)
      %run_scoped3A_256 = arith.constant 0 : i32
      %run_scoped3A_257 = arith.constant 5 : i32
      "tpu.region"() ({
        %run_scoped3A_532 = tpu.sem_alloc : memref<!tpu.dma_semaphore, #tpu.memory_space<semaphore_mem>>
        %dma_start3A_533 = arith.constant 128 : i32
        %dma_start3A_534 = arith.constant 0 : i32
        %dma_start3A_535 = tpu.memref_slice %arg8[%dma_start3A_533, %dma_start3A_534] : memref<256x128xf32, #tpu.memory_space<vmem>> -> memref<128x128xf32, #tpu.memory_space<vmem>>
        %dma_start3A_536 = arith.constant 0 : i32
        %dma_start3A_537 = tpu.memref_slice %arg7[%run_scoped3A_256, %run_scoped3A_257, %dma_start3A_536] : memref<2x8x128xi32, #tpu.memory_space<vmem>> -> memref<1x1x128xi32, #tpu.memory_space<vmem>>
        %dma_start3A_538 = tpu.memref_squeeze %dma_start3A_537 : memref<1x1x128xi32, #tpu.memory_space<vmem>> -> memref<128xi32, #tpu.memory_space<vmem>>
        %dma_start3A_539 = arith.constant 0 : i32
        %dma_start3A_540 = arith.constant 0 : i32
        %dma_start3A_541 = tpu.memref_slice %arg9[%dma_start3A_539, %dma_start3A_540] : memref<10240x128xf32, #tpu.memory_space<vmem_shared>> -> memref<10240x128xf32, #tpu.memory_space<vmem_shared>>
        tpu.enqueue_indirect_dma source(%dma_start3A_535 : memref<128x128xf32, #tpu.memory_space<vmem>>) target(%dma_start3A_541 : memref<10240x128xf32, #tpu.memory_space<vmem_shared>>) offsets(%dma_start3A_538 : memref<128xi32, #tpu.memory_space<vmem>>) semaphore(%run_scoped3A_532 : memref<!tpu.dma_semaphore, #tpu.memory_space<semaphore_mem>>) {add = true}
        %dma_wait3A_542 = arith.constant 128 : i32
        %dma_wait3A_543 = arith.constant 0 : i32
        %dma_wait3A_544 = tpu.memref_slice %arg8[%dma_wait3A_542, %dma_wait3A_543] : memref<256x128xf32, #tpu.memory_space<vmem>> -> memref<128x128xf32, #tpu.memory_space<vmem>>
        %dma_wait3A_545 = arith.constant 0 : i32
        %dma_wait3A_546 = tpu.memref_slice %arg7[%run_scoped3A_256, %run_scoped3A_257, %dma_wait3A_545] : memref<2x8x128xi32, #tpu.memory_space<vmem>> -> memref<1x1x128xi32, #tpu.memory_space<vmem>>
        %dma_wait3A_547 = tpu.memref_squeeze %dma_wait3A_546 : memref<1x1x128xi32, #tpu.memory_space<vmem>> -> memref<128xi32, #tpu.memory_space<vmem>>
        %dma_wait3A_548 = arith.constant 0 : i32
        %dma_wait3A_549 = arith.constant 0 : i32
        %dma_wait3A_550 = tpu.memref_slice %arg9[%dma_wait3A_548, %dma_wait3A_549] : memref<10240x128xf32, #tpu.memory_space<vmem_shared>> -> memref<10240x128xf32, #tpu.memory_space<vmem_shared>>
        tpu.wait_indirect_dma semaphore(%run_scoped3A_532 : memref<!tpu.dma_semaphore, #tpu.memory_space<semaphore_mem>>) src(%dma_wait3A_544 : memref<128x128xf32, #tpu.memory_space<vmem>>) dst(%dma_wait3A_550 : memref<10240x128xf32, #tpu.memory_space<vmem_shared>>)
        tpu.yield
      }) : () -> ()
      %dma_start3A_258 = arith.constant 0 : i32
      %dma_start3A_259 = arith.constant 7 : i32
      %dma_start3A_260 = arith.constant 128 : i32
      %dma_start3A_261 = arith.constant 0 : i32
      %dma_start3A_262 = tpu.memref_slice %arg8[%dma_start3A_260, %dma_start3A_261] : memref<256x128xf32, #tpu.memory_space<vmem>> -> memref<128x128xf32, #tpu.memory_space<vmem>>
      %dma_start3A_263 = arith.constant 0 : i32
      %dma_start3A_264 = tpu.memref_slice %arg6[%dma_start3A_258, %dma_start3A_259, %dma_start3A_263] : memref<2x8x128xi32, #tpu.memory_space<vmem>> -> memref<1x1x128xi32, #tpu.memory_space<vmem>>
      %dma_start3A_265 = tpu.memref_squeeze %dma_start3A_264 : memref<1x1x128xi32, #tpu.memory_space<vmem>> -> memref<128xi32, #tpu.memory_space<vmem>>
      %dma_start3A_266 = arith.constant 0 : i32
      %dma_start3A_267 = arith.constant 0 : i32
      %dma_start3A_268 = tpu.memref_slice %arg2[%dma_start3A_266, %dma_start3A_267] : memref<10000x128xf32, #tpu.memory_space<hbm>> -> memref<10000x128xf32, #tpu.memory_space<hbm>>
      tpu.enqueue_indirect_dma source(%dma_start3A_268 : memref<10000x128xf32, #tpu.memory_space<hbm>>) target(%dma_start3A_262 : memref<128x128xf32, #tpu.memory_space<vmem>>) offsets(%dma_start3A_265 : memref<128xi32, #tpu.memory_space<vmem>>) semaphore(%arg13 : memref<!tpu.dma_semaphore, #tpu.memory_space<semaphore_mem>>)
      %dma_wait3A_269 = arith.constant 0 : i32
      %dma_wait3A_270 = arith.constant 6 : i32
      %dma_wait3A_271 = arith.constant 0 : i32
      %dma_wait3A_272 = arith.constant 0 : i32
      %dma_wait3A_273 = tpu.memref_slice %arg8[%dma_wait3A_271, %dma_wait3A_272] : memref<256x128xf32, #tpu.memory_space<vmem>> -> memref<128x128xf32, #tpu.memory_space<vmem>>
      %dma_wait3A_274 = arith.constant 0 : i32
      %dma_wait3A_275 = tpu.memref_slice %arg6[%dma_wait3A_269, %dma_wait3A_270, %dma_wait3A_274] : memref<2x8x128xi32, #tpu.memory_space<vmem>> -> memref<1x1x128xi32, #tpu.memory_space<vmem>>
      %dma_wait3A_276 = tpu.memref_squeeze %dma_wait3A_275 : memref<1x1x128xi32, #tpu.memory_space<vmem>> -> memref<128xi32, #tpu.memory_space<vmem>>
      %dma_wait3A_277 = arith.constant 0 : i32
      %dma_wait3A_278 = arith.constant 0 : i32
      %dma_wait3A_279 = tpu.memref_slice %arg2[%dma_wait3A_277, %dma_wait3A_278] : memref<10000x128xf32, #tpu.memory_space<hbm>> -> memref<10000x128xf32, #tpu.memory_space<hbm>>
      tpu.wait_indirect_dma semaphore(%arg12 : memref<!tpu.dma_semaphore, #tpu.memory_space<semaphore_mem>>) src(%dma_wait3A_279 : memref<10000x128xf32, #tpu.memory_space<hbm>>) dst(%dma_wait3A_273 : memref<128x128xf32, #tpu.memory_space<vmem>>)
      %run_scoped3A_280 = arith.constant 0 : i32
      %run_scoped3A_281 = arith.constant 6 : i32
      "tpu.region"() ({
        %run_scoped3A_532 = tpu.sem_alloc : memref<!tpu.dma_semaphore, #tpu.memory_space<semaphore_mem>>
        %dma_start3A_533 = arith.constant 0 : i32
        %dma_start3A_534 = arith.constant 0 : i32
        %dma_start3A_535 = tpu.memref_slice %arg8[%dma_start3A_533, %dma_start3A_534] : memref<256x128xf32, #tpu.memory_space<vmem>> -> memref<128x128xf32, #tpu.memory_space<vmem>>
        %dma_start3A_536 = arith.constant 0 : i32
        %dma_start3A_537 = tpu.memref_slice %arg7[%run_scoped3A_280, %run_scoped3A_281, %dma_start3A_536] : memref<2x8x128xi32, #tpu.memory_space<vmem>> -> memref<1x1x128xi32, #tpu.memory_space<vmem>>
        %dma_start3A_538 = tpu.memref_squeeze %dma_start3A_537 : memref<1x1x128xi32, #tpu.memory_space<vmem>> -> memref<128xi32, #tpu.memory_space<vmem>>
        %dma_start3A_539 = arith.constant 0 : i32
        %dma_start3A_540 = arith.constant 0 : i32
        %dma_start3A_541 = tpu.memref_slice %arg9[%dma_start3A_539, %dma_start3A_540] : memref<10240x128xf32, #tpu.memory_space<vmem_shared>> -> memref<10240x128xf32, #tpu.memory_space<vmem_shared>>
        tpu.enqueue_indirect_dma source(%dma_start3A_535 : memref<128x128xf32, #tpu.memory_space<vmem>>) target(%dma_start3A_541 : memref<10240x128xf32, #tpu.memory_space<vmem_shared>>) offsets(%dma_start3A_538 : memref<128xi32, #tpu.memory_space<vmem>>) semaphore(%run_scoped3A_532 : memref<!tpu.dma_semaphore, #tpu.memory_space<semaphore_mem>>) {add = true}
        %dma_wait3A_542 = arith.constant 0 : i32
        %dma_wait3A_543 = arith.constant 0 : i32
        %dma_wait3A_544 = tpu.memref_slice %arg8[%dma_wait3A_542, %dma_wait3A_543] : memref<256x128xf32, #tpu.memory_space<vmem>> -> memref<128x128xf32, #tpu.memory_space<vmem>>
        %dma_wait3A_545 = arith.constant 0 : i32
        %dma_wait3A_546 = tpu.memref_slice %arg7[%run_scoped3A_280, %run_scoped3A_281, %dma_wait3A_545] : memref<2x8x128xi32, #tpu.memory_space<vmem>> -> memref<1x1x128xi32, #tpu.memory_space<vmem>>
        %dma_wait3A_547 = tpu.memref_squeeze %dma_wait3A_546 : memref<1x1x128xi32, #tpu.memory_space<vmem>> -> memref<128xi32, #tpu.memory_space<vmem>>
        %dma_wait3A_548 = arith.constant 0 : i32
        %dma_wait3A_549 = arith.constant 0 : i32
        %dma_wait3A_550 = tpu.memref_slice %arg9[%dma_wait3A_548, %dma_wait3A_549] : memref<10240x128xf32, #tpu.memory_space<vmem_shared>> -> memref<10240x128xf32, #tpu.memory_space<vmem_shared>>
        tpu.wait_indirect_dma semaphore(%run_scoped3A_532 : memref<!tpu.dma_semaphore, #tpu.memory_space<semaphore_mem>>) src(%dma_wait3A_544 : memref<128x128xf32, #tpu.memory_space<vmem>>) dst(%dma_wait3A_550 : memref<10240x128xf32, #tpu.memory_space<vmem_shared>>)
        tpu.yield
      }) : () -> ()
      %dma_wait3A_282 = arith.constant 0 : i32
      %dma_wait3A_283 = arith.constant 7 : i32
      %dma_wait3A_284 = arith.constant 128 : i32
      %dma_wait3A_285 = arith.constant 0 : i32
      %dma_wait3A_286 = tpu.memref_slice %arg8[%dma_wait3A_284, %dma_wait3A_285] : memref<256x128xf32, #tpu.memory_space<vmem>> -> memref<128x128xf32, #tpu.memory_space<vmem>>
      %dma_wait3A_287 = arith.constant 0 : i32
      %dma_wait3A_288 = tpu.memref_slice %arg6[%dma_wait3A_282, %dma_wait3A_283, %dma_wait3A_287] : memref<2x8x128xi32, #tpu.memory_space<vmem>> -> memref<1x1x128xi32, #tpu.memory_space<vmem>>
      %dma_wait3A_289 = tpu.memref_squeeze %dma_wait3A_288 : memref<1x1x128xi32, #tpu.memory_space<vmem>> -> memref<128xi32, #tpu.memory_space<vmem>>
      %dma_wait3A_290 = arith.constant 0 : i32
      %dma_wait3A_291 = arith.constant 0 : i32
      %dma_wait3A_292 = tpu.memref_slice %arg2[%dma_wait3A_290, %dma_wait3A_291] : memref<10000x128xf32, #tpu.memory_space<hbm>> -> memref<10000x128xf32, #tpu.memory_space<hbm>>
      tpu.wait_indirect_dma semaphore(%arg13 : memref<!tpu.dma_semaphore, #tpu.memory_space<semaphore_mem>>) src(%dma_wait3A_292 : memref<10000x128xf32, #tpu.memory_space<hbm>>) dst(%dma_wait3A_286 : memref<128x128xf32, #tpu.memory_space<vmem>>)
      %run_scoped3A_293 = arith.constant 0 : i32
      %run_scoped3A_294 = arith.constant 7 : i32
      "tpu.region"() ({
        %run_scoped3A_532 = tpu.sem_alloc : memref<!tpu.dma_semaphore, #tpu.memory_space<semaphore_mem>>
        %dma_start3A_533 = arith.constant 128 : i32
        %dma_start3A_534 = arith.constant 0 : i32
        %dma_start3A_535 = tpu.memref_slice %arg8[%dma_start3A_533, %dma_start3A_534] : memref<256x128xf32, #tpu.memory_space<vmem>> -> memref<128x128xf32, #tpu.memory_space<vmem>>
        %dma_start3A_536 = arith.constant 0 : i32
        %dma_start3A_537 = tpu.memref_slice %arg7[%run_scoped3A_293, %run_scoped3A_294, %dma_start3A_536] : memref<2x8x128xi32, #tpu.memory_space<vmem>> -> memref<1x1x128xi32, #tpu.memory_space<vmem>>
        %dma_start3A_538 = tpu.memref_squeeze %dma_start3A_537 : memref<1x1x128xi32, #tpu.memory_space<vmem>> -> memref<128xi32, #tpu.memory_space<vmem>>
        %dma_start3A_539 = arith.constant 0 : i32
        %dma_start3A_540 = arith.constant 0 : i32
        %dma_start3A_541 = tpu.memref_slice %arg9[%dma_start3A_539, %dma_start3A_540] : memref<10240x128xf32, #tpu.memory_space<vmem_shared>> -> memref<10240x128xf32, #tpu.memory_space<vmem_shared>>
        tpu.enqueue_indirect_dma source(%dma_start3A_535 : memref<128x128xf32, #tpu.memory_space<vmem>>) target(%dma_start3A_541 : memref<10240x128xf32, #tpu.memory_space<vmem_shared>>) offsets(%dma_start3A_538 : memref<128xi32, #tpu.memory_space<vmem>>) semaphore(%run_scoped3A_532 : memref<!tpu.dma_semaphore, #tpu.memory_space<semaphore_mem>>) {add = true}
        %dma_wait3A_542 = arith.constant 128 : i32
        %dma_wait3A_543 = arith.constant 0 : i32
        %dma_wait3A_544 = tpu.memref_slice %arg8[%dma_wait3A_542, %dma_wait3A_543] : memref<256x128xf32, #tpu.memory_space<vmem>> -> memref<128x128xf32, #tpu.memory_space<vmem>>
        %dma_wait3A_545 = arith.constant 0 : i32
        %dma_wait3A_546 = tpu.memref_slice %arg7[%run_scoped3A_293, %run_scoped3A_294, %dma_wait3A_545] : memref<2x8x128xi32, #tpu.memory_space<vmem>> -> memref<1x1x128xi32, #tpu.memory_space<vmem>>
        %dma_wait3A_547 = tpu.memref_squeeze %dma_wait3A_546 : memref<1x1x128xi32, #tpu.memory_space<vmem>> -> memref<128xi32, #tpu.memory_space<vmem>>
        %dma_wait3A_548 = arith.constant 0 : i32
        %dma_wait3A_549 = arith.constant 0 : i32
        %dma_wait3A_550 = tpu.memref_slice %arg9[%dma_wait3A_548, %dma_wait3A_549] : memref<10240x128xf32, #tpu.memory_space<vmem_shared>> -> memref<10240x128xf32, #tpu.memory_space<vmem_shared>>
        tpu.wait_indirect_dma semaphore(%run_scoped3A_532 : memref<!tpu.dma_semaphore, #tpu.memory_space<semaphore_mem>>) src(%dma_wait3A_544 : memref<128x128xf32, #tpu.memory_space<vmem>>) dst(%dma_wait3A_550 : memref<10240x128xf32, #tpu.memory_space<vmem_shared>>)
        tpu.yield
      }) : () -> ()
      %mul3A_295 = arith.constant 2 : i32
      %mul3A_296 = arith.muli %mul3A_295, %scan3A_62 : i32
      %add3A_297 = arith.constant 1 : i32
      %add3A_298 = arith.addi %mul3A_296, %add3A_297 : i32
      %mul3A_299 = arith.constant 8 : i32
      %mul3A_300 = arith.muli %add3A_298, %mul3A_299 : i32
      %dma_wait3A_301 = arith.constant 1 : i32
      %dma_wait3A_302 = arith.constant 0 : i32
      %dma_wait3A_303 = arith.constant 0 : i32
      %dma_wait3A_304 = tpu.memref_slice %arg6[%dma_wait3A_301, %dma_wait3A_302, %dma_wait3A_303] : memref<2x8x128xi32, #tpu.memory_space<vmem>> -> memref<1x8x128xi32, #tpu.memory_space<vmem>>
      %dma_wait3A_305 = tpu.memref_squeeze %dma_wait3A_304 : memref<1x8x128xi32, #tpu.memory_space<vmem>> -> memref<8x128xi32, #tpu.memory_space<vmem>>
      %dma_wait3A_306 = arith.constant 0 : i32
      %dma_wait3A_307 = tpu.memref_slice %arg3[%add3A, %mul3A_300, %dma_wait3A_306] : memref<32x80x128xi32, #tpu.memory_space<hbm>> -> memref<1x8x128xi32, #tpu.memory_space<hbm>>
      %dma_wait3A_308 = tpu.memref_squeeze %dma_wait3A_307 : memref<1x8x128xi32, #tpu.memory_space<hbm>> -> memref<8x128xi32, #tpu.memory_space<hbm>>
      %dma_wait3A_309 = arith.constant 0 : i32
      %dma_wait3A_310 = arith.constant 0 : i32
      %dma_wait3A_311 = tpu.memref_slice %arg6[%dma_wait3A_301, %dma_wait3A_309, %dma_wait3A_310] : memref<2x8x128xi32, #tpu.memory_space<vmem>> -> memref<1x8x128xi32, #tpu.memory_space<vmem>>
      %dma_wait3A_312 = tpu.memref_squeeze %dma_wait3A_311 : memref<1x8x128xi32, #tpu.memory_space<vmem>> -> memref<8x128xi32, #tpu.memory_space<vmem>>
      %dma_wait3A_313 = arith.constant 0 : i32
      %dma_wait3A_314 = tpu.memref_slice %arg3[%add3A, %mul3A_300, %dma_wait3A_313] : memref<32x80x128xi32, #tpu.memory_space<hbm>> -> memref<1x8x128xi32, #tpu.memory_space<hbm>>
      %dma_wait3A_315 = tpu.memref_squeeze %dma_wait3A_314 : memref<1x8x128xi32, #tpu.memory_space<hbm>> -> memref<8x128xi32, #tpu.memory_space<hbm>>
      tpu.wait_dma2 semaphore(%arg11 : memref<!tpu.dma_semaphore, #tpu.memory_space<semaphore_mem>>) src(%dma_wait3A_315 : memref<8x128xi32, #tpu.memory_space<hbm>>) dst(%dma_wait3A_312 : memref<8x128xi32, #tpu.memory_space<vmem>>)
      %mul3A_316 = arith.constant 8 : i32
      %mul3A_317 = arith.muli %add3A_298, %mul3A_316 : i32
      %dma_wait3A_318 = arith.constant 1 : i32
      %dma_wait3A_319 = arith.constant 0 : i32
      %dma_wait3A_320 = arith.constant 0 : i32
      %dma_wait3A_321 = tpu.memref_slice %arg7[%dma_wait3A_318, %dma_wait3A_319, %dma_wait3A_320] : memref<2x8x128xi32, #tpu.memory_space<vmem>> -> memref<1x8x128xi32, #tpu.memory_space<vmem>>
      %dma_wait3A_322 = tpu.memref_squeeze %dma_wait3A_321 : memref<1x8x128xi32, #tpu.memory_space<vmem>> -> memref<8x128xi32, #tpu.memory_space<vmem>>
      %dma_wait3A_323 = arith.constant 0 : i32
      %dma_wait3A_324 = tpu.memref_slice %arg4[%add3A, %mul3A_317, %dma_wait3A_323] : memref<32x80x128xi32, #tpu.memory_space<hbm>> -> memref<1x8x128xi32, #tpu.memory_space<hbm>>
      %dma_wait3A_325 = tpu.memref_squeeze %dma_wait3A_324 : memref<1x8x128xi32, #tpu.memory_space<hbm>> -> memref<8x128xi32, #tpu.memory_space<hbm>>
      %dma_wait3A_326 = arith.constant 0 : i32
      %dma_wait3A_327 = arith.constant 0 : i32
      %dma_wait3A_328 = tpu.memref_slice %arg7[%dma_wait3A_318, %dma_wait3A_326, %dma_wait3A_327] : memref<2x8x128xi32, #tpu.memory_space<vmem>> -> memref<1x8x128xi32, #tpu.memory_space<vmem>>
      %dma_wait3A_329 = tpu.memref_squeeze %dma_wait3A_328 : memref<1x8x128xi32, #tpu.memory_space<vmem>> -> memref<8x128xi32, #tpu.memory_space<vmem>>
      %dma_wait3A_330 = arith.constant 0 : i32
      %dma_wait3A_331 = tpu.memref_slice %arg4[%add3A, %mul3A_317, %dma_wait3A_330] : memref<32x80x128xi32, #tpu.memory_space<hbm>> -> memref<1x8x128xi32, #tpu.memory_space<hbm>>
      %dma_wait3A_332 = tpu.memref_squeeze %dma_wait3A_331 : memref<1x8x128xi32, #tpu.memory_space<hbm>> -> memref<8x128xi32, #tpu.memory_space<hbm>>
      tpu.wait_dma2 semaphore(%arg11 : memref<!tpu.dma_semaphore, #tpu.memory_space<semaphore_mem>>) src(%dma_wait3A_332 : memref<8x128xi32, #tpu.memory_space<hbm>>) dst(%dma_wait3A_329 : memref<8x128xi32, #tpu.memory_space<vmem>>)
      %add3A_333 = arith.constant 1 : i32
      %add3A_334 = arith.addi %add3A_298, %add3A_333 : i32
      %lt3A_335 = arith.constant 10 : i32
      %lt3A_336 = arith.cmpi slt, %add3A_334, %lt3A_335 : i32
      %convert_element_type3A_337 = arith.extui %lt3A_336 : i1 to i32
      %cond3A_338 = arith.constant 0 : i32
      %cond3A_339 = arith.cmpi ne, %convert_element_type3A_337, %cond3A_338 : i32
      scf.if %cond3A_339 {
        %add3A_532 = arith.constant 1 : i32
        %add3A_533 = arith.addi %add3A_298, %add3A_532 : i32
        %mul3A_534 = arith.constant 8 : i32
        %mul3A_535 = arith.muli %add3A_533, %mul3A_534 : i32
        %dma_start3A_536 = arith.constant 0 : i32
        %dma_start3A_537 = arith.constant 0 : i32
        %dma_start3A_538 = arith.constant 0 : i32
        %dma_start3A_539 = tpu.memref_slice %arg6[%dma_start3A_536, %dma_start3A_537, %dma_start3A_538] : memref<2x8x128xi32, #tpu.memory_space<vmem>> -> memref<1x8x128xi32, #tpu.memory_space<vmem>>
        %dma_start3A_540 = tpu.memref_squeeze %dma_start3A_539 : memref<1x8x128xi32, #tpu.memory_space<vmem>> -> memref<8x128xi32, #tpu.memory_space<vmem>>
        %dma_start3A_541 = arith.constant 0 : i32
        %dma_start3A_542 = tpu.memref_slice %arg3[%add3A, %mul3A_535, %dma_start3A_541] : memref<32x80x128xi32, #tpu.memory_space<hbm>> -> memref<1x8x128xi32, #tpu.memory_space<hbm>>
        %dma_start3A_543 = tpu.memref_squeeze %dma_start3A_542 : memref<1x8x128xi32, #tpu.memory_space<hbm>> -> memref<8x128xi32, #tpu.memory_space<hbm>>
        %dma_start3A_544 = arith.constant 0 : i32
        %dma_start3A_545 = arith.constant 0 : i32
        %dma_start3A_546 = tpu.memref_slice %arg6[%dma_start3A_536, %dma_start3A_544, %dma_start3A_545] : memref<2x8x128xi32, #tpu.memory_space<vmem>> -> memref<1x8x128xi32, #tpu.memory_space<vmem>>
        %dma_start3A_547 = tpu.memref_squeeze %dma_start3A_546 : memref<1x8x128xi32, #tpu.memory_space<vmem>> -> memref<8x128xi32, #tpu.memory_space<vmem>>
        %dma_start3A_548 = arith.constant 0 : i32
        %dma_start3A_549 = tpu.memref_slice %arg3[%add3A, %mul3A_535, %dma_start3A_548] : memref<32x80x128xi32, #tpu.memory_space<hbm>> -> memref<1x8x128xi32, #tpu.memory_space<hbm>>
        %dma_start3A_550 = tpu.memref_squeeze %dma_start3A_549 : memref<1x8x128xi32, #tpu.memory_space<hbm>> -> memref<8x128xi32, #tpu.memory_space<hbm>>
        tpu.enqueue_dma source(%dma_start3A_550 : memref<8x128xi32, #tpu.memory_space<hbm>>) target(%dma_start3A_547 : memref<8x128xi32, #tpu.memory_space<vmem>>) target_semaphore(%arg10 : memref<!tpu.dma_semaphore, #tpu.memory_space<semaphore_mem>>)
        %mul3A_551 = arith.constant 8 : i32
        %mul3A_552 = arith.muli %add3A_533, %mul3A_551 : i32
        %dma_start3A_553 = arith.constant 0 : i32
        %dma_start3A_554 = arith.constant 0 : i32
        %dma_start3A_555 = arith.constant 0 : i32
        %dma_start3A_556 = tpu.memref_slice %arg7[%dma_start3A_553, %dma_start3A_554, %dma_start3A_555] : memref<2x8x128xi32, #tpu.memory_space<vmem>> -> memref<1x8x128xi32, #tpu.memory_space<vmem>>
        %dma_start3A_557 = tpu.memref_squeeze %dma_start3A_556 : memref<1x8x128xi32, #tpu.memory_space<vmem>> -> memref<8x128xi32, #tpu.memory_space<vmem>>
        %dma_start3A_558 = arith.constant 0 : i32
        %dma_start3A_559 = tpu.memref_slice %arg4[%add3A, %mul3A_552, %dma_start3A_558] : memref<32x80x128xi32, #tpu.memory_space<hbm>> -> memref<1x8x128xi32, #tpu.memory_space<hbm>>
        %dma_start3A_560 = tpu.memref_squeeze %dma_start3A_559 : memref<1x8x128xi32, #tpu.memory_space<hbm>> -> memref<8x128xi32, #tpu.memory_space<hbm>>
        %dma_start3A_561 = arith.constant 0 : i32
        %dma_start3A_562 = arith.constant 0 : i32
        %dma_start3A_563 = tpu.memref_slice %arg7[%dma_start3A_553, %dma_start3A_561, %dma_start3A_562] : memref<2x8x128xi32, #tpu.memory_space<vmem>> -> memref<1x8x128xi32, #tpu.memory_space<vmem>>
        %dma_start3A_564 = tpu.memref_squeeze %dma_start3A_563 : memref<1x8x128xi32, #tpu.memory_space<vmem>> -> memref<8x128xi32, #tpu.memory_space<vmem>>
        %dma_start3A_565 = arith.constant 0 : i32
        %dma_start3A_566 = tpu.memref_slice %arg4[%add3A, %mul3A_552, %dma_start3A_565] : memref<32x80x128xi32, #tpu.memory_space<hbm>> -> memref<1x8x128xi32, #tpu.memory_space<hbm>>
        %dma_start3A_567 = tpu.memref_squeeze %dma_start3A_566 : memref<1x8x128xi32, #tpu.memory_space<hbm>> -> memref<8x128xi32, #tpu.memory_space<hbm>>
        tpu.enqueue_dma source(%dma_start3A_567 : memref<8x128xi32, #tpu.memory_space<hbm>>) target(%dma_start3A_564 : memref<8x128xi32, #tpu.memory_space<vmem>>) target_semaphore(%arg10 : memref<!tpu.dma_semaphore, #tpu.memory_space<semaphore_mem>>)
      } else {
      }
      %dma_start3A_340 = arith.constant 1 : i32
      %dma_start3A_341 = arith.constant 0 : i32
      %dma_start3A_342 = arith.constant 0 : i32
      %dma_start3A_343 = arith.constant 0 : i32
      %dma_start3A_344 = tpu.memref_slice %arg8[%dma_start3A_342, %dma_start3A_343] : memref<256x128xf32, #tpu.memory_space<vmem>> -> memref<128x128xf32, #tpu.memory_space<vmem>>
      %dma_start3A_345 = arith.constant 0 : i32
      %dma_start3A_346 = tpu.memref_slice %arg6[%dma_start3A_340, %dma_start3A_341, %dma_start3A_345] : memref<2x8x128xi32, #tpu.memory_space<vmem>> -> memref<1x1x128xi32, #tpu.memory_space<vmem>>
      %dma_start3A_347 = tpu.memref_squeeze %dma_start3A_346 : memref<1x1x128xi32, #tpu.memory_space<vmem>> -> memref<128xi32, #tpu.memory_space<vmem>>
      %dma_start3A_348 = arith.constant 0 : i32
      %dma_start3A_349 = arith.constant 0 : i32
      %dma_start3A_350 = tpu.memref_slice %arg2[%dma_start3A_348, %dma_start3A_349] : memref<10000x128xf32, #tpu.memory_space<hbm>> -> memref<10000x128xf32, #tpu.memory_space<hbm>>
      tpu.enqueue_indirect_dma source(%dma_start3A_350 : memref<10000x128xf32, #tpu.memory_space<hbm>>) target(%dma_start3A_344 : memref<128x128xf32, #tpu.memory_space<vmem>>) offsets(%dma_start3A_347 : memref<128xi32, #tpu.memory_space<vmem>>) semaphore(%arg12 : memref<!tpu.dma_semaphore, #tpu.memory_space<semaphore_mem>>)
      %dma_start3A_351 = arith.constant 1 : i32
      %dma_start3A_352 = arith.constant 1 : i32
      %dma_start3A_353 = arith.constant 128 : i32
      %dma_start3A_354 = arith.constant 0 : i32
      %dma_start3A_355 = tpu.memref_slice %arg8[%dma_start3A_353, %dma_start3A_354] : memref<256x128xf32, #tpu.memory_space<vmem>> -> memref<128x128xf32, #tpu.memory_space<vmem>>
      %dma_start3A_356 = arith.constant 0 : i32
      %dma_start3A_357 = tpu.memref_slice %arg6[%dma_start3A_351, %dma_start3A_352, %dma_start3A_356] : memref<2x8x128xi32, #tpu.memory_space<vmem>> -> memref<1x1x128xi32, #tpu.memory_space<vmem>>
      %dma_start3A_358 = tpu.memref_squeeze %dma_start3A_357 : memref<1x1x128xi32, #tpu.memory_space<vmem>> -> memref<128xi32, #tpu.memory_space<vmem>>
      %dma_start3A_359 = arith.constant 0 : i32
      %dma_start3A_360 = arith.constant 0 : i32
      %dma_start3A_361 = tpu.memref_slice %arg2[%dma_start3A_359, %dma_start3A_360] : memref<10000x128xf32, #tpu.memory_space<hbm>> -> memref<10000x128xf32, #tpu.memory_space<hbm>>
      tpu.enqueue_indirect_dma source(%dma_start3A_361 : memref<10000x128xf32, #tpu.memory_space<hbm>>) target(%dma_start3A_355 : memref<128x128xf32, #tpu.memory_space<vmem>>) offsets(%dma_start3A_358 : memref<128xi32, #tpu.memory_space<vmem>>) semaphore(%arg13 : memref<!tpu.dma_semaphore, #tpu.memory_space<semaphore_mem>>)
      %dma_wait3A_362 = arith.constant 1 : i32
      %dma_wait3A_363 = arith.constant 0 : i32
      %dma_wait3A_364 = arith.constant 0 : i32
      %dma_wait3A_365 = arith.constant 0 : i32
      %dma_wait3A_366 = tpu.memref_slice %arg8[%dma_wait3A_364, %dma_wait3A_365] : memref<256x128xf32, #tpu.memory_space<vmem>> -> memref<128x128xf32, #tpu.memory_space<vmem>>
      %dma_wait3A_367 = arith.constant 0 : i32
      %dma_wait3A_368 = tpu.memref_slice %arg6[%dma_wait3A_362, %dma_wait3A_363, %dma_wait3A_367] : memref<2x8x128xi32, #tpu.memory_space<vmem>> -> memref<1x1x128xi32, #tpu.memory_space<vmem>>
      %dma_wait3A_369 = tpu.memref_squeeze %dma_wait3A_368 : memref<1x1x128xi32, #tpu.memory_space<vmem>> -> memref<128xi32, #tpu.memory_space<vmem>>
      %dma_wait3A_370 = arith.constant 0 : i32
      %dma_wait3A_371 = arith.constant 0 : i32
      %dma_wait3A_372 = tpu.memref_slice %arg2[%dma_wait3A_370, %dma_wait3A_371] : memref<10000x128xf32, #tpu.memory_space<hbm>> -> memref<10000x128xf32, #tpu.memory_space<hbm>>
      tpu.wait_indirect_dma semaphore(%arg12 : memref<!tpu.dma_semaphore, #tpu.memory_space<semaphore_mem>>) src(%dma_wait3A_372 : memref<10000x128xf32, #tpu.memory_space<hbm>>) dst(%dma_wait3A_366 : memref<128x128xf32, #tpu.memory_space<vmem>>)
      %run_scoped3A_373 = arith.constant 1 : i32
      %run_scoped3A_374 = arith.constant 0 : i32
      "tpu.region"() ({
        %run_scoped3A_532 = tpu.sem_alloc : memref<!tpu.dma_semaphore, #tpu.memory_space<semaphore_mem>>
        %dma_start3A_533 = arith.constant 0 : i32
        %dma_start3A_534 = arith.constant 0 : i32
        %dma_start3A_535 = tpu.memref_slice %arg8[%dma_start3A_533, %dma_start3A_534] : memref<256x128xf32, #tpu.memory_space<vmem>> -> memref<128x128xf32, #tpu.memory_space<vmem>>
        %dma_start3A_536 = arith.constant 0 : i32
        %dma_start3A_537 = tpu.memref_slice %arg7[%run_scoped3A_373, %run_scoped3A_374, %dma_start3A_536] : memref<2x8x128xi32, #tpu.memory_space<vmem>> -> memref<1x1x128xi32, #tpu.memory_space<vmem>>
        %dma_start3A_538 = tpu.memref_squeeze %dma_start3A_537 : memref<1x1x128xi32, #tpu.memory_space<vmem>> -> memref<128xi32, #tpu.memory_space<vmem>>
        %dma_start3A_539 = arith.constant 0 : i32
        %dma_start3A_540 = arith.constant 0 : i32
        %dma_start3A_541 = tpu.memref_slice %arg9[%dma_start3A_539, %dma_start3A_540] : memref<10240x128xf32, #tpu.memory_space<vmem_shared>> -> memref<10240x128xf32, #tpu.memory_space<vmem_shared>>
        tpu.enqueue_indirect_dma source(%dma_start3A_535 : memref<128x128xf32, #tpu.memory_space<vmem>>) target(%dma_start3A_541 : memref<10240x128xf32, #tpu.memory_space<vmem_shared>>) offsets(%dma_start3A_538 : memref<128xi32, #tpu.memory_space<vmem>>) semaphore(%run_scoped3A_532 : memref<!tpu.dma_semaphore, #tpu.memory_space<semaphore_mem>>) {add = true}
        %dma_wait3A_542 = arith.constant 0 : i32
        %dma_wait3A_543 = arith.constant 0 : i32
        %dma_wait3A_544 = tpu.memref_slice %arg8[%dma_wait3A_542, %dma_wait3A_543] : memref<256x128xf32, #tpu.memory_space<vmem>> -> memref<128x128xf32, #tpu.memory_space<vmem>>
        %dma_wait3A_545 = arith.constant 0 : i32
        %dma_wait3A_546 = tpu.memref_slice %arg7[%run_scoped3A_373, %run_scoped3A_374, %dma_wait3A_545] : memref<2x8x128xi32, #tpu.memory_space<vmem>> -> memref<1x1x128xi32, #tpu.memory_space<vmem>>
        %dma_wait3A_547 = tpu.memref_squeeze %dma_wait3A_546 : memref<1x1x128xi32, #tpu.memory_space<vmem>> -> memref<128xi32, #tpu.memory_space<vmem>>
        %dma_wait3A_548 = arith.constant 0 : i32
        %dma_wait3A_549 = arith.constant 0 : i32
        %dma_wait3A_550 = tpu.memref_slice %arg9[%dma_wait3A_548, %dma_wait3A_549] : memref<10240x128xf32, #tpu.memory_space<vmem_shared>> -> memref<10240x128xf32, #tpu.memory_space<vmem_shared>>
        tpu.wait_indirect_dma semaphore(%run_scoped3A_532 : memref<!tpu.dma_semaphore, #tpu.memory_space<semaphore_mem>>) src(%dma_wait3A_544 : memref<128x128xf32, #tpu.memory_space<vmem>>) dst(%dma_wait3A_550 : memref<10240x128xf32, #tpu.memory_space<vmem_shared>>)
        tpu.yield
      }) : () -> ()
      %dma_start3A_375 = arith.constant 1 : i32
      %dma_start3A_376 = arith.constant 2 : i32
      %dma_start3A_377 = arith.constant 0 : i32
      %dma_start3A_378 = arith.constant 0 : i32
      %dma_start3A_379 = tpu.memref_slice %arg8[%dma_start3A_377, %dma_start3A_378] : memref<256x128xf32, #tpu.memory_space<vmem>> -> memref<128x128xf32, #tpu.memory_space<vmem>>
      %dma_start3A_380 = arith.constant 0 : i32
      %dma_start3A_381 = tpu.memref_slice %arg6[%dma_start3A_375, %dma_start3A_376, %dma_start3A_380] : memref<2x8x128xi32, #tpu.memory_space<vmem>> -> memref<1x1x128xi32, #tpu.memory_space<vmem>>
      %dma_start3A_382 = tpu.memref_squeeze %dma_start3A_381 : memref<1x1x128xi32, #tpu.memory_space<vmem>> -> memref<128xi32, #tpu.memory_space<vmem>>
      %dma_start3A_383 = arith.constant 0 : i32
      %dma_start3A_384 = arith.constant 0 : i32
      %dma_start3A_385 = tpu.memref_slice %arg2[%dma_start3A_383, %dma_start3A_384] : memref<10000x128xf32, #tpu.memory_space<hbm>> -> memref<10000x128xf32, #tpu.memory_space<hbm>>
      tpu.enqueue_indirect_dma source(%dma_start3A_385 : memref<10000x128xf32, #tpu.memory_space<hbm>>) target(%dma_start3A_379 : memref<128x128xf32, #tpu.memory_space<vmem>>) offsets(%dma_start3A_382 : memref<128xi32, #tpu.memory_space<vmem>>) semaphore(%arg12 : memref<!tpu.dma_semaphore, #tpu.memory_space<semaphore_mem>>)
      %dma_wait3A_386 = arith.constant 1 : i32
      %dma_wait3A_387 = arith.constant 1 : i32
      %dma_wait3A_388 = arith.constant 128 : i32
      %dma_wait3A_389 = arith.constant 0 : i32
      %dma_wait3A_390 = tpu.memref_slice %arg8[%dma_wait3A_388, %dma_wait3A_389] : memref<256x128xf32, #tpu.memory_space<vmem>> -> memref<128x128xf32, #tpu.memory_space<vmem>>
      %dma_wait3A_391 = arith.constant 0 : i32
      %dma_wait3A_392 = tpu.memref_slice %arg6[%dma_wait3A_386, %dma_wait3A_387, %dma_wait3A_391] : memref<2x8x128xi32, #tpu.memory_space<vmem>> -> memref<1x1x128xi32, #tpu.memory_space<vmem>>
      %dma_wait3A_393 = tpu.memref_squeeze %dma_wait3A_392 : memref<1x1x128xi32, #tpu.memory_space<vmem>> -> memref<128xi32, #tpu.memory_space<vmem>>
      %dma_wait3A_394 = arith.constant 0 : i32
      %dma_wait3A_395 = arith.constant 0 : i32
      %dma_wait3A_396 = tpu.memref_slice %arg2[%dma_wait3A_394, %dma_wait3A_395] : memref<10000x128xf32, #tpu.memory_space<hbm>> -> memref<10000x128xf32, #tpu.memory_space<hbm>>
      tpu.wait_indirect_dma semaphore(%arg13 : memref<!tpu.dma_semaphore, #tpu.memory_space<semaphore_mem>>) src(%dma_wait3A_396 : memref<10000x128xf32, #tpu.memory_space<hbm>>) dst(%dma_wait3A_390 : memref<128x128xf32, #tpu.memory_space<vmem>>)
      %run_scoped3A_397 = arith.constant 1 : i32
      %run_scoped3A_398 = arith.constant 1 : i32
      "tpu.region"() ({
        %run_scoped3A_532 = tpu.sem_alloc : memref<!tpu.dma_semaphore, #tpu.memory_space<semaphore_mem>>
        %dma_start3A_533 = arith.constant 128 : i32
        %dma_start3A_534 = arith.constant 0 : i32
        %dma_start3A_535 = tpu.memref_slice %arg8[%dma_start3A_533, %dma_start3A_534] : memref<256x128xf32, #tpu.memory_space<vmem>> -> memref<128x128xf32, #tpu.memory_space<vmem>>
        %dma_start3A_536 = arith.constant 0 : i32
        %dma_start3A_537 = tpu.memref_slice %arg7[%run_scoped3A_397, %run_scoped3A_398, %dma_start3A_536] : memref<2x8x128xi32, #tpu.memory_space<vmem>> -> memref<1x1x128xi32, #tpu.memory_space<vmem>>
        %dma_start3A_538 = tpu.memref_squeeze %dma_start3A_537 : memref<1x1x128xi32, #tpu.memory_space<vmem>> -> memref<128xi32, #tpu.memory_space<vmem>>
        %dma_start3A_539 = arith.constant 0 : i32
        %dma_start3A_540 = arith.constant 0 : i32
        %dma_start3A_541 = tpu.memref_slice %arg9[%dma_start3A_539, %dma_start3A_540] : memref<10240x128xf32, #tpu.memory_space<vmem_shared>> -> memref<10240x128xf32, #tpu.memory_space<vmem_shared>>
        tpu.enqueue_indirect_dma source(%dma_start3A_535 : memref<128x128xf32, #tpu.memory_space<vmem>>) target(%dma_start3A_541 : memref<10240x128xf32, #tpu.memory_space<vmem_shared>>) offsets(%dma_start3A_538 : memref<128xi32, #tpu.memory_space<vmem>>) semaphore(%run_scoped3A_532 : memref<!tpu.dma_semaphore, #tpu.memory_space<semaphore_mem>>) {add = true}
        %dma_wait3A_542 = arith.constant 128 : i32
        %dma_wait3A_543 = arith.constant 0 : i32
        %dma_wait3A_544 = tpu.memref_slice %arg8[%dma_wait3A_542, %dma_wait3A_543] : memref<256x128xf32, #tpu.memory_space<vmem>> -> memref<128x128xf32, #tpu.memory_space<vmem>>
        %dma_wait3A_545 = arith.constant 0 : i32
        %dma_wait3A_546 = tpu.memref_slice %arg7[%run_scoped3A_397, %run_scoped3A_398, %dma_wait3A_545] : memref<2x8x128xi32, #tpu.memory_space<vmem>> -> memref<1x1x128xi32, #tpu.memory_space<vmem>>
        %dma_wait3A_547 = tpu.memref_squeeze %dma_wait3A_546 : memref<1x1x128xi32, #tpu.memory_space<vmem>> -> memref<128xi32, #tpu.memory_space<vmem>>
        %dma_wait3A_548 = arith.constant 0 : i32
        %dma_wait3A_549 = arith.constant 0 : i32
        %dma_wait3A_550 = tpu.memref_slice %arg9[%dma_wait3A_548, %dma_wait3A_549] : memref<10240x128xf32, #tpu.memory_space<vmem_shared>> -> memref<10240x128xf32, #tpu.memory_space<vmem_shared>>
        tpu.wait_indirect_dma semaphore(%run_scoped3A_532 : memref<!tpu.dma_semaphore, #tpu.memory_space<semaphore_mem>>) src(%dma_wait3A_544 : memref<128x128xf32, #tpu.memory_space<vmem>>) dst(%dma_wait3A_550 : memref<10240x128xf32, #tpu.memory_space<vmem_shared>>)
        tpu.yield
      }) : () -> ()
      %dma_start3A_399 = arith.constant 1 : i32
      %dma_start3A_400 = arith.constant 3 : i32
      %dma_start3A_401 = arith.constant 128 : i32
      %dma_start3A_402 = arith.constant 0 : i32
      %dma_start3A_403 = tpu.memref_slice %arg8[%dma_start3A_401, %dma_start3A_402] : memref<256x128xf32, #tpu.memory_space<vmem>> -> memref<128x128xf32, #tpu.memory_space<vmem>>
      %dma_start3A_404 = arith.constant 0 : i32
      %dma_start3A_405 = tpu.memref_slice %arg6[%dma_start3A_399, %dma_start3A_400, %dma_start3A_404] : memref<2x8x128xi32, #tpu.memory_space<vmem>> -> memref<1x1x128xi32, #tpu.memory_space<vmem>>
      %dma_start3A_406 = tpu.memref_squeeze %dma_start3A_405 : memref<1x1x128xi32, #tpu.memory_space<vmem>> -> memref<128xi32, #tpu.memory_space<vmem>>
      %dma_start3A_407 = arith.constant 0 : i32
      %dma_start3A_408 = arith.constant 0 : i32
      %dma_start3A_409 = tpu.memref_slice %arg2[%dma_start3A_407, %dma_start3A_408] : memref<10000x128xf32, #tpu.memory_space<hbm>> -> memref<10000x128xf32, #tpu.memory_space<hbm>>
      tpu.enqueue_indirect_dma source(%dma_start3A_409 : memref<10000x128xf32, #tpu.memory_space<hbm>>) target(%dma_start3A_403 : memref<128x128xf32, #tpu.memory_space<vmem>>) offsets(%dma_start3A_406 : memref<128xi32, #tpu.memory_space<vmem>>) semaphore(%arg13 : memref<!tpu.dma_semaphore, #tpu.memory_space<semaphore_mem>>)
      %dma_wait3A_410 = arith.constant 1 : i32
      %dma_wait3A_411 = arith.constant 2 : i32
      %dma_wait3A_412 = arith.constant 0 : i32
      %dma_wait3A_413 = arith.constant 0 : i32
      %dma_wait3A_414 = tpu.memref_slice %arg8[%dma_wait3A_412, %dma_wait3A_413] : memref<256x128xf32, #tpu.memory_space<vmem>> -> memref<128x128xf32, #tpu.memory_space<vmem>>
      %dma_wait3A_415 = arith.constant 0 : i32
      %dma_wait3A_416 = tpu.memref_slice %arg6[%dma_wait3A_410, %dma_wait3A_411, %dma_wait3A_415] : memref<2x8x128xi32, #tpu.memory_space<vmem>> -> memref<1x1x128xi32, #tpu.memory_space<vmem>>
      %dma_wait3A_417 = tpu.memref_squeeze %dma_wait3A_416 : memref<1x1x128xi32, #tpu.memory_space<vmem>> -> memref<128xi32, #tpu.memory_space<vmem>>
      %dma_wait3A_418 = arith.constant 0 : i32
      %dma_wait3A_419 = arith.constant 0 : i32
      %dma_wait3A_420 = tpu.memref_slice %arg2[%dma_wait3A_418, %dma_wait3A_419] : memref<10000x128xf32, #tpu.memory_space<hbm>> -> memref<10000x128xf32, #tpu.memory_space<hbm>>
      tpu.wait_indirect_dma semaphore(%arg12 : memref<!tpu.dma_semaphore, #tpu.memory_space<semaphore_mem>>) src(%dma_wait3A_420 : memref<10000x128xf32, #tpu.memory_space<hbm>>) dst(%dma_wait3A_414 : memref<128x128xf32, #tpu.memory_space<vmem>>)
      %run_scoped3A_421 = arith.constant 1 : i32
      %run_scoped3A_422 = arith.constant 2 : i32
      "tpu.region"() ({
        %run_scoped3A_532 = tpu.sem_alloc : memref<!tpu.dma_semaphore, #tpu.memory_space<semaphore_mem>>
        %dma_start3A_533 = arith.constant 0 : i32
        %dma_start3A_534 = arith.constant 0 : i32
        %dma_start3A_535 = tpu.memref_slice %arg8[%dma_start3A_533, %dma_start3A_534] : memref<256x128xf32, #tpu.memory_space<vmem>> -> memref<128x128xf32, #tpu.memory_space<vmem>>
        %dma_start3A_536 = arith.constant 0 : i32
        %dma_start3A_537 = tpu.memref_slice %arg7[%run_scoped3A_421, %run_scoped3A_422, %dma_start3A_536] : memref<2x8x128xi32, #tpu.memory_space<vmem>> -> memref<1x1x128xi32, #tpu.memory_space<vmem>>
        %dma_start3A_538 = tpu.memref_squeeze %dma_start3A_537 : memref<1x1x128xi32, #tpu.memory_space<vmem>> -> memref<128xi32, #tpu.memory_space<vmem>>
        %dma_start3A_539 = arith.constant 0 : i32
        %dma_start3A_540 = arith.constant 0 : i32
        %dma_start3A_541 = tpu.memref_slice %arg9[%dma_start3A_539, %dma_start3A_540] : memref<10240x128xf32, #tpu.memory_space<vmem_shared>> -> memref<10240x128xf32, #tpu.memory_space<vmem_shared>>
        tpu.enqueue_indirect_dma source(%dma_start3A_535 : memref<128x128xf32, #tpu.memory_space<vmem>>) target(%dma_start3A_541 : memref<10240x128xf32, #tpu.memory_space<vmem_shared>>) offsets(%dma_start3A_538 : memref<128xi32, #tpu.memory_space<vmem>>) semaphore(%run_scoped3A_532 : memref<!tpu.dma_semaphore, #tpu.memory_space<semaphore_mem>>) {add = true}
        %dma_wait3A_542 = arith.constant 0 : i32
        %dma_wait3A_543 = arith.constant 0 : i32
        %dma_wait3A_544 = tpu.memref_slice %arg8[%dma_wait3A_542, %dma_wait3A_543] : memref<256x128xf32, #tpu.memory_space<vmem>> -> memref<128x128xf32, #tpu.memory_space<vmem>>
        %dma_wait3A_545 = arith.constant 0 : i32
        %dma_wait3A_546 = tpu.memref_slice %arg7[%run_scoped3A_421, %run_scoped3A_422, %dma_wait3A_545] : memref<2x8x128xi32, #tpu.memory_space<vmem>> -> memref<1x1x128xi32, #tpu.memory_space<vmem>>
        %dma_wait3A_547 = tpu.memref_squeeze %dma_wait3A_546 : memref<1x1x128xi32, #tpu.memory_space<vmem>> -> memref<128xi32, #tpu.memory_space<vmem>>
        %dma_wait3A_548 = arith.constant 0 : i32
        %dma_wait3A_549 = arith.constant 0 : i32
        %dma_wait3A_550 = tpu.memref_slice %arg9[%dma_wait3A_548, %dma_wait3A_549] : memref<10240x128xf32, #tpu.memory_space<vmem_shared>> -> memref<10240x128xf32, #tpu.memory_space<vmem_shared>>
        tpu.wait_indirect_dma semaphore(%run_scoped3A_532 : memref<!tpu.dma_semaphore, #tpu.memory_space<semaphore_mem>>) src(%dma_wait3A_544 : memref<128x128xf32, #tpu.memory_space<vmem>>) dst(%dma_wait3A_550 : memref<10240x128xf32, #tpu.memory_space<vmem_shared>>)
        tpu.yield
      }) : () -> ()
      %dma_start3A_423 = arith.constant 1 : i32
      %dma_start3A_424 = arith.constant 4 : i32
      %dma_start3A_425 = arith.constant 0 : i32
      %dma_start3A_426 = arith.constant 0 : i32
      %dma_start3A_427 = tpu.memref_slice %arg8[%dma_start3A_425, %dma_start3A_426] : memref<256x128xf32, #tpu.memory_space<vmem>> -> memref<128x128xf32, #tpu.memory_space<vmem>>
      %dma_start3A_428 = arith.constant 0 : i32
      %dma_start3A_429 = tpu.memref_slice %arg6[%dma_start3A_423, %dma_start3A_424, %dma_start3A_428] : memref<2x8x128xi32, #tpu.memory_space<vmem>> -> memref<1x1x128xi32, #tpu.memory_space<vmem>>
      %dma_start3A_430 = tpu.memref_squeeze %dma_start3A_429 : memref<1x1x128xi32, #tpu.memory_space<vmem>> -> memref<128xi32, #tpu.memory_space<vmem>>
      %dma_start3A_431 = arith.constant 0 : i32
      %dma_start3A_432 = arith.constant 0 : i32
      %dma_start3A_433 = tpu.memref_slice %arg2[%dma_start3A_431, %dma_start3A_432] : memref<10000x128xf32, #tpu.memory_space<hbm>> -> memref<10000x128xf32, #tpu.memory_space<hbm>>
      tpu.enqueue_indirect_dma source(%dma_start3A_433 : memref<10000x128xf32, #tpu.memory_space<hbm>>) target(%dma_start3A_427 : memref<128x128xf32, #tpu.memory_space<vmem>>) offsets(%dma_start3A_430 : memref<128xi32, #tpu.memory_space<vmem>>) semaphore(%arg12 : memref<!tpu.dma_semaphore, #tpu.memory_space<semaphore_mem>>)
      %dma_wait3A_434 = arith.constant 1 : i32
      %dma_wait3A_435 = arith.constant 3 : i32
      %dma_wait3A_436 = arith.constant 128 : i32
      %dma_wait3A_437 = arith.constant 0 : i32
      %dma_wait3A_438 = tpu.memref_slice %arg8[%dma_wait3A_436, %dma_wait3A_437] : memref<256x128xf32, #tpu.memory_space<vmem>> -> memref<128x128xf32, #tpu.memory_space<vmem>>
      %dma_wait3A_439 = arith.constant 0 : i32
      %dma_wait3A_440 = tpu.memref_slice %arg6[%dma_wait3A_434, %dma_wait3A_435, %dma_wait3A_439] : memref<2x8x128xi32, #tpu.memory_space<vmem>> -> memref<1x1x128xi32, #tpu.memory_space<vmem>>
      %dma_wait3A_441 = tpu.memref_squeeze %dma_wait3A_440 : memref<1x1x128xi32, #tpu.memory_space<vmem>> -> memref<128xi32, #tpu.memory_space<vmem>>
      %dma_wait3A_442 = arith.constant 0 : i32
      %dma_wait3A_443 = arith.constant 0 : i32
      %dma_wait3A_444 = tpu.memref_slice %arg2[%dma_wait3A_442, %dma_wait3A_443] : memref<10000x128xf32, #tpu.memory_space<hbm>> -> memref<10000x128xf32, #tpu.memory_space<hbm>>
      tpu.wait_indirect_dma semaphore(%arg13 : memref<!tpu.dma_semaphore, #tpu.memory_space<semaphore_mem>>) src(%dma_wait3A_444 : memref<10000x128xf32, #tpu.memory_space<hbm>>) dst(%dma_wait3A_438 : memref<128x128xf32, #tpu.memory_space<vmem>>)
      %run_scoped3A_445 = arith.constant 1 : i32
      %run_scoped3A_446 = arith.constant 3 : i32
      "tpu.region"() ({
        %run_scoped3A_532 = tpu.sem_alloc : memref<!tpu.dma_semaphore, #tpu.memory_space<semaphore_mem>>
        %dma_start3A_533 = arith.constant 128 : i32
        %dma_start3A_534 = arith.constant 0 : i32
        %dma_start3A_535 = tpu.memref_slice %arg8[%dma_start3A_533, %dma_start3A_534] : memref<256x128xf32, #tpu.memory_space<vmem>> -> memref<128x128xf32, #tpu.memory_space<vmem>>
        %dma_start3A_536 = arith.constant 0 : i32
        %dma_start3A_537 = tpu.memref_slice %arg7[%run_scoped3A_445, %run_scoped3A_446, %dma_start3A_536] : memref<2x8x128xi32, #tpu.memory_space<vmem>> -> memref<1x1x128xi32, #tpu.memory_space<vmem>>
        %dma_start3A_538 = tpu.memref_squeeze %dma_start3A_537 : memref<1x1x128xi32, #tpu.memory_space<vmem>> -> memref<128xi32, #tpu.memory_space<vmem>>
        %dma_start3A_539 = arith.constant 0 : i32
        %dma_start3A_540 = arith.constant 0 : i32
        %dma_start3A_541 = tpu.memref_slice %arg9[%dma_start3A_539, %dma_start3A_540] : memref<10240x128xf32, #tpu.memory_space<vmem_shared>> -> memref<10240x128xf32, #tpu.memory_space<vmem_shared>>
        tpu.enqueue_indirect_dma source(%dma_start3A_535 : memref<128x128xf32, #tpu.memory_space<vmem>>) target(%dma_start3A_541 : memref<10240x128xf32, #tpu.memory_space<vmem_shared>>) offsets(%dma_start3A_538 : memref<128xi32, #tpu.memory_space<vmem>>) semaphore(%run_scoped3A_532 : memref<!tpu.dma_semaphore, #tpu.memory_space<semaphore_mem>>) {add = true}
        %dma_wait3A_542 = arith.constant 128 : i32
        %dma_wait3A_543 = arith.constant 0 : i32
        %dma_wait3A_544 = tpu.memref_slice %arg8[%dma_wait3A_542, %dma_wait3A_543] : memref<256x128xf32, #tpu.memory_space<vmem>> -> memref<128x128xf32, #tpu.memory_space<vmem>>
        %dma_wait3A_545 = arith.constant 0 : i32
        %dma_wait3A_546 = tpu.memref_slice %arg7[%run_scoped3A_445, %run_scoped3A_446, %dma_wait3A_545] : memref<2x8x128xi32, #tpu.memory_space<vmem>> -> memref<1x1x128xi32, #tpu.memory_space<vmem>>
        %dma_wait3A_547 = tpu.memref_squeeze %dma_wait3A_546 : memref<1x1x128xi32, #tpu.memory_space<vmem>> -> memref<128xi32, #tpu.memory_space<vmem>>
        %dma_wait3A_548 = arith.constant 0 : i32
        %dma_wait3A_549 = arith.constant 0 : i32
        %dma_wait3A_550 = tpu.memref_slice %arg9[%dma_wait3A_548, %dma_wait3A_549] : memref<10240x128xf32, #tpu.memory_space<vmem_shared>> -> memref<10240x128xf32, #tpu.memory_space<vmem_shared>>
        tpu.wait_indirect_dma semaphore(%run_scoped3A_532 : memref<!tpu.dma_semaphore, #tpu.memory_space<semaphore_mem>>) src(%dma_wait3A_544 : memref<128x128xf32, #tpu.memory_space<vmem>>) dst(%dma_wait3A_550 : memref<10240x128xf32, #tpu.memory_space<vmem_shared>>)
        tpu.yield
      }) : () -> ()
      %dma_start3A_447 = arith.constant 1 : i32
      %dma_start3A_448 = arith.constant 5 : i32
      %dma_start3A_449 = arith.constant 128 : i32
      %dma_start3A_450 = arith.constant 0 : i32
      %dma_start3A_451 = tpu.memref_slice %arg8[%dma_start3A_449, %dma_start3A_450] : memref<256x128xf32, #tpu.memory_space<vmem>> -> memref<128x128xf32, #tpu.memory_space<vmem>>
      %dma_start3A_452 = arith.constant 0 : i32
      %dma_start3A_453 = tpu.memref_slice %arg6[%dma_start3A_447, %dma_start3A_448, %dma_start3A_452] : memref<2x8x128xi32, #tpu.memory_space<vmem>> -> memref<1x1x128xi32, #tpu.memory_space<vmem>>
      %dma_start3A_454 = tpu.memref_squeeze %dma_start3A_453 : memref<1x1x128xi32, #tpu.memory_space<vmem>> -> memref<128xi32, #tpu.memory_space<vmem>>
      %dma_start3A_455 = arith.constant 0 : i32
      %dma_start3A_456 = arith.constant 0 : i32
      %dma_start3A_457 = tpu.memref_slice %arg2[%dma_start3A_455, %dma_start3A_456] : memref<10000x128xf32, #tpu.memory_space<hbm>> -> memref<10000x128xf32, #tpu.memory_space<hbm>>
      tpu.enqueue_indirect_dma source(%dma_start3A_457 : memref<10000x128xf32, #tpu.memory_space<hbm>>) target(%dma_start3A_451 : memref<128x128xf32, #tpu.memory_space<vmem>>) offsets(%dma_start3A_454 : memref<128xi32, #tpu.memory_space<vmem>>) semaphore(%arg13 : memref<!tpu.dma_semaphore, #tpu.memory_space<semaphore_mem>>)
      %dma_wait3A_458 = arith.constant 1 : i32
      %dma_wait3A_459 = arith.constant 4 : i32
      %dma_wait3A_460 = arith.constant 0 : i32
      %dma_wait3A_461 = arith.constant 0 : i32
      %dma_wait3A_462 = tpu.memref_slice %arg8[%dma_wait3A_460, %dma_wait3A_461] : memref<256x128xf32, #tpu.memory_space<vmem>> -> memref<128x128xf32, #tpu.memory_space<vmem>>
      %dma_wait3A_463 = arith.constant 0 : i32
      %dma_wait3A_464 = tpu.memref_slice %arg6[%dma_wait3A_458, %dma_wait3A_459, %dma_wait3A_463] : memref<2x8x128xi32, #tpu.memory_space<vmem>> -> memref<1x1x128xi32, #tpu.memory_space<vmem>>
      %dma_wait3A_465 = tpu.memref_squeeze %dma_wait3A_464 : memref<1x1x128xi32, #tpu.memory_space<vmem>> -> memref<128xi32, #tpu.memory_space<vmem>>
      %dma_wait3A_466 = arith.constant 0 : i32
      %dma_wait3A_467 = arith.constant 0 : i32
      %dma_wait3A_468 = tpu.memref_slice %arg2[%dma_wait3A_466, %dma_wait3A_467] : memref<10000x128xf32, #tpu.memory_space<hbm>> -> memref<10000x128xf32, #tpu.memory_space<hbm>>
      tpu.wait_indirect_dma semaphore(%arg12 : memref<!tpu.dma_semaphore, #tpu.memory_space<semaphore_mem>>) src(%dma_wait3A_468 : memref<10000x128xf32, #tpu.memory_space<hbm>>) dst(%dma_wait3A_462 : memref<128x128xf32, #tpu.memory_space<vmem>>)
      %run_scoped3A_469 = arith.constant 1 : i32
      %run_scoped3A_470 = arith.constant 4 : i32
      "tpu.region"() ({
        %run_scoped3A_532 = tpu.sem_alloc : memref<!tpu.dma_semaphore, #tpu.memory_space<semaphore_mem>>
        %dma_start3A_533 = arith.constant 0 : i32
        %dma_start3A_534 = arith.constant 0 : i32
        %dma_start3A_535 = tpu.memref_slice %arg8[%dma_start3A_533, %dma_start3A_534] : memref<256x128xf32, #tpu.memory_space<vmem>> -> memref<128x128xf32, #tpu.memory_space<vmem>>
        %dma_start3A_536 = arith.constant 0 : i32
        %dma_start3A_537 = tpu.memref_slice %arg7[%run_scoped3A_469, %run_scoped3A_470, %dma_start3A_536] : memref<2x8x128xi32, #tpu.memory_space<vmem>> -> memref<1x1x128xi32, #tpu.memory_space<vmem>>
        %dma_start3A_538 = tpu.memref_squeeze %dma_start3A_537 : memref<1x1x128xi32, #tpu.memory_space<vmem>> -> memref<128xi32, #tpu.memory_space<vmem>>
        %dma_start3A_539 = arith.constant 0 : i32
        %dma_start3A_540 = arith.constant 0 : i32
        %dma_start3A_541 = tpu.memref_slice %arg9[%dma_start3A_539, %dma_start3A_540] : memref<10240x128xf32, #tpu.memory_space<vmem_shared>> -> memref<10240x128xf32, #tpu.memory_space<vmem_shared>>
        tpu.enqueue_indirect_dma source(%dma_start3A_535 : memref<128x128xf32, #tpu.memory_space<vmem>>) target(%dma_start3A_541 : memref<10240x128xf32, #tpu.memory_space<vmem_shared>>) offsets(%dma_start3A_538 : memref<128xi32, #tpu.memory_space<vmem>>) semaphore(%run_scoped3A_532 : memref<!tpu.dma_semaphore, #tpu.memory_space<semaphore_mem>>) {add = true}
        %dma_wait3A_542 = arith.constant 0 : i32
        %dma_wait3A_543 = arith.constant 0 : i32
        %dma_wait3A_544 = tpu.memref_slice %arg8[%dma_wait3A_542, %dma_wait3A_543] : memref<256x128xf32, #tpu.memory_space<vmem>> -> memref<128x128xf32, #tpu.memory_space<vmem>>
        %dma_wait3A_545 = arith.constant 0 : i32
        %dma_wait3A_546 = tpu.memref_slice %arg7[%run_scoped3A_469, %run_scoped3A_470, %dma_wait3A_545] : memref<2x8x128xi32, #tpu.memory_space<vmem>> -> memref<1x1x128xi32, #tpu.memory_space<vmem>>
        %dma_wait3A_547 = tpu.memref_squeeze %dma_wait3A_546 : memref<1x1x128xi32, #tpu.memory_space<vmem>> -> memref<128xi32, #tpu.memory_space<vmem>>
        %dma_wait3A_548 = arith.constant 0 : i32
        %dma_wait3A_549 = arith.constant 0 : i32
        %dma_wait3A_550 = tpu.memref_slice %arg9[%dma_wait3A_548, %dma_wait3A_549] : memref<10240x128xf32, #tpu.memory_space<vmem_shared>> -> memref<10240x128xf32, #tpu.memory_space<vmem_shared>>
        tpu.wait_indirect_dma semaphore(%run_scoped3A_532 : memref<!tpu.dma_semaphore, #tpu.memory_space<semaphore_mem>>) src(%dma_wait3A_544 : memref<128x128xf32, #tpu.memory_space<vmem>>) dst(%dma_wait3A_550 : memref<10240x128xf32, #tpu.memory_space<vmem_shared>>)
        tpu.yield
      }) : () -> ()
      %dma_start3A_471 = arith.constant 1 : i32
      %dma_start3A_472 = arith.constant 6 : i32
      %dma_start3A_473 = arith.constant 0 : i32
      %dma_start3A_474 = arith.constant 0 : i32
      %dma_start3A_475 = tpu.memref_slice %arg8[%dma_start3A_473, %dma_start3A_474] : memref<256x128xf32, #tpu.memory_space<vmem>> -> memref<128x128xf32, #tpu.memory_space<vmem>>
      %dma_start3A_476 = arith.constant 0 : i32
      %dma_start3A_477 = tpu.memref_slice %arg6[%dma_start3A_471, %dma_start3A_472, %dma_start3A_476] : memref<2x8x128xi32, #tpu.memory_space<vmem>> -> memref<1x1x128xi32, #tpu.memory_space<vmem>>
      %dma_start3A_478 = tpu.memref_squeeze %dma_start3A_477 : memref<1x1x128xi32, #tpu.memory_space<vmem>> -> memref<128xi32, #tpu.memory_space<vmem>>
      %dma_start3A_479 = arith.constant 0 : i32
      %dma_start3A_480 = arith.constant 0 : i32
      %dma_start3A_481 = tpu.memref_slice %arg2[%dma_start3A_479, %dma_start3A_480] : memref<10000x128xf32, #tpu.memory_space<hbm>> -> memref<10000x128xf32, #tpu.memory_space<hbm>>
      tpu.enqueue_indirect_dma source(%dma_start3A_481 : memref<10000x128xf32, #tpu.memory_space<hbm>>) target(%dma_start3A_475 : memref<128x128xf32, #tpu.memory_space<vmem>>) offsets(%dma_start3A_478 : memref<128xi32, #tpu.memory_space<vmem>>) semaphore(%arg12 : memref<!tpu.dma_semaphore, #tpu.memory_space<semaphore_mem>>)
      %dma_wait3A_482 = arith.constant 1 : i32
      %dma_wait3A_483 = arith.constant 5 : i32
      %dma_wait3A_484 = arith.constant 128 : i32
      %dma_wait3A_485 = arith.constant 0 : i32
      %dma_wait3A_486 = tpu.memref_slice %arg8[%dma_wait3A_484, %dma_wait3A_485] : memref<256x128xf32, #tpu.memory_space<vmem>> -> memref<128x128xf32, #tpu.memory_space<vmem>>
      %dma_wait3A_487 = arith.constant 0 : i32
      %dma_wait3A_488 = tpu.memref_slice %arg6[%dma_wait3A_482, %dma_wait3A_483, %dma_wait3A_487] : memref<2x8x128xi32, #tpu.memory_space<vmem>> -> memref<1x1x128xi32, #tpu.memory_space<vmem>>
      %dma_wait3A_489 = tpu.memref_squeeze %dma_wait3A_488 : memref<1x1x128xi32, #tpu.memory_space<vmem>> -> memref<128xi32, #tpu.memory_space<vmem>>
      %dma_wait3A_490 = arith.constant 0 : i32
      %dma_wait3A_491 = arith.constant 0 : i32
      %dma_wait3A_492 = tpu.memref_slice %arg2[%dma_wait3A_490, %dma_wait3A_491] : memref<10000x128xf32, #tpu.memory_space<hbm>> -> memref<10000x128xf32, #tpu.memory_space<hbm>>
      tpu.wait_indirect_dma semaphore(%arg13 : memref<!tpu.dma_semaphore, #tpu.memory_space<semaphore_mem>>) src(%dma_wait3A_492 : memref<10000x128xf32, #tpu.memory_space<hbm>>) dst(%dma_wait3A_486 : memref<128x128xf32, #tpu.memory_space<vmem>>)
      %run_scoped3A_493 = arith.constant 1 : i32
      %run_scoped3A_494 = arith.constant 5 : i32
      "tpu.region"() ({
        %run_scoped3A_532 = tpu.sem_alloc : memref<!tpu.dma_semaphore, #tpu.memory_space<semaphore_mem>>
        %dma_start3A_533 = arith.constant 128 : i32
        %dma_start3A_534 = arith.constant 0 : i32
        %dma_start3A_535 = tpu.memref_slice %arg8[%dma_start3A_533, %dma_start3A_534] : memref<256x128xf32, #tpu.memory_space<vmem>> -> memref<128x128xf32, #tpu.memory_space<vmem>>
        %dma_start3A_536 = arith.constant 0 : i32
        %dma_start3A_537 = tpu.memref_slice %arg7[%run_scoped3A_493, %run_scoped3A_494, %dma_start3A_536] : memref<2x8x128xi32, #tpu.memory_space<vmem>> -> memref<1x1x128xi32, #tpu.memory_space<vmem>>
        %dma_start3A_538 = tpu.memref_squeeze %dma_start3A_537 : memref<1x1x128xi32, #tpu.memory_space<vmem>> -> memref<128xi32, #tpu.memory_space<vmem>>
        %dma_start3A_539 = arith.constant 0 : i32
        %dma_start3A_540 = arith.constant 0 : i32
        %dma_start3A_541 = tpu.memref_slice %arg9[%dma_start3A_539, %dma_start3A_540] : memref<10240x128xf32, #tpu.memory_space<vmem_shared>> -> memref<10240x128xf32, #tpu.memory_space<vmem_shared>>
        tpu.enqueue_indirect_dma source(%dma_start3A_535 : memref<128x128xf32, #tpu.memory_space<vmem>>) target(%dma_start3A_541 : memref<10240x128xf32, #tpu.memory_space<vmem_shared>>) offsets(%dma_start3A_538 : memref<128xi32, #tpu.memory_space<vmem>>) semaphore(%run_scoped3A_532 : memref<!tpu.dma_semaphore, #tpu.memory_space<semaphore_mem>>) {add = true}
        %dma_wait3A_542 = arith.constant 128 : i32
        %dma_wait3A_543 = arith.constant 0 : i32
        %dma_wait3A_544 = tpu.memref_slice %arg8[%dma_wait3A_542, %dma_wait3A_543] : memref<256x128xf32, #tpu.memory_space<vmem>> -> memref<128x128xf32, #tpu.memory_space<vmem>>
        %dma_wait3A_545 = arith.constant 0 : i32
        %dma_wait3A_546 = tpu.memref_slice %arg7[%run_scoped3A_493, %run_scoped3A_494, %dma_wait3A_545] : memref<2x8x128xi32, #tpu.memory_space<vmem>> -> memref<1x1x128xi32, #tpu.memory_space<vmem>>
        %dma_wait3A_547 = tpu.memref_squeeze %dma_wait3A_546 : memref<1x1x128xi32, #tpu.memory_space<vmem>> -> memref<128xi32, #tpu.memory_space<vmem>>
        %dma_wait3A_548 = arith.constant 0 : i32
        %dma_wait3A_549 = arith.constant 0 : i32
        %dma_wait3A_550 = tpu.memref_slice %arg9[%dma_wait3A_548, %dma_wait3A_549] : memref<10240x128xf32, #tpu.memory_space<vmem_shared>> -> memref<10240x128xf32, #tpu.memory_space<vmem_shared>>
        tpu.wait_indirect_dma semaphore(%run_scoped3A_532 : memref<!tpu.dma_semaphore, #tpu.memory_space<semaphore_mem>>) src(%dma_wait3A_544 : memref<128x128xf32, #tpu.memory_space<vmem>>) dst(%dma_wait3A_550 : memref<10240x128xf32, #tpu.memory_space<vmem_shared>>)
        tpu.yield
      }) : () -> ()
      %dma_start3A_495 = arith.constant 1 : i32
      %dma_start3A_496 = arith.constant 7 : i32
      %dma_start3A_497 = arith.constant 128 : i32
      %dma_start3A_498 = arith.constant 0 : i32
      %dma_start3A_499 = tpu.memref_slice %arg8[%dma_start3A_497, %dma_start3A_498] : memref<256x128xf32, #tpu.memory_space<vmem>> -> memref<128x128xf32, #tpu.memory_space<vmem>>
      %dma_start3A_500 = arith.constant 0 : i32
      %dma_start3A_501 = tpu.memref_slice %arg6[%dma_start3A_495, %dma_start3A_496, %dma_start3A_500] : memref<2x8x128xi32, #tpu.memory_space<vmem>> -> memref<1x1x128xi32, #tpu.memory_space<vmem>>
      %dma_start3A_502 = tpu.memref_squeeze %dma_start3A_501 : memref<1x1x128xi32, #tpu.memory_space<vmem>> -> memref<128xi32, #tpu.memory_space<vmem>>
      %dma_start3A_503 = arith.constant 0 : i32
      %dma_start3A_504 = arith.constant 0 : i32
      %dma_start3A_505 = tpu.memref_slice %arg2[%dma_start3A_503, %dma_start3A_504] : memref<10000x128xf32, #tpu.memory_space<hbm>> -> memref<10000x128xf32, #tpu.memory_space<hbm>>
      tpu.enqueue_indirect_dma source(%dma_start3A_505 : memref<10000x128xf32, #tpu.memory_space<hbm>>) target(%dma_start3A_499 : memref<128x128xf32, #tpu.memory_space<vmem>>) offsets(%dma_start3A_502 : memref<128xi32, #tpu.memory_space<vmem>>) semaphore(%arg13 : memref<!tpu.dma_semaphore, #tpu.memory_space<semaphore_mem>>)
      %dma_wait3A_506 = arith.constant 1 : i32
      %dma_wait3A_507 = arith.constant 6 : i32
      %dma_wait3A_508 = arith.constant 0 : i32
      %dma_wait3A_509 = arith.constant 0 : i32
      %dma_wait3A_510 = tpu.memref_slice %arg8[%dma_wait3A_508, %dma_wait3A_509] : memref<256x128xf32, #tpu.memory_space<vmem>> -> memref<128x128xf32, #tpu.memory_space<vmem>>
      %dma_wait3A_511 = arith.constant 0 : i32
      %dma_wait3A_512 = tpu.memref_slice %arg6[%dma_wait3A_506, %dma_wait3A_507, %dma_wait3A_511] : memref<2x8x128xi32, #tpu.memory_space<vmem>> -> memref<1x1x128xi32, #tpu.memory_space<vmem>>
      %dma_wait3A_513 = tpu.memref_squeeze %dma_wait3A_512 : memref<1x1x128xi32, #tpu.memory_space<vmem>> -> memref<128xi32, #tpu.memory_space<vmem>>
      %dma_wait3A_514 = arith.constant 0 : i32
      %dma_wait3A_515 = arith.constant 0 : i32
      %dma_wait3A_516 = tpu.memref_slice %arg2[%dma_wait3A_514, %dma_wait3A_515] : memref<10000x128xf32, #tpu.memory_space<hbm>> -> memref<10000x128xf32, #tpu.memory_space<hbm>>
      tpu.wait_indirect_dma semaphore(%arg12 : memref<!tpu.dma_semaphore, #tpu.memory_space<semaphore_mem>>) src(%dma_wait3A_516 : memref<10000x128xf32, #tpu.memory_space<hbm>>) dst(%dma_wait3A_510 : memref<128x128xf32, #tpu.memory_space<vmem>>)
      %run_scoped3A_517 = arith.constant 1 : i32
      %run_scoped3A_518 = arith.constant 6 : i32
      "tpu.region"() ({
        %run_scoped3A_532 = tpu.sem_alloc : memref<!tpu.dma_semaphore, #tpu.memory_space<semaphore_mem>>
        %dma_start3A_533 = arith.constant 0 : i32
        %dma_start3A_534 = arith.constant 0 : i32
        %dma_start3A_535 = tpu.memref_slice %arg8[%dma_start3A_533, %dma_start3A_534] : memref<256x128xf32, #tpu.memory_space<vmem>> -> memref<128x128xf32, #tpu.memory_space<vmem>>
        %dma_start3A_536 = arith.constant 0 : i32
        %dma_start3A_537 = tpu.memref_slice %arg7[%run_scoped3A_517, %run_scoped3A_518, %dma_start3A_536] : memref<2x8x128xi32, #tpu.memory_space<vmem>> -> memref<1x1x128xi32, #tpu.memory_space<vmem>>
        %dma_start3A_538 = tpu.memref_squeeze %dma_start3A_537 : memref<1x1x128xi32, #tpu.memory_space<vmem>> -> memref<128xi32, #tpu.memory_space<vmem>>
        %dma_start3A_539 = arith.constant 0 : i32
        %dma_start3A_540 = arith.constant 0 : i32
        %dma_start3A_541 = tpu.memref_slice %arg9[%dma_start3A_539, %dma_start3A_540] : memref<10240x128xf32, #tpu.memory_space<vmem_shared>> -> memref<10240x128xf32, #tpu.memory_space<vmem_shared>>
        tpu.enqueue_indirect_dma source(%dma_start3A_535 : memref<128x128xf32, #tpu.memory_space<vmem>>) target(%dma_start3A_541 : memref<10240x128xf32, #tpu.memory_space<vmem_shared>>) offsets(%dma_start3A_538 : memref<128xi32, #tpu.memory_space<vmem>>) semaphore(%run_scoped3A_532 : memref<!tpu.dma_semaphore, #tpu.memory_space<semaphore_mem>>) {add = true}
        %dma_wait3A_542 = arith.constant 0 : i32
        %dma_wait3A_543 = arith.constant 0 : i32
        %dma_wait3A_544 = tpu.memref_slice %arg8[%dma_wait3A_542, %dma_wait3A_543] : memref<256x128xf32, #tpu.memory_space<vmem>> -> memref<128x128xf32, #tpu.memory_space<vmem>>
        %dma_wait3A_545 = arith.constant 0 : i32
        %dma_wait3A_546 = tpu.memref_slice %arg7[%run_scoped3A_517, %run_scoped3A_518, %dma_wait3A_545] : memref<2x8x128xi32, #tpu.memory_space<vmem>> -> memref<1x1x128xi32, #tpu.memory_space<vmem>>
        %dma_wait3A_547 = tpu.memref_squeeze %dma_wait3A_546 : memref<1x1x128xi32, #tpu.memory_space<vmem>> -> memref<128xi32, #tpu.memory_space<vmem>>
        %dma_wait3A_548 = arith.constant 0 : i32
        %dma_wait3A_549 = arith.constant 0 : i32
        %dma_wait3A_550 = tpu.memref_slice %arg9[%dma_wait3A_548, %dma_wait3A_549] : memref<10240x128xf32, #tpu.memory_space<vmem_shared>> -> memref<10240x128xf32, #tpu.memory_space<vmem_shared>>
        tpu.wait_indirect_dma semaphore(%run_scoped3A_532 : memref<!tpu.dma_semaphore, #tpu.memory_space<semaphore_mem>>) src(%dma_wait3A_544 : memref<128x128xf32, #tpu.memory_space<vmem>>) dst(%dma_wait3A_550 : memref<10240x128xf32, #tpu.memory_space<vmem_shared>>)
        tpu.yield
      }) : () -> ()
      %dma_wait3A_519 = arith.constant 1 : i32
      %dma_wait3A_520 = arith.constant 7 : i32
      %dma_wait3A_521 = arith.constant 128 : i32
      %dma_wait3A_522 = arith.constant 0 : i32
      %dma_wait3A_523 = tpu.memref_slice %arg8[%dma_wait3A_521, %dma_wait3A_522] : memref<256x128xf32, #tpu.memory_space<vmem>> -> memref<128x128xf32, #tpu.memory_space<vmem>>
      %dma_wait3A_524 = arith.constant 0 : i32
      %dma_wait3A_525 = tpu.memref_slice %arg6[%dma_wait3A_519, %dma_wait3A_520, %dma_wait3A_524] : memref<2x8x128xi32, #tpu.memory_space<vmem>> -> memref<1x1x128xi32, #tpu.memory_space<vmem>>
      %dma_wait3A_526 = tpu.memref_squeeze %dma_wait3A_525 : memref<1x1x128xi32, #tpu.memory_space<vmem>> -> memref<128xi32, #tpu.memory_space<vmem>>
      %dma_wait3A_527 = arith.constant 0 : i32
      %dma_wait3A_528 = arith.constant 0 : i32
      %dma_wait3A_529 = tpu.memref_slice %arg2[%dma_wait3A_527, %dma_wait3A_528] : memref<10000x128xf32, #tpu.memory_space<hbm>> -> memref<10000x128xf32, #tpu.memory_space<hbm>>
      tpu.wait_indirect_dma semaphore(%arg13 : memref<!tpu.dma_semaphore, #tpu.memory_space<semaphore_mem>>) src(%dma_wait3A_529 : memref<10000x128xf32, #tpu.memory_space<hbm>>) dst(%dma_wait3A_523 : memref<128x128xf32, #tpu.memory_space<vmem>>)
      %run_scoped3A_530 = arith.constant 1 : i32
      %run_scoped3A_531 = arith.constant 7 : i32
      "tpu.region"() ({
        %run_scoped3A_532 = tpu.sem_alloc : memref<!tpu.dma_semaphore, #tpu.memory_space<semaphore_mem>>
        %dma_start3A_533 = arith.constant 128 : i32
        %dma_start3A_534 = arith.constant 0 : i32
        %dma_start3A_535 = tpu.memref_slice %arg8[%dma_start3A_533, %dma_start3A_534] : memref<256x128xf32, #tpu.memory_space<vmem>> -> memref<128x128xf32, #tpu.memory_space<vmem>>
        %dma_start3A_536 = arith.constant 0 : i32
        %dma_start3A_537 = tpu.memref_slice %arg7[%run_scoped3A_530, %run_scoped3A_531, %dma_start3A_536] : memref<2x8x128xi32, #tpu.memory_space<vmem>> -> memref<1x1x128xi32, #tpu.memory_space<vmem>>
        %dma_start3A_538 = tpu.memref_squeeze %dma_start3A_537 : memref<1x1x128xi32, #tpu.memory_space<vmem>> -> memref<128xi32, #tpu.memory_space<vmem>>
        %dma_start3A_539 = arith.constant 0 : i32
        %dma_start3A_540 = arith.constant 0 : i32
        %dma_start3A_541 = tpu.memref_slice %arg9[%dma_start3A_539, %dma_start3A_540] : memref<10240x128xf32, #tpu.memory_space<vmem_shared>> -> memref<10240x128xf32, #tpu.memory_space<vmem_shared>>
        tpu.enqueue_indirect_dma source(%dma_start3A_535 : memref<128x128xf32, #tpu.memory_space<vmem>>) target(%dma_start3A_541 : memref<10240x128xf32, #tpu.memory_space<vmem_shared>>) offsets(%dma_start3A_538 : memref<128xi32, #tpu.memory_space<vmem>>) semaphore(%run_scoped3A_532 : memref<!tpu.dma_semaphore, #tpu.memory_space<semaphore_mem>>) {add = true}
        %dma_wait3A_542 = arith.constant 128 : i32
        %dma_wait3A_543 = arith.constant 0 : i32
        %dma_wait3A_544 = tpu.memref_slice %arg8[%dma_wait3A_542, %dma_wait3A_543] : memref<256x128xf32, #tpu.memory_space<vmem>> -> memref<128x128xf32, #tpu.memory_space<vmem>>
        %dma_wait3A_545 = arith.constant 0 : i32
        %dma_wait3A_546 = tpu.memref_slice %arg7[%run_scoped3A_530, %run_scoped3A_531, %dma_wait3A_545] : memref<2x8x128xi32, #tpu.memory_space<vmem>> -> memref<1x1x128xi32, #tpu.memory_space<vmem>>
        %dma_wait3A_547 = tpu.memref_squeeze %dma_wait3A_546 : memref<1x1x128xi32, #tpu.memory_space<vmem>> -> memref<128xi32, #tpu.memory_space<vmem>>
        %dma_wait3A_548 = arith.constant 0 : i32
        %dma_wait3A_549 = arith.constant 0 : i32
        %dma_wait3A_550 = tpu.memref_slice %arg9[%dma_wait3A_548, %dma_wait3A_549] : memref<10240x128xf32, #tpu.memory_space<vmem_shared>> -> memref<10240x128xf32, #tpu.memory_space<vmem_shared>>
        tpu.wait_indirect_dma semaphore(%run_scoped3A_532 : memref<!tpu.dma_semaphore, #tpu.memory_space<semaphore_mem>>) src(%dma_wait3A_544 : memref<128x128xf32, #tpu.memory_space<vmem>>) dst(%dma_wait3A_550 : memref<10240x128xf32, #tpu.memory_space<vmem_shared>>)
        tpu.yield
      }) : () -> ()
    }
    %scan3A_56 = arith.constant 5 : i32
    %barrier3A_57 = arith.constant 0 : index
    tpu.barrier barrier_id(%barrier3A_57)
    %mul3A_58 = arith.constant 640 : i32
    %mul3A_59 = arith.muli %arg1, %mul3A_58 : i32
    %mul3A_60 = arith.constant 640 : i32
    %mul3A_61 = arith.muli %arg1, %mul3A_60 : i32
    "tpu.region"() ({
      %run_scoped3A = tpu.sem_alloc : memref<!tpu.dma_semaphore, #tpu.memory_space<semaphore_mem>>
      %dma_start3A_62 = arith.constant 0 : i32
      %dma_start3A_63 = tpu.memref_slice %arg5[%arg0, %mul3A_61, %dma_start3A_62] : memref<2x10240x128xf32, #tpu.memory_space<hbm>> -> memref<1x640x128xf32, #tpu.memory_space<hbm>>
      %dma_start3A_64 = tpu.memref_squeeze %dma_start3A_63 : memref<1x640x128xf32, #tpu.memory_space<hbm>> -> memref<640x128xf32, #tpu.memory_space<hbm>>
      %dma_start3A_65 = arith.constant 0 : i32
      %dma_start3A_66 = tpu.memref_slice %arg9[%mul3A_59, %dma_start3A_65] : memref<10240x128xf32, #tpu.memory_space<vmem_shared>> -> memref<640x128xf32, #tpu.memory_space<vmem_shared>>
      tpu.enqueue_dma source(%dma_start3A_66 : memref<640x128xf32, #tpu.memory_space<vmem_shared>>) target(%dma_start3A_64 : memref<640x128xf32, #tpu.memory_space<hbm>>) target_semaphore(%run_scoped3A : memref<!tpu.dma_semaphore, #tpu.memory_space<semaphore_mem>>)
      %dma_wait3A = arith.constant 0 : i32
      %dma_wait3A_67 = tpu.memref_slice %arg5[%arg0, %mul3A_61, %dma_wait3A] : memref<2x10240x128xf32, #tpu.memory_space<hbm>> -> memref<1x640x128xf32, #tpu.memory_space<hbm>>
      %dma_wait3A_68 = tpu.memref_squeeze %dma_wait3A_67 : memref<1x640x128xf32, #tpu.memory_space<hbm>> -> memref<640x128xf32, #tpu.memory_space<hbm>>
      %dma_wait3A_69 = arith.constant 0 : i32
      %dma_wait3A_70 = tpu.memref_slice %arg9[%mul3A_59, %dma_wait3A_69] : memref<10240x128xf32, #tpu.memory_space<vmem_shared>> -> memref<640x128xf32, #tpu.memory_space<vmem_shared>>
      tpu.wait_dma2 semaphore(%run_scoped3A : memref<!tpu.dma_semaphore, #tpu.memory_space<semaphore_mem>>) src(%dma_wait3A_70 : memref<640x128xf32, #tpu.memory_space<vmem_shared>>) dst(%dma_wait3A_68 : memref<640x128xf32, #tpu.memory_space<hbm>>)
      tpu.yield
    }) : () -> ()
    return
  }
}

#map = affine_map<(d0, d1) -> (0, 0)>
#map1 = affine_map<(d0, d1) -> (0, 0, 0)>
module attributes {stable_mosaic.version = 14 : i64} {
  func.func @agg_k(%arg0: i32, %arg1: i32, %arg2: memref<10000x128xf32, #tpu.memory_space<hbm>>, %arg3: memref<32x80x128xi32, #tpu.memory_space<hbm>>, %arg4: memref<32x80x128xi32, #tpu.memory_space<hbm>>, %arg5: memref<2x10240x128xf32, #tpu.memory_space<hbm>>, %arg6: memref<2x8x128xi32, #tpu.memory_space<vmem>>, %arg7: memref<2x8x128xi32, #tpu.memory_space<vmem>>, %arg8: memref<256x128xf32, #tpu.memory_space<vmem>>, %arg9: memref<10240x128xf32, #tpu.memory_space<vmem_shared>>, %arg10: memref<!tpu.dma_semaphore, #tpu.memory_space<semaphore_mem>>, %arg11: memref<!tpu.dma_semaphore, #tpu.memory_space<semaphore_mem>>, %arg12: memref<!tpu.dma_semaphore, #tpu.memory_space<semaphore_mem>>, %arg13: memref<!tpu.dma_semaphore, #tpu.memory_space<semaphore_mem>>, %arg14: memref<!tpu.dma_semaphore, #tpu.memory_space<semaphore_mem>>, %arg15: memref<!tpu.dma_semaphore, #tpu.memory_space<semaphore_mem>>) attributes {dimension_semantics = [#tpu.dimension_semantics<core_parallel>, #tpu.dimension_semantics<subcore_parallel>], iteration_bounds = array<i64: 2, 16>, scalar_prefetch = 0 : i64, scratch_operands = 10 : i64, tpu.core_type = #tpu.core_type<sc_vector_subcore>, window_params = [{transform_indices = #map}, {transform_indices = #map1}, {transform_indices = #map1}, {transform_indices = #map1}]} {
    %mul3A = arith.constant 16 : i32
    %mul3A_0 = arith.muli %arg0, %mul3A : i32
    %add3A = arith.addi %mul3A_0, %arg1 : i32
    %scan3A = arith.constant 0 : i32
    %scan3A_1 = arith.constant 0 : i32
    %scan3A_2 = arith.constant 256 : i32
    %scan3A_3 = arith.addi %scan3A_1, %scan3A_2 : i32
    %scan3A_4 = arith.constant 1 : i32
    scf.for %scan3A_62 = %scan3A_1 to %scan3A_3 step %scan3A_4  : i32 {
      %broadcast_in_dim3A = arith.constant 0.000000e+00 : f32
      %broadcast_in_dim3A_63 = vector.broadcast %broadcast_in_dim3A : f32 to vector<16xf32>
      %swap3A = arith.index_cast %scan3A_62 : i32 to index
      %swap3A_64 = arith.constant 0 : index
      %swap3A_65 = tpu.vector_load %arg8[%swap3A, %swap3A_64] {strides = array<i32>} : memref<256x128xf32, #tpu.memory_space<vmem>>, vector<1x16xf32>,
      %swap3A_66 = vector.shape_cast %swap3A_65 : vector<1x16xf32> to vector<16xf32>
      %swap3A_67 = vector.shape_cast %broadcast_in_dim3A_63 : vector<16xf32> to vector<1x16xf32>
      tpu.vector_store %arg8[%swap3A, %swap3A_64], %swap3A_67 {strides = array<i32>} : memref<256x128xf32, #tpu.memory_space<vmem>>, vector<1x16xf32>,
      %broadcast_in_dim3A_68 = arith.constant 0.000000e+00 : f32
      %broadcast_in_dim3A_69 = vector.broadcast %broadcast_in_dim3A_68 : f32 to vector<16xf32>
      %swap3A_70 = arith.index_cast %scan3A_62 : i32 to index
      %swap3A_71 = arith.constant 16 : index
      %swap3A_72 = tpu.vector_load %arg8[%swap3A_70, %swap3A_71] {strides = array<i32>} : memref<256x128xf32, #tpu.memory_space<vmem>>, vector<1x16xf32>,
      %swap3A_73 = vector.shape_cast %swap3A_72 : vector<1x16xf32> to vector<16xf32>
      %swap3A_74 = vector.shape_cast %broadcast_in_dim3A_69 : vector<16xf32> to vector<1x16xf32>
      tpu.vector_store %arg8[%swap3A_70, %swap3A_71], %swap3A_74 {strides = array<i32>} : memref<256x128xf32, #tpu.memory_space<vmem>>, vector<1x16xf32>,
      %broadcast_in_dim3A_75 = arith.constant 0.000000e+00 : f32
      %broadcast_in_dim3A_76 = vector.broadcast %broadcast_in_dim3A_75 : f32 to vector<16xf32>
      %swap3A_77 = arith.index_cast %scan3A_62 : i32 to index
      %swap3A_78 = arith.constant 32 : index
      %swap3A_79 = tpu.vector_load %arg8[%swap3A_77, %swap3A_78] {strides = array<i32>} : memref<256x128xf32, #tpu.memory_space<vmem>>, vector<1x16xf32>,
      %swap3A_80 = vector.shape_cast %swap3A_79 : vector<1x16xf32> to vector<16xf32>
      %swap3A_81 = vector.shape_cast %broadcast_in_dim3A_76 : vector<16xf32> to vector<1x16xf32>
      tpu.vector_store %arg8[%swap3A_77, %swap3A_78], %swap3A_81 {strides = array<i32>} : memref<256x128xf32, #tpu.memory_space<vmem>>, vector<1x16xf32>,
      %broadcast_in_dim3A_82 = arith.constant 0.000000e+00 : f32
      %broadcast_in_dim3A_83 = vector.broadcast %broadcast_in_dim3A_82 : f32 to vector<16xf32>
      %swap3A_84 = arith.index_cast %scan3A_62 : i32 to index
      %swap3A_85 = arith.constant 48 : index
      %swap3A_86 = tpu.vector_load %arg8[%swap3A_84, %swap3A_85] {strides = array<i32>} : memref<256x128xf32, #tpu.memory_space<vmem>>, vector<1x16xf32>,
      %swap3A_87 = vector.shape_cast %swap3A_86 : vector<1x16xf32> to vector<16xf32>
      %swap3A_88 = vector.shape_cast %broadcast_in_dim3A_83 : vector<16xf32> to vector<1x16xf32>
      tpu.vector_store %arg8[%swap3A_84, %swap3A_85], %swap3A_88 {strides = array<i32>} : memref<256x128xf32, #tpu.memory_space<vmem>>, vector<1x16xf32>,
      %broadcast_in_dim3A_89 = arith.constant 0.000000e+00 : f32
      %broadcast_in_dim3A_90 = vector.broadcast %broadcast_in_dim3A_89 : f32 to vector<16xf32>
      %swap3A_91 = arith.index_cast %scan3A_62 : i32 to index
      %swap3A_92 = arith.constant 64 : index
      %swap3A_93 = tpu.vector_load %arg8[%swap3A_91, %swap3A_92] {strides = array<i32>} : memref<256x128xf32, #tpu.memory_space<vmem>>, vector<1x16xf32>,
      %swap3A_94 = vector.shape_cast %swap3A_93 : vector<1x16xf32> to vector<16xf32>
      %swap3A_95 = vector.shape_cast %broadcast_in_dim3A_90 : vector<16xf32> to vector<1x16xf32>
      tpu.vector_store %arg8[%swap3A_91, %swap3A_92], %swap3A_95 {strides = array<i32>} : memref<256x128xf32, #tpu.memory_space<vmem>>, vector<1x16xf32>,
      %broadcast_in_dim3A_96 = arith.constant 0.000000e+00 : f32
      %broadcast_in_dim3A_97 = vector.broadcast %broadcast_in_dim3A_96 : f32 to vector<16xf32>
      %swap3A_98 = arith.index_cast %scan3A_62 : i32 to index
      %swap3A_99 = arith.constant 80 : index
      %swap3A_100 = tpu.vector_load %arg8[%swap3A_98, %swap3A_99] {strides = array<i32>} : memref<256x128xf32, #tpu.memory_space<vmem>>, vector<1x16xf32>,
      %swap3A_101 = vector.shape_cast %swap3A_100 : vector<1x16xf32> to vector<16xf32>
      %swap3A_102 = vector.shape_cast %broadcast_in_dim3A_97 : vector<16xf32> to vector<1x16xf32>
      tpu.vector_store %arg8[%swap3A_98, %swap3A_99], %swap3A_102 {strides = array<i32>} : memref<256x128xf32, #tpu.memory_space<vmem>>, vector<1x16xf32>,
      %broadcast_in_dim3A_103 = arith.constant 0.000000e+00 : f32
      %broadcast_in_dim3A_104 = vector.broadcast %broadcast_in_dim3A_103 : f32 to vector<16xf32>
      %swap3A_105 = arith.index_cast %scan3A_62 : i32 to index
      %swap3A_106 = arith.constant 96 : index
      %swap3A_107 = tpu.vector_load %arg8[%swap3A_105, %swap3A_106] {strides = array<i32>} : memref<256x128xf32, #tpu.memory_space<vmem>>, vector<1x16xf32>,
      %swap3A_108 = vector.shape_cast %swap3A_107 : vector<1x16xf32> to vector<16xf32>
      %swap3A_109 = vector.shape_cast %broadcast_in_dim3A_104 : vector<16xf32> to vector<1x16xf32>
      tpu.vector_store %arg8[%swap3A_105, %swap3A_106], %swap3A_109 {strides = array<i32>} : memref<256x128xf32, #tpu.memory_space<vmem>>, vector<1x16xf32>,
      %broadcast_in_dim3A_110 = arith.constant 0.000000e+00 : f32
      %broadcast_in_dim3A_111 = vector.broadcast %broadcast_in_dim3A_110 : f32 to vector<16xf32>
      %swap3A_112 = arith.index_cast %scan3A_62 : i32 to index
      %swap3A_113 = arith.constant 112 : index
      %swap3A_114 = tpu.vector_load %arg8[%swap3A_112, %swap3A_113] {strides = array<i32>} : memref<256x128xf32, #tpu.memory_space<vmem>>, vector<1x16xf32>,
      %swap3A_115 = vector.shape_cast %swap3A_114 : vector<1x16xf32> to vector<16xf32>
      %swap3A_116 = vector.shape_cast %broadcast_in_dim3A_111 : vector<16xf32> to vector<1x16xf32>
      tpu.vector_store %arg8[%swap3A_112, %swap3A_113], %swap3A_116 {strides = array<i32>} : memref<256x128xf32, #tpu.memory_space<vmem>>, vector<1x16xf32>,
    }
    %scan3A_5 = arith.constant 256 : i32
    %mul3A_6 = arith.constant 640 : i32
    %mul3A_7 = arith.muli %arg1, %mul3A_6 : i32
    %add3A_8 = arith.constant 0 : i32
    %add3A_9 = arith.addi %mul3A_7, %add3A_8 : i32
    "tpu.region"() ({
      %run_scoped3A = tpu.sem_alloc : memref<!tpu.dma_semaphore, #tpu.memory_space<semaphore_mem>>
      %dma_start3A_62 = arith.constant 0 : i32
      %dma_start3A_63 = arith.constant 0 : i32
      %dma_start3A_64 = tpu.memref_slice %arg8[%dma_start3A_62, %dma_start3A_63] : memref<256x128xf32, #tpu.memory_space<vmem>> -> memref<256x128xf32, #tpu.memory_space<vmem>>
      %dma_start3A_65 = arith.constant 0 : i32
      %dma_start3A_66 = tpu.memref_slice %arg9[%add3A_9, %dma_start3A_65] : memref<10240x128xf32, #tpu.memory_space<vmem_shared>> -> memref<256x128xf32, #tpu.memory_space<vmem_shared>>
      %dma_start3A_67 = arith.constant 0 : i32
      %dma_start3A_68 = tpu.memref_slice %arg9[%add3A_9, %dma_start3A_67] : memref<10240x128xf32, #tpu.memory_space<vmem_shared>> -> memref<256x128xf32, #tpu.memory_space<vmem_shared>>
      %dma_start3A_69 = arith.constant 0 : i32
      %dma_start3A_70 = arith.constant 0 : i32
      %dma_start3A_71 = tpu.memref_slice %arg8[%dma_start3A_69, %dma_start3A_70] : memref<256x128xf32, #tpu.memory_space<vmem>> -> memref<256x128xf32, #tpu.memory_space<vmem>>
      tpu.enqueue_dma source(%dma_start3A_71 : memref<256x128xf32, #tpu.memory_space<vmem>>) target(%dma_start3A_68 : memref<256x128xf32, #tpu.memory_space<vmem_shared>>) target_semaphore(%run_scoped3A : memref<!tpu.dma_semaphore, #tpu.memory_space<semaphore_mem>>)
      %dma_wait3A = arith.constant 0 : i32
      %dma_wait3A_72 = arith.constant 0 : i32
      %dma_wait3A_73 = tpu.memref_slice %arg8[%dma_wait3A, %dma_wait3A_72] : memref<256x128xf32, #tpu.memory_space<vmem>> -> memref<256x128xf32, #tpu.memory_space<vmem>>
      %dma_wait3A_74 = arith.constant 0 : i32
      %dma_wait3A_75 = tpu.memref_slice %arg9[%add3A_9, %dma_wait3A_74] : memref<10240x128xf32, #tpu.memory_space<vmem_shared>> -> memref<256x128xf32, #tpu.memory_space<vmem_shared>>
      %dma_wait3A_76 = arith.constant 0 : i32
      %dma_wait3A_77 = tpu.memref_slice %arg9[%add3A_9, %dma_wait3A_76] : memref<10240x128xf32, #tpu.memory_space<vmem_shared>> -> memref<256x128xf32, #tpu.memory_space<vmem_shared>>
      %dma_wait3A_78 = arith.constant 0 : i32
      %dma_wait3A_79 = arith.constant 0 : i32
      %dma_wait3A_80 = tpu.memref_slice %arg8[%dma_wait3A_78, %dma_wait3A_79] : memref<256x128xf32, #tpu.memory_space<vmem>> -> memref<256x128xf32, #tpu.memory_space<vmem>>
      tpu.wait_dma2 semaphore(%run_scoped3A : memref<!tpu.dma_semaphore, #tpu.memory_space<semaphore_mem>>) src(%dma_wait3A_80 : memref<256x128xf32, #tpu.memory_space<vmem>>) dst(%dma_wait3A_77 : memref<256x128xf32, #tpu.memory_space<vmem_shared>>)
      tpu.yield
    }) : () -> ()
    %mul3A_10 = arith.constant 640 : i32
    %mul3A_11 = arith.muli %arg1, %mul3A_10 : i32
    %add3A_12 = arith.constant 256 : i32
    %add3A_13 = arith.addi %mul3A_11, %add3A_12 : i32
    "tpu.region"() ({
      %run_scoped3A = tpu.sem_alloc : memref<!tpu.dma_semaphore, #tpu.memory_space<semaphore_mem>>
      %dma_start3A_62 = arith.constant 0 : i32
      %dma_start3A_63 = arith.constant 0 : i32
      %dma_start3A_64 = tpu.memref_slice %arg8[%dma_start3A_62, %dma_start3A_63] : memref<256x128xf32, #tpu.memory_space<vmem>> -> memref<256x128xf32, #tpu.memory_space<vmem>>
      %dma_start3A_65 = arith.constant 0 : i32
      %dma_start3A_66 = tpu.memref_slice %arg9[%add3A_13, %dma_start3A_65] : memref<10240x128xf32, #tpu.memory_space<vmem_shared>> -> memref<256x128xf32, #tpu.memory_space<vmem_shared>>
      %dma_start3A_67 = arith.constant 0 : i32
      %dma_start3A_68 = tpu.memref_slice %arg9[%add3A_13, %dma_start3A_67] : memref<10240x128xf32, #tpu.memory_space<vmem_shared>> -> memref<256x128xf32, #tpu.memory_space<vmem_shared>>
      %dma_start3A_69 = arith.constant 0 : i32
      %dma_start3A_70 = arith.constant 0 : i32
      %dma_start3A_71 = tpu.memref_slice %arg8[%dma_start3A_69, %dma_start3A_70] : memref<256x128xf32, #tpu.memory_space<vmem>> -> memref<256x128xf32, #tpu.memory_space<vmem>>
      tpu.enqueue_dma source(%dma_start3A_71 : memref<256x128xf32, #tpu.memory_space<vmem>>) target(%dma_start3A_68 : memref<256x128xf32, #tpu.memory_space<vmem_shared>>) target_semaphore(%run_scoped3A : memref<!tpu.dma_semaphore, #tpu.memory_space<semaphore_mem>>)
      %dma_wait3A = arith.constant 0 : i32
      %dma_wait3A_72 = arith.constant 0 : i32
      %dma_wait3A_73 = tpu.memref_slice %arg8[%dma_wait3A, %dma_wait3A_72] : memref<256x128xf32, #tpu.memory_space<vmem>> -> memref<256x128xf32, #tpu.memory_space<vmem>>
      %dma_wait3A_74 = arith.constant 0 : i32
      %dma_wait3A_75 = tpu.memref_slice %arg9[%add3A_13, %dma_wait3A_74] : memref<10240x128xf32, #tpu.memory_space<vmem_shared>> -> memref<256x128xf32, #tpu.memory_space<vmem_shared>>
      %dma_wait3A_76 = arith.constant 0 : i32
      %dma_wait3A_77 = tpu.memref_slice %arg9[%add3A_13, %dma_wait3A_76] : memref<10240x128xf32, #tpu.memory_space<vmem_shared>> -> memref<256x128xf32, #tpu.memory_space<vmem_shared>>
      %dma_wait3A_78 = arith.constant 0 : i32
      %dma_wait3A_79 = arith.constant 0 : i32
      %dma_wait3A_80 = tpu.memref_slice %arg8[%dma_wait3A_78, %dma_wait3A_79] : memref<256x128xf32, #tpu.memory_space<vmem>> -> memref<256x128xf32, #tpu.memory_space<vmem>>
      tpu.wait_dma2 semaphore(%run_scoped3A : memref<!tpu.dma_semaphore, #tpu.memory_space<semaphore_mem>>) src(%dma_wait3A_80 : memref<256x128xf32, #tpu.memory_space<vmem>>) dst(%dma_wait3A_77 : memref<256x128xf32, #tpu.memory_space<vmem_shared>>)
      tpu.yield
    }) : () -> ()
    %mul3A_14 = arith.constant 640 : i32
    %mul3A_15 = arith.muli %arg1, %mul3A_14 : i32
    %add3A_16 = arith.constant 512 : i32
    %add3A_17 = arith.addi %mul3A_15, %add3A_16 : i32
    "tpu.region"() ({
      %run_scoped3A = tpu.sem_alloc : memref<!tpu.dma_semaphore, #tpu.memory_space<semaphore_mem>>
      %dma_start3A_62 = arith.constant 0 : i32
      %dma_start3A_63 = arith.constant 0 : i32
      %dma_start3A_64 = tpu.memref_slice %arg8[%dma_start3A_62, %dma_start3A_63] : memref<256x128xf32, #tpu.memory_space<vmem>> -> memref<128x128xf32, #tpu.memory_space<vmem>>
      %dma_start3A_65 = arith.constant 0 : i32
      %dma_start3A_66 = tpu.memref_slice %arg9[%add3A_17, %dma_start3A_65] : memref<10240x128xf32, #tpu.memory_space<vmem_shared>> -> memref<128x128xf32, #tpu.memory_space<vmem_shared>>
      %dma_start3A_67 = arith.constant 0 : i32
      %dma_start3A_68 = tpu.memref_slice %arg9[%add3A_17, %dma_start3A_67] : memref<10240x128xf32, #tpu.memory_space<vmem_shared>> -> memref<128x128xf32, #tpu.memory_space<vmem_shared>>
      %dma_start3A_69 = arith.constant 0 : i32
      %dma_start3A_70 = arith.constant 0 : i32
      %dma_start3A_71 = tpu.memref_slice %arg8[%dma_start3A_69, %dma_start3A_70] : memref<256x128xf32, #tpu.memory_space<vmem>> -> memref<128x128xf32, #tpu.memory_space<vmem>>
      tpu.enqueue_dma source(%dma_start3A_71 : memref<128x128xf32, #tpu.memory_space<vmem>>) target(%dma_start3A_68 : memref<128x128xf32, #tpu.memory_space<vmem_shared>>) target_semaphore(%run_scoped3A : memref<!tpu.dma_semaphore, #tpu.memory_space<semaphore_mem>>)
      %dma_wait3A = arith.constant 0 : i32
      %dma_wait3A_72 = arith.constant 0 : i32
      %dma_wait3A_73 = tpu.memref_slice %arg8[%dma_wait3A, %dma_wait3A_72] : memref<256x128xf32, #tpu.memory_space<vmem>> -> memref<128x128xf32, #tpu.memory_space<vmem>>
      %dma_wait3A_74 = arith.constant 0 : i32
      %dma_wait3A_75 = tpu.memref_slice %arg9[%add3A_17, %dma_wait3A_74] : memref<10240x128xf32, #tpu.memory_space<vmem_shared>> -> memref<128x128xf32, #tpu.memory_space<vmem_shared>>
      %dma_wait3A_76 = arith.constant 0 : i32
      %dma_wait3A_77 = tpu.memref_slice %arg9[%add3A_17, %dma_wait3A_76] : memref<10240x128xf32, #tpu.memory_space<vmem_shared>> -> memref<128x128xf32, #tpu.memory_space<vmem_shared>>
      %dma_wait3A_78 = arith.constant 0 : i32
      %dma_wait3A_79 = arith.constant 0 : i32
      %dma_wait3A_80 = tpu.memref_slice %arg8[%dma_wait3A_78, %dma_wait3A_79] : memref<256x128xf32, #tpu.memory_space<vmem>> -> memref<128x128xf32, #tpu.memory_space<vmem>>
      tpu.wait_dma2 semaphore(%run_scoped3A : memref<!tpu.dma_semaphore, #tpu.memory_space<semaphore_mem>>) src(%dma_wait3A_80 : memref<128x128xf32, #tpu.memory_space<vmem>>) dst(%dma_wait3A_77 : memref<128x128xf32, #tpu.memory_space<vmem_shared>>)
      tpu.yield
    }) : () -> ()
    %barrier3A = arith.constant 0 : index
    tpu.barrier barrier_id(%barrier3A)
    %dma_start3A = arith.constant 0 : i32
    %dma_start3A_18 = arith.constant 0 : i32
    %dma_start3A_19 = arith.constant 0 : i32
    %dma_start3A_20 = tpu.memref_slice %arg6[%dma_start3A, %dma_start3A_18, %dma_start3A_19] : memref<2x8x128xi32, #tpu.memory_space<vmem>> -> memref<1x8x128xi32, #tpu.memory_space<vmem>>
    %dma_start3A_21 = tpu.memref_squeeze %dma_start3A_20 : memref<1x8x128xi32, #tpu.memory_space<vmem>> -> memref<8x128xi32, #tpu.memory_space<vmem>>
    %dma_start3A_22 = arith.constant 0 : i32
    %dma_start3A_23 = arith.constant 0 : i32
    %dma_start3A_24 = tpu.memref_slice %arg3[%add3A, %dma_start3A_22, %dma_start3A_23] : memref<32x80x128xi32, #tpu.memory_space<hbm>> -> memref<1x8x128xi32, #tpu.memory_space<hbm>>
    %dma_start3A_25 = tpu.memref_squeeze %dma_start3A_24 : memref<1x8x128xi32, #tpu.memory_space<hbm>> -> memref<8x128xi32, #tpu.memory_space<hbm>>
    %dma_start3A_26 = arith.constant 0 : i32
    %dma_start3A_27 = arith.constant 0 : i32
    %dma_start3A_28 = tpu.memref_slice %arg6[%dma_start3A, %dma_start3A_26, %dma_start3A_27] : memref<2x8x128xi32, #tpu.memory_space<vmem>> -> memref<1x8x128xi32, #tpu.memory_space<vmem>>
    %dma_start3A_29 = tpu.memref_squeeze %dma_start3A_28 : memref<1x8x128xi32, #tpu.memory_space<vmem>> -> memref<8x128xi32, #tpu.memory_space<vmem>>
    %dma_start3A_30 = arith.constant 0 : i32
    %dma_start3A_31 = arith.constant 0 : i32
    %dma_start3A_32 = tpu.memref_slice %arg3[%add3A, %dma_start3A_30, %dma_start3A_31] : memref<32x80x128xi32, #tpu.memory_space<hbm>> -> memref<1x8x128xi32, #tpu.memory_space<hbm>>
    %dma_start3A_33 = tpu.memref_squeeze %dma_start3A_32 : memref<1x8x128xi32, #tpu.memory_space<hbm>> -> memref<8x128xi32, #tpu.memory_space<hbm>>
    tpu.enqueue_dma source(%dma_start3A_33 : memref<8x128xi32, #tpu.memory_space<hbm>>) target(%dma_start3A_29 : memref<8x128xi32, #tpu.memory_space<vmem>>) target_semaphore(%arg10 : memref<!tpu.dma_semaphore, #tpu.memory_space<semaphore_mem>>)
    %dma_start3A_34 = arith.constant 0 : i32
    %dma_start3A_35 = arith.constant 0 : i32
    %dma_start3A_36 = arith.constant 0 : i32
    %dma_start3A_37 = tpu.memref_slice %arg7[%dma_start3A_34, %dma_start3A_35, %dma_start3A_36] : memref<2x8x128xi32, #tpu.memory_space<vmem>> -> memref<1x8x128xi32, #tpu.memory_space<vmem>>
    %dma_start3A_38 = tpu.memref_squeeze %dma_start3A_37 : memref<1x8x128xi32, #tpu.memory_space<vmem>> -> memref<8x128xi32, #tpu.memory_space<vmem>>
    %dma_start3A_39 = arith.constant 0 : i32
    %dma_start3A_40 = arith.constant 0 : i32
    %dma_start3A_41 = tpu.memref_slice %arg4[%add3A, %dma_start3A_39, %dma_start3A_40] : memref<32x80x128xi32, #tpu.memory_space<hbm>> -> memref<1x8x128xi32, #tpu.memory_space<hbm>>
    %dma_start3A_42 = tpu.memref_squeeze %dma_start3A_41 : memref<1x8x128xi32, #tpu.memory_space<hbm>> -> memref<8x128xi32, #tpu.memory_space<hbm>>
    %dma_start3A_43 = arith.constant 0 : i32
    %dma_start3A_44 = arith.constant 0 : i32
    %dma_start3A_45 = tpu.memref_slice %arg7[%dma_start3A_34, %dma_start3A_43, %dma_start3A_44] : memref<2x8x128xi32, #tpu.memory_space<vmem>> -> memref<1x8x128xi32, #tpu.memory_space<vmem>>
    %dma_start3A_46 = tpu.memref_squeeze %dma_start3A_45 : memref<1x8x128xi32, #tpu.memory_space<vmem>> -> memref<8x128xi32, #tpu.memory_space<vmem>>
    %dma_start3A_47 = arith.constant 0 : i32
    %dma_start3A_48 = arith.constant 0 : i32
    %dma_start3A_49 = tpu.memref_slice %arg4[%add3A, %dma_start3A_47, %dma_start3A_48] : memref<32x80x128xi32, #tpu.memory_space<hbm>> -> memref<1x8x128xi32, #tpu.memory_space<hbm>>
    %dma_start3A_50 = tpu.memref_squeeze %dma_start3A_49 : memref<1x8x128xi32, #tpu.memory_space<hbm>> -> memref<8x128xi32, #tpu.memory_space<hbm>>
    tpu.enqueue_dma source(%dma_start3A_50 : memref<8x128xi32, #tpu.memory_space<hbm>>) target(%dma_start3A_46 : memref<8x128xi32, #tpu.memory_space<vmem>>) target_semaphore(%arg10 : memref<!tpu.dma_semaphore, #tpu.memory_space<semaphore_mem>>)
    %scan3A_51 = arith.constant 0 : i32
    %scan3A_52 = arith.constant 0 : i32
    %scan3A_53 = arith.constant 5 : i32
    %scan3A_54 = arith.addi %scan3A_52, %scan3A_53 : i32
    %scan3A_55 = arith.constant 1 : i32
    scf.for %scan3A_62 = %scan3A_52 to %scan3A_54 step %scan3A_55  : i32 {
      %mul3A_63 = arith.constant 2 : i32
      %mul3A_64 = arith.muli %mul3A_63, %scan3A_62 : i32
      %add3A_65 = arith.constant 0 : i32
      %add3A_66 = arith.addi %mul3A_64, %add3A_65 : i32
      %mul3A_67 = arith.constant 8 : i32
      %mul3A_68 = arith.muli %add3A_66, %mul3A_67 : i32
      %dma_wait3A = arith.constant 0 : i32
      %dma_wait3A_69 = arith.constant 0 : i32
      %dma_wait3A_70 = arith.constant 0 : i32
      %dma_wait3A_71 = tpu.memref_slice %arg6[%dma_wait3A, %dma_wait3A_69, %dma_wait3A_70] : memref<2x8x128xi32, #tpu.memory_space<vmem>> -> memref<1x8x128xi32, #tpu.memory_space<vmem>>
      %dma_wait3A_72 = tpu.memref_squeeze %dma_wait3A_71 : memref<1x8x128xi32, #tpu.memory_space<vmem>> -> memref<8x128xi32, #tpu.memory_space<vmem>>
      %dma_wait3A_73 = arith.constant 0 : i32
      %dma_wait3A_74 = tpu.memref_slice %arg3[%add3A, %mul3A_68, %dma_wait3A_73] : memref<32x80x128xi32, #tpu.memory_space<hbm>> -> memref<1x8x128xi32, #tpu.memory_space<hbm>>
      %dma_wait3A_75 = tpu.memref_squeeze %dma_wait3A_74 : memref<1x8x128xi32, #tpu.memory_space<hbm>> -> memref<8x128xi32, #tpu.memory_space<hbm>>
      %dma_wait3A_76 = arith.constant 0 : i32
      %dma_wait3A_77 = arith.constant 0 : i32
      %dma_wait3A_78 = tpu.memref_slice %arg6[%dma_wait3A, %dma_wait3A_76, %dma_wait3A_77] : memref<2x8x128xi32, #tpu.memory_space<vmem>> -> memref<1x8x128xi32, #tpu.memory_space<vmem>>
      %dma_wait3A_79 = tpu.memref_squeeze %dma_wait3A_78 : memref<1x8x128xi32, #tpu.memory_space<vmem>> -> memref<8x128xi32, #tpu.memory_space<vmem>>
      %dma_wait3A_80 = arith.constant 0 : i32
      %dma_wait3A_81 = tpu.memref_slice %arg3[%add3A, %mul3A_68, %dma_wait3A_80] : memref<32x80x128xi32, #tpu.memory_space<hbm>> -> memref<1x8x128xi32, #tpu.memory_space<hbm>>
      %dma_wait3A_82 = tpu.memref_squeeze %dma_wait3A_81 : memref<1x8x128xi32, #tpu.memory_space<hbm>> -> memref<8x128xi32, #tpu.memory_space<hbm>>
      tpu.wait_dma2 semaphore(%arg10 : memref<!tpu.dma_semaphore, #tpu.memory_space<semaphore_mem>>) src(%dma_wait3A_82 : memref<8x128xi32, #tpu.memory_space<hbm>>) dst(%dma_wait3A_79 : memref<8x128xi32, #tpu.memory_space<vmem>>)
      %mul3A_83 = arith.constant 8 : i32
      %mul3A_84 = arith.muli %add3A_66, %mul3A_83 : i32
      %dma_wait3A_85 = arith.constant 0 : i32
      %dma_wait3A_86 = arith.constant 0 : i32
      %dma_wait3A_87 = arith.constant 0 : i32
      %dma_wait3A_88 = tpu.memref_slice %arg7[%dma_wait3A_85, %dma_wait3A_86, %dma_wait3A_87] : memref<2x8x128xi32, #tpu.memory_space<vmem>> -> memref<1x8x128xi32, #tpu.memory_space<vmem>>
      %dma_wait3A_89 = tpu.memref_squeeze %dma_wait3A_88 : memref<1x8x128xi32, #tpu.memory_space<vmem>> -> memref<8x128xi32, #tpu.memory_space<vmem>>
      %dma_wait3A_90 = arith.constant 0 : i32
      %dma_wait3A_91 = tpu.memref_slice %arg4[%add3A, %mul3A_84, %dma_wait3A_90] : memref<32x80x128xi32, #tpu.memory_space<hbm>> -> memref<1x8x128xi32, #tpu.memory_space<hbm>>
      %dma_wait3A_92 = tpu.memref_squeeze %dma_wait3A_91 : memref<1x8x128xi32, #tpu.memory_space<hbm>> -> memref<8x128xi32, #tpu.memory_space<hbm>>
      %dma_wait3A_93 = arith.constant 0 : i32
      %dma_wait3A_94 = arith.constant 0 : i32
      %dma_wait3A_95 = tpu.memref_slice %arg7[%dma_wait3A_85, %dma_wait3A_93, %dma_wait3A_94] : memref<2x8x128xi32, #tpu.memory_space<vmem>> -> memref<1x8x128xi32, #tpu.memory_space<vmem>>
      %dma_wait3A_96 = tpu.memref_squeeze %dma_wait3A_95 : memref<1x8x128xi32, #tpu.memory_space<vmem>> -> memref<8x128xi32, #tpu.memory_space<vmem>>
      %dma_wait3A_97 = arith.constant 0 : i32
      %dma_wait3A_98 = tpu.memref_slice %arg4[%add3A, %mul3A_84, %dma_wait3A_97] : memref<32x80x128xi32, #tpu.memory_space<hbm>> -> memref<1x8x128xi32, #tpu.memory_space<hbm>>
      %dma_wait3A_99 = tpu.memref_squeeze %dma_wait3A_98 : memref<1x8x128xi32, #tpu.memory_space<hbm>> -> memref<8x128xi32, #tpu.memory_space<hbm>>
      tpu.wait_dma2 semaphore(%arg10 : memref<!tpu.dma_semaphore, #tpu.memory_space<semaphore_mem>>) src(%dma_wait3A_99 : memref<8x128xi32, #tpu.memory_space<hbm>>) dst(%dma_wait3A_96 : memref<8x128xi32, #tpu.memory_space<vmem>>)
      %add3A_100 = arith.constant 1 : i32
      %add3A_101 = arith.addi %add3A_66, %add3A_100 : i32
      %lt3A = arith.constant 10 : i32
      %lt3A_102 = arith.cmpi slt, %add3A_101, %lt3A : i32
      %convert_element_type3A = arith.extui %lt3A_102 : i1 to i32
      %cond3A = arith.constant 0 : i32
      %cond3A_103 = arith.cmpi ne, %convert_element_type3A, %cond3A : i32
      scf.if %cond3A_103 {
        %add3A_532 = arith.constant 1 : i32
        %add3A_533 = arith.addi %add3A_66, %add3A_532 : i32
        %mul3A_534 = arith.constant 8 : i32
        %mul3A_535 = arith.muli %add3A_533, %mul3A_534 : i32
        %dma_start3A_536 = arith.constant 1 : i32
        %dma_start3A_537 = arith.constant 0 : i32
        %dma_start3A_538 = arith.constant 0 : i32
        %dma_start3A_539 = tpu.memref_slice %arg6[%dma_start3A_536, %dma_start3A_537, %dma_start3A_538] : memref<2x8x128xi32, #tpu.memory_space<vmem>> -> memref<1x8x128xi32, #tpu.memory_space<vmem>>
        %dma_start3A_540 = tpu.memref_squeeze %dma_start3A_539 : memref<1x8x128xi32, #tpu.memory_space<vmem>> -> memref<8x128xi32, #tpu.memory_space<vmem>>
        %dma_start3A_541 = arith.constant 0 : i32
        %dma_start3A_542 = tpu.memref_slice %arg3[%add3A, %mul3A_535, %dma_start3A_541] : memref<32x80x128xi32, #tpu.memory_space<hbm>> -> memref<1x8x128xi32, #tpu.memory_space<hbm>>
        %dma_start3A_543 = tpu.memref_squeeze %dma_start3A_542 : memref<1x8x128xi32, #tpu.memory_space<hbm>> -> memref<8x128xi32, #tpu.memory_space<hbm>>
        %dma_start3A_544 = arith.constant 0 : i32
        %dma_start3A_545 = arith.constant 0 : i32
        %dma_start3A_546 = tpu.memref_slice %arg6[%dma_start3A_536, %dma_start3A_544, %dma_start3A_545] : memref<2x8x128xi32, #tpu.memory_space<vmem>> -> memref<1x8x128xi32, #tpu.memory_space<vmem>>
        %dma_start3A_547 = tpu.memref_squeeze %dma_start3A_546 : memref<1x8x128xi32, #tpu.memory_space<vmem>> -> memref<8x128xi32, #tpu.memory_space<vmem>>
        %dma_start3A_548 = arith.constant 0 : i32
        %dma_start3A_549 = tpu.memref_slice %arg3[%add3A, %mul3A_535, %dma_start3A_548] : memref<32x80x128xi32, #tpu.memory_space<hbm>> -> memref<1x8x128xi32, #tpu.memory_space<hbm>>
        %dma_start3A_550 = tpu.memref_squeeze %dma_start3A_549 : memref<1x8x128xi32, #tpu.memory_space<hbm>> -> memref<8x128xi32, #tpu.memory_space<hbm>>
        tpu.enqueue_dma source(%dma_start3A_550 : memref<8x128xi32, #tpu.memory_space<hbm>>) target(%dma_start3A_547 : memref<8x128xi32, #tpu.memory_space<vmem>>) target_semaphore(%arg11 : memref<!tpu.dma_semaphore, #tpu.memory_space<semaphore_mem>>)
        %mul3A_551 = arith.constant 8 : i32
        %mul3A_552 = arith.muli %add3A_533, %mul3A_551 : i32
        %dma_start3A_553 = arith.constant 1 : i32
        %dma_start3A_554 = arith.constant 0 : i32
        %dma_start3A_555 = arith.constant 0 : i32
        %dma_start3A_556 = tpu.memref_slice %arg7[%dma_start3A_553, %dma_start3A_554, %dma_start3A_555] : memref<2x8x128xi32, #tpu.memory_space<vmem>> -> memref<1x8x128xi32, #tpu.memory_space<vmem>>
        %dma_start3A_557 = tpu.memref_squeeze %dma_start3A_556 : memref<1x8x128xi32, #tpu.memory_space<vmem>> -> memref<8x128xi32, #tpu.memory_space<vmem>>
        %dma_start3A_558 = arith.constant 0 : i32
        %dma_start3A_559 = tpu.memref_slice %arg4[%add3A, %mul3A_552, %dma_start3A_558] : memref<32x80x128xi32, #tpu.memory_space<hbm>> -> memref<1x8x128xi32, #tpu.memory_space<hbm>>
        %dma_start3A_560 = tpu.memref_squeeze %dma_start3A_559 : memref<1x8x128xi32, #tpu.memory_space<hbm>> -> memref<8x128xi32, #tpu.memory_space<hbm>>
        %dma_start3A_561 = arith.constant 0 : i32
        %dma_start3A_562 = arith.constant 0 : i32
        %dma_start3A_563 = tpu.memref_slice %arg7[%dma_start3A_553, %dma_start3A_561, %dma_start3A_562] : memref<2x8x128xi32, #tpu.memory_space<vmem>> -> memref<1x8x128xi32, #tpu.memory_space<vmem>>
        %dma_start3A_564 = tpu.memref_squeeze %dma_start3A_563 : memref<1x8x128xi32, #tpu.memory_space<vmem>> -> memref<8x128xi32, #tpu.memory_space<vmem>>
        %dma_start3A_565 = arith.constant 0 : i32
        %dma_start3A_566 = tpu.memref_slice %arg4[%add3A, %mul3A_552, %dma_start3A_565] : memref<32x80x128xi32, #tpu.memory_space<hbm>> -> memref<1x8x128xi32, #tpu.memory_space<hbm>>
        %dma_start3A_567 = tpu.memref_squeeze %dma_start3A_566 : memref<1x8x128xi32, #tpu.memory_space<hbm>> -> memref<8x128xi32, #tpu.memory_space<hbm>>
        tpu.enqueue_dma source(%dma_start3A_567 : memref<8x128xi32, #tpu.memory_space<hbm>>) target(%dma_start3A_564 : memref<8x128xi32, #tpu.memory_space<vmem>>) target_semaphore(%arg11 : memref<!tpu.dma_semaphore, #tpu.memory_space<semaphore_mem>>)
      } else {
      }
      %dma_start3A_104 = arith.constant 0 : i32
      %dma_start3A_105 = arith.constant 0 : i32
      %dma_start3A_106 = arith.constant 0 : i32
      %dma_start3A_107 = arith.constant 0 : i32
      %dma_start3A_108 = tpu.memref_slice %arg8[%dma_start3A_106, %dma_start3A_107] : memref<256x128xf32, #tpu.memory_space<vmem>> -> memref<128x128xf32, #tpu.memory_space<vmem>>
      %dma_start3A_109 = arith.constant 0 : i32
      %dma_start3A_110 = tpu.memref_slice %arg6[%dma_start3A_104, %dma_start3A_105, %dma_start3A_109] : memref<2x8x128xi32, #tpu.memory_space<vmem>> -> memref<1x1x128xi32, #tpu.memory_space<vmem>>
      %dma_start3A_111 = tpu.memref_squeeze %dma_start3A_110 : memref<1x1x128xi32, #tpu.memory_space<vmem>> -> memref<128xi32, #tpu.memory_space<vmem>>
      %dma_start3A_112 = arith.constant 0 : i32
      %dma_start3A_113 = arith.constant 0 : i32
      %dma_start3A_114 = tpu.memref_slice %arg2[%dma_start3A_112, %dma_start3A_113] : memref<10000x128xf32, #tpu.memory_space<hbm>> -> memref<10000x128xf32, #tpu.memory_space<hbm>>
      tpu.enqueue_indirect_dma source(%dma_start3A_114 : memref<10000x128xf32, #tpu.memory_space<hbm>>) target(%dma_start3A_108 : memref<128x128xf32, #tpu.memory_space<vmem>>) offsets(%dma_start3A_111 : memref<128xi32, #tpu.memory_space<vmem>>) semaphore(%arg12 : memref<!tpu.dma_semaphore, #tpu.memory_space<semaphore_mem>>)
      %dma_start3A_115 = arith.constant 0 : i32
      %dma_start3A_116 = arith.constant 1 : i32
      %dma_start3A_117 = arith.constant 128 : i32
      %dma_start3A_118 = arith.constant 0 : i32
      %dma_start3A_119 = tpu.memref_slice %arg8[%dma_start3A_117, %dma_start3A_118] : memref<256x128xf32, #tpu.memory_space<vmem>> -> memref<128x128xf32, #tpu.memory_space<vmem>>
      %dma_start3A_120 = arith.constant 0 : i32
      %dma_start3A_121 = tpu.memref_slice %arg6[%dma_start3A_115, %dma_start3A_116, %dma_start3A_120] : memref<2x8x128xi32, #tpu.memory_space<vmem>> -> memref<1x1x128xi32, #tpu.memory_space<vmem>>
      %dma_start3A_122 = tpu.memref_squeeze %dma_start3A_121 : memref<1x1x128xi32, #tpu.memory_space<vmem>> -> memref<128xi32, #tpu.memory_space<vmem>>
      %dma_start3A_123 = arith.constant 0 : i32
      %dma_start3A_124 = arith.constant 0 : i32
      %dma_start3A_125 = tpu.memref_slice %arg2[%dma_start3A_123, %dma_start3A_124] : memref<10000x128xf32, #tpu.memory_space<hbm>> -> memref<10000x128xf32, #tpu.memory_space<hbm>>
      tpu.enqueue_indirect_dma source(%dma_start3A_125 : memref<10000x128xf32, #tpu.memory_space<hbm>>) target(%dma_start3A_119 : memref<128x128xf32, #tpu.memory_space<vmem>>) offsets(%dma_start3A_122 : memref<128xi32, #tpu.memory_space<vmem>>) semaphore(%arg13 : memref<!tpu.dma_semaphore, #tpu.memory_space<semaphore_mem>>)
      %dma_wait3A_126 = arith.constant 0 : i32
      %dma_wait3A_127 = arith.constant 0 : i32
      %dma_wait3A_128 = arith.constant 0 : i32
      %dma_wait3A_129 = arith.constant 0 : i32
      %dma_wait3A_130 = tpu.memref_slice %arg8[%dma_wait3A_128, %dma_wait3A_129] : memref<256x128xf32, #tpu.memory_space<vmem>> -> memref<128x128xf32, #tpu.memory_space<vmem>>
      %dma_wait3A_131 = arith.constant 0 : i32
      %dma_wait3A_132 = tpu.memref_slice %arg6[%dma_wait3A_126, %dma_wait3A_127, %dma_wait3A_131] : memref<2x8x128xi32, #tpu.memory_space<vmem>> -> memref<1x1x128xi32, #tpu.memory_space<vmem>>
      %dma_wait3A_133 = tpu.memref_squeeze %dma_wait3A_132 : memref<1x1x128xi32, #tpu.memory_space<vmem>> -> memref<128xi32, #tpu.memory_space<vmem>>
      %dma_wait3A_134 = arith.constant 0 : i32
      %dma_wait3A_135 = arith.constant 0 : i32
      %dma_wait3A_136 = tpu.memref_slice %arg2[%dma_wait3A_134, %dma_wait3A_135] : memref<10000x128xf32, #tpu.memory_space<hbm>> -> memref<10000x128xf32, #tpu.memory_space<hbm>>
      tpu.wait_indirect_dma semaphore(%arg12 : memref<!tpu.dma_semaphore, #tpu.memory_space<semaphore_mem>>) src(%dma_wait3A_136 : memref<10000x128xf32, #tpu.memory_space<hbm>>) dst(%dma_wait3A_130 : memref<128x128xf32, #tpu.memory_space<vmem>>)
      %run_scoped3A = arith.constant 0 : i32
      %run_scoped3A_137 = arith.constant 0 : i32
      "tpu.region"() ({
        %run_scoped3A_532 = tpu.sem_alloc : memref<!tpu.dma_semaphore, #tpu.memory_space<semaphore_mem>>
        %dma_start3A_533 = arith.constant 0 : i32
        %dma_start3A_534 = arith.constant 0 : i32
        %dma_start3A_535 = tpu.memref_slice %arg8[%dma_start3A_533, %dma_start3A_534] : memref<256x128xf32, #tpu.memory_space<vmem>> -> memref<128x128xf32, #tpu.memory_space<vmem>>
        %dma_start3A_536 = arith.constant 0 : i32
        %dma_start3A_537 = tpu.memref_slice %arg7[%run_scoped3A, %run_scoped3A_137, %dma_start3A_536] : memref<2x8x128xi32, #tpu.memory_space<vmem>> -> memref<1x1x128xi32, #tpu.memory_space<vmem>>
        %dma_start3A_538 = tpu.memref_squeeze %dma_start3A_537 : memref<1x1x128xi32, #tpu.memory_space<vmem>> -> memref<128xi32, #tpu.memory_space<vmem>>
        %dma_start3A_539 = arith.constant 0 : i32
        %dma_start3A_540 = arith.constant 0 : i32
        %dma_start3A_541 = tpu.memref_slice %arg9[%dma_start3A_539, %dma_start3A_540] : memref<10240x128xf32, #tpu.memory_space<vmem_shared>> -> memref<10240x128xf32, #tpu.memory_space<vmem_shared>>
        tpu.enqueue_indirect_dma source(%dma_start3A_535 : memref<128x128xf32, #tpu.memory_space<vmem>>) target(%dma_start3A_541 : memref<10240x128xf32, #tpu.memory_space<vmem_shared>>) offsets(%dma_start3A_538 : memref<128xi32, #tpu.memory_space<vmem>>) semaphore(%run_scoped3A_532 : memref<!tpu.dma_semaphore, #tpu.memory_space<semaphore_mem>>) {add = true}
        %dma_wait3A_542 = arith.constant 0 : i32
        %dma_wait3A_543 = arith.constant 0 : i32
        %dma_wait3A_544 = tpu.memref_slice %arg8[%dma_wait3A_542, %dma_wait3A_543] : memref<256x128xf32, #tpu.memory_space<vmem>> -> memref<128x128xf32, #tpu.memory_space<vmem>>
        %dma_wait3A_545 = arith.constant 0 : i32
        %dma_wait3A_546 = tpu.memref_slice %arg7[%run_scoped3A, %run_scoped3A_137, %dma_wait3A_545] : memref<2x8x128xi32, #tpu.memory_space<vmem>> -> memref<1x1x128xi32, #tpu.memory_space<vmem>>
        %dma_wait3A_547 = tpu.memref_squeeze %dma_wait3A_546 : memref<1x1x128xi32, #tpu.memory_space<vmem>> -> memref<128xi32, #tpu.memory_space<vmem>>
        %dma_wait3A_548 = arith.constant 0 : i32
        %dma_wait3A_549 = arith.constant 0 : i32
        %dma_wait3A_550 = tpu.memref_slice %arg9[%dma_wait3A_548, %dma_wait3A_549] : memref<10240x128xf32, #tpu.memory_space<vmem_shared>> -> memref<10240x128xf32, #tpu.memory_space<vmem_shared>>
        tpu.wait_indirect_dma semaphore(%run_scoped3A_532 : memref<!tpu.dma_semaphore, #tpu.memory_space<semaphore_mem>>) src(%dma_wait3A_544 : memref<128x128xf32, #tpu.memory_space<vmem>>) dst(%dma_wait3A_550 : memref<10240x128xf32, #tpu.memory_space<vmem_shared>>)
        tpu.yield
      }) : () -> ()
      %dma_start3A_138 = arith.constant 0 : i32
      %dma_start3A_139 = arith.constant 2 : i32
      %dma_start3A_140 = arith.constant 0 : i32
      %dma_start3A_141 = arith.constant 0 : i32
      %dma_start3A_142 = tpu.memref_slice %arg8[%dma_start3A_140, %dma_start3A_141] : memref<256x128xf32, #tpu.memory_space<vmem>> -> memref<128x128xf32, #tpu.memory_space<vmem>>
      %dma_start3A_143 = arith.constant 0 : i32
      %dma_start3A_144 = tpu.memref_slice %arg6[%dma_start3A_138, %dma_start3A_139, %dma_start3A_143] : memref<2x8x128xi32, #tpu.memory_space<vmem>> -> memref<1x1x128xi32, #tpu.memory_space<vmem>>
      %dma_start3A_145 = tpu.memref_squeeze %dma_start3A_144 : memref<1x1x128xi32, #tpu.memory_space<vmem>> -> memref<128xi32, #tpu.memory_space<vmem>>
      %dma_start3A_146 = arith.constant 0 : i32
      %dma_start3A_147 = arith.constant 0 : i32
      %dma_start3A_148 = tpu.memref_slice %arg2[%dma_start3A_146, %dma_start3A_147] : memref<10000x128xf32, #tpu.memory_space<hbm>> -> memref<10000x128xf32, #tpu.memory_space<hbm>>
      tpu.enqueue_indirect_dma source(%dma_start3A_148 : memref<10000x128xf32, #tpu.memory_space<hbm>>) target(%dma_start3A_142 : memref<128x128xf32, #tpu.memory_space<vmem>>) offsets(%dma_start3A_145 : memref<128xi32, #tpu.memory_space<vmem>>) semaphore(%arg12 : memref<!tpu.dma_semaphore, #tpu.memory_space<semaphore_mem>>)
      %dma_wait3A_149 = arith.constant 0 : i32
      %dma_wait3A_150 = arith.constant 1 : i32
      %dma_wait3A_151 = arith.constant 128 : i32
      %dma_wait3A_152 = arith.constant 0 : i32
      %dma_wait3A_153 = tpu.memref_slice %arg8[%dma_wait3A_151, %dma_wait3A_152] : memref<256x128xf32, #tpu.memory_space<vmem>> -> memref<128x128xf32, #tpu.memory_space<vmem>>
      %dma_wait3A_154 = arith.constant 0 : i32
      %dma_wait3A_155 = tpu.memref_slice %arg6[%dma_wait3A_149, %dma_wait3A_150, %dma_wait3A_154] : memref<2x8x128xi32, #tpu.memory_space<vmem>> -> memref<1x1x128xi32, #tpu.memory_space<vmem>>
      %dma_wait3A_156 = tpu.memref_squeeze %dma_wait3A_155 : memref<1x1x128xi32, #tpu.memory_space<vmem>> -> memref<128xi32, #tpu.memory_space<vmem>>
      %dma_wait3A_157 = arith.constant 0 : i32
      %dma_wait3A_158 = arith.constant 0 : i32
      %dma_wait3A_159 = tpu.memref_slice %arg2[%dma_wait3A_157, %dma_wait3A_158] : memref<10000x128xf32, #tpu.memory_space<hbm>> -> memref<10000x128xf32, #tpu.memory_space<hbm>>
      tpu.wait_indirect_dma semaphore(%arg13 : memref<!tpu.dma_semaphore, #tpu.memory_space<semaphore_mem>>) src(%dma_wait3A_159 : memref<10000x128xf32, #tpu.memory_space<hbm>>) dst(%dma_wait3A_153 : memref<128x128xf32, #tpu.memory_space<vmem>>)
      %run_scoped3A_160 = arith.constant 0 : i32
      %run_scoped3A_161 = arith.constant 1 : i32
      "tpu.region"() ({
        %run_scoped3A_532 = tpu.sem_alloc : memref<!tpu.dma_semaphore, #tpu.memory_space<semaphore_mem>>
        %dma_start3A_533 = arith.constant 128 : i32
        %dma_start3A_534 = arith.constant 0 : i32
        %dma_start3A_535 = tpu.memref_slice %arg8[%dma_start3A_533, %dma_start3A_534] : memref<256x128xf32, #tpu.memory_space<vmem>> -> memref<128x128xf32, #tpu.memory_space<vmem>>
        %dma_start3A_536 = arith.constant 0 : i32
        %dma_start3A_537 = tpu.memref_slice %arg7[%run_scoped3A_160, %run_scoped3A_161, %dma_start3A_536] : memref<2x8x128xi32, #tpu.memory_space<vmem>> -> memref<1x1x128xi32, #tpu.memory_space<vmem>>
        %dma_start3A_538 = tpu.memref_squeeze %dma_start3A_537 : memref<1x1x128xi32, #tpu.memory_space<vmem>> -> memref<128xi32, #tpu.memory_space<vmem>>
        %dma_start3A_539 = arith.constant 0 : i32
        %dma_start3A_540 = arith.constant 0 : i32
        %dma_start3A_541 = tpu.memref_slice %arg9[%dma_start3A_539, %dma_start3A_540] : memref<10240x128xf32, #tpu.memory_space<vmem_shared>> -> memref<10240x128xf32, #tpu.memory_space<vmem_shared>>
        tpu.enqueue_indirect_dma source(%dma_start3A_535 : memref<128x128xf32, #tpu.memory_space<vmem>>) target(%dma_start3A_541 : memref<10240x128xf32, #tpu.memory_space<vmem_shared>>) offsets(%dma_start3A_538 : memref<128xi32, #tpu.memory_space<vmem>>) semaphore(%run_scoped3A_532 : memref<!tpu.dma_semaphore, #tpu.memory_space<semaphore_mem>>) {add = true}
        %dma_wait3A_542 = arith.constant 128 : i32
        %dma_wait3A_543 = arith.constant 0 : i32
        %dma_wait3A_544 = tpu.memref_slice %arg8[%dma_wait3A_542, %dma_wait3A_543] : memref<256x128xf32, #tpu.memory_space<vmem>> -> memref<128x128xf32, #tpu.memory_space<vmem>>
        %dma_wait3A_545 = arith.constant 0 : i32
        %dma_wait3A_546 = tpu.memref_slice %arg7[%run_scoped3A_160, %run_scoped3A_161, %dma_wait3A_545] : memref<2x8x128xi32, #tpu.memory_space<vmem>> -> memref<1x1x128xi32, #tpu.memory_space<vmem>>
        %dma_wait3A_547 = tpu.memref_squeeze %dma_wait3A_546 : memref<1x1x128xi32, #tpu.memory_space<vmem>> -> memref<128xi32, #tpu.memory_space<vmem>>
        %dma_wait3A_548 = arith.constant 0 : i32
        %dma_wait3A_549 = arith.constant 0 : i32
        %dma_wait3A_550 = tpu.memref_slice %arg9[%dma_wait3A_548, %dma_wait3A_549] : memref<10240x128xf32, #tpu.memory_space<vmem_shared>> -> memref<10240x128xf32, #tpu.memory_space<vmem_shared>>
        tpu.wait_indirect_dma semaphore(%run_scoped3A_532 : memref<!tpu.dma_semaphore, #tpu.memory_space<semaphore_mem>>) src(%dma_wait3A_544 : memref<128x128xf32, #tpu.memory_space<vmem>>) dst(%dma_wait3A_550 : memref<10240x128xf32, #tpu.memory_space<vmem_shared>>)
        tpu.yield
      }) : () -> ()
      %dma_start3A_162 = arith.constant 0 : i32
      %dma_start3A_163 = arith.constant 3 : i32
      %dma_start3A_164 = arith.constant 128 : i32
      %dma_start3A_165 = arith.constant 0 : i32
      %dma_start3A_166 = tpu.memref_slice %arg8[%dma_start3A_164, %dma_start3A_165] : memref<256x128xf32, #tpu.memory_space<vmem>> -> memref<128x128xf32, #tpu.memory_space<vmem>>
      %dma_start3A_167 = arith.constant 0 : i32
      %dma_start3A_168 = tpu.memref_slice %arg6[%dma_start3A_162, %dma_start3A_163, %dma_start3A_167] : memref<2x8x128xi32, #tpu.memory_space<vmem>> -> memref<1x1x128xi32, #tpu.memory_space<vmem>>
      %dma_start3A_169 = tpu.memref_squeeze %dma_start3A_168 : memref<1x1x128xi32, #tpu.memory_space<vmem>> -> memref<128xi32, #tpu.memory_space<vmem>>
      %dma_start3A_170 = arith.constant 0 : i32
      %dma_start3A_171 = arith.constant 0 : i32
      %dma_start3A_172 = tpu.memref_slice %arg2[%dma_start3A_170, %dma_start3A_171] : memref<10000x128xf32, #tpu.memory_space<hbm>> -> memref<10000x128xf32, #tpu.memory_space<hbm>>
      tpu.enqueue_indirect_dma source(%dma_start3A_172 : memref<10000x128xf32, #tpu.memory_space<hbm>>) target(%dma_start3A_166 : memref<128x128xf32, #tpu.memory_space<vmem>>) offsets(%dma_start3A_169 : memref<128xi32, #tpu.memory_space<vmem>>) semaphore(%arg13 : memref<!tpu.dma_semaphore, #tpu.memory_space<semaphore_mem>>)
      %dma_wait3A_173 = arith.constant 0 : i32
      %dma_wait3A_174 = arith.constant 2 : i32
      %dma_wait3A_175 = arith.constant 0 : i32
      %dma_wait3A_176 = arith.constant 0 : i32
      %dma_wait3A_177 = tpu.memref_slice %arg8[%dma_wait3A_175, %dma_wait3A_176] : memref<256x128xf32, #tpu.memory_space<vmem>> -> memref<128x128xf32, #tpu.memory_space<vmem>>
      %dma_wait3A_178 = arith.constant 0 : i32
      %dma_wait3A_179 = tpu.memref_slice %arg6[%dma_wait3A_173, %dma_wait3A_174, %dma_wait3A_178] : memref<2x8x128xi32, #tpu.memory_space<vmem>> -> memref<1x1x128xi32, #tpu.memory_space<vmem>>
      %dma_wait3A_180 = tpu.memref_squeeze %dma_wait3A_179 : memref<1x1x128xi32, #tpu.memory_space<vmem>> -> memref<128xi32, #tpu.memory_space<vmem>>
      %dma_wait3A_181 = arith.constant 0 : i32
      %dma_wait3A_182 = arith.constant 0 : i32
      %dma_wait3A_183 = tpu.memref_slice %arg2[%dma_wait3A_181, %dma_wait3A_182] : memref<10000x128xf32, #tpu.memory_space<hbm>> -> memref<10000x128xf32, #tpu.memory_space<hbm>>
      tpu.wait_indirect_dma semaphore(%arg12 : memref<!tpu.dma_semaphore, #tpu.memory_space<semaphore_mem>>) src(%dma_wait3A_183 : memref<10000x128xf32, #tpu.memory_space<hbm>>) dst(%dma_wait3A_177 : memref<128x128xf32, #tpu.memory_space<vmem>>)
      %run_scoped3A_184 = arith.constant 0 : i32
      %run_scoped3A_185 = arith.constant 2 : i32
      "tpu.region"() ({
        %run_scoped3A_532 = tpu.sem_alloc : memref<!tpu.dma_semaphore, #tpu.memory_space<semaphore_mem>>
        %dma_start3A_533 = arith.constant 0 : i32
        %dma_start3A_534 = arith.constant 0 : i32
        %dma_start3A_535 = tpu.memref_slice %arg8[%dma_start3A_533, %dma_start3A_534] : memref<256x128xf32, #tpu.memory_space<vmem>> -> memref<128x128xf32, #tpu.memory_space<vmem>>
        %dma_start3A_536 = arith.constant 0 : i32
        %dma_start3A_537 = tpu.memref_slice %arg7[%run_scoped3A_184, %run_scoped3A_185, %dma_start3A_536] : memref<2x8x128xi32, #tpu.memory_space<vmem>> -> memref<1x1x128xi32, #tpu.memory_space<vmem>>
        %dma_start3A_538 = tpu.memref_squeeze %dma_start3A_537 : memref<1x1x128xi32, #tpu.memory_space<vmem>> -> memref<128xi32, #tpu.memory_space<vmem>>
        %dma_start3A_539 = arith.constant 0 : i32
        %dma_start3A_540 = arith.constant 0 : i32
        %dma_start3A_541 = tpu.memref_slice %arg9[%dma_start3A_539, %dma_start3A_540] : memref<10240x128xf32, #tpu.memory_space<vmem_shared>> -> memref<10240x128xf32, #tpu.memory_space<vmem_shared>>
        tpu.enqueue_indirect_dma source(%dma_start3A_535 : memref<128x128xf32, #tpu.memory_space<vmem>>) target(%dma_start3A_541 : memref<10240x128xf32, #tpu.memory_space<vmem_shared>>) offsets(%dma_start3A_538 : memref<128xi32, #tpu.memory_space<vmem>>) semaphore(%run_scoped3A_532 : memref<!tpu.dma_semaphore, #tpu.memory_space<semaphore_mem>>) {add = true}
        %dma_wait3A_542 = arith.constant 0 : i32
        %dma_wait3A_543 = arith.constant 0 : i32
        %dma_wait3A_544 = tpu.memref_slice %arg8[%dma_wait3A_542, %dma_wait3A_543] : memref<256x128xf32, #tpu.memory_space<vmem>> -> memref<128x128xf32, #tpu.memory_space<vmem>>
        %dma_wait3A_545 = arith.constant 0 : i32
        %dma_wait3A_546 = tpu.memref_slice %arg7[%run_scoped3A_184, %run_scoped3A_185, %dma_wait3A_545] : memref<2x8x128xi32, #tpu.memory_space<vmem>> -> memref<1x1x128xi32, #tpu.memory_space<vmem>>
        %dma_wait3A_547 = tpu.memref_squeeze %dma_wait3A_546 : memref<1x1x128xi32, #tpu.memory_space<vmem>> -> memref<128xi32, #tpu.memory_space<vmem>>
        %dma_wait3A_548 = arith.constant 0 : i32
        %dma_wait3A_549 = arith.constant 0 : i32
        %dma_wait3A_550 = tpu.memref_slice %arg9[%dma_wait3A_548, %dma_wait3A_549] : memref<10240x128xf32, #tpu.memory_space<vmem_shared>> -> memref<10240x128xf32, #tpu.memory_space<vmem_shared>>
        tpu.wait_indirect_dma semaphore(%run_scoped3A_532 : memref<!tpu.dma_semaphore, #tpu.memory_space<semaphore_mem>>) src(%dma_wait3A_544 : memref<128x128xf32, #tpu.memory_space<vmem>>) dst(%dma_wait3A_550 : memref<10240x128xf32, #tpu.memory_space<vmem_shared>>)
        tpu.yield
      }) : () -> ()
      %dma_start3A_186 = arith.constant 0 : i32
      %dma_start3A_187 = arith.constant 4 : i32
      %dma_start3A_188 = arith.constant 0 : i32
      %dma_start3A_189 = arith.constant 0 : i32
      %dma_start3A_190 = tpu.memref_slice %arg8[%dma_start3A_188, %dma_start3A_189] : memref<256x128xf32, #tpu.memory_space<vmem>> -> memref<128x128xf32, #tpu.memory_space<vmem>>
      %dma_start3A_191 = arith.constant 0 : i32
      %dma_start3A_192 = tpu.memref_slice %arg6[%dma_start3A_186, %dma_start3A_187, %dma_start3A_191] : memref<2x8x128xi32, #tpu.memory_space<vmem>> -> memref<1x1x128xi32, #tpu.memory_space<vmem>>
      %dma_start3A_193 = tpu.memref_squeeze %dma_start3A_192 : memref<1x1x128xi32, #tpu.memory_space<vmem>> -> memref<128xi32, #tpu.memory_space<vmem>>
      %dma_start3A_194 = arith.constant 0 : i32
      %dma_start3A_195 = arith.constant 0 : i32
      %dma_start3A_196 = tpu.memref_slice %arg2[%dma_start3A_194, %dma_start3A_195] : memref<10000x128xf32, #tpu.memory_space<hbm>> -> memref<10000x128xf32, #tpu.memory_space<hbm>>
      tpu.enqueue_indirect_dma source(%dma_start3A_196 : memref<10000x128xf32, #tpu.memory_space<hbm>>) target(%dma_start3A_190 : memref<128x128xf32, #tpu.memory_space<vmem>>) offsets(%dma_start3A_193 : memref<128xi32, #tpu.memory_space<vmem>>) semaphore(%arg12 : memref<!tpu.dma_semaphore, #tpu.memory_space<semaphore_mem>>)
      %dma_wait3A_197 = arith.constant 0 : i32
      %dma_wait3A_198 = arith.constant 3 : i32
      %dma_wait3A_199 = arith.constant 128 : i32
      %dma_wait3A_200 = arith.constant 0 : i32
      %dma_wait3A_201 = tpu.memref_slice %arg8[%dma_wait3A_199, %dma_wait3A_200] : memref<256x128xf32, #tpu.memory_space<vmem>> -> memref<128x128xf32, #tpu.memory_space<vmem>>
      %dma_wait3A_202 = arith.constant 0 : i32
      %dma_wait3A_203 = tpu.memref_slice %arg6[%dma_wait3A_197, %dma_wait3A_198, %dma_wait3A_202] : memref<2x8x128xi32, #tpu.memory_space<vmem>> -> memref<1x1x128xi32, #tpu.memory_space<vmem>>
      %dma_wait3A_204 = tpu.memref_squeeze %dma_wait3A_203 : memref<1x1x128xi32, #tpu.memory_space<vmem>> -> memref<128xi32, #tpu.memory_space<vmem>>
      %dma_wait3A_205 = arith.constant 0 : i32
      %dma_wait3A_206 = arith.constant 0 : i32
      %dma_wait3A_207 = tpu.memref_slice %arg2[%dma_wait3A_205, %dma_wait3A_206] : memref<10000x128xf32, #tpu.memory_space<hbm>> -> memref<10000x128xf32, #tpu.memory_space<hbm>>
      tpu.wait_indirect_dma semaphore(%arg13 : memref<!tpu.dma_semaphore, #tpu.memory_space<semaphore_mem>>) src(%dma_wait3A_207 : memref<10000x128xf32, #tpu.memory_space<hbm>>) dst(%dma_wait3A_201 : memref<128x128xf32, #tpu.memory_space<vmem>>)
      %run_scoped3A_208 = arith.constant 0 : i32
      %run_scoped3A_209 = arith.constant 3 : i32
      "tpu.region"() ({
        %run_scoped3A_532 = tpu.sem_alloc : memref<!tpu.dma_semaphore, #tpu.memory_space<semaphore_mem>>
        %dma_start3A_533 = arith.constant 128 : i32
        %dma_start3A_534 = arith.constant 0 : i32
        %dma_start3A_535 = tpu.memref_slice %arg8[%dma_start3A_533, %dma_start3A_534] : memref<256x128xf32, #tpu.memory_space<vmem>> -> memref<128x128xf32, #tpu.memory_space<vmem>>
        %dma_start3A_536 = arith.constant 0 : i32
        %dma_start3A_537 = tpu.memref_slice %arg7[%run_scoped3A_208, %run_scoped3A_209, %dma_start3A_536] : memref<2x8x128xi32, #tpu.memory_space<vmem>> -> memref<1x1x128xi32, #tpu.memory_space<vmem>>
        %dma_start3A_538 = tpu.memref_squeeze %dma_start3A_537 : memref<1x1x128xi32, #tpu.memory_space<vmem>> -> memref<128xi32, #tpu.memory_space<vmem>>
        %dma_start3A_539 = arith.constant 0 : i32
        %dma_start3A_540 = arith.constant 0 : i32
        %dma_start3A_541 = tpu.memref_slice %arg9[%dma_start3A_539, %dma_start3A_540] : memref<10240x128xf32, #tpu.memory_space<vmem_shared>> -> memref<10240x128xf32, #tpu.memory_space<vmem_shared>>
        tpu.enqueue_indirect_dma source(%dma_start3A_535 : memref<128x128xf32, #tpu.memory_space<vmem>>) target(%dma_start3A_541 : memref<10240x128xf32, #tpu.memory_space<vmem_shared>>) offsets(%dma_start3A_538 : memref<128xi32, #tpu.memory_space<vmem>>) semaphore(%run_scoped3A_532 : memref<!tpu.dma_semaphore, #tpu.memory_space<semaphore_mem>>) {add = true}
        %dma_wait3A_542 = arith.constant 128 : i32
        %dma_wait3A_543 = arith.constant 0 : i32
        %dma_wait3A_544 = tpu.memref_slice %arg8[%dma_wait3A_542, %dma_wait3A_543] : memref<256x128xf32, #tpu.memory_space<vmem>> -> memref<128x128xf32, #tpu.memory_space<vmem>>
        %dma_wait3A_545 = arith.constant 0 : i32
        %dma_wait3A_546 = tpu.memref_slice %arg7[%run_scoped3A_208, %run_scoped3A_209, %dma_wait3A_545] : memref<2x8x128xi32, #tpu.memory_space<vmem>> -> memref<1x1x128xi32, #tpu.memory_space<vmem>>
        %dma_wait3A_547 = tpu.memref_squeeze %dma_wait3A_546 : memref<1x1x128xi32, #tpu.memory_space<vmem>> -> memref<128xi32, #tpu.memory_space<vmem>>
        %dma_wait3A_548 = arith.constant 0 : i32
        %dma_wait3A_549 = arith.constant 0 : i32
        %dma_wait3A_550 = tpu.memref_slice %arg9[%dma_wait3A_548, %dma_wait3A_549] : memref<10240x128xf32, #tpu.memory_space<vmem_shared>> -> memref<10240x128xf32, #tpu.memory_space<vmem_shared>>
        tpu.wait_indirect_dma semaphore(%run_scoped3A_532 : memref<!tpu.dma_semaphore, #tpu.memory_space<semaphore_mem>>) src(%dma_wait3A_544 : memref<128x128xf32, #tpu.memory_space<vmem>>) dst(%dma_wait3A_550 : memref<10240x128xf32, #tpu.memory_space<vmem_shared>>)
        tpu.yield
      }) : () -> ()
      %dma_start3A_210 = arith.constant 0 : i32
      %dma_start3A_211 = arith.constant 5 : i32
      %dma_start3A_212 = arith.constant 128 : i32
      %dma_start3A_213 = arith.constant 0 : i32
      %dma_start3A_214 = tpu.memref_slice %arg8[%dma_start3A_212, %dma_start3A_213] : memref<256x128xf32, #tpu.memory_space<vmem>> -> memref<128x128xf32, #tpu.memory_space<vmem>>
      %dma_start3A_215 = arith.constant 0 : i32
      %dma_start3A_216 = tpu.memref_slice %arg6[%dma_start3A_210, %dma_start3A_211, %dma_start3A_215] : memref<2x8x128xi32, #tpu.memory_space<vmem>> -> memref<1x1x128xi32, #tpu.memory_space<vmem>>
      %dma_start3A_217 = tpu.memref_squeeze %dma_start3A_216 : memref<1x1x128xi32, #tpu.memory_space<vmem>> -> memref<128xi32, #tpu.memory_space<vmem>>
      %dma_start3A_218 = arith.constant 0 : i32
      %dma_start3A_219 = arith.constant 0 : i32
      %dma_start3A_220 = tpu.memref_slice %arg2[%dma_start3A_218, %dma_start3A_219] : memref<10000x128xf32, #tpu.memory_space<hbm>> -> memref<10000x128xf32, #tpu.memory_space<hbm>>
      tpu.enqueue_indirect_dma source(%dma_start3A_220 : memref<10000x128xf32, #tpu.memory_space<hbm>>) target(%dma_start3A_214 : memref<128x128xf32, #tpu.memory_space<vmem>>) offsets(%dma_start3A_217 : memref<128xi32, #tpu.memory_space<vmem>>) semaphore(%arg13 : memref<!tpu.dma_semaphore, #tpu.memory_space<semaphore_mem>>)
      %dma_wait3A_221 = arith.constant 0 : i32
      %dma_wait3A_222 = arith.constant 4 : i32
      %dma_wait3A_223 = arith.constant 0 : i32
      %dma_wait3A_224 = arith.constant 0 : i32
      %dma_wait3A_225 = tpu.memref_slice %arg8[%dma_wait3A_223, %dma_wait3A_224] : memref<256x128xf32, #tpu.memory_space<vmem>> -> memref<128x128xf32, #tpu.memory_space<vmem>>
      %dma_wait3A_226 = arith.constant 0 : i32
      %dma_wait3A_227 = tpu.memref_slice %arg6[%dma_wait3A_221, %dma_wait3A_222, %dma_wait3A_226] : memref<2x8x128xi32, #tpu.memory_space<vmem>> -> memref<1x1x128xi32, #tpu.memory_space<vmem>>
      %dma_wait3A_228 = tpu.memref_squeeze %dma_wait3A_227 : memref<1x1x128xi32, #tpu.memory_space<vmem>> -> memref<128xi32, #tpu.memory_space<vmem>>
      %dma_wait3A_229 = arith.constant 0 : i32
      %dma_wait3A_230 = arith.constant 0 : i32
      %dma_wait3A_231 = tpu.memref_slice %arg2[%dma_wait3A_229, %dma_wait3A_230] : memref<10000x128xf32, #tpu.memory_space<hbm>> -> memref<10000x128xf32, #tpu.memory_space<hbm>>
      tpu.wait_indirect_dma semaphore(%arg12 : memref<!tpu.dma_semaphore, #tpu.memory_space<semaphore_mem>>) src(%dma_wait3A_231 : memref<10000x128xf32, #tpu.memory_space<hbm>>) dst(%dma_wait3A_225 : memref<128x128xf32, #tpu.memory_space<vmem>>)
      %run_scoped3A_232 = arith.constant 0 : i32
      %run_scoped3A_233 = arith.constant 4 : i32
      "tpu.region"() ({
        %run_scoped3A_532 = tpu.sem_alloc : memref<!tpu.dma_semaphore, #tpu.memory_space<semaphore_mem>>
        %dma_start3A_533 = arith.constant 0 : i32
        %dma_start3A_534 = arith.constant 0 : i32
        %dma_start3A_535 = tpu.memref_slice %arg8[%dma_start3A_533, %dma_start3A_534] : memref<256x128xf32, #tpu.memory_space<vmem>> -> memref<128x128xf32, #tpu.memory_space<vmem>>
        %dma_start3A_536 = arith.constant 0 : i32
        %dma_start3A_537 = tpu.memref_slice %arg7[%run_scoped3A_232, %run_scoped3A_233, %dma_start3A_536] : memref<2x8x128xi32, #tpu.memory_space<vmem>> -> memref<1x1x128xi32, #tpu.memory_space<vmem>>
        %dma_start3A_538 = tpu.memref_squeeze %dma_start3A_537 : memref<1x1x128xi32, #tpu.memory_space<vmem>> -> memref<128xi32, #tpu.memory_space<vmem>>
        %dma_start3A_539 = arith.constant 0 : i32
        %dma_start3A_540 = arith.constant 0 : i32
        %dma_start3A_541 = tpu.memref_slice %arg9[%dma_start3A_539, %dma_start3A_540] : memref<10240x128xf32, #tpu.memory_space<vmem_shared>> -> memref<10240x128xf32, #tpu.memory_space<vmem_shared>>
        tpu.enqueue_indirect_dma source(%dma_start3A_535 : memref<128x128xf32, #tpu.memory_space<vmem>>) target(%dma_start3A_541 : memref<10240x128xf32, #tpu.memory_space<vmem_shared>>) offsets(%dma_start3A_538 : memref<128xi32, #tpu.memory_space<vmem>>) semaphore(%run_scoped3A_532 : memref<!tpu.dma_semaphore, #tpu.memory_space<semaphore_mem>>) {add = true}
        %dma_wait3A_542 = arith.constant 0 : i32
        %dma_wait3A_543 = arith.constant 0 : i32
        %dma_wait3A_544 = tpu.memref_slice %arg8[%dma_wait3A_542, %dma_wait3A_543] : memref<256x128xf32, #tpu.memory_space<vmem>> -> memref<128x128xf32, #tpu.memory_space<vmem>>
        %dma_wait3A_545 = arith.constant 0 : i32
        %dma_wait3A_546 = tpu.memref_slice %arg7[%run_scoped3A_232, %run_scoped3A_233, %dma_wait3A_545] : memref<2x8x128xi32, #tpu.memory_space<vmem>> -> memref<1x1x128xi32, #tpu.memory_space<vmem>>
        %dma_wait3A_547 = tpu.memref_squeeze %dma_wait3A_546 : memref<1x1x128xi32, #tpu.memory_space<vmem>> -> memref<128xi32, #tpu.memory_space<vmem>>
        %dma_wait3A_548 = arith.constant 0 : i32
        %dma_wait3A_549 = arith.constant 0 : i32
        %dma_wait3A_550 = tpu.memref_slice %arg9[%dma_wait3A_548, %dma_wait3A_549] : memref<10240x128xf32, #tpu.memory_space<vmem_shared>> -> memref<10240x128xf32, #tpu.memory_space<vmem_shared>>
        tpu.wait_indirect_dma semaphore(%run_scoped3A_532 : memref<!tpu.dma_semaphore, #tpu.memory_space<semaphore_mem>>) src(%dma_wait3A_544 : memref<128x128xf32, #tpu.memory_space<vmem>>) dst(%dma_wait3A_550 : memref<10240x128xf32, #tpu.memory_space<vmem_shared>>)
        tpu.yield
      }) : () -> ()
      %dma_start3A_234 = arith.constant 0 : i32
      %dma_start3A_235 = arith.constant 6 : i32
      %dma_start3A_236 = arith.constant 0 : i32
      %dma_start3A_237 = arith.constant 0 : i32
      %dma_start3A_238 = tpu.memref_slice %arg8[%dma_start3A_236, %dma_start3A_237] : memref<256x128xf32, #tpu.memory_space<vmem>> -> memref<128x128xf32, #tpu.memory_space<vmem>>
      %dma_start3A_239 = arith.constant 0 : i32
      %dma_start3A_240 = tpu.memref_slice %arg6[%dma_start3A_234, %dma_start3A_235, %dma_start3A_239] : memref<2x8x128xi32, #tpu.memory_space<vmem>> -> memref<1x1x128xi32, #tpu.memory_space<vmem>>
      %dma_start3A_241 = tpu.memref_squeeze %dma_start3A_240 : memref<1x1x128xi32, #tpu.memory_space<vmem>> -> memref<128xi32, #tpu.memory_space<vmem>>
      %dma_start3A_242 = arith.constant 0 : i32
      %dma_start3A_243 = arith.constant 0 : i32
      %dma_start3A_244 = tpu.memref_slice %arg2[%dma_start3A_242, %dma_start3A_243] : memref<10000x128xf32, #tpu.memory_space<hbm>> -> memref<10000x128xf32, #tpu.memory_space<hbm>>
      tpu.enqueue_indirect_dma source(%dma_start3A_244 : memref<10000x128xf32, #tpu.memory_space<hbm>>) target(%dma_start3A_238 : memref<128x128xf32, #tpu.memory_space<vmem>>) offsets(%dma_start3A_241 : memref<128xi32, #tpu.memory_space<vmem>>) semaphore(%arg12 : memref<!tpu.dma_semaphore, #tpu.memory_space<semaphore_mem>>)
      %dma_wait3A_245 = arith.constant 0 : i32
      %dma_wait3A_246 = arith.constant 5 : i32
      %dma_wait3A_247 = arith.constant 128 : i32
      %dma_wait3A_248 = arith.constant 0 : i32
      %dma_wait3A_249 = tpu.memref_slice %arg8[%dma_wait3A_247, %dma_wait3A_248] : memref<256x128xf32, #tpu.memory_space<vmem>> -> memref<128x128xf32, #tpu.memory_space<vmem>>
      %dma_wait3A_250 = arith.constant 0 : i32
      %dma_wait3A_251 = tpu.memref_slice %arg6[%dma_wait3A_245, %dma_wait3A_246, %dma_wait3A_250] : memref<2x8x128xi32, #tpu.memory_space<vmem>> -> memref<1x1x128xi32, #tpu.memory_space<vmem>>
      %dma_wait3A_252 = tpu.memref_squeeze %dma_wait3A_251 : memref<1x1x128xi32, #tpu.memory_space<vmem>> -> memref<128xi32, #tpu.memory_space<vmem>>
      %dma_wait3A_253 = arith.constant 0 : i32
      %dma_wait3A_254 = arith.constant 0 : i32
      %dma_wait3A_255 = tpu.memref_slice %arg2[%dma_wait3A_253, %dma_wait3A_254] : memref<10000x128xf32, #tpu.memory_space<hbm>> -> memref<10000x128xf32, #tpu.memory_space<hbm>>
      tpu.wait_indirect_dma semaphore(%arg13 : memref<!tpu.dma_semaphore, #tpu.memory_space<semaphore_mem>>) src(%dma_wait3A_255 : memref<10000x128xf32, #tpu.memory_space<hbm>>) dst(%dma_wait3A_249 : memref<128x128xf32, #tpu.memory_space<vmem>>)
      %run_scoped3A_256 = arith.constant 0 : i32
      %run_scoped3A_257 = arith.constant 5 : i32
      "tpu.region"() ({
        %run_scoped3A_532 = tpu.sem_alloc : memref<!tpu.dma_semaphore, #tpu.memory_space<semaphore_mem>>
        %dma_start3A_533 = arith.constant 128 : i32
        %dma_start3A_534 = arith.constant 0 : i32
        %dma_start3A_535 = tpu.memref_slice %arg8[%dma_start3A_533, %dma_start3A_534] : memref<256x128xf32, #tpu.memory_space<vmem>> -> memref<128x128xf32, #tpu.memory_space<vmem>>
        %dma_start3A_536 = arith.constant 0 : i32
        %dma_start3A_537 = tpu.memref_slice %arg7[%run_scoped3A_256, %run_scoped3A_257, %dma_start3A_536] : memref<2x8x128xi32, #tpu.memory_space<vmem>> -> memref<1x1x128xi32, #tpu.memory_space<vmem>>
        %dma_start3A_538 = tpu.memref_squeeze %dma_start3A_537 : memref<1x1x128xi32, #tpu.memory_space<vmem>> -> memref<128xi32, #tpu.memory_space<vmem>>
        %dma_start3A_539 = arith.constant 0 : i32
        %dma_start3A_540 = arith.constant 0 : i32
        %dma_start3A_541 = tpu.memref_slice %arg9[%dma_start3A_539, %dma_start3A_540] : memref<10240x128xf32, #tpu.memory_space<vmem_shared>> -> memref<10240x128xf32, #tpu.memory_space<vmem_shared>>
        tpu.enqueue_indirect_dma source(%dma_start3A_535 : memref<128x128xf32, #tpu.memory_space<vmem>>) target(%dma_start3A_541 : memref<10240x128xf32, #tpu.memory_space<vmem_shared>>) offsets(%dma_start3A_538 : memref<128xi32, #tpu.memory_space<vmem>>) semaphore(%run_scoped3A_532 : memref<!tpu.dma_semaphore, #tpu.memory_space<semaphore_mem>>) {add = true}
        %dma_wait3A_542 = arith.constant 128 : i32
        %dma_wait3A_543 = arith.constant 0 : i32
        %dma_wait3A_544 = tpu.memref_slice %arg8[%dma_wait3A_542, %dma_wait3A_543] : memref<256x128xf32, #tpu.memory_space<vmem>> -> memref<128x128xf32, #tpu.memory_space<vmem>>
        %dma_wait3A_545 = arith.constant 0 : i32
        %dma_wait3A_546 = tpu.memref_slice %arg7[%run_scoped3A_256, %run_scoped3A_257, %dma_wait3A_545] : memref<2x8x128xi32, #tpu.memory_space<vmem>> -> memref<1x1x128xi32, #tpu.memory_space<vmem>>
        %dma_wait3A_547 = tpu.memref_squeeze %dma_wait3A_546 : memref<1x1x128xi32, #tpu.memory_space<vmem>> -> memref<128xi32, #tpu.memory_space<vmem>>
        %dma_wait3A_548 = arith.constant 0 : i32
        %dma_wait3A_549 = arith.constant 0 : i32
        %dma_wait3A_550 = tpu.memref_slice %arg9[%dma_wait3A_548, %dma_wait3A_549] : memref<10240x128xf32, #tpu.memory_space<vmem_shared>> -> memref<10240x128xf32, #tpu.memory_space<vmem_shared>>
        tpu.wait_indirect_dma semaphore(%run_scoped3A_532 : memref<!tpu.dma_semaphore, #tpu.memory_space<semaphore_mem>>) src(%dma_wait3A_544 : memref<128x128xf32, #tpu.memory_space<vmem>>) dst(%dma_wait3A_550 : memref<10240x128xf32, #tpu.memory_space<vmem_shared>>)
        tpu.yield
      }) : () -> ()
      %dma_start3A_258 = arith.constant 0 : i32
      %dma_start3A_259 = arith.constant 7 : i32
      %dma_start3A_260 = arith.constant 128 : i32
      %dma_start3A_261 = arith.constant 0 : i32
      %dma_start3A_262 = tpu.memref_slice %arg8[%dma_start3A_260, %dma_start3A_261] : memref<256x128xf32, #tpu.memory_space<vmem>> -> memref<128x128xf32, #tpu.memory_space<vmem>>
      %dma_start3A_263 = arith.constant 0 : i32
      %dma_start3A_264 = tpu.memref_slice %arg6[%dma_start3A_258, %dma_start3A_259, %dma_start3A_263] : memref<2x8x128xi32, #tpu.memory_space<vmem>> -> memref<1x1x128xi32, #tpu.memory_space<vmem>>
      %dma_start3A_265 = tpu.memref_squeeze %dma_start3A_264 : memref<1x1x128xi32, #tpu.memory_space<vmem>> -> memref<128xi32, #tpu.memory_space<vmem>>
      %dma_start3A_266 = arith.constant 0 : i32
      %dma_start3A_267 = arith.constant 0 : i32
      %dma_start3A_268 = tpu.memref_slice %arg2[%dma_start3A_266, %dma_start3A_267] : memref<10000x128xf32, #tpu.memory_space<hbm>> -> memref<10000x128xf32, #tpu.memory_space<hbm>>
      tpu.enqueue_indirect_dma source(%dma_start3A_268 : memref<10000x128xf32, #tpu.memory_space<hbm>>) target(%dma_start3A_262 : memref<128x128xf32, #tpu.memory_space<vmem>>) offsets(%dma_start3A_265 : memref<128xi32, #tpu.memory_space<vmem>>) semaphore(%arg13 : memref<!tpu.dma_semaphore, #tpu.memory_space<semaphore_mem>>)
      %dma_wait3A_269 = arith.constant 0 : i32
      %dma_wait3A_270 = arith.constant 6 : i32
      %dma_wait3A_271 = arith.constant 0 : i32
      %dma_wait3A_272 = arith.constant 0 : i32
      %dma_wait3A_273 = tpu.memref_slice %arg8[%dma_wait3A_271, %dma_wait3A_272] : memref<256x128xf32, #tpu.memory_space<vmem>> -> memref<128x128xf32, #tpu.memory_space<vmem>>
      %dma_wait3A_274 = arith.constant 0 : i32
      %dma_wait3A_275 = tpu.memref_slice %arg6[%dma_wait3A_269, %dma_wait3A_270, %dma_wait3A_274] : memref<2x8x128xi32, #tpu.memory_space<vmem>> -> memref<1x1x128xi32, #tpu.memory_space<vmem>>
      %dma_wait3A_276 = tpu.memref_squeeze %dma_wait3A_275 : memref<1x1x128xi32, #tpu.memory_space<vmem>> -> memref<128xi32, #tpu.memory_space<vmem>>
      %dma_wait3A_277 = arith.constant 0 : i32
      %dma_wait3A_278 = arith.constant 0 : i32
      %dma_wait3A_279 = tpu.memref_slice %arg2[%dma_wait3A_277, %dma_wait3A_278] : memref<10000x128xf32, #tpu.memory_space<hbm>> -> memref<10000x128xf32, #tpu.memory_space<hbm>>
      tpu.wait_indirect_dma semaphore(%arg12 : memref<!tpu.dma_semaphore, #tpu.memory_space<semaphore_mem>>) src(%dma_wait3A_279 : memref<10000x128xf32, #tpu.memory_space<hbm>>) dst(%dma_wait3A_273 : memref<128x128xf32, #tpu.memory_space<vmem>>)
      %run_scoped3A_280 = arith.constant 0 : i32
      %run_scoped3A_281 = arith.constant 6 : i32
      "tpu.region"() ({
        %run_scoped3A_532 = tpu.sem_alloc : memref<!tpu.dma_semaphore, #tpu.memory_space<semaphore_mem>>
        %dma_start3A_533 = arith.constant 0 : i32
        %dma_start3A_534 = arith.constant 0 : i32
        %dma_start3A_535 = tpu.memref_slice %arg8[%dma_start3A_533, %dma_start3A_534] : memref<256x128xf32, #tpu.memory_space<vmem>> -> memref<128x128xf32, #tpu.memory_space<vmem>>
        %dma_start3A_536 = arith.constant 0 : i32
        %dma_start3A_537 = tpu.memref_slice %arg7[%run_scoped3A_280, %run_scoped3A_281, %dma_start3A_536] : memref<2x8x128xi32, #tpu.memory_space<vmem>> -> memref<1x1x128xi32, #tpu.memory_space<vmem>>
        %dma_start3A_538 = tpu.memref_squeeze %dma_start3A_537 : memref<1x1x128xi32, #tpu.memory_space<vmem>> -> memref<128xi32, #tpu.memory_space<vmem>>
        %dma_start3A_539 = arith.constant 0 : i32
        %dma_start3A_540 = arith.constant 0 : i32
        %dma_start3A_541 = tpu.memref_slice %arg9[%dma_start3A_539, %dma_start3A_540] : memref<10240x128xf32, #tpu.memory_space<vmem_shared>> -> memref<10240x128xf32, #tpu.memory_space<vmem_shared>>
        tpu.enqueue_indirect_dma source(%dma_start3A_535 : memref<128x128xf32, #tpu.memory_space<vmem>>) target(%dma_start3A_541 : memref<10240x128xf32, #tpu.memory_space<vmem_shared>>) offsets(%dma_start3A_538 : memref<128xi32, #tpu.memory_space<vmem>>) semaphore(%run_scoped3A_532 : memref<!tpu.dma_semaphore, #tpu.memory_space<semaphore_mem>>) {add = true}
        %dma_wait3A_542 = arith.constant 0 : i32
        %dma_wait3A_543 = arith.constant 0 : i32
        %dma_wait3A_544 = tpu.memref_slice %arg8[%dma_wait3A_542, %dma_wait3A_543] : memref<256x128xf32, #tpu.memory_space<vmem>> -> memref<128x128xf32, #tpu.memory_space<vmem>>
        %dma_wait3A_545 = arith.constant 0 : i32
        %dma_wait3A_546 = tpu.memref_slice %arg7[%run_scoped3A_280, %run_scoped3A_281, %dma_wait3A_545] : memref<2x8x128xi32, #tpu.memory_space<vmem>> -> memref<1x1x128xi32, #tpu.memory_space<vmem>>
        %dma_wait3A_547 = tpu.memref_squeeze %dma_wait3A_546 : memref<1x1x128xi32, #tpu.memory_space<vmem>> -> memref<128xi32, #tpu.memory_space<vmem>>
        %dma_wait3A_548 = arith.constant 0 : i32
        %dma_wait3A_549 = arith.constant 0 : i32
        %dma_wait3A_550 = tpu.memref_slice %arg9[%dma_wait3A_548, %dma_wait3A_549] : memref<10240x128xf32, #tpu.memory_space<vmem_shared>> -> memref<10240x128xf32, #tpu.memory_space<vmem_shared>>
        tpu.wait_indirect_dma semaphore(%run_scoped3A_532 : memref<!tpu.dma_semaphore, #tpu.memory_space<semaphore_mem>>) src(%dma_wait3A_544 : memref<128x128xf32, #tpu.memory_space<vmem>>) dst(%dma_wait3A_550 : memref<10240x128xf32, #tpu.memory_space<vmem_shared>>)
        tpu.yield
      }) : () -> ()
      %dma_wait3A_282 = arith.constant 0 : i32
      %dma_wait3A_283 = arith.constant 7 : i32
      %dma_wait3A_284 = arith.constant 128 : i32
      %dma_wait3A_285 = arith.constant 0 : i32
      %dma_wait3A_286 = tpu.memref_slice %arg8[%dma_wait3A_284, %dma_wait3A_285] : memref<256x128xf32, #tpu.memory_space<vmem>> -> memref<128x128xf32, #tpu.memory_space<vmem>>
      %dma_wait3A_287 = arith.constant 0 : i32
      %dma_wait3A_288 = tpu.memref_slice %arg6[%dma_wait3A_282, %dma_wait3A_283, %dma_wait3A_287] : memref<2x8x128xi32, #tpu.memory_space<vmem>> -> memref<1x1x128xi32, #tpu.memory_space<vmem>>
      %dma_wait3A_289 = tpu.memref_squeeze %dma_wait3A_288 : memref<1x1x128xi32, #tpu.memory_space<vmem>> -> memref<128xi32, #tpu.memory_space<vmem>>
      %dma_wait3A_290 = arith.constant 0 : i32
      %dma_wait3A_291 = arith.constant 0 : i32
      %dma_wait3A_292 = tpu.memref_slice %arg2[%dma_wait3A_290, %dma_wait3A_291] : memref<10000x128xf32, #tpu.memory_space<hbm>> -> memref<10000x128xf32, #tpu.memory_space<hbm>>
      tpu.wait_indirect_dma semaphore(%arg13 : memref<!tpu.dma_semaphore, #tpu.memory_space<semaphore_mem>>) src(%dma_wait3A_292 : memref<10000x128xf32, #tpu.memory_space<hbm>>) dst(%dma_wait3A_286 : memref<128x128xf32, #tpu.memory_space<vmem>>)
      %run_scoped3A_293 = arith.constant 0 : i32
      %run_scoped3A_294 = arith.constant 7 : i32
      "tpu.region"() ({
        %run_scoped3A_532 = tpu.sem_alloc : memref<!tpu.dma_semaphore, #tpu.memory_space<semaphore_mem>>
        %dma_start3A_533 = arith.constant 128 : i32
        %dma_start3A_534 = arith.constant 0 : i32
        %dma_start3A_535 = tpu.memref_slice %arg8[%dma_start3A_533, %dma_start3A_534] : memref<256x128xf32, #tpu.memory_space<vmem>> -> memref<128x128xf32, #tpu.memory_space<vmem>>
        %dma_start3A_536 = arith.constant 0 : i32
        %dma_start3A_537 = tpu.memref_slice %arg7[%run_scoped3A_293, %run_scoped3A_294, %dma_start3A_536] : memref<2x8x128xi32, #tpu.memory_space<vmem>> -> memref<1x1x128xi32, #tpu.memory_space<vmem>>
        %dma_start3A_538 = tpu.memref_squeeze %dma_start3A_537 : memref<1x1x128xi32, #tpu.memory_space<vmem>> -> memref<128xi32, #tpu.memory_space<vmem>>
        %dma_start3A_539 = arith.constant 0 : i32
        %dma_start3A_540 = arith.constant 0 : i32
        %dma_start3A_541 = tpu.memref_slice %arg9[%dma_start3A_539, %dma_start3A_540] : memref<10240x128xf32, #tpu.memory_space<vmem_shared>> -> memref<10240x128xf32, #tpu.memory_space<vmem_shared>>
        tpu.enqueue_indirect_dma source(%dma_start3A_535 : memref<128x128xf32, #tpu.memory_space<vmem>>) target(%dma_start3A_541 : memref<10240x128xf32, #tpu.memory_space<vmem_shared>>) offsets(%dma_start3A_538 : memref<128xi32, #tpu.memory_space<vmem>>) semaphore(%run_scoped3A_532 : memref<!tpu.dma_semaphore, #tpu.memory_space<semaphore_mem>>) {add = true}
        %dma_wait3A_542 = arith.constant 128 : i32
        %dma_wait3A_543 = arith.constant 0 : i32
        %dma_wait3A_544 = tpu.memref_slice %arg8[%dma_wait3A_542, %dma_wait3A_543] : memref<256x128xf32, #tpu.memory_space<vmem>> -> memref<128x128xf32, #tpu.memory_space<vmem>>
        %dma_wait3A_545 = arith.constant 0 : i32
        %dma_wait3A_546 = tpu.memref_slice %arg7[%run_scoped3A_293, %run_scoped3A_294, %dma_wait3A_545] : memref<2x8x128xi32, #tpu.memory_space<vmem>> -> memref<1x1x128xi32, #tpu.memory_space<vmem>>
        %dma_wait3A_547 = tpu.memref_squeeze %dma_wait3A_546 : memref<1x1x128xi32, #tpu.memory_space<vmem>> -> memref<128xi32, #tpu.memory_space<vmem>>
        %dma_wait3A_548 = arith.constant 0 : i32
        %dma_wait3A_549 = arith.constant 0 : i32
        %dma_wait3A_550 = tpu.memref_slice %arg9[%dma_wait3A_548, %dma_wait3A_549] : memref<10240x128xf32, #tpu.memory_space<vmem_shared>> -> memref<10240x128xf32, #tpu.memory_space<vmem_shared>>
        tpu.wait_indirect_dma semaphore(%run_scoped3A_532 : memref<!tpu.dma_semaphore, #tpu.memory_space<semaphore_mem>>) src(%dma_wait3A_544 : memref<128x128xf32, #tpu.memory_space<vmem>>) dst(%dma_wait3A_550 : memref<10240x128xf32, #tpu.memory_space<vmem_shared>>)
        tpu.yield
      }) : () -> ()
      %mul3A_295 = arith.constant 2 : i32
      %mul3A_296 = arith.muli %mul3A_295, %scan3A_62 : i32
      %add3A_297 = arith.constant 1 : i32
      %add3A_298 = arith.addi %mul3A_296, %add3A_297 : i32
      %mul3A_299 = arith.constant 8 : i32
      %mul3A_300 = arith.muli %add3A_298, %mul3A_299 : i32
      %dma_wait3A_301 = arith.constant 1 : i32
      %dma_wait3A_302 = arith.constant 0 : i32
      %dma_wait3A_303 = arith.constant 0 : i32
      %dma_wait3A_304 = tpu.memref_slice %arg6[%dma_wait3A_301, %dma_wait3A_302, %dma_wait3A_303] : memref<2x8x128xi32, #tpu.memory_space<vmem>> -> memref<1x8x128xi32, #tpu.memory_space<vmem>>
      %dma_wait3A_305 = tpu.memref_squeeze %dma_wait3A_304 : memref<1x8x128xi32, #tpu.memory_space<vmem>> -> memref<8x128xi32, #tpu.memory_space<vmem>>
      %dma_wait3A_306 = arith.constant 0 : i32
      %dma_wait3A_307 = tpu.memref_slice %arg3[%add3A, %mul3A_300, %dma_wait3A_306] : memref<32x80x128xi32, #tpu.memory_space<hbm>> -> memref<1x8x128xi32, #tpu.memory_space<hbm>>
      %dma_wait3A_308 = tpu.memref_squeeze %dma_wait3A_307 : memref<1x8x128xi32, #tpu.memory_space<hbm>> -> memref<8x128xi32, #tpu.memory_space<hbm>>
      %dma_wait3A_309 = arith.constant 0 : i32
      %dma_wait3A_310 = arith.constant 0 : i32
      %dma_wait3A_311 = tpu.memref_slice %arg6[%dma_wait3A_301, %dma_wait3A_309, %dma_wait3A_310] : memref<2x8x128xi32, #tpu.memory_space<vmem>> -> memref<1x8x128xi32, #tpu.memory_space<vmem>>
      %dma_wait3A_312 = tpu.memref_squeeze %dma_wait3A_311 : memref<1x8x128xi32, #tpu.memory_space<vmem>> -> memref<8x128xi32, #tpu.memory_space<vmem>>
      %dma_wait3A_313 = arith.constant 0 : i32
      %dma_wait3A_314 = tpu.memref_slice %arg3[%add3A, %mul3A_300, %dma_wait3A_313] : memref<32x80x128xi32, #tpu.memory_space<hbm>> -> memref<1x8x128xi32, #tpu.memory_space<hbm>>
      %dma_wait3A_315 = tpu.memref_squeeze %dma_wait3A_314 : memref<1x8x128xi32, #tpu.memory_space<hbm>> -> memref<8x128xi32, #tpu.memory_space<hbm>>
      tpu.wait_dma2 semaphore(%arg11 : memref<!tpu.dma_semaphore, #tpu.memory_space<semaphore_mem>>) src(%dma_wait3A_315 : memref<8x128xi32, #tpu.memory_space<hbm>>) dst(%dma_wait3A_312 : memref<8x128xi32, #tpu.memory_space<vmem>>)
      %mul3A_316 = arith.constant 8 : i32
      %mul3A_317 = arith.muli %add3A_298, %mul3A_316 : i32
      %dma_wait3A_318 = arith.constant 1 : i32
      %dma_wait3A_319 = arith.constant 0 : i32
      %dma_wait3A_320 = arith.constant 0 : i32
      %dma_wait3A_321 = tpu.memref_slice %arg7[%dma_wait3A_318, %dma_wait3A_319, %dma_wait3A_320] : memref<2x8x128xi32, #tpu.memory_space<vmem>> -> memref<1x8x128xi32, #tpu.memory_space<vmem>>
      %dma_wait3A_322 = tpu.memref_squeeze %dma_wait3A_321 : memref<1x8x128xi32, #tpu.memory_space<vmem>> -> memref<8x128xi32, #tpu.memory_space<vmem>>
      %dma_wait3A_323 = arith.constant 0 : i32
      %dma_wait3A_324 = tpu.memref_slice %arg4[%add3A, %mul3A_317, %dma_wait3A_323] : memref<32x80x128xi32, #tpu.memory_space<hbm>> -> memref<1x8x128xi32, #tpu.memory_space<hbm>>
      %dma_wait3A_325 = tpu.memref_squeeze %dma_wait3A_324 : memref<1x8x128xi32, #tpu.memory_space<hbm>> -> memref<8x128xi32, #tpu.memory_space<hbm>>
      %dma_wait3A_326 = arith.constant 0 : i32
      %dma_wait3A_327 = arith.constant 0 : i32
      %dma_wait3A_328 = tpu.memref_slice %arg7[%dma_wait3A_318, %dma_wait3A_326, %dma_wait3A_327] : memref<2x8x128xi32, #tpu.memory_space<vmem>> -> memref<1x8x128xi32, #tpu.memory_space<vmem>>
      %dma_wait3A_329 = tpu.memref_squeeze %dma_wait3A_328 : memref<1x8x128xi32, #tpu.memory_space<vmem>> -> memref<8x128xi32, #tpu.memory_space<vmem>>
      %dma_wait3A_330 = arith.constant 0 : i32
      %dma_wait3A_331 = tpu.memref_slice %arg4[%add3A, %mul3A_317, %dma_wait3A_330] : memref<32x80x128xi32, #tpu.memory_space<hbm>> -> memref<1x8x128xi32, #tpu.memory_space<hbm>>
      %dma_wait3A_332 = tpu.memref_squeeze %dma_wait3A_331 : memref<1x8x128xi32, #tpu.memory_space<hbm>> -> memref<8x128xi32, #tpu.memory_space<hbm>>
      tpu.wait_dma2 semaphore(%arg11 : memref<!tpu.dma_semaphore, #tpu.memory_space<semaphore_mem>>) src(%dma_wait3A_332 : memref<8x128xi32, #tpu.memory_space<hbm>>) dst(%dma_wait3A_329 : memref<8x128xi32, #tpu.memory_space<vmem>>)
      %add3A_333 = arith.constant 1 : i32
      %add3A_334 = arith.addi %add3A_298, %add3A_333 : i32
      %lt3A_335 = arith.constant 10 : i32
      %lt3A_336 = arith.cmpi slt, %add3A_334, %lt3A_335 : i32
      %convert_element_type3A_337 = arith.extui %lt3A_336 : i1 to i32
      %cond3A_338 = arith.constant 0 : i32
      %cond3A_339 = arith.cmpi ne, %convert_element_type3A_337, %cond3A_338 : i32
      scf.if %cond3A_339 {
        %add3A_532 = arith.constant 1 : i32
        %add3A_533 = arith.addi %add3A_298, %add3A_532 : i32
        %mul3A_534 = arith.constant 8 : i32
        %mul3A_535 = arith.muli %add3A_533, %mul3A_534 : i32
        %dma_start3A_536 = arith.constant 0 : i32
        %dma_start3A_537 = arith.constant 0 : i32
        %dma_start3A_538 = arith.constant 0 : i32
        %dma_start3A_539 = tpu.memref_slice %arg6[%dma_start3A_536, %dma_start3A_537, %dma_start3A_538] : memref<2x8x128xi32, #tpu.memory_space<vmem>> -> memref<1x8x128xi32, #tpu.memory_space<vmem>>
        %dma_start3A_540 = tpu.memref_squeeze %dma_start3A_539 : memref<1x8x128xi32, #tpu.memory_space<vmem>> -> memref<8x128xi32, #tpu.memory_space<vmem>>
        %dma_start3A_541 = arith.constant 0 : i32
        %dma_start3A_542 = tpu.memref_slice %arg3[%add3A, %mul3A_535, %dma_start3A_541] : memref<32x80x128xi32, #tpu.memory_space<hbm>> -> memref<1x8x128xi32, #tpu.memory_space<hbm>>
        %dma_start3A_543 = tpu.memref_squeeze %dma_start3A_542 : memref<1x8x128xi32, #tpu.memory_space<hbm>> -> memref<8x128xi32, #tpu.memory_space<hbm>>
        %dma_start3A_544 = arith.constant 0 : i32
        %dma_start3A_545 = arith.constant 0 : i32
        %dma_start3A_546 = tpu.memref_slice %arg6[%dma_start3A_536, %dma_start3A_544, %dma_start3A_545] : memref<2x8x128xi32, #tpu.memory_space<vmem>> -> memref<1x8x128xi32, #tpu.memory_space<vmem>>
        %dma_start3A_547 = tpu.memref_squeeze %dma_start3A_546 : memref<1x8x128xi32, #tpu.memory_space<vmem>> -> memref<8x128xi32, #tpu.memory_space<vmem>>
        %dma_start3A_548 = arith.constant 0 : i32
        %dma_start3A_549 = tpu.memref_slice %arg3[%add3A, %mul3A_535, %dma_start3A_548] : memref<32x80x128xi32, #tpu.memory_space<hbm>> -> memref<1x8x128xi32, #tpu.memory_space<hbm>>
        %dma_start3A_550 = tpu.memref_squeeze %dma_start3A_549 : memref<1x8x128xi32, #tpu.memory_space<hbm>> -> memref<8x128xi32, #tpu.memory_space<hbm>>
        tpu.enqueue_dma source(%dma_start3A_550 : memref<8x128xi32, #tpu.memory_space<hbm>>) target(%dma_start3A_547 : memref<8x128xi32, #tpu.memory_space<vmem>>) target_semaphore(%arg10 : memref<!tpu.dma_semaphore, #tpu.memory_space<semaphore_mem>>)
        %mul3A_551 = arith.constant 8 : i32
        %mul3A_552 = arith.muli %add3A_533, %mul3A_551 : i32
        %dma_start3A_553 = arith.constant 0 : i32
        %dma_start3A_554 = arith.constant 0 : i32
        %dma_start3A_555 = arith.constant 0 : i32
        %dma_start3A_556 = tpu.memref_slice %arg7[%dma_start3A_553, %dma_start3A_554, %dma_start3A_555] : memref<2x8x128xi32, #tpu.memory_space<vmem>> -> memref<1x8x128xi32, #tpu.memory_space<vmem>>
        %dma_start3A_557 = tpu.memref_squeeze %dma_start3A_556 : memref<1x8x128xi32, #tpu.memory_space<vmem>> -> memref<8x128xi32, #tpu.memory_space<vmem>>
        %dma_start3A_558 = arith.constant 0 : i32
        %dma_start3A_559 = tpu.memref_slice %arg4[%add3A, %mul3A_552, %dma_start3A_558] : memref<32x80x128xi32, #tpu.memory_space<hbm>> -> memref<1x8x128xi32, #tpu.memory_space<hbm>>
        %dma_start3A_560 = tpu.memref_squeeze %dma_start3A_559 : memref<1x8x128xi32, #tpu.memory_space<hbm>> -> memref<8x128xi32, #tpu.memory_space<hbm>>
        %dma_start3A_561 = arith.constant 0 : i32
        %dma_start3A_562 = arith.constant 0 : i32
        %dma_start3A_563 = tpu.memref_slice %arg7[%dma_start3A_553, %dma_start3A_561, %dma_start3A_562] : memref<2x8x128xi32, #tpu.memory_space<vmem>> -> memref<1x8x128xi32, #tpu.memory_space<vmem>>
        %dma_start3A_564 = tpu.memref_squeeze %dma_start3A_563 : memref<1x8x128xi32, #tpu.memory_space<vmem>> -> memref<8x128xi32, #tpu.memory_space<vmem>>
        %dma_start3A_565 = arith.constant 0 : i32
        %dma_start3A_566 = tpu.memref_slice %arg4[%add3A, %mul3A_552, %dma_start3A_565] : memref<32x80x128xi32, #tpu.memory_space<hbm>> -> memref<1x8x128xi32, #tpu.memory_space<hbm>>
        %dma_start3A_567 = tpu.memref_squeeze %dma_start3A_566 : memref<1x8x128xi32, #tpu.memory_space<hbm>> -> memref<8x128xi32, #tpu.memory_space<hbm>>
        tpu.enqueue_dma source(%dma_start3A_567 : memref<8x128xi32, #tpu.memory_space<hbm>>) target(%dma_start3A_564 : memref<8x128xi32, #tpu.memory_space<vmem>>) target_semaphore(%arg10 : memref<!tpu.dma_semaphore, #tpu.memory_space<semaphore_mem>>)
      } else {
      }
      %dma_start3A_340 = arith.constant 1 : i32
      %dma_start3A_341 = arith.constant 0 : i32
      %dma_start3A_342 = arith.constant 0 : i32
      %dma_start3A_343 = arith.constant 0 : i32
      %dma_start3A_344 = tpu.memref_slice %arg8[%dma_start3A_342, %dma_start3A_343] : memref<256x128xf32, #tpu.memory_space<vmem>> -> memref<128x128xf32, #tpu.memory_space<vmem>>
      %dma_start3A_345 = arith.constant 0 : i32
      %dma_start3A_346 = tpu.memref_slice %arg6[%dma_start3A_340, %dma_start3A_341, %dma_start3A_345] : memref<2x8x128xi32, #tpu.memory_space<vmem>> -> memref<1x1x128xi32, #tpu.memory_space<vmem>>
      %dma_start3A_347 = tpu.memref_squeeze %dma_start3A_346 : memref<1x1x128xi32, #tpu.memory_space<vmem>> -> memref<128xi32, #tpu.memory_space<vmem>>
      %dma_start3A_348 = arith.constant 0 : i32
      %dma_start3A_349 = arith.constant 0 : i32
      %dma_start3A_350 = tpu.memref_slice %arg2[%dma_start3A_348, %dma_start3A_349] : memref<10000x128xf32, #tpu.memory_space<hbm>> -> memref<10000x128xf32, #tpu.memory_space<hbm>>
      tpu.enqueue_indirect_dma source(%dma_start3A_350 : memref<10000x128xf32, #tpu.memory_space<hbm>>) target(%dma_start3A_344 : memref<128x128xf32, #tpu.memory_space<vmem>>) offsets(%dma_start3A_347 : memref<128xi32, #tpu.memory_space<vmem>>) semaphore(%arg12 : memref<!tpu.dma_semaphore, #tpu.memory_space<semaphore_mem>>)
      %dma_start3A_351 = arith.constant 1 : i32
      %dma_start3A_352 = arith.constant 1 : i32
      %dma_start3A_353 = arith.constant 128 : i32
      %dma_start3A_354 = arith.constant 0 : i32
      %dma_start3A_355 = tpu.memref_slice %arg8[%dma_start3A_353, %dma_start3A_354] : memref<256x128xf32, #tpu.memory_space<vmem>> -> memref<128x128xf32, #tpu.memory_space<vmem>>
      %dma_start3A_356 = arith.constant 0 : i32
      %dma_start3A_357 = tpu.memref_slice %arg6[%dma_start3A_351, %dma_start3A_352, %dma_start3A_356] : memref<2x8x128xi32, #tpu.memory_space<vmem>> -> memref<1x1x128xi32, #tpu.memory_space<vmem>>
      %dma_start3A_358 = tpu.memref_squeeze %dma_start3A_357 : memref<1x1x128xi32, #tpu.memory_space<vmem>> -> memref<128xi32, #tpu.memory_space<vmem>>
      %dma_start3A_359 = arith.constant 0 : i32
      %dma_start3A_360 = arith.constant 0 : i32
      %dma_start3A_361 = tpu.memref_slice %arg2[%dma_start3A_359, %dma_start3A_360] : memref<10000x128xf32, #tpu.memory_space<hbm>> -> memref<10000x128xf32, #tpu.memory_space<hbm>>
      tpu.enqueue_indirect_dma source(%dma_start3A_361 : memref<10000x128xf32, #tpu.memory_space<hbm>>) target(%dma_start3A_355 : memref<128x128xf32, #tpu.memory_space<vmem>>) offsets(%dma_start3A_358 : memref<128xi32, #tpu.memory_space<vmem>>) semaphore(%arg13 : memref<!tpu.dma_semaphore, #tpu.memory_space<semaphore_mem>>)
      %dma_wait3A_362 = arith.constant 1 : i32
      %dma_wait3A_363 = arith.constant 0 : i32
      %dma_wait3A_364 = arith.constant 0 : i32
      %dma_wait3A_365 = arith.constant 0 : i32
      %dma_wait3A_366 = tpu.memref_slice %arg8[%dma_wait3A_364, %dma_wait3A_365] : memref<256x128xf32, #tpu.memory_space<vmem>> -> memref<128x128xf32, #tpu.memory_space<vmem>>
      %dma_wait3A_367 = arith.constant 0 : i32
      %dma_wait3A_368 = tpu.memref_slice %arg6[%dma_wait3A_362, %dma_wait3A_363, %dma_wait3A_367] : memref<2x8x128xi32, #tpu.memory_space<vmem>> -> memref<1x1x128xi32, #tpu.memory_space<vmem>>
      %dma_wait3A_369 = tpu.memref_squeeze %dma_wait3A_368 : memref<1x1x128xi32, #tpu.memory_space<vmem>> -> memref<128xi32, #tpu.memory_space<vmem>>
      %dma_wait3A_370 = arith.constant 0 : i32
      %dma_wait3A_371 = arith.constant 0 : i32
      %dma_wait3A_372 = tpu.memref_slice %arg2[%dma_wait3A_370, %dma_wait3A_371] : memref<10000x128xf32, #tpu.memory_space<hbm>> -> memref<10000x128xf32, #tpu.memory_space<hbm>>
      tpu.wait_indirect_dma semaphore(%arg12 : memref<!tpu.dma_semaphore, #tpu.memory_space<semaphore_mem>>) src(%dma_wait3A_372 : memref<10000x128xf32, #tpu.memory_space<hbm>>) dst(%dma_wait3A_366 : memref<128x128xf32, #tpu.memory_space<vmem>>)
      %run_scoped3A_373 = arith.constant 1 : i32
      %run_scoped3A_374 = arith.constant 0 : i32
      "tpu.region"() ({
        %run_scoped3A_532 = tpu.sem_alloc : memref<!tpu.dma_semaphore, #tpu.memory_space<semaphore_mem>>
        %dma_start3A_533 = arith.constant 0 : i32
        %dma_start3A_534 = arith.constant 0 : i32
        %dma_start3A_535 = tpu.memref_slice %arg8[%dma_start3A_533, %dma_start3A_534] : memref<256x128xf32, #tpu.memory_space<vmem>> -> memref<128x128xf32, #tpu.memory_space<vmem>>
        %dma_start3A_536 = arith.constant 0 : i32
        %dma_start3A_537 = tpu.memref_slice %arg7[%run_scoped3A_373, %run_scoped3A_374, %dma_start3A_536] : memref<2x8x128xi32, #tpu.memory_space<vmem>> -> memref<1x1x128xi32, #tpu.memory_space<vmem>>
        %dma_start3A_538 = tpu.memref_squeeze %dma_start3A_537 : memref<1x1x128xi32, #tpu.memory_space<vmem>> -> memref<128xi32, #tpu.memory_space<vmem>>
        %dma_start3A_539 = arith.constant 0 : i32
        %dma_start3A_540 = arith.constant 0 : i32
        %dma_start3A_541 = tpu.memref_slice %arg9[%dma_start3A_539, %dma_start3A_540] : memref<10240x128xf32, #tpu.memory_space<vmem_shared>> -> memref<10240x128xf32, #tpu.memory_space<vmem_shared>>
        tpu.enqueue_indirect_dma source(%dma_start3A_535 : memref<128x128xf32, #tpu.memory_space<vmem>>) target(%dma_start3A_541 : memref<10240x128xf32, #tpu.memory_space<vmem_shared>>) offsets(%dma_start3A_538 : memref<128xi32, #tpu.memory_space<vmem>>) semaphore(%run_scoped3A_532 : memref<!tpu.dma_semaphore, #tpu.memory_space<semaphore_mem>>) {add = true}
        %dma_wait3A_542 = arith.constant 0 : i32
        %dma_wait3A_543 = arith.constant 0 : i32
        %dma_wait3A_544 = tpu.memref_slice %arg8[%dma_wait3A_542, %dma_wait3A_543] : memref<256x128xf32, #tpu.memory_space<vmem>> -> memref<128x128xf32, #tpu.memory_space<vmem>>
        %dma_wait3A_545 = arith.constant 0 : i32
        %dma_wait3A_546 = tpu.memref_slice %arg7[%run_scoped3A_373, %run_scoped3A_374, %dma_wait3A_545] : memref<2x8x128xi32, #tpu.memory_space<vmem>> -> memref<1x1x128xi32, #tpu.memory_space<vmem>>
        %dma_wait3A_547 = tpu.memref_squeeze %dma_wait3A_546 : memref<1x1x128xi32, #tpu.memory_space<vmem>> -> memref<128xi32, #tpu.memory_space<vmem>>
        %dma_wait3A_548 = arith.constant 0 : i32
        %dma_wait3A_549 = arith.constant 0 : i32
        %dma_wait3A_550 = tpu.memref_slice %arg9[%dma_wait3A_548, %dma_wait3A_549] : memref<10240x128xf32, #tpu.memory_space<vmem_shared>> -> memref<10240x128xf32, #tpu.memory_space<vmem_shared>>
        tpu.wait_indirect_dma semaphore(%run_scoped3A_532 : memref<!tpu.dma_semaphore, #tpu.memory_space<semaphore_mem>>) src(%dma_wait3A_544 : memref<128x128xf32, #tpu.memory_space<vmem>>) dst(%dma_wait3A_550 : memref<10240x128xf32, #tpu.memory_space<vmem_shared>>)
        tpu.yield
      }) : () -> ()
      %dma_start3A_375 = arith.constant 1 : i32
      %dma_start3A_376 = arith.constant 2 : i32
      %dma_start3A_377 = arith.constant 0 : i32
      %dma_start3A_378 = arith.constant 0 : i32
      %dma_start3A_379 = tpu.memref_slice %arg8[%dma_start3A_377, %dma_start3A_378] : memref<256x128xf32, #tpu.memory_space<vmem>> -> memref<128x128xf32, #tpu.memory_space<vmem>>
      %dma_start3A_380 = arith.constant 0 : i32
      %dma_start3A_381 = tpu.memref_slice %arg6[%dma_start3A_375, %dma_start3A_376, %dma_start3A_380] : memref<2x8x128xi32, #tpu.memory_space<vmem>> -> memref<1x1x128xi32, #tpu.memory_space<vmem>>
      %dma_start3A_382 = tpu.memref_squeeze %dma_start3A_381 : memref<1x1x128xi32, #tpu.memory_space<vmem>> -> memref<128xi32, #tpu.memory_space<vmem>>
      %dma_start3A_383 = arith.constant 0 : i32
      %dma_start3A_384 = arith.constant 0 : i32
      %dma_start3A_385 = tpu.memref_slice %arg2[%dma_start3A_383, %dma_start3A_384] : memref<10000x128xf32, #tpu.memory_space<hbm>> -> memref<10000x128xf32, #tpu.memory_space<hbm>>
      tpu.enqueue_indirect_dma source(%dma_start3A_385 : memref<10000x128xf32, #tpu.memory_space<hbm>>) target(%dma_start3A_379 : memref<128x128xf32, #tpu.memory_space<vmem>>) offsets(%dma_start3A_382 : memref<128xi32, #tpu.memory_space<vmem>>) semaphore(%arg12 : memref<!tpu.dma_semaphore, #tpu.memory_space<semaphore_mem>>)
      %dma_wait3A_386 = arith.constant 1 : i32
      %dma_wait3A_387 = arith.constant 1 : i32
      %dma_wait3A_388 = arith.constant 128 : i32
      %dma_wait3A_389 = arith.constant 0 : i32
      %dma_wait3A_390 = tpu.memref_slice %arg8[%dma_wait3A_388, %dma_wait3A_389] : memref<256x128xf32, #tpu.memory_space<vmem>> -> memref<128x128xf32, #tpu.memory_space<vmem>>
      %dma_wait3A_391 = arith.constant 0 : i32
      %dma_wait3A_392 = tpu.memref_slice %arg6[%dma_wait3A_386, %dma_wait3A_387, %dma_wait3A_391] : memref<2x8x128xi32, #tpu.memory_space<vmem>> -> memref<1x1x128xi32, #tpu.memory_space<vmem>>
      %dma_wait3A_393 = tpu.memref_squeeze %dma_wait3A_392 : memref<1x1x128xi32, #tpu.memory_space<vmem>> -> memref<128xi32, #tpu.memory_space<vmem>>
      %dma_wait3A_394 = arith.constant 0 : i32
      %dma_wait3A_395 = arith.constant 0 : i32
      %dma_wait3A_396 = tpu.memref_slice %arg2[%dma_wait3A_394, %dma_wait3A_395] : memref<10000x128xf32, #tpu.memory_space<hbm>> -> memref<10000x128xf32, #tpu.memory_space<hbm>>
      tpu.wait_indirect_dma semaphore(%arg13 : memref<!tpu.dma_semaphore, #tpu.memory_space<semaphore_mem>>) src(%dma_wait3A_396 : memref<10000x128xf32, #tpu.memory_space<hbm>>) dst(%dma_wait3A_390 : memref<128x128xf32, #tpu.memory_space<vmem>>)
      %run_scoped3A_397 = arith.constant 1 : i32
      %run_scoped3A_398 = arith.constant 1 : i32
      "tpu.region"() ({
        %run_scoped3A_532 = tpu.sem_alloc : memref<!tpu.dma_semaphore, #tpu.memory_space<semaphore_mem>>
        %dma_start3A_533 = arith.constant 128 : i32
        %dma_start3A_534 = arith.constant 0 : i32
        %dma_start3A_535 = tpu.memref_slice %arg8[%dma_start3A_533, %dma_start3A_534] : memref<256x128xf32, #tpu.memory_space<vmem>> -> memref<128x128xf32, #tpu.memory_space<vmem>>
        %dma_start3A_536 = arith.constant 0 : i32
        %dma_start3A_537 = tpu.memref_slice %arg7[%run_scoped3A_397, %run_scoped3A_398, %dma_start3A_536] : memref<2x8x128xi32, #tpu.memory_space<vmem>> -> memref<1x1x128xi32, #tpu.memory_space<vmem>>
        %dma_start3A_538 = tpu.memref_squeeze %dma_start3A_537 : memref<1x1x128xi32, #tpu.memory_space<vmem>> -> memref<128xi32, #tpu.memory_space<vmem>>
        %dma_start3A_539 = arith.constant 0 : i32
        %dma_start3A_540 = arith.constant 0 : i32
        %dma_start3A_541 = tpu.memref_slice %arg9[%dma_start3A_539, %dma_start3A_540] : memref<10240x128xf32, #tpu.memory_space<vmem_shared>> -> memref<10240x128xf32, #tpu.memory_space<vmem_shared>>
        tpu.enqueue_indirect_dma source(%dma_start3A_535 : memref<128x128xf32, #tpu.memory_space<vmem>>) target(%dma_start3A_541 : memref<10240x128xf32, #tpu.memory_space<vmem_shared>>) offsets(%dma_start3A_538 : memref<128xi32, #tpu.memory_space<vmem>>) semaphore(%run_scoped3A_532 : memref<!tpu.dma_semaphore, #tpu.memory_space<semaphore_mem>>) {add = true}
        %dma_wait3A_542 = arith.constant 128 : i32
        %dma_wait3A_543 = arith.constant 0 : i32
        %dma_wait3A_544 = tpu.memref_slice %arg8[%dma_wait3A_542, %dma_wait3A_543] : memref<256x128xf32, #tpu.memory_space<vmem>> -> memref<128x128xf32, #tpu.memory_space<vmem>>
        %dma_wait3A_545 = arith.constant 0 : i32
        %dma_wait3A_546 = tpu.memref_slice %arg7[%run_scoped3A_397, %run_scoped3A_398, %dma_wait3A_545] : memref<2x8x128xi32, #tpu.memory_space<vmem>> -> memref<1x1x128xi32, #tpu.memory_space<vmem>>
        %dma_wait3A_547 = tpu.memref_squeeze %dma_wait3A_546 : memref<1x1x128xi32, #tpu.memory_space<vmem>> -> memref<128xi32, #tpu.memory_space<vmem>>
        %dma_wait3A_548 = arith.constant 0 : i32
        %dma_wait3A_549 = arith.constant 0 : i32
        %dma_wait3A_550 = tpu.memref_slice %arg9[%dma_wait3A_548, %dma_wait3A_549] : memref<10240x128xf32, #tpu.memory_space<vmem_shared>> -> memref<10240x128xf32, #tpu.memory_space<vmem_shared>>
        tpu.wait_indirect_dma semaphore(%run_scoped3A_532 : memref<!tpu.dma_semaphore, #tpu.memory_space<semaphore_mem>>) src(%dma_wait3A_544 : memref<128x128xf32, #tpu.memory_space<vmem>>) dst(%dma_wait3A_550 : memref<10240x128xf32, #tpu.memory_space<vmem_shared>>)
        tpu.yield
      }) : () -> ()
      %dma_start3A_399 = arith.constant 1 : i32
      %dma_start3A_400 = arith.constant 3 : i32
      %dma_start3A_401 = arith.constant 128 : i32
      %dma_start3A_402 = arith.constant 0 : i32
      %dma_start3A_403 = tpu.memref_slice %arg8[%dma_start3A_401, %dma_start3A_402] : memref<256x128xf32, #tpu.memory_space<vmem>> -> memref<128x128xf32, #tpu.memory_space<vmem>>
      %dma_start3A_404 = arith.constant 0 : i32
      %dma_start3A_405 = tpu.memref_slice %arg6[%dma_start3A_399, %dma_start3A_400, %dma_start3A_404] : memref<2x8x128xi32, #tpu.memory_space<vmem>> -> memref<1x1x128xi32, #tpu.memory_space<vmem>>
      %dma_start3A_406 = tpu.memref_squeeze %dma_start3A_405 : memref<1x1x128xi32, #tpu.memory_space<vmem>> -> memref<128xi32, #tpu.memory_space<vmem>>
      %dma_start3A_407 = arith.constant 0 : i32
      %dma_start3A_408 = arith.constant 0 : i32
      %dma_start3A_409 = tpu.memref_slice %arg2[%dma_start3A_407, %dma_start3A_408] : memref<10000x128xf32, #tpu.memory_space<hbm>> -> memref<10000x128xf32, #tpu.memory_space<hbm>>
      tpu.enqueue_indirect_dma source(%dma_start3A_409 : memref<10000x128xf32, #tpu.memory_space<hbm>>) target(%dma_start3A_403 : memref<128x128xf32, #tpu.memory_space<vmem>>) offsets(%dma_start3A_406 : memref<128xi32, #tpu.memory_space<vmem>>) semaphore(%arg13 : memref<!tpu.dma_semaphore, #tpu.memory_space<semaphore_mem>>)
      %dma_wait3A_410 = arith.constant 1 : i32
      %dma_wait3A_411 = arith.constant 2 : i32
      %dma_wait3A_412 = arith.constant 0 : i32
      %dma_wait3A_413 = arith.constant 0 : i32
      %dma_wait3A_414 = tpu.memref_slice %arg8[%dma_wait3A_412, %dma_wait3A_413] : memref<256x128xf32, #tpu.memory_space<vmem>> -> memref<128x128xf32, #tpu.memory_space<vmem>>
      %dma_wait3A_415 = arith.constant 0 : i32
      %dma_wait3A_416 = tpu.memref_slice %arg6[%dma_wait3A_410, %dma_wait3A_411, %dma_wait3A_415] : memref<2x8x128xi32, #tpu.memory_space<vmem>> -> memref<1x1x128xi32, #tpu.memory_space<vmem>>
      %dma_wait3A_417 = tpu.memref_squeeze %dma_wait3A_416 : memref<1x1x128xi32, #tpu.memory_space<vmem>> -> memref<128xi32, #tpu.memory_space<vmem>>
      %dma_wait3A_418 = arith.constant 0 : i32
      %dma_wait3A_419 = arith.constant 0 : i32
      %dma_wait3A_420 = tpu.memref_slice %arg2[%dma_wait3A_418, %dma_wait3A_419] : memref<10000x128xf32, #tpu.memory_space<hbm>> -> memref<10000x128xf32, #tpu.memory_space<hbm>>
      tpu.wait_indirect_dma semaphore(%arg12 : memref<!tpu.dma_semaphore, #tpu.memory_space<semaphore_mem>>) src(%dma_wait3A_420 : memref<10000x128xf32, #tpu.memory_space<hbm>>) dst(%dma_wait3A_414 : memref<128x128xf32, #tpu.memory_space<vmem>>)
      %run_scoped3A_421 = arith.constant 1 : i32
      %run_scoped3A_422 = arith.constant 2 : i32
      "tpu.region"() ({
        %run_scoped3A_532 = tpu.sem_alloc : memref<!tpu.dma_semaphore, #tpu.memory_space<semaphore_mem>>
        %dma_start3A_533 = arith.constant 0 : i32
        %dma_start3A_534 = arith.constant 0 : i32
        %dma_start3A_535 = tpu.memref_slice %arg8[%dma_start3A_533, %dma_start3A_534] : memref<256x128xf32, #tpu.memory_space<vmem>> -> memref<128x128xf32, #tpu.memory_space<vmem>>
        %dma_start3A_536 = arith.constant 0 : i32
        %dma_start3A_537 = tpu.memref_slice %arg7[%run_scoped3A_421, %run_scoped3A_422, %dma_start3A_536] : memref<2x8x128xi32, #tpu.memory_space<vmem>> -> memref<1x1x128xi32, #tpu.memory_space<vmem>>
        %dma_start3A_538 = tpu.memref_squeeze %dma_start3A_537 : memref<1x1x128xi32, #tpu.memory_space<vmem>> -> memref<128xi32, #tpu.memory_space<vmem>>
        %dma_start3A_539 = arith.constant 0 : i32
        %dma_start3A_540 = arith.constant 0 : i32
        %dma_start3A_541 = tpu.memref_slice %arg9[%dma_start3A_539, %dma_start3A_540] : memref<10240x128xf32, #tpu.memory_space<vmem_shared>> -> memref<10240x128xf32, #tpu.memory_space<vmem_shared>>
        tpu.enqueue_indirect_dma source(%dma_start3A_535 : memref<128x128xf32, #tpu.memory_space<vmem>>) target(%dma_start3A_541 : memref<10240x128xf32, #tpu.memory_space<vmem_shared>>) offsets(%dma_start3A_538 : memref<128xi32, #tpu.memory_space<vmem>>) semaphore(%run_scoped3A_532 : memref<!tpu.dma_semaphore, #tpu.memory_space<semaphore_mem>>) {add = true}
        %dma_wait3A_542 = arith.constant 0 : i32
        %dma_wait3A_543 = arith.constant 0 : i32
        %dma_wait3A_544 = tpu.memref_slice %arg8[%dma_wait3A_542, %dma_wait3A_543] : memref<256x128xf32, #tpu.memory_space<vmem>> -> memref<128x128xf32, #tpu.memory_space<vmem>>
        %dma_wait3A_545 = arith.constant 0 : i32
        %dma_wait3A_546 = tpu.memref_slice %arg7[%run_scoped3A_421, %run_scoped3A_422, %dma_wait3A_545] : memref<2x8x128xi32, #tpu.memory_space<vmem>> -> memref<1x1x128xi32, #tpu.memory_space<vmem>>
        %dma_wait3A_547 = tpu.memref_squeeze %dma_wait3A_546 : memref<1x1x128xi32, #tpu.memory_space<vmem>> -> memref<128xi32, #tpu.memory_space<vmem>>
        %dma_wait3A_548 = arith.constant 0 : i32
        %dma_wait3A_549 = arith.constant 0 : i32
        %dma_wait3A_550 = tpu.memref_slice %arg9[%dma_wait3A_548, %dma_wait3A_549] : memref<10240x128xf32, #tpu.memory_space<vmem_shared>> -> memref<10240x128xf32, #tpu.memory_space<vmem_shared>>
        tpu.wait_indirect_dma semaphore(%run_scoped3A_532 : memref<!tpu.dma_semaphore, #tpu.memory_space<semaphore_mem>>) src(%dma_wait3A_544 : memref<128x128xf32, #tpu.memory_space<vmem>>) dst(%dma_wait3A_550 : memref<10240x128xf32, #tpu.memory_space<vmem_shared>>)
        tpu.yield
      }) : () -> ()
      %dma_start3A_423 = arith.constant 1 : i32
      %dma_start3A_424 = arith.constant 4 : i32
      %dma_start3A_425 = arith.constant 0 : i32
      %dma_start3A_426 = arith.constant 0 : i32
      %dma_start3A_427 = tpu.memref_slice %arg8[%dma_start3A_425, %dma_start3A_426] : memref<256x128xf32, #tpu.memory_space<vmem>> -> memref<128x128xf32, #tpu.memory_space<vmem>>
      %dma_start3A_428 = arith.constant 0 : i32
      %dma_start3A_429 = tpu.memref_slice %arg6[%dma_start3A_423, %dma_start3A_424, %dma_start3A_428] : memref<2x8x128xi32, #tpu.memory_space<vmem>> -> memref<1x1x128xi32, #tpu.memory_space<vmem>>
      %dma_start3A_430 = tpu.memref_squeeze %dma_start3A_429 : memref<1x1x128xi32, #tpu.memory_space<vmem>> -> memref<128xi32, #tpu.memory_space<vmem>>
      %dma_start3A_431 = arith.constant 0 : i32
      %dma_start3A_432 = arith.constant 0 : i32
      %dma_start3A_433 = tpu.memref_slice %arg2[%dma_start3A_431, %dma_start3A_432] : memref<10000x128xf32, #tpu.memory_space<hbm>> -> memref<10000x128xf32, #tpu.memory_space<hbm>>
      tpu.enqueue_indirect_dma source(%dma_start3A_433 : memref<10000x128xf32, #tpu.memory_space<hbm>>) target(%dma_start3A_427 : memref<128x128xf32, #tpu.memory_space<vmem>>) offsets(%dma_start3A_430 : memref<128xi32, #tpu.memory_space<vmem>>) semaphore(%arg12 : memref<!tpu.dma_semaphore, #tpu.memory_space<semaphore_mem>>)
      %dma_wait3A_434 = arith.constant 1 : i32
      %dma_wait3A_435 = arith.constant 3 : i32
      %dma_wait3A_436 = arith.constant 128 : i32
      %dma_wait3A_437 = arith.constant 0 : i32
      %dma_wait3A_438 = tpu.memref_slice %arg8[%dma_wait3A_436, %dma_wait3A_437] : memref<256x128xf32, #tpu.memory_space<vmem>> -> memref<128x128xf32, #tpu.memory_space<vmem>>
      %dma_wait3A_439 = arith.constant 0 : i32
      %dma_wait3A_440 = tpu.memref_slice %arg6[%dma_wait3A_434, %dma_wait3A_435, %dma_wait3A_439] : memref<2x8x128xi32, #tpu.memory_space<vmem>> -> memref<1x1x128xi32, #tpu.memory_space<vmem>>
      %dma_wait3A_441 = tpu.memref_squeeze %dma_wait3A_440 : memref<1x1x128xi32, #tpu.memory_space<vmem>> -> memref<128xi32, #tpu.memory_space<vmem>>
      %dma_wait3A_442 = arith.constant 0 : i32
      %dma_wait3A_443 = arith.constant 0 : i32
      %dma_wait3A_444 = tpu.memref_slice %arg2[%dma_wait3A_442, %dma_wait3A_443] : memref<10000x128xf32, #tpu.memory_space<hbm>> -> memref<10000x128xf32, #tpu.memory_space<hbm>>
      tpu.wait_indirect_dma semaphore(%arg13 : memref<!tpu.dma_semaphore, #tpu.memory_space<semaphore_mem>>) src(%dma_wait3A_444 : memref<10000x128xf32, #tpu.memory_space<hbm>>) dst(%dma_wait3A_438 : memref<128x128xf32, #tpu.memory_space<vmem>>)
      %run_scoped3A_445 = arith.constant 1 : i32
      %run_scoped3A_446 = arith.constant 3 : i32
      "tpu.region"() ({
        %run_scoped3A_532 = tpu.sem_alloc : memref<!tpu.dma_semaphore, #tpu.memory_space<semaphore_mem>>
        %dma_start3A_533 = arith.constant 128 : i32
        %dma_start3A_534 = arith.constant 0 : i32
        %dma_start3A_535 = tpu.memref_slice %arg8[%dma_start3A_533, %dma_start3A_534] : memref<256x128xf32, #tpu.memory_space<vmem>> -> memref<128x128xf32, #tpu.memory_space<vmem>>
        %dma_start3A_536 = arith.constant 0 : i32
        %dma_start3A_537 = tpu.memref_slice %arg7[%run_scoped3A_445, %run_scoped3A_446, %dma_start3A_536] : memref<2x8x128xi32, #tpu.memory_space<vmem>> -> memref<1x1x128xi32, #tpu.memory_space<vmem>>
        %dma_start3A_538 = tpu.memref_squeeze %dma_start3A_537 : memref<1x1x128xi32, #tpu.memory_space<vmem>> -> memref<128xi32, #tpu.memory_space<vmem>>
        %dma_start3A_539 = arith.constant 0 : i32
        %dma_start3A_540 = arith.constant 0 : i32
        %dma_start3A_541 = tpu.memref_slice %arg9[%dma_start3A_539, %dma_start3A_540] : memref<10240x128xf32, #tpu.memory_space<vmem_shared>> -> memref<10240x128xf32, #tpu.memory_space<vmem_shared>>
        tpu.enqueue_indirect_dma source(%dma_start3A_535 : memref<128x128xf32, #tpu.memory_space<vmem>>) target(%dma_start3A_541 : memref<10240x128xf32, #tpu.memory_space<vmem_shared>>) offsets(%dma_start3A_538 : memref<128xi32, #tpu.memory_space<vmem>>) semaphore(%run_scoped3A_532 : memref<!tpu.dma_semaphore, #tpu.memory_space<semaphore_mem>>) {add = true}
        %dma_wait3A_542 = arith.constant 128 : i32
        %dma_wait3A_543 = arith.constant 0 : i32
        %dma_wait3A_544 = tpu.memref_slice %arg8[%dma_wait3A_542, %dma_wait3A_543] : memref<256x128xf32, #tpu.memory_space<vmem>> -> memref<128x128xf32, #tpu.memory_space<vmem>>
        %dma_wait3A_545 = arith.constant 0 : i32
        %dma_wait3A_546 = tpu.memref_slice %arg7[%run_scoped3A_445, %run_scoped3A_446, %dma_wait3A_545] : memref<2x8x128xi32, #tpu.memory_space<vmem>> -> memref<1x1x128xi32, #tpu.memory_space<vmem>>
        %dma_wait3A_547 = tpu.memref_squeeze %dma_wait3A_546 : memref<1x1x128xi32, #tpu.memory_space<vmem>> -> memref<128xi32, #tpu.memory_space<vmem>>
        %dma_wait3A_548 = arith.constant 0 : i32
        %dma_wait3A_549 = arith.constant 0 : i32
        %dma_wait3A_550 = tpu.memref_slice %arg9[%dma_wait3A_548, %dma_wait3A_549] : memref<10240x128xf32, #tpu.memory_space<vmem_shared>> -> memref<10240x128xf32, #tpu.memory_space<vmem_shared>>
        tpu.wait_indirect_dma semaphore(%run_scoped3A_532 : memref<!tpu.dma_semaphore, #tpu.memory_space<semaphore_mem>>) src(%dma_wait3A_544 : memref<128x128xf32, #tpu.memory_space<vmem>>) dst(%dma_wait3A_550 : memref<10240x128xf32, #tpu.memory_space<vmem_shared>>)
        tpu.yield
      }) : () -> ()
      %dma_start3A_447 = arith.constant 1 : i32
      %dma_start3A_448 = arith.constant 5 : i32
      %dma_start3A_449 = arith.constant 128 : i32
      %dma_start3A_450 = arith.constant 0 : i32
      %dma_start3A_451 = tpu.memref_slice %arg8[%dma_start3A_449, %dma_start3A_450] : memref<256x128xf32, #tpu.memory_space<vmem>> -> memref<128x128xf32, #tpu.memory_space<vmem>>
      %dma_start3A_452 = arith.constant 0 : i32
      %dma_start3A_453 = tpu.memref_slice %arg6[%dma_start3A_447, %dma_start3A_448, %dma_start3A_452] : memref<2x8x128xi32, #tpu.memory_space<vmem>> -> memref<1x1x128xi32, #tpu.memory_space<vmem>>
      %dma_start3A_454 = tpu.memref_squeeze %dma_start3A_453 : memref<1x1x128xi32, #tpu.memory_space<vmem>> -> memref<128xi32, #tpu.memory_space<vmem>>
      %dma_start3A_455 = arith.constant 0 : i32
      %dma_start3A_456 = arith.constant 0 : i32
      %dma_start3A_457 = tpu.memref_slice %arg2[%dma_start3A_455, %dma_start3A_456] : memref<10000x128xf32, #tpu.memory_space<hbm>> -> memref<10000x128xf32, #tpu.memory_space<hbm>>
      tpu.enqueue_indirect_dma source(%dma_start3A_457 : memref<10000x128xf32, #tpu.memory_space<hbm>>) target(%dma_start3A_451 : memref<128x128xf32, #tpu.memory_space<vmem>>) offsets(%dma_start3A_454 : memref<128xi32, #tpu.memory_space<vmem>>) semaphore(%arg13 : memref<!tpu.dma_semaphore, #tpu.memory_space<semaphore_mem>>)
      %dma_wait3A_458 = arith.constant 1 : i32
      %dma_wait3A_459 = arith.constant 4 : i32
      %dma_wait3A_460 = arith.constant 0 : i32
      %dma_wait3A_461 = arith.constant 0 : i32
      %dma_wait3A_462 = tpu.memref_slice %arg8[%dma_wait3A_460, %dma_wait3A_461] : memref<256x128xf32, #tpu.memory_space<vmem>> -> memref<128x128xf32, #tpu.memory_space<vmem>>
      %dma_wait3A_463 = arith.constant 0 : i32
      %dma_wait3A_464 = tpu.memref_slice %arg6[%dma_wait3A_458, %dma_wait3A_459, %dma_wait3A_463] : memref<2x8x128xi32, #tpu.memory_space<vmem>> -> memref<1x1x128xi32, #tpu.memory_space<vmem>>
      %dma_wait3A_465 = tpu.memref_squeeze %dma_wait3A_464 : memref<1x1x128xi32, #tpu.memory_space<vmem>> -> memref<128xi32, #tpu.memory_space<vmem>>
      %dma_wait3A_466 = arith.constant 0 : i32
      %dma_wait3A_467 = arith.constant 0 : i32
      %dma_wait3A_468 = tpu.memref_slice %arg2[%dma_wait3A_466, %dma_wait3A_467] : memref<10000x128xf32, #tpu.memory_space<hbm>> -> memref<10000x128xf32, #tpu.memory_space<hbm>>
      tpu.wait_indirect_dma semaphore(%arg12 : memref<!tpu.dma_semaphore, #tpu.memory_space<semaphore_mem>>) src(%dma_wait3A_468 : memref<10000x128xf32, #tpu.memory_space<hbm>>) dst(%dma_wait3A_462 : memref<128x128xf32, #tpu.memory_space<vmem>>)
      %run_scoped3A_469 = arith.constant 1 : i32
      %run_scoped3A_470 = arith.constant 4 : i32
      "tpu.region"() ({
        %run_scoped3A_532 = tpu.sem_alloc : memref<!tpu.dma_semaphore, #tpu.memory_space<semaphore_mem>>
        %dma_start3A_533 = arith.constant 0 : i32
        %dma_start3A_534 = arith.constant 0 : i32
        %dma_start3A_535 = tpu.memref_slice %arg8[%dma_start3A_533, %dma_start3A_534] : memref<256x128xf32, #tpu.memory_space<vmem>> -> memref<128x128xf32, #tpu.memory_space<vmem>>
        %dma_start3A_536 = arith.constant 0 : i32
        %dma_start3A_537 = tpu.memref_slice %arg7[%run_scoped3A_469, %run_scoped3A_470, %dma_start3A_536] : memref<2x8x128xi32, #tpu.memory_space<vmem>> -> memref<1x1x128xi32, #tpu.memory_space<vmem>>
        %dma_start3A_538 = tpu.memref_squeeze %dma_start3A_537 : memref<1x1x128xi32, #tpu.memory_space<vmem>> -> memref<128xi32, #tpu.memory_space<vmem>>
        %dma_start3A_539 = arith.constant 0 : i32
        %dma_start3A_540 = arith.constant 0 : i32
        %dma_start3A_541 = tpu.memref_slice %arg9[%dma_start3A_539, %dma_start3A_540] : memref<10240x128xf32, #tpu.memory_space<vmem_shared>> -> memref<10240x128xf32, #tpu.memory_space<vmem_shared>>
        tpu.enqueue_indirect_dma source(%dma_start3A_535 : memref<128x128xf32, #tpu.memory_space<vmem>>) target(%dma_start3A_541 : memref<10240x128xf32, #tpu.memory_space<vmem_shared>>) offsets(%dma_start3A_538 : memref<128xi32, #tpu.memory_space<vmem>>) semaphore(%run_scoped3A_532 : memref<!tpu.dma_semaphore, #tpu.memory_space<semaphore_mem>>) {add = true}
        %dma_wait3A_542 = arith.constant 0 : i32
        %dma_wait3A_543 = arith.constant 0 : i32
        %dma_wait3A_544 = tpu.memref_slice %arg8[%dma_wait3A_542, %dma_wait3A_543] : memref<256x128xf32, #tpu.memory_space<vmem>> -> memref<128x128xf32, #tpu.memory_space<vmem>>
        %dma_wait3A_545 = arith.constant 0 : i32
        %dma_wait3A_546 = tpu.memref_slice %arg7[%run_scoped3A_469, %run_scoped3A_470, %dma_wait3A_545] : memref<2x8x128xi32, #tpu.memory_space<vmem>> -> memref<1x1x128xi32, #tpu.memory_space<vmem>>
        %dma_wait3A_547 = tpu.memref_squeeze %dma_wait3A_546 : memref<1x1x128xi32, #tpu.memory_space<vmem>> -> memref<128xi32, #tpu.memory_space<vmem>>
        %dma_wait3A_548 = arith.constant 0 : i32
        %dma_wait3A_549 = arith.constant 0 : i32
        %dma_wait3A_550 = tpu.memref_slice %arg9[%dma_wait3A_548, %dma_wait3A_549] : memref<10240x128xf32, #tpu.memory_space<vmem_shared>> -> memref<10240x128xf32, #tpu.memory_space<vmem_shared>>
        tpu.wait_indirect_dma semaphore(%run_scoped3A_532 : memref<!tpu.dma_semaphore, #tpu.memory_space<semaphore_mem>>) src(%dma_wait3A_544 : memref<128x128xf32, #tpu.memory_space<vmem>>) dst(%dma_wait3A_550 : memref<10240x128xf32, #tpu.memory_space<vmem_shared>>)
        tpu.yield
      }) : () -> ()
      %dma_start3A_471 = arith.constant 1 : i32
      %dma_start3A_472 = arith.constant 6 : i32
      %dma_start3A_473 = arith.constant 0 : i32
      %dma_start3A_474 = arith.constant 0 : i32
      %dma_start3A_475 = tpu.memref_slice %arg8[%dma_start3A_473, %dma_start3A_474] : memref<256x128xf32, #tpu.memory_space<vmem>> -> memref<128x128xf32, #tpu.memory_space<vmem>>
      %dma_start3A_476 = arith.constant 0 : i32
      %dma_start3A_477 = tpu.memref_slice %arg6[%dma_start3A_471, %dma_start3A_472, %dma_start3A_476] : memref<2x8x128xi32, #tpu.memory_space<vmem>> -> memref<1x1x128xi32, #tpu.memory_space<vmem>>
      %dma_start3A_478 = tpu.memref_squeeze %dma_start3A_477 : memref<1x1x128xi32, #tpu.memory_space<vmem>> -> memref<128xi32, #tpu.memory_space<vmem>>
      %dma_start3A_479 = arith.constant 0 : i32
      %dma_start3A_480 = arith.constant 0 : i32
      %dma_start3A_481 = tpu.memref_slice %arg2[%dma_start3A_479, %dma_start3A_480] : memref<10000x128xf32, #tpu.memory_space<hbm>> -> memref<10000x128xf32, #tpu.memory_space<hbm>>
      tpu.enqueue_indirect_dma source(%dma_start3A_481 : memref<10000x128xf32, #tpu.memory_space<hbm>>) target(%dma_start3A_475 : memref<128x128xf32, #tpu.memory_space<vmem>>) offsets(%dma_start3A_478 : memref<128xi32, #tpu.memory_space<vmem>>) semaphore(%arg12 : memref<!tpu.dma_semaphore, #tpu.memory_space<semaphore_mem>>)
      %dma_wait3A_482 = arith.constant 1 : i32
      %dma_wait3A_483 = arith.constant 5 : i32
      %dma_wait3A_484 = arith.constant 128 : i32
      %dma_wait3A_485 = arith.constant 0 : i32
      %dma_wait3A_486 = tpu.memref_slice %arg8[%dma_wait3A_484, %dma_wait3A_485] : memref<256x128xf32, #tpu.memory_space<vmem>> -> memref<128x128xf32, #tpu.memory_space<vmem>>
      %dma_wait3A_487 = arith.constant 0 : i32
      %dma_wait3A_488 = tpu.memref_slice %arg6[%dma_wait3A_482, %dma_wait3A_483, %dma_wait3A_487] : memref<2x8x128xi32, #tpu.memory_space<vmem>> -> memref<1x1x128xi32, #tpu.memory_space<vmem>>
      %dma_wait3A_489 = tpu.memref_squeeze %dma_wait3A_488 : memref<1x1x128xi32, #tpu.memory_space<vmem>> -> memref<128xi32, #tpu.memory_space<vmem>>
      %dma_wait3A_490 = arith.constant 0 : i32
      %dma_wait3A_491 = arith.constant 0 : i32
      %dma_wait3A_492 = tpu.memref_slice %arg2[%dma_wait3A_490, %dma_wait3A_491] : memref<10000x128xf32, #tpu.memory_space<hbm>> -> memref<10000x128xf32, #tpu.memory_space<hbm>>
      tpu.wait_indirect_dma semaphore(%arg13 : memref<!tpu.dma_semaphore, #tpu.memory_space<semaphore_mem>>) src(%dma_wait3A_492 : memref<10000x128xf32, #tpu.memory_space<hbm>>) dst(%dma_wait3A_486 : memref<128x128xf32, #tpu.memory_space<vmem>>)
      %run_scoped3A_493 = arith.constant 1 : i32
      %run_scoped3A_494 = arith.constant 5 : i32
      "tpu.region"() ({
        %run_scoped3A_532 = tpu.sem_alloc : memref<!tpu.dma_semaphore, #tpu.memory_space<semaphore_mem>>
        %dma_start3A_533 = arith.constant 128 : i32
        %dma_start3A_534 = arith.constant 0 : i32
        %dma_start3A_535 = tpu.memref_slice %arg8[%dma_start3A_533, %dma_start3A_534] : memref<256x128xf32, #tpu.memory_space<vmem>> -> memref<128x128xf32, #tpu.memory_space<vmem>>
        %dma_start3A_536 = arith.constant 0 : i32
        %dma_start3A_537 = tpu.memref_slice %arg7[%run_scoped3A_493, %run_scoped3A_494, %dma_start3A_536] : memref<2x8x128xi32, #tpu.memory_space<vmem>> -> memref<1x1x128xi32, #tpu.memory_space<vmem>>
        %dma_start3A_538 = tpu.memref_squeeze %dma_start3A_537 : memref<1x1x128xi32, #tpu.memory_space<vmem>> -> memref<128xi32, #tpu.memory_space<vmem>>
        %dma_start3A_539 = arith.constant 0 : i32
        %dma_start3A_540 = arith.constant 0 : i32
        %dma_start3A_541 = tpu.memref_slice %arg9[%dma_start3A_539, %dma_start3A_540] : memref<10240x128xf32, #tpu.memory_space<vmem_shared>> -> memref<10240x128xf32, #tpu.memory_space<vmem_shared>>
        tpu.enqueue_indirect_dma source(%dma_start3A_535 : memref<128x128xf32, #tpu.memory_space<vmem>>) target(%dma_start3A_541 : memref<10240x128xf32, #tpu.memory_space<vmem_shared>>) offsets(%dma_start3A_538 : memref<128xi32, #tpu.memory_space<vmem>>) semaphore(%run_scoped3A_532 : memref<!tpu.dma_semaphore, #tpu.memory_space<semaphore_mem>>) {add = true}
        %dma_wait3A_542 = arith.constant 128 : i32
        %dma_wait3A_543 = arith.constant 0 : i32
        %dma_wait3A_544 = tpu.memref_slice %arg8[%dma_wait3A_542, %dma_wait3A_543] : memref<256x128xf32, #tpu.memory_space<vmem>> -> memref<128x128xf32, #tpu.memory_space<vmem>>
        %dma_wait3A_545 = arith.constant 0 : i32
        %dma_wait3A_546 = tpu.memref_slice %arg7[%run_scoped3A_493, %run_scoped3A_494, %dma_wait3A_545] : memref<2x8x128xi32, #tpu.memory_space<vmem>> -> memref<1x1x128xi32, #tpu.memory_space<vmem>>
        %dma_wait3A_547 = tpu.memref_squeeze %dma_wait3A_546 : memref<1x1x128xi32, #tpu.memory_space<vmem>> -> memref<128xi32, #tpu.memory_space<vmem>>
        %dma_wait3A_548 = arith.constant 0 : i32
        %dma_wait3A_549 = arith.constant 0 : i32
        %dma_wait3A_550 = tpu.memref_slice %arg9[%dma_wait3A_548, %dma_wait3A_549] : memref<10240x128xf32, #tpu.memory_space<vmem_shared>> -> memref<10240x128xf32, #tpu.memory_space<vmem_shared>>
        tpu.wait_indirect_dma semaphore(%run_scoped3A_532 : memref<!tpu.dma_semaphore, #tpu.memory_space<semaphore_mem>>) src(%dma_wait3A_544 : memref<128x128xf32, #tpu.memory_space<vmem>>) dst(%dma_wait3A_550 : memref<10240x128xf32, #tpu.memory_space<vmem_shared>>)
        tpu.yield
      }) : () -> ()
      %dma_start3A_495 = arith.constant 1 : i32
      %dma_start3A_496 = arith.constant 7 : i32
      %dma_start3A_497 = arith.constant 128 : i32
      %dma_start3A_498 = arith.constant 0 : i32
      %dma_start3A_499 = tpu.memref_slice %arg8[%dma_start3A_497, %dma_start3A_498] : memref<256x128xf32, #tpu.memory_space<vmem>> -> memref<128x128xf32, #tpu.memory_space<vmem>>
      %dma_start3A_500 = arith.constant 0 : i32
      %dma_start3A_501 = tpu.memref_slice %arg6[%dma_start3A_495, %dma_start3A_496, %dma_start3A_500] : memref<2x8x128xi32, #tpu.memory_space<vmem>> -> memref<1x1x128xi32, #tpu.memory_space<vmem>>
      %dma_start3A_502 = tpu.memref_squeeze %dma_start3A_501 : memref<1x1x128xi32, #tpu.memory_space<vmem>> -> memref<128xi32, #tpu.memory_space<vmem>>
      %dma_start3A_503 = arith.constant 0 : i32
      %dma_start3A_504 = arith.constant 0 : i32
      %dma_start3A_505 = tpu.memref_slice %arg2[%dma_start3A_503, %dma_start3A_504] : memref<10000x128xf32, #tpu.memory_space<hbm>> -> memref<10000x128xf32, #tpu.memory_space<hbm>>
      tpu.enqueue_indirect_dma source(%dma_start3A_505 : memref<10000x128xf32, #tpu.memory_space<hbm>>) target(%dma_start3A_499 : memref<128x128xf32, #tpu.memory_space<vmem>>) offsets(%dma_start3A_502 : memref<128xi32, #tpu.memory_space<vmem>>) semaphore(%arg13 : memref<!tpu.dma_semaphore, #tpu.memory_space<semaphore_mem>>)
      %dma_wait3A_506 = arith.constant 1 : i32
      %dma_wait3A_507 = arith.constant 6 : i32
      %dma_wait3A_508 = arith.constant 0 : i32
      %dma_wait3A_509 = arith.constant 0 : i32
      %dma_wait3A_510 = tpu.memref_slice %arg8[%dma_wait3A_508, %dma_wait3A_509] : memref<256x128xf32, #tpu.memory_space<vmem>> -> memref<128x128xf32, #tpu.memory_space<vmem>>
      %dma_wait3A_511 = arith.constant 0 : i32
      %dma_wait3A_512 = tpu.memref_slice %arg6[%dma_wait3A_506, %dma_wait3A_507, %dma_wait3A_511] : memref<2x8x128xi32, #tpu.memory_space<vmem>> -> memref<1x1x128xi32, #tpu.memory_space<vmem>>
      %dma_wait3A_513 = tpu.memref_squeeze %dma_wait3A_512 : memref<1x1x128xi32, #tpu.memory_space<vmem>> -> memref<128xi32, #tpu.memory_space<vmem>>
      %dma_wait3A_514 = arith.constant 0 : i32
      %dma_wait3A_515 = arith.constant 0 : i32
      %dma_wait3A_516 = tpu.memref_slice %arg2[%dma_wait3A_514, %dma_wait3A_515] : memref<10000x128xf32, #tpu.memory_space<hbm>> -> memref<10000x128xf32, #tpu.memory_space<hbm>>
      tpu.wait_indirect_dma semaphore(%arg12 : memref<!tpu.dma_semaphore, #tpu.memory_space<semaphore_mem>>) src(%dma_wait3A_516 : memref<10000x128xf32, #tpu.memory_space<hbm>>) dst(%dma_wait3A_510 : memref<128x128xf32, #tpu.memory_space<vmem>>)
      %run_scoped3A_517 = arith.constant 1 : i32
      %run_scoped3A_518 = arith.constant 6 : i32
      "tpu.region"() ({
        %run_scoped3A_532 = tpu.sem_alloc : memref<!tpu.dma_semaphore, #tpu.memory_space<semaphore_mem>>
        %dma_start3A_533 = arith.constant 0 : i32
        %dma_start3A_534 = arith.constant 0 : i32
        %dma_start3A_535 = tpu.memref_slice %arg8[%dma_start3A_533, %dma_start3A_534] : memref<256x128xf32, #tpu.memory_space<vmem>> -> memref<128x128xf32, #tpu.memory_space<vmem>>
        %dma_start3A_536 = arith.constant 0 : i32
        %dma_start3A_537 = tpu.memref_slice %arg7[%run_scoped3A_517, %run_scoped3A_518, %dma_start3A_536] : memref<2x8x128xi32, #tpu.memory_space<vmem>> -> memref<1x1x128xi32, #tpu.memory_space<vmem>>
        %dma_start3A_538 = tpu.memref_squeeze %dma_start3A_537 : memref<1x1x128xi32, #tpu.memory_space<vmem>> -> memref<128xi32, #tpu.memory_space<vmem>>
        %dma_start3A_539 = arith.constant 0 : i32
        %dma_start3A_540 = arith.constant 0 : i32
        %dma_start3A_541 = tpu.memref_slice %arg9[%dma_start3A_539, %dma_start3A_540] : memref<10240x128xf32, #tpu.memory_space<vmem_shared>> -> memref<10240x128xf32, #tpu.memory_space<vmem_shared>>
        tpu.enqueue_indirect_dma source(%dma_start3A_535 : memref<128x128xf32, #tpu.memory_space<vmem>>) target(%dma_start3A_541 : memref<10240x128xf32, #tpu.memory_space<vmem_shared>>) offsets(%dma_start3A_538 : memref<128xi32, #tpu.memory_space<vmem>>) semaphore(%run_scoped3A_532 : memref<!tpu.dma_semaphore, #tpu.memory_space<semaphore_mem>>) {add = true}
        %dma_wait3A_542 = arith.constant 0 : i32
        %dma_wait3A_543 = arith.constant 0 : i32
        %dma_wait3A_544 = tpu.memref_slice %arg8[%dma_wait3A_542, %dma_wait3A_543] : memref<256x128xf32, #tpu.memory_space<vmem>> -> memref<128x128xf32, #tpu.memory_space<vmem>>
        %dma_wait3A_545 = arith.constant 0 : i32
        %dma_wait3A_546 = tpu.memref_slice %arg7[%run_scoped3A_517, %run_scoped3A_518, %dma_wait3A_545] : memref<2x8x128xi32, #tpu.memory_space<vmem>> -> memref<1x1x128xi32, #tpu.memory_space<vmem>>
        %dma_wait3A_547 = tpu.memref_squeeze %dma_wait3A_546 : memref<1x1x128xi32, #tpu.memory_space<vmem>> -> memref<128xi32, #tpu.memory_space<vmem>>
        %dma_wait3A_548 = arith.constant 0 : i32
        %dma_wait3A_549 = arith.constant 0 : i32
        %dma_wait3A_550 = tpu.memref_slice %arg9[%dma_wait3A_548, %dma_wait3A_549] : memref<10240x128xf32, #tpu.memory_space<vmem_shared>> -> memref<10240x128xf32, #tpu.memory_space<vmem_shared>>
        tpu.wait_indirect_dma semaphore(%run_scoped3A_532 : memref<!tpu.dma_semaphore, #tpu.memory_space<semaphore_mem>>) src(%dma_wait3A_544 : memref<128x128xf32, #tpu.memory_space<vmem>>) dst(%dma_wait3A_550 : memref<10240x128xf32, #tpu.memory_space<vmem_shared>>)
        tpu.yield
      }) : () -> ()
      %dma_wait3A_519 = arith.constant 1 : i32
      %dma_wait3A_520 = arith.constant 7 : i32
      %dma_wait3A_521 = arith.constant 128 : i32
      %dma_wait3A_522 = arith.constant 0 : i32
      %dma_wait3A_523 = tpu.memref_slice %arg8[%dma_wait3A_521, %dma_wait3A_522] : memref<256x128xf32, #tpu.memory_space<vmem>> -> memref<128x128xf32, #tpu.memory_space<vmem>>
      %dma_wait3A_524 = arith.constant 0 : i32
      %dma_wait3A_525 = tpu.memref_slice %arg6[%dma_wait3A_519, %dma_wait3A_520, %dma_wait3A_524] : memref<2x8x128xi32, #tpu.memory_space<vmem>> -> memref<1x1x128xi32, #tpu.memory_space<vmem>>
      %dma_wait3A_526 = tpu.memref_squeeze %dma_wait3A_525 : memref<1x1x128xi32, #tpu.memory_space<vmem>> -> memref<128xi32, #tpu.memory_space<vmem>>
      %dma_wait3A_527 = arith.constant 0 : i32
      %dma_wait3A_528 = arith.constant 0 : i32
      %dma_wait3A_529 = tpu.memref_slice %arg2[%dma_wait3A_527, %dma_wait3A_528] : memref<10000x128xf32, #tpu.memory_space<hbm>> -> memref<10000x128xf32, #tpu.memory_space<hbm>>
      tpu.wait_indirect_dma semaphore(%arg13 : memref<!tpu.dma_semaphore, #tpu.memory_space<semaphore_mem>>) src(%dma_wait3A_529 : memref<10000x128xf32, #tpu.memory_space<hbm>>) dst(%dma_wait3A_523 : memref<128x128xf32, #tpu.memory_space<vmem>>)
      %run_scoped3A_530 = arith.constant 1 : i32
      %run_scoped3A_531 = arith.constant 7 : i32
      "tpu.region"() ({
        %run_scoped3A_532 = tpu.sem_alloc : memref<!tpu.dma_semaphore, #tpu.memory_space<semaphore_mem>>
        %dma_start3A_533 = arith.constant 128 : i32
        %dma_start3A_534 = arith.constant 0 : i32
        %dma_start3A_535 = tpu.memref_slice %arg8[%dma_start3A_533, %dma_start3A_534] : memref<256x128xf32, #tpu.memory_space<vmem>> -> memref<128x128xf32, #tpu.memory_space<vmem>>
        %dma_start3A_536 = arith.constant 0 : i32
        %dma_start3A_537 = tpu.memref_slice %arg7[%run_scoped3A_530, %run_scoped3A_531, %dma_start3A_536] : memref<2x8x128xi32, #tpu.memory_space<vmem>> -> memref<1x1x128xi32, #tpu.memory_space<vmem>>
        %dma_start3A_538 = tpu.memref_squeeze %dma_start3A_537 : memref<1x1x128xi32, #tpu.memory_space<vmem>> -> memref<128xi32, #tpu.memory_space<vmem>>
        %dma_start3A_539 = arith.constant 0 : i32
        %dma_start3A_540 = arith.constant 0 : i32
        %dma_start3A_541 = tpu.memref_slice %arg9[%dma_start3A_539, %dma_start3A_540] : memref<10240x128xf32, #tpu.memory_space<vmem_shared>> -> memref<10240x128xf32, #tpu.memory_space<vmem_shared>>
        tpu.enqueue_indirect_dma source(%dma_start3A_535 : memref<128x128xf32, #tpu.memory_space<vmem>>) target(%dma_start3A_541 : memref<10240x128xf32, #tpu.memory_space<vmem_shared>>) offsets(%dma_start3A_538 : memref<128xi32, #tpu.memory_space<vmem>>) semaphore(%run_scoped3A_532 : memref<!tpu.dma_semaphore, #tpu.memory_space<semaphore_mem>>) {add = true}
        %dma_wait3A_542 = arith.constant 128 : i32
        %dma_wait3A_543 = arith.constant 0 : i32
        %dma_wait3A_544 = tpu.memref_slice %arg8[%dma_wait3A_542, %dma_wait3A_543] : memref<256x128xf32, #tpu.memory_space<vmem>> -> memref<128x128xf32, #tpu.memory_space<vmem>>
        %dma_wait3A_545 = arith.constant 0 : i32
        %dma_wait3A_546 = tpu.memref_slice %arg7[%run_scoped3A_530, %run_scoped3A_531, %dma_wait3A_545] : memref<2x8x128xi32, #tpu.memory_space<vmem>> -> memref<1x1x128xi32, #tpu.memory_space<vmem>>
        %dma_wait3A_547 = tpu.memref_squeeze %dma_wait3A_546 : memref<1x1x128xi32, #tpu.memory_space<vmem>> -> memref<128xi32, #tpu.memory_space<vmem>>
        %dma_wait3A_548 = arith.constant 0 : i32
        %dma_wait3A_549 = arith.constant 0 : i32
        %dma_wait3A_550 = tpu.memref_slice %arg9[%dma_wait3A_548, %dma_wait3A_549] : memref<10240x128xf32, #tpu.memory_space<vmem_shared>> -> memref<10240x128xf32, #tpu.memory_space<vmem_shared>>
        tpu.wait_indirect_dma semaphore(%run_scoped3A_532 : memref<!tpu.dma_semaphore, #tpu.memory_space<semaphore_mem>>) src(%dma_wait3A_544 : memref<128x128xf32, #tpu.memory_space<vmem>>) dst(%dma_wait3A_550 : memref<10240x128xf32, #tpu.memory_space<vmem_shared>>)
        tpu.yield
      }) : () -> ()
    }
    %scan3A_56 = arith.constant 5 : i32
    %barrier3A_57 = arith.constant 0 : index
    tpu.barrier barrier_id(%barrier3A_57)
    %mul3A_58 = arith.constant 640 : i32
    %mul3A_59 = arith.muli %arg1, %mul3A_58 : i32
    %mul3A_60 = arith.constant 640 : i32
    %mul3A_61 = arith.muli %arg1, %mul3A_60 : i32
    "tpu.region"() ({
      %run_scoped3A = tpu.sem_alloc : memref<!tpu.dma_semaphore, #tpu.memory_space<semaphore_mem>>
      %dma_start3A_62 = arith.constant 0 : i32
      %dma_start3A_63 = tpu.memref_slice %arg5[%arg0, %mul3A_61, %dma_start3A_62] : memref<2x10240x128xf32, #tpu.memory_space<hbm>> -> memref<1x640x128xf32, #tpu.memory_space<hbm>>
      %dma_start3A_64 = tpu.memref_squeeze %dma_start3A_63 : memref<1x640x128xf32, #tpu.memory_space<hbm>> -> memref<640x128xf32, #tpu.memory_space<hbm>>
      %dma_start3A_65 = arith.constant 0 : i32
      %dma_start3A_66 = tpu.memref_slice %arg9[%mul3A_59, %dma_start3A_65] : memref<10240x128xf32, #tpu.memory_space<vmem_shared>> -> memref<640x128xf32, #tpu.memory_space<vmem_shared>>
      tpu.enqueue_dma source(%dma_start3A_66 : memref<640x128xf32, #tpu.memory_space<vmem_shared>>) target(%dma_start3A_64 : memref<640x128xf32, #tpu.memory_space<hbm>>) target_semaphore(%run_scoped3A : memref<!tpu.dma_semaphore, #tpu.memory_space<semaphore_mem>>)
      %dma_wait3A = arith.constant 0 : i32
      %dma_wait3A_67 = tpu.memref_slice %arg5[%arg0, %mul3A_61, %dma_wait3A] : memref<2x10240x128xf32, #tpu.memory_space<hbm>> -> memref<1x640x128xf32, #tpu.memory_space<hbm>>
      %dma_wait3A_68 = tpu.memref_squeeze %dma_wait3A_67 : memref<1x640x128xf32, #tpu.memory_space<hbm>> -> memref<640x128xf32, #tpu.memory_space<hbm>>
      %dma_wait3A_69 = arith.constant 0 : i32
      %dma_wait3A_70 = tpu.memref_slice %arg9[%mul3A_59, %dma_wait3A_69] : memref<10240x128xf32, #tpu.memory_space<vmem_shared>> -> memref<640x128xf32, #tpu.memory_space<vmem_shared>>
      tpu.wait_dma2 semaphore(%run_scoped3A : memref<!tpu.dma_semaphore, #tpu.memory_space<semaphore_mem>>) src(%dma_wait3A_70 : memref<640x128xf32, #tpu.memory_space<vmem_shared>>) dst(%dma_wait3A_68 : memref<640x128xf32, #tpu.memory_space<hbm>>)
      tpu.yield
    }) : () -> ()
    return
  }
}

#map = affine_map<(d0, d1) -> (0, 0)>
#map1 = affine_map<(d0, d1) -> (0, 0, 0)>
module attributes {stable_mosaic.version = 14 : i64} {
  func.func @agg_k(%arg0: i32, %arg1: i32, %arg2: memref<10000x128xf32, #tpu.memory_space<hbm>>, %arg3: memref<32x80x128xi32, #tpu.memory_space<hbm>>, %arg4: memref<32x80x128xi32, #tpu.memory_space<hbm>>, %arg5: memref<2x10240x128xf32, #tpu.memory_space<hbm>>, %arg6: memref<2x8x128xi32, #tpu.memory_space<vmem>>, %arg7: memref<2x8x128xi32, #tpu.memory_space<vmem>>, %arg8: memref<256x128xf32, #tpu.memory_space<vmem>>, %arg9: memref<10240x128xf32, #tpu.memory_space<vmem_shared>>, %arg10: memref<!tpu.dma_semaphore, #tpu.memory_space<semaphore_mem>>, %arg11: memref<!tpu.dma_semaphore, #tpu.memory_space<semaphore_mem>>, %arg12: memref<!tpu.dma_semaphore, #tpu.memory_space<semaphore_mem>>, %arg13: memref<!tpu.dma_semaphore, #tpu.memory_space<semaphore_mem>>, %arg14: memref<!tpu.dma_semaphore, #tpu.memory_space<semaphore_mem>>, %arg15: memref<!tpu.dma_semaphore, #tpu.memory_space<semaphore_mem>>) attributes {dimension_semantics = [#tpu.dimension_semantics<core_parallel>, #tpu.dimension_semantics<subcore_parallel>], iteration_bounds = array<i64: 2, 16>, scalar_prefetch = 0 : i64, scratch_operands = 10 : i64, tpu.core_type = #tpu.core_type<sc_vector_subcore>, window_params = [{transform_indices = #map}, {transform_indices = #map1}, {transform_indices = #map1}, {transform_indices = #map1}]} {
    %mul3A = arith.constant 16 : i32
    %mul3A_0 = arith.muli %arg0, %mul3A : i32
    %add3A = arith.addi %mul3A_0, %arg1 : i32
    %scan3A = arith.constant 0 : i32
    %scan3A_1 = arith.constant 0 : i32
    %scan3A_2 = arith.constant 256 : i32
    %scan3A_3 = arith.addi %scan3A_1, %scan3A_2 : i32
    %scan3A_4 = arith.constant 1 : i32
    scf.for %scan3A_62 = %scan3A_1 to %scan3A_3 step %scan3A_4  : i32 {
      %broadcast_in_dim3A = arith.constant 0.000000e+00 : f32
      %broadcast_in_dim3A_63 = vector.broadcast %broadcast_in_dim3A : f32 to vector<16xf32>
      %swap3A = arith.index_cast %scan3A_62 : i32 to index
      %swap3A_64 = arith.constant 0 : index
      %swap3A_65 = tpu.vector_load %arg8[%swap3A, %swap3A_64] {strides = array<i32>} : memref<256x128xf32, #tpu.memory_space<vmem>>, vector<1x16xf32>,
      %swap3A_66 = vector.shape_cast %swap3A_65 : vector<1x16xf32> to vector<16xf32>
      %swap3A_67 = vector.shape_cast %broadcast_in_dim3A_63 : vector<16xf32> to vector<1x16xf32>
      tpu.vector_store %arg8[%swap3A, %swap3A_64], %swap3A_67 {strides = array<i32>} : memref<256x128xf32, #tpu.memory_space<vmem>>, vector<1x16xf32>,
      %broadcast_in_dim3A_68 = arith.constant 0.000000e+00 : f32
      %broadcast_in_dim3A_69 = vector.broadcast %broadcast_in_dim3A_68 : f32 to vector<16xf32>
      %swap3A_70 = arith.index_cast %scan3A_62 : i32 to index
      %swap3A_71 = arith.constant 16 : index
      %swap3A_72 = tpu.vector_load %arg8[%swap3A_70, %swap3A_71] {strides = array<i32>} : memref<256x128xf32, #tpu.memory_space<vmem>>, vector<1x16xf32>,
      %swap3A_73 = vector.shape_cast %swap3A_72 : vector<1x16xf32> to vector<16xf32>
      %swap3A_74 = vector.shape_cast %broadcast_in_dim3A_69 : vector<16xf32> to vector<1x16xf32>
      tpu.vector_store %arg8[%swap3A_70, %swap3A_71], %swap3A_74 {strides = array<i32>} : memref<256x128xf32, #tpu.memory_space<vmem>>, vector<1x16xf32>,
      %broadcast_in_dim3A_75 = arith.constant 0.000000e+00 : f32
      %broadcast_in_dim3A_76 = vector.broadcast %broadcast_in_dim3A_75 : f32 to vector<16xf32>
      %swap3A_77 = arith.index_cast %scan3A_62 : i32 to index
      %swap3A_78 = arith.constant 32 : index
      %swap3A_79 = tpu.vector_load %arg8[%swap3A_77, %swap3A_78] {strides = array<i32>} : memref<256x128xf32, #tpu.memory_space<vmem>>, vector<1x16xf32>,
      %swap3A_80 = vector.shape_cast %swap3A_79 : vector<1x16xf32> to vector<16xf32>
      %swap3A_81 = vector.shape_cast %broadcast_in_dim3A_76 : vector<16xf32> to vector<1x16xf32>
      tpu.vector_store %arg8[%swap3A_77, %swap3A_78], %swap3A_81 {strides = array<i32>} : memref<256x128xf32, #tpu.memory_space<vmem>>, vector<1x16xf32>,
      %broadcast_in_dim3A_82 = arith.constant 0.000000e+00 : f32
      %broadcast_in_dim3A_83 = vector.broadcast %broadcast_in_dim3A_82 : f32 to vector<16xf32>
      %swap3A_84 = arith.index_cast %scan3A_62 : i32 to index
      %swap3A_85 = arith.constant 48 : index
      %swap3A_86 = tpu.vector_load %arg8[%swap3A_84, %swap3A_85] {strides = array<i32>} : memref<256x128xf32, #tpu.memory_space<vmem>>, vector<1x16xf32>,
      %swap3A_87 = vector.shape_cast %swap3A_86 : vector<1x16xf32> to vector<16xf32>
      %swap3A_88 = vector.shape_cast %broadcast_in_dim3A_83 : vector<16xf32> to vector<1x16xf32>
      tpu.vector_store %arg8[%swap3A_84, %swap3A_85], %swap3A_88 {strides = array<i32>} : memref<256x128xf32, #tpu.memory_space<vmem>>, vector<1x16xf32>,
      %broadcast_in_dim3A_89 = arith.constant 0.000000e+00 : f32
      %broadcast_in_dim3A_90 = vector.broadcast %broadcast_in_dim3A_89 : f32 to vector<16xf32>
      %swap3A_91 = arith.index_cast %scan3A_62 : i32 to index
      %swap3A_92 = arith.constant 64 : index
      %swap3A_93 = tpu.vector_load %arg8[%swap3A_91, %swap3A_92] {strides = array<i32>} : memref<256x128xf32, #tpu.memory_space<vmem>>, vector<1x16xf32>,
      %swap3A_94 = vector.shape_cast %swap3A_93 : vector<1x16xf32> to vector<16xf32>
      %swap3A_95 = vector.shape_cast %broadcast_in_dim3A_90 : vector<16xf32> to vector<1x16xf32>
      tpu.vector_store %arg8[%swap3A_91, %swap3A_92], %swap3A_95 {strides = array<i32>} : memref<256x128xf32, #tpu.memory_space<vmem>>, vector<1x16xf32>,
      %broadcast_in_dim3A_96 = arith.constant 0.000000e+00 : f32
      %broadcast_in_dim3A_97 = vector.broadcast %broadcast_in_dim3A_96 : f32 to vector<16xf32>
      %swap3A_98 = arith.index_cast %scan3A_62 : i32 to index
      %swap3A_99 = arith.constant 80 : index
      %swap3A_100 = tpu.vector_load %arg8[%swap3A_98, %swap3A_99] {strides = array<i32>} : memref<256x128xf32, #tpu.memory_space<vmem>>, vector<1x16xf32>,
      %swap3A_101 = vector.shape_cast %swap3A_100 : vector<1x16xf32> to vector<16xf32>
      %swap3A_102 = vector.shape_cast %broadcast_in_dim3A_97 : vector<16xf32> to vector<1x16xf32>
      tpu.vector_store %arg8[%swap3A_98, %swap3A_99], %swap3A_102 {strides = array<i32>} : memref<256x128xf32, #tpu.memory_space<vmem>>, vector<1x16xf32>,
      %broadcast_in_dim3A_103 = arith.constant 0.000000e+00 : f32
      %broadcast_in_dim3A_104 = vector.broadcast %broadcast_in_dim3A_103 : f32 to vector<16xf32>
      %swap3A_105 = arith.index_cast %scan3A_62 : i32 to index
      %swap3A_106 = arith.constant 96 : index
      %swap3A_107 = tpu.vector_load %arg8[%swap3A_105, %swap3A_106] {strides = array<i32>} : memref<256x128xf32, #tpu.memory_space<vmem>>, vector<1x16xf32>,
      %swap3A_108 = vector.shape_cast %swap3A_107 : vector<1x16xf32> to vector<16xf32>
      %swap3A_109 = vector.shape_cast %broadcast_in_dim3A_104 : vector<16xf32> to vector<1x16xf32>
      tpu.vector_store %arg8[%swap3A_105, %swap3A_106], %swap3A_109 {strides = array<i32>} : memref<256x128xf32, #tpu.memory_space<vmem>>, vector<1x16xf32>,
      %broadcast_in_dim3A_110 = arith.constant 0.000000e+00 : f32
      %broadcast_in_dim3A_111 = vector.broadcast %broadcast_in_dim3A_110 : f32 to vector<16xf32>
      %swap3A_112 = arith.index_cast %scan3A_62 : i32 to index
      %swap3A_113 = arith.constant 112 : index
      %swap3A_114 = tpu.vector_load %arg8[%swap3A_112, %swap3A_113] {strides = array<i32>} : memref<256x128xf32, #tpu.memory_space<vmem>>, vector<1x16xf32>,
      %swap3A_115 = vector.shape_cast %swap3A_114 : vector<1x16xf32> to vector<16xf32>
      %swap3A_116 = vector.shape_cast %broadcast_in_dim3A_111 : vector<16xf32> to vector<1x16xf32>
      tpu.vector_store %arg8[%swap3A_112, %swap3A_113], %swap3A_116 {strides = array<i32>} : memref<256x128xf32, #tpu.memory_space<vmem>>, vector<1x16xf32>,
    }
    %scan3A_5 = arith.constant 256 : i32
    %mul3A_6 = arith.constant 640 : i32
    %mul3A_7 = arith.muli %arg1, %mul3A_6 : i32
    %add3A_8 = arith.constant 0 : i32
    %add3A_9 = arith.addi %mul3A_7, %add3A_8 : i32
    "tpu.region"() ({
      %run_scoped3A = tpu.sem_alloc : memref<!tpu.dma_semaphore, #tpu.memory_space<semaphore_mem>>
      %dma_start3A_62 = arith.constant 0 : i32
      %dma_start3A_63 = arith.constant 0 : i32
      %dma_start3A_64 = tpu.memref_slice %arg8[%dma_start3A_62, %dma_start3A_63] : memref<256x128xf32, #tpu.memory_space<vmem>> -> memref<256x128xf32, #tpu.memory_space<vmem>>
      %dma_start3A_65 = arith.constant 0 : i32
      %dma_start3A_66 = tpu.memref_slice %arg9[%add3A_9, %dma_start3A_65] : memref<10240x128xf32, #tpu.memory_space<vmem_shared>> -> memref<256x128xf32, #tpu.memory_space<vmem_shared>>
      %dma_start3A_67 = arith.constant 0 : i32
      %dma_start3A_68 = tpu.memref_slice %arg9[%add3A_9, %dma_start3A_67] : memref<10240x128xf32, #tpu.memory_space<vmem_shared>> -> memref<256x128xf32, #tpu.memory_space<vmem_shared>>
      %dma_start3A_69 = arith.constant 0 : i32
      %dma_start3A_70 = arith.constant 0 : i32
      %dma_start3A_71 = tpu.memref_slice %arg8[%dma_start3A_69, %dma_start3A_70] : memref<256x128xf32, #tpu.memory_space<vmem>> -> memref<256x128xf32, #tpu.memory_space<vmem>>
      tpu.enqueue_dma source(%dma_start3A_71 : memref<256x128xf32, #tpu.memory_space<vmem>>) target(%dma_start3A_68 : memref<256x128xf32, #tpu.memory_space<vmem_shared>>) target_semaphore(%run_scoped3A : memref<!tpu.dma_semaphore, #tpu.memory_space<semaphore_mem>>)
      %dma_wait3A = arith.constant 0 : i32
      %dma_wait3A_72 = arith.constant 0 : i32
      %dma_wait3A_73 = tpu.memref_slice %arg8[%dma_wait3A, %dma_wait3A_72] : memref<256x128xf32, #tpu.memory_space<vmem>> -> memref<256x128xf32, #tpu.memory_space<vmem>>
      %dma_wait3A_74 = arith.constant 0 : i32
      %dma_wait3A_75 = tpu.memref_slice %arg9[%add3A_9, %dma_wait3A_74] : memref<10240x128xf32, #tpu.memory_space<vmem_shared>> -> memref<256x128xf32, #tpu.memory_space<vmem_shared>>
      %dma_wait3A_76 = arith.constant 0 : i32
      %dma_wait3A_77 = tpu.memref_slice %arg9[%add3A_9, %dma_wait3A_76] : memref<10240x128xf32, #tpu.memory_space<vmem_shared>> -> memref<256x128xf32, #tpu.memory_space<vmem_shared>>
      %dma_wait3A_78 = arith.constant 0 : i32
      %dma_wait3A_79 = arith.constant 0 : i32
      %dma_wait3A_80 = tpu.memref_slice %arg8[%dma_wait3A_78, %dma_wait3A_79] : memref<256x128xf32, #tpu.memory_space<vmem>> -> memref<256x128xf32, #tpu.memory_space<vmem>>
      tpu.wait_dma2 semaphore(%run_scoped3A : memref<!tpu.dma_semaphore, #tpu.memory_space<semaphore_mem>>) src(%dma_wait3A_80 : memref<256x128xf32, #tpu.memory_space<vmem>>) dst(%dma_wait3A_77 : memref<256x128xf32, #tpu.memory_space<vmem_shared>>)
      tpu.yield
    }) : () -> ()
    %mul3A_10 = arith.constant 640 : i32
    %mul3A_11 = arith.muli %arg1, %mul3A_10 : i32
    %add3A_12 = arith.constant 256 : i32
    %add3A_13 = arith.addi %mul3A_11, %add3A_12 : i32
    "tpu.region"() ({
      %run_scoped3A = tpu.sem_alloc : memref<!tpu.dma_semaphore, #tpu.memory_space<semaphore_mem>>
      %dma_start3A_62 = arith.constant 0 : i32
      %dma_start3A_63 = arith.constant 0 : i32
      %dma_start3A_64 = tpu.memref_slice %arg8[%dma_start3A_62, %dma_start3A_63] : memref<256x128xf32, #tpu.memory_space<vmem>> -> memref<256x128xf32, #tpu.memory_space<vmem>>
      %dma_start3A_65 = arith.constant 0 : i32
      %dma_start3A_66 = tpu.memref_slice %arg9[%add3A_13, %dma_start3A_65] : memref<10240x128xf32, #tpu.memory_space<vmem_shared>> -> memref<256x128xf32, #tpu.memory_space<vmem_shared>>
      %dma_start3A_67 = arith.constant 0 : i32
      %dma_start3A_68 = tpu.memref_slice %arg9[%add3A_13, %dma_start3A_67] : memref<10240x128xf32, #tpu.memory_space<vmem_shared>> -> memref<256x128xf32, #tpu.memory_space<vmem_shared>>
      %dma_start3A_69 = arith.constant 0 : i32
      %dma_start3A_70 = arith.constant 0 : i32
      %dma_start3A_71 = tpu.memref_slice %arg8[%dma_start3A_69, %dma_start3A_70] : memref<256x128xf32, #tpu.memory_space<vmem>> -> memref<256x128xf32, #tpu.memory_space<vmem>>
      tpu.enqueue_dma source(%dma_start3A_71 : memref<256x128xf32, #tpu.memory_space<vmem>>) target(%dma_start3A_68 : memref<256x128xf32, #tpu.memory_space<vmem_shared>>) target_semaphore(%run_scoped3A : memref<!tpu.dma_semaphore, #tpu.memory_space<semaphore_mem>>)
      %dma_wait3A = arith.constant 0 : i32
      %dma_wait3A_72 = arith.constant 0 : i32
      %dma_wait3A_73 = tpu.memref_slice %arg8[%dma_wait3A, %dma_wait3A_72] : memref<256x128xf32, #tpu.memory_space<vmem>> -> memref<256x128xf32, #tpu.memory_space<vmem>>
      %dma_wait3A_74 = arith.constant 0 : i32
      %dma_wait3A_75 = tpu.memref_slice %arg9[%add3A_13, %dma_wait3A_74] : memref<10240x128xf32, #tpu.memory_space<vmem_shared>> -> memref<256x128xf32, #tpu.memory_space<vmem_shared>>
      %dma_wait3A_76 = arith.constant 0 : i32
      %dma_wait3A_77 = tpu.memref_slice %arg9[%add3A_13, %dma_wait3A_76] : memref<10240x128xf32, #tpu.memory_space<vmem_shared>> -> memref<256x128xf32, #tpu.memory_space<vmem_shared>>
      %dma_wait3A_78 = arith.constant 0 : i32
      %dma_wait3A_79 = arith.constant 0 : i32
      %dma_wait3A_80 = tpu.memref_slice %arg8[%dma_wait3A_78, %dma_wait3A_79] : memref<256x128xf32, #tpu.memory_space<vmem>> -> memref<256x128xf32, #tpu.memory_space<vmem>>
      tpu.wait_dma2 semaphore(%run_scoped3A : memref<!tpu.dma_semaphore, #tpu.memory_space<semaphore_mem>>) src(%dma_wait3A_80 : memref<256x128xf32, #tpu.memory_space<vmem>>) dst(%dma_wait3A_77 : memref<256x128xf32, #tpu.memory_space<vmem_shared>>)
      tpu.yield
    }) : () -> ()
    %mul3A_14 = arith.constant 640 : i32
    %mul3A_15 = arith.muli %arg1, %mul3A_14 : i32
    %add3A_16 = arith.constant 512 : i32
    %add3A_17 = arith.addi %mul3A_15, %add3A_16 : i32
    "tpu.region"() ({
      %run_scoped3A = tpu.sem_alloc : memref<!tpu.dma_semaphore, #tpu.memory_space<semaphore_mem>>
      %dma_start3A_62 = arith.constant 0 : i32
      %dma_start3A_63 = arith.constant 0 : i32
      %dma_start3A_64 = tpu.memref_slice %arg8[%dma_start3A_62, %dma_start3A_63] : memref<256x128xf32, #tpu.memory_space<vmem>> -> memref<128x128xf32, #tpu.memory_space<vmem>>
      %dma_start3A_65 = arith.constant 0 : i32
      %dma_start3A_66 = tpu.memref_slice %arg9[%add3A_17, %dma_start3A_65] : memref<10240x128xf32, #tpu.memory_space<vmem_shared>> -> memref<128x128xf32, #tpu.memory_space<vmem_shared>>
      %dma_start3A_67 = arith.constant 0 : i32
      %dma_start3A_68 = tpu.memref_slice %arg9[%add3A_17, %dma_start3A_67] : memref<10240x128xf32, #tpu.memory_space<vmem_shared>> -> memref<128x128xf32, #tpu.memory_space<vmem_shared>>
      %dma_start3A_69 = arith.constant 0 : i32
      %dma_start3A_70 = arith.constant 0 : i32
      %dma_start3A_71 = tpu.memref_slice %arg8[%dma_start3A_69, %dma_start3A_70] : memref<256x128xf32, #tpu.memory_space<vmem>> -> memref<128x128xf32, #tpu.memory_space<vmem>>
      tpu.enqueue_dma source(%dma_start3A_71 : memref<128x128xf32, #tpu.memory_space<vmem>>) target(%dma_start3A_68 : memref<128x128xf32, #tpu.memory_space<vmem_shared>>) target_semaphore(%run_scoped3A : memref<!tpu.dma_semaphore, #tpu.memory_space<semaphore_mem>>)
      %dma_wait3A = arith.constant 0 : i32
      %dma_wait3A_72 = arith.constant 0 : i32
      %dma_wait3A_73 = tpu.memref_slice %arg8[%dma_wait3A, %dma_wait3A_72] : memref<256x128xf32, #tpu.memory_space<vmem>> -> memref<128x128xf32, #tpu.memory_space<vmem>>
      %dma_wait3A_74 = arith.constant 0 : i32
      %dma_wait3A_75 = tpu.memref_slice %arg9[%add3A_17, %dma_wait3A_74] : memref<10240x128xf32, #tpu.memory_space<vmem_shared>> -> memref<128x128xf32, #tpu.memory_space<vmem_shared>>
      %dma_wait3A_76 = arith.constant 0 : i32
      %dma_wait3A_77 = tpu.memref_slice %arg9[%add3A_17, %dma_wait3A_76] : memref<10240x128xf32, #tpu.memory_space<vmem_shared>> -> memref<128x128xf32, #tpu.memory_space<vmem_shared>>
      %dma_wait3A_78 = arith.constant 0 : i32
      %dma_wait3A_79 = arith.constant 0 : i32
      %dma_wait3A_80 = tpu.memref_slice %arg8[%dma_wait3A_78, %dma_wait3A_79] : memref<256x128xf32, #tpu.memory_space<vmem>> -> memref<128x128xf32, #tpu.memory_space<vmem>>
      tpu.wait_dma2 semaphore(%run_scoped3A : memref<!tpu.dma_semaphore, #tpu.memory_space<semaphore_mem>>) src(%dma_wait3A_80 : memref<128x128xf32, #tpu.memory_space<vmem>>) dst(%dma_wait3A_77 : memref<128x128xf32, #tpu.memory_space<vmem_shared>>)
      tpu.yield
    }) : () -> ()
    %barrier3A = arith.constant 0 : index
    tpu.barrier barrier_id(%barrier3A)
    %dma_start3A = arith.constant 0 : i32
    %dma_start3A_18 = arith.constant 0 : i32
    %dma_start3A_19 = arith.constant 0 : i32
    %dma_start3A_20 = tpu.memref_slice %arg6[%dma_start3A, %dma_start3A_18, %dma_start3A_19] : memref<2x8x128xi32, #tpu.memory_space<vmem>> -> memref<1x8x128xi32, #tpu.memory_space<vmem>>
    %dma_start3A_21 = tpu.memref_squeeze %dma_start3A_20 : memref<1x8x128xi32, #tpu.memory_space<vmem>> -> memref<8x128xi32, #tpu.memory_space<vmem>>
    %dma_start3A_22 = arith.constant 0 : i32
    %dma_start3A_23 = arith.constant 0 : i32
    %dma_start3A_24 = tpu.memref_slice %arg3[%add3A, %dma_start3A_22, %dma_start3A_23] : memref<32x80x128xi32, #tpu.memory_space<hbm>> -> memref<1x8x128xi32, #tpu.memory_space<hbm>>
    %dma_start3A_25 = tpu.memref_squeeze %dma_start3A_24 : memref<1x8x128xi32, #tpu.memory_space<hbm>> -> memref<8x128xi32, #tpu.memory_space<hbm>>
    %dma_start3A_26 = arith.constant 0 : i32
    %dma_start3A_27 = arith.constant 0 : i32
    %dma_start3A_28 = tpu.memref_slice %arg6[%dma_start3A, %dma_start3A_26, %dma_start3A_27] : memref<2x8x128xi32, #tpu.memory_space<vmem>> -> memref<1x8x128xi32, #tpu.memory_space<vmem>>
    %dma_start3A_29 = tpu.memref_squeeze %dma_start3A_28 : memref<1x8x128xi32, #tpu.memory_space<vmem>> -> memref<8x128xi32, #tpu.memory_space<vmem>>
    %dma_start3A_30 = arith.constant 0 : i32
    %dma_start3A_31 = arith.constant 0 : i32
    %dma_start3A_32 = tpu.memref_slice %arg3[%add3A, %dma_start3A_30, %dma_start3A_31] : memref<32x80x128xi32, #tpu.memory_space<hbm>> -> memref<1x8x128xi32, #tpu.memory_space<hbm>>
    %dma_start3A_33 = tpu.memref_squeeze %dma_start3A_32 : memref<1x8x128xi32, #tpu.memory_space<hbm>> -> memref<8x128xi32, #tpu.memory_space<hbm>>
    tpu.enqueue_dma source(%dma_start3A_33 : memref<8x128xi32, #tpu.memory_space<hbm>>) target(%dma_start3A_29 : memref<8x128xi32, #tpu.memory_space<vmem>>) target_semaphore(%arg10 : memref<!tpu.dma_semaphore, #tpu.memory_space<semaphore_mem>>)
    %dma_start3A_34 = arith.constant 0 : i32
    %dma_start3A_35 = arith.constant 0 : i32
    %dma_start3A_36 = arith.constant 0 : i32
    %dma_start3A_37 = tpu.memref_slice %arg7[%dma_start3A_34, %dma_start3A_35, %dma_start3A_36] : memref<2x8x128xi32, #tpu.memory_space<vmem>> -> memref<1x8x128xi32, #tpu.memory_space<vmem>>
    %dma_start3A_38 = tpu.memref_squeeze %dma_start3A_37 : memref<1x8x128xi32, #tpu.memory_space<vmem>> -> memref<8x128xi32, #tpu.memory_space<vmem>>
    %dma_start3A_39 = arith.constant 0 : i32
    %dma_start3A_40 = arith.constant 0 : i32
    %dma_start3A_41 = tpu.memref_slice %arg4[%add3A, %dma_start3A_39, %dma_start3A_40] : memref<32x80x128xi32, #tpu.memory_space<hbm>> -> memref<1x8x128xi32, #tpu.memory_space<hbm>>
    %dma_start3A_42 = tpu.memref_squeeze %dma_start3A_41 : memref<1x8x128xi32, #tpu.memory_space<hbm>> -> memref<8x128xi32, #tpu.memory_space<hbm>>
    %dma_start3A_43 = arith.constant 0 : i32
    %dma_start3A_44 = arith.constant 0 : i32
    %dma_start3A_45 = tpu.memref_slice %arg7[%dma_start3A_34, %dma_start3A_43, %dma_start3A_44] : memref<2x8x128xi32, #tpu.memory_space<vmem>> -> memref<1x8x128xi32, #tpu.memory_space<vmem>>
    %dma_start3A_46 = tpu.memref_squeeze %dma_start3A_45 : memref<1x8x128xi32, #tpu.memory_space<vmem>> -> memref<8x128xi32, #tpu.memory_space<vmem>>
    %dma_start3A_47 = arith.constant 0 : i32
    %dma_start3A_48 = arith.constant 0 : i32
    %dma_start3A_49 = tpu.memref_slice %arg4[%add3A, %dma_start3A_47, %dma_start3A_48] : memref<32x80x128xi32, #tpu.memory_space<hbm>> -> memref<1x8x128xi32, #tpu.memory_space<hbm>>
    %dma_start3A_50 = tpu.memref_squeeze %dma_start3A_49 : memref<1x8x128xi32, #tpu.memory_space<hbm>> -> memref<8x128xi32, #tpu.memory_space<hbm>>
    tpu.enqueue_dma source(%dma_start3A_50 : memref<8x128xi32, #tpu.memory_space<hbm>>) target(%dma_start3A_46 : memref<8x128xi32, #tpu.memory_space<vmem>>) target_semaphore(%arg10 : memref<!tpu.dma_semaphore, #tpu.memory_space<semaphore_mem>>)
    %scan3A_51 = arith.constant 0 : i32
    %scan3A_52 = arith.constant 0 : i32
    %scan3A_53 = arith.constant 5 : i32
    %scan3A_54 = arith.addi %scan3A_52, %scan3A_53 : i32
    %scan3A_55 = arith.constant 1 : i32
    scf.for %scan3A_62 = %scan3A_52 to %scan3A_54 step %scan3A_55  : i32 {
      %mul3A_63 = arith.constant 2 : i32
      %mul3A_64 = arith.muli %mul3A_63, %scan3A_62 : i32
      %add3A_65 = arith.constant 0 : i32
      %add3A_66 = arith.addi %mul3A_64, %add3A_65 : i32
      %mul3A_67 = arith.constant 8 : i32
      %mul3A_68 = arith.muli %add3A_66, %mul3A_67 : i32
      %dma_wait3A = arith.constant 0 : i32
      %dma_wait3A_69 = arith.constant 0 : i32
      %dma_wait3A_70 = arith.constant 0 : i32
      %dma_wait3A_71 = tpu.memref_slice %arg6[%dma_wait3A, %dma_wait3A_69, %dma_wait3A_70] : memref<2x8x128xi32, #tpu.memory_space<vmem>> -> memref<1x8x128xi32, #tpu.memory_space<vmem>>
      %dma_wait3A_72 = tpu.memref_squeeze %dma_wait3A_71 : memref<1x8x128xi32, #tpu.memory_space<vmem>> -> memref<8x128xi32, #tpu.memory_space<vmem>>
      %dma_wait3A_73 = arith.constant 0 : i32
      %dma_wait3A_74 = tpu.memref_slice %arg3[%add3A, %mul3A_68, %dma_wait3A_73] : memref<32x80x128xi32, #tpu.memory_space<hbm>> -> memref<1x8x128xi32, #tpu.memory_space<hbm>>
      %dma_wait3A_75 = tpu.memref_squeeze %dma_wait3A_74 : memref<1x8x128xi32, #tpu.memory_space<hbm>> -> memref<8x128xi32, #tpu.memory_space<hbm>>
      %dma_wait3A_76 = arith.constant 0 : i32
      %dma_wait3A_77 = arith.constant 0 : i32
      %dma_wait3A_78 = tpu.memref_slice %arg6[%dma_wait3A, %dma_wait3A_76, %dma_wait3A_77] : memref<2x8x128xi32, #tpu.memory_space<vmem>> -> memref<1x8x128xi32, #tpu.memory_space<vmem>>
      %dma_wait3A_79 = tpu.memref_squeeze %dma_wait3A_78 : memref<1x8x128xi32, #tpu.memory_space<vmem>> -> memref<8x128xi32, #tpu.memory_space<vmem>>
      %dma_wait3A_80 = arith.constant 0 : i32
      %dma_wait3A_81 = tpu.memref_slice %arg3[%add3A, %mul3A_68, %dma_wait3A_80] : memref<32x80x128xi32, #tpu.memory_space<hbm>> -> memref<1x8x128xi32, #tpu.memory_space<hbm>>
      %dma_wait3A_82 = tpu.memref_squeeze %dma_wait3A_81 : memref<1x8x128xi32, #tpu.memory_space<hbm>> -> memref<8x128xi32, #tpu.memory_space<hbm>>
      tpu.wait_dma2 semaphore(%arg10 : memref<!tpu.dma_semaphore, #tpu.memory_space<semaphore_mem>>) src(%dma_wait3A_82 : memref<8x128xi32, #tpu.memory_space<hbm>>) dst(%dma_wait3A_79 : memref<8x128xi32, #tpu.memory_space<vmem>>)
      %mul3A_83 = arith.constant 8 : i32
      %mul3A_84 = arith.muli %add3A_66, %mul3A_83 : i32
      %dma_wait3A_85 = arith.constant 0 : i32
      %dma_wait3A_86 = arith.constant 0 : i32
      %dma_wait3A_87 = arith.constant 0 : i32
      %dma_wait3A_88 = tpu.memref_slice %arg7[%dma_wait3A_85, %dma_wait3A_86, %dma_wait3A_87] : memref<2x8x128xi32, #tpu.memory_space<vmem>> -> memref<1x8x128xi32, #tpu.memory_space<vmem>>
      %dma_wait3A_89 = tpu.memref_squeeze %dma_wait3A_88 : memref<1x8x128xi32, #tpu.memory_space<vmem>> -> memref<8x128xi32, #tpu.memory_space<vmem>>
      %dma_wait3A_90 = arith.constant 0 : i32
      %dma_wait3A_91 = tpu.memref_slice %arg4[%add3A, %mul3A_84, %dma_wait3A_90] : memref<32x80x128xi32, #tpu.memory_space<hbm>> -> memref<1x8x128xi32, #tpu.memory_space<hbm>>
      %dma_wait3A_92 = tpu.memref_squeeze %dma_wait3A_91 : memref<1x8x128xi32, #tpu.memory_space<hbm>> -> memref<8x128xi32, #tpu.memory_space<hbm>>
      %dma_wait3A_93 = arith.constant 0 : i32
      %dma_wait3A_94 = arith.constant 0 : i32
      %dma_wait3A_95 = tpu.memref_slice %arg7[%dma_wait3A_85, %dma_wait3A_93, %dma_wait3A_94] : memref<2x8x128xi32, #tpu.memory_space<vmem>> -> memref<1x8x128xi32, #tpu.memory_space<vmem>>
      %dma_wait3A_96 = tpu.memref_squeeze %dma_wait3A_95 : memref<1x8x128xi32, #tpu.memory_space<vmem>> -> memref<8x128xi32, #tpu.memory_space<vmem>>
      %dma_wait3A_97 = arith.constant 0 : i32
      %dma_wait3A_98 = tpu.memref_slice %arg4[%add3A, %mul3A_84, %dma_wait3A_97] : memref<32x80x128xi32, #tpu.memory_space<hbm>> -> memref<1x8x128xi32, #tpu.memory_space<hbm>>
      %dma_wait3A_99 = tpu.memref_squeeze %dma_wait3A_98 : memref<1x8x128xi32, #tpu.memory_space<hbm>> -> memref<8x128xi32, #tpu.memory_space<hbm>>
      tpu.wait_dma2 semaphore(%arg10 : memref<!tpu.dma_semaphore, #tpu.memory_space<semaphore_mem>>) src(%dma_wait3A_99 : memref<8x128xi32, #tpu.memory_space<hbm>>) dst(%dma_wait3A_96 : memref<8x128xi32, #tpu.memory_space<vmem>>)
      %add3A_100 = arith.constant 1 : i32
      %add3A_101 = arith.addi %add3A_66, %add3A_100 : i32
      %lt3A = arith.constant 10 : i32
      %lt3A_102 = arith.cmpi slt, %add3A_101, %lt3A : i32
      %convert_element_type3A = arith.extui %lt3A_102 : i1 to i32
      %cond3A = arith.constant 0 : i32
      %cond3A_103 = arith.cmpi ne, %convert_element_type3A, %cond3A : i32
      scf.if %cond3A_103 {
        %add3A_532 = arith.constant 1 : i32
        %add3A_533 = arith.addi %add3A_66, %add3A_532 : i32
        %mul3A_534 = arith.constant 8 : i32
        %mul3A_535 = arith.muli %add3A_533, %mul3A_534 : i32
        %dma_start3A_536 = arith.constant 1 : i32
        %dma_start3A_537 = arith.constant 0 : i32
        %dma_start3A_538 = arith.constant 0 : i32
        %dma_start3A_539 = tpu.memref_slice %arg6[%dma_start3A_536, %dma_start3A_537, %dma_start3A_538] : memref<2x8x128xi32, #tpu.memory_space<vmem>> -> memref<1x8x128xi32, #tpu.memory_space<vmem>>
        %dma_start3A_540 = tpu.memref_squeeze %dma_start3A_539 : memref<1x8x128xi32, #tpu.memory_space<vmem>> -> memref<8x128xi32, #tpu.memory_space<vmem>>
        %dma_start3A_541 = arith.constant 0 : i32
        %dma_start3A_542 = tpu.memref_slice %arg3[%add3A, %mul3A_535, %dma_start3A_541] : memref<32x80x128xi32, #tpu.memory_space<hbm>> -> memref<1x8x128xi32, #tpu.memory_space<hbm>>
        %dma_start3A_543 = tpu.memref_squeeze %dma_start3A_542 : memref<1x8x128xi32, #tpu.memory_space<hbm>> -> memref<8x128xi32, #tpu.memory_space<hbm>>
        %dma_start3A_544 = arith.constant 0 : i32
        %dma_start3A_545 = arith.constant 0 : i32
        %dma_start3A_546 = tpu.memref_slice %arg6[%dma_start3A_536, %dma_start3A_544, %dma_start3A_545] : memref<2x8x128xi32, #tpu.memory_space<vmem>> -> memref<1x8x128xi32, #tpu.memory_space<vmem>>
        %dma_start3A_547 = tpu.memref_squeeze %dma_start3A_546 : memref<1x8x128xi32, #tpu.memory_space<vmem>> -> memref<8x128xi32, #tpu.memory_space<vmem>>
        %dma_start3A_548 = arith.constant 0 : i32
        %dma_start3A_549 = tpu.memref_slice %arg3[%add3A, %mul3A_535, %dma_start3A_548] : memref<32x80x128xi32, #tpu.memory_space<hbm>> -> memref<1x8x128xi32, #tpu.memory_space<hbm>>
        %dma_start3A_550 = tpu.memref_squeeze %dma_start3A_549 : memref<1x8x128xi32, #tpu.memory_space<hbm>> -> memref<8x128xi32, #tpu.memory_space<hbm>>
        tpu.enqueue_dma source(%dma_start3A_550 : memref<8x128xi32, #tpu.memory_space<hbm>>) target(%dma_start3A_547 : memref<8x128xi32, #tpu.memory_space<vmem>>) target_semaphore(%arg11 : memref<!tpu.dma_semaphore, #tpu.memory_space<semaphore_mem>>)
        %mul3A_551 = arith.constant 8 : i32
        %mul3A_552 = arith.muli %add3A_533, %mul3A_551 : i32
        %dma_start3A_553 = arith.constant 1 : i32
        %dma_start3A_554 = arith.constant 0 : i32
        %dma_start3A_555 = arith.constant 0 : i32
        %dma_start3A_556 = tpu.memref_slice %arg7[%dma_start3A_553, %dma_start3A_554, %dma_start3A_555] : memref<2x8x128xi32, #tpu.memory_space<vmem>> -> memref<1x8x128xi32, #tpu.memory_space<vmem>>
        %dma_start3A_557 = tpu.memref_squeeze %dma_start3A_556 : memref<1x8x128xi32, #tpu.memory_space<vmem>> -> memref<8x128xi32, #tpu.memory_space<vmem>>
        %dma_start3A_558 = arith.constant 0 : i32
        %dma_start3A_559 = tpu.memref_slice %arg4[%add3A, %mul3A_552, %dma_start3A_558] : memref<32x80x128xi32, #tpu.memory_space<hbm>> -> memref<1x8x128xi32, #tpu.memory_space<hbm>>
        %dma_start3A_560 = tpu.memref_squeeze %dma_start3A_559 : memref<1x8x128xi32, #tpu.memory_space<hbm>> -> memref<8x128xi32, #tpu.memory_space<hbm>>
        %dma_start3A_561 = arith.constant 0 : i32
        %dma_start3A_562 = arith.constant 0 : i32
        %dma_start3A_563 = tpu.memref_slice %arg7[%dma_start3A_553, %dma_start3A_561, %dma_start3A_562] : memref<2x8x128xi32, #tpu.memory_space<vmem>> -> memref<1x8x128xi32, #tpu.memory_space<vmem>>
        %dma_start3A_564 = tpu.memref_squeeze %dma_start3A_563 : memref<1x8x128xi32, #tpu.memory_space<vmem>> -> memref<8x128xi32, #tpu.memory_space<vmem>>
        %dma_start3A_565 = arith.constant 0 : i32
        %dma_start3A_566 = tpu.memref_slice %arg4[%add3A, %mul3A_552, %dma_start3A_565] : memref<32x80x128xi32, #tpu.memory_space<hbm>> -> memref<1x8x128xi32, #tpu.memory_space<hbm>>
        %dma_start3A_567 = tpu.memref_squeeze %dma_start3A_566 : memref<1x8x128xi32, #tpu.memory_space<hbm>> -> memref<8x128xi32, #tpu.memory_space<hbm>>
        tpu.enqueue_dma source(%dma_start3A_567 : memref<8x128xi32, #tpu.memory_space<hbm>>) target(%dma_start3A_564 : memref<8x128xi32, #tpu.memory_space<vmem>>) target_semaphore(%arg11 : memref<!tpu.dma_semaphore, #tpu.memory_space<semaphore_mem>>)
      } else {
      }
      %dma_start3A_104 = arith.constant 0 : i32
      %dma_start3A_105 = arith.constant 0 : i32
      %dma_start3A_106 = arith.constant 0 : i32
      %dma_start3A_107 = arith.constant 0 : i32
      %dma_start3A_108 = tpu.memref_slice %arg8[%dma_start3A_106, %dma_start3A_107] : memref<256x128xf32, #tpu.memory_space<vmem>> -> memref<128x128xf32, #tpu.memory_space<vmem>>
      %dma_start3A_109 = arith.constant 0 : i32
      %dma_start3A_110 = tpu.memref_slice %arg6[%dma_start3A_104, %dma_start3A_105, %dma_start3A_109] : memref<2x8x128xi32, #tpu.memory_space<vmem>> -> memref<1x1x128xi32, #tpu.memory_space<vmem>>
      %dma_start3A_111 = tpu.memref_squeeze %dma_start3A_110 : memref<1x1x128xi32, #tpu.memory_space<vmem>> -> memref<128xi32, #tpu.memory_space<vmem>>
      %dma_start3A_112 = arith.constant 0 : i32
      %dma_start3A_113 = arith.constant 0 : i32
      %dma_start3A_114 = tpu.memref_slice %arg2[%dma_start3A_112, %dma_start3A_113] : memref<10000x128xf32, #tpu.memory_space<hbm>> -> memref<10000x128xf32, #tpu.memory_space<hbm>>
      tpu.enqueue_indirect_dma source(%dma_start3A_114 : memref<10000x128xf32, #tpu.memory_space<hbm>>) target(%dma_start3A_108 : memref<128x128xf32, #tpu.memory_space<vmem>>) offsets(%dma_start3A_111 : memref<128xi32, #tpu.memory_space<vmem>>) semaphore(%arg12 : memref<!tpu.dma_semaphore, #tpu.memory_space<semaphore_mem>>)
      %dma_start3A_115 = arith.constant 0 : i32
      %dma_start3A_116 = arith.constant 1 : i32
      %dma_start3A_117 = arith.constant 128 : i32
      %dma_start3A_118 = arith.constant 0 : i32
      %dma_start3A_119 = tpu.memref_slice %arg8[%dma_start3A_117, %dma_start3A_118] : memref<256x128xf32, #tpu.memory_space<vmem>> -> memref<128x128xf32, #tpu.memory_space<vmem>>
      %dma_start3A_120 = arith.constant 0 : i32
      %dma_start3A_121 = tpu.memref_slice %arg6[%dma_start3A_115, %dma_start3A_116, %dma_start3A_120] : memref<2x8x128xi32, #tpu.memory_space<vmem>> -> memref<1x1x128xi32, #tpu.memory_space<vmem>>
      %dma_start3A_122 = tpu.memref_squeeze %dma_start3A_121 : memref<1x1x128xi32, #tpu.memory_space<vmem>> -> memref<128xi32, #tpu.memory_space<vmem>>
      %dma_start3A_123 = arith.constant 0 : i32
      %dma_start3A_124 = arith.constant 0 : i32
      %dma_start3A_125 = tpu.memref_slice %arg2[%dma_start3A_123, %dma_start3A_124] : memref<10000x128xf32, #tpu.memory_space<hbm>> -> memref<10000x128xf32, #tpu.memory_space<hbm>>
      tpu.enqueue_indirect_dma source(%dma_start3A_125 : memref<10000x128xf32, #tpu.memory_space<hbm>>) target(%dma_start3A_119 : memref<128x128xf32, #tpu.memory_space<vmem>>) offsets(%dma_start3A_122 : memref<128xi32, #tpu.memory_space<vmem>>) semaphore(%arg13 : memref<!tpu.dma_semaphore, #tpu.memory_space<semaphore_mem>>)
      %dma_wait3A_126 = arith.constant 0 : i32
      %dma_wait3A_127 = arith.constant 0 : i32
      %dma_wait3A_128 = arith.constant 0 : i32
      %dma_wait3A_129 = arith.constant 0 : i32
      %dma_wait3A_130 = tpu.memref_slice %arg8[%dma_wait3A_128, %dma_wait3A_129] : memref<256x128xf32, #tpu.memory_space<vmem>> -> memref<128x128xf32, #tpu.memory_space<vmem>>
      %dma_wait3A_131 = arith.constant 0 : i32
      %dma_wait3A_132 = tpu.memref_slice %arg6[%dma_wait3A_126, %dma_wait3A_127, %dma_wait3A_131] : memref<2x8x128xi32, #tpu.memory_space<vmem>> -> memref<1x1x128xi32, #tpu.memory_space<vmem>>
      %dma_wait3A_133 = tpu.memref_squeeze %dma_wait3A_132 : memref<1x1x128xi32, #tpu.memory_space<vmem>> -> memref<128xi32, #tpu.memory_space<vmem>>
      %dma_wait3A_134 = arith.constant 0 : i32
      %dma_wait3A_135 = arith.constant 0 : i32
      %dma_wait3A_136 = tpu.memref_slice %arg2[%dma_wait3A_134, %dma_wait3A_135] : memref<10000x128xf32, #tpu.memory_space<hbm>> -> memref<10000x128xf32, #tpu.memory_space<hbm>>
      tpu.wait_indirect_dma semaphore(%arg12 : memref<!tpu.dma_semaphore, #tpu.memory_space<semaphore_mem>>) src(%dma_wait3A_136 : memref<10000x128xf32, #tpu.memory_space<hbm>>) dst(%dma_wait3A_130 : memref<128x128xf32, #tpu.memory_space<vmem>>)
      %run_scoped3A = arith.constant 0 : i32
      %run_scoped3A_137 = arith.constant 0 : i32
      "tpu.region"() ({
        %run_scoped3A_532 = tpu.sem_alloc : memref<!tpu.dma_semaphore, #tpu.memory_space<semaphore_mem>>
        %dma_start3A_533 = arith.constant 0 : i32
        %dma_start3A_534 = arith.constant 0 : i32
        %dma_start3A_535 = tpu.memref_slice %arg8[%dma_start3A_533, %dma_start3A_534] : memref<256x128xf32, #tpu.memory_space<vmem>> -> memref<128x128xf32, #tpu.memory_space<vmem>>
        %dma_start3A_536 = arith.constant 0 : i32
        %dma_start3A_537 = tpu.memref_slice %arg7[%run_scoped3A, %run_scoped3A_137, %dma_start3A_536] : memref<2x8x128xi32, #tpu.memory_space<vmem>> -> memref<1x1x128xi32, #tpu.memory_space<vmem>>
        %dma_start3A_538 = tpu.memref_squeeze %dma_start3A_537 : memref<1x1x128xi32, #tpu.memory_space<vmem>> -> memref<128xi32, #tpu.memory_space<vmem>>
        %dma_start3A_539 = arith.constant 0 : i32
        %dma_start3A_540 = arith.constant 0 : i32
        %dma_start3A_541 = tpu.memref_slice %arg9[%dma_start3A_539, %dma_start3A_540] : memref<10240x128xf32, #tpu.memory_space<vmem_shared>> -> memref<10240x128xf32, #tpu.memory_space<vmem_shared>>
        tpu.enqueue_indirect_dma source(%dma_start3A_535 : memref<128x128xf32, #tpu.memory_space<vmem>>) target(%dma_start3A_541 : memref<10240x128xf32, #tpu.memory_space<vmem_shared>>) offsets(%dma_start3A_538 : memref<128xi32, #tpu.memory_space<vmem>>) semaphore(%run_scoped3A_532 : memref<!tpu.dma_semaphore, #tpu.memory_space<semaphore_mem>>) {add = true}
        %dma_wait3A_542 = arith.constant 0 : i32
        %dma_wait3A_543 = arith.constant 0 : i32
        %dma_wait3A_544 = tpu.memref_slice %arg8[%dma_wait3A_542, %dma_wait3A_543] : memref<256x128xf32, #tpu.memory_space<vmem>> -> memref<128x128xf32, #tpu.memory_space<vmem>>
        %dma_wait3A_545 = arith.constant 0 : i32
        %dma_wait3A_546 = tpu.memref_slice %arg7[%run_scoped3A, %run_scoped3A_137, %dma_wait3A_545] : memref<2x8x128xi32, #tpu.memory_space<vmem>> -> memref<1x1x128xi32, #tpu.memory_space<vmem>>
        %dma_wait3A_547 = tpu.memref_squeeze %dma_wait3A_546 : memref<1x1x128xi32, #tpu.memory_space<vmem>> -> memref<128xi32, #tpu.memory_space<vmem>>
        %dma_wait3A_548 = arith.constant 0 : i32
        %dma_wait3A_549 = arith.constant 0 : i32
        %dma_wait3A_550 = tpu.memref_slice %arg9[%dma_wait3A_548, %dma_wait3A_549] : memref<10240x128xf32, #tpu.memory_space<vmem_shared>> -> memref<10240x128xf32, #tpu.memory_space<vmem_shared>>
        tpu.wait_indirect_dma semaphore(%run_scoped3A_532 : memref<!tpu.dma_semaphore, #tpu.memory_space<semaphore_mem>>) src(%dma_wait3A_544 : memref<128x128xf32, #tpu.memory_space<vmem>>) dst(%dma_wait3A_550 : memref<10240x128xf32, #tpu.memory_space<vmem_shared>>)
        tpu.yield
      }) : () -> ()
      %dma_start3A_138 = arith.constant 0 : i32
      %dma_start3A_139 = arith.constant 2 : i32
      %dma_start3A_140 = arith.constant 0 : i32
      %dma_start3A_141 = arith.constant 0 : i32
      %dma_start3A_142 = tpu.memref_slice %arg8[%dma_start3A_140, %dma_start3A_141] : memref<256x128xf32, #tpu.memory_space<vmem>> -> memref<128x128xf32, #tpu.memory_space<vmem>>
      %dma_start3A_143 = arith.constant 0 : i32
      %dma_start3A_144 = tpu.memref_slice %arg6[%dma_start3A_138, %dma_start3A_139, %dma_start3A_143] : memref<2x8x128xi32, #tpu.memory_space<vmem>> -> memref<1x1x128xi32, #tpu.memory_space<vmem>>
      %dma_start3A_145 = tpu.memref_squeeze %dma_start3A_144 : memref<1x1x128xi32, #tpu.memory_space<vmem>> -> memref<128xi32, #tpu.memory_space<vmem>>
      %dma_start3A_146 = arith.constant 0 : i32
      %dma_start3A_147 = arith.constant 0 : i32
      %dma_start3A_148 = tpu.memref_slice %arg2[%dma_start3A_146, %dma_start3A_147] : memref<10000x128xf32, #tpu.memory_space<hbm>> -> memref<10000x128xf32, #tpu.memory_space<hbm>>
      tpu.enqueue_indirect_dma source(%dma_start3A_148 : memref<10000x128xf32, #tpu.memory_space<hbm>>) target(%dma_start3A_142 : memref<128x128xf32, #tpu.memory_space<vmem>>) offsets(%dma_start3A_145 : memref<128xi32, #tpu.memory_space<vmem>>) semaphore(%arg12 : memref<!tpu.dma_semaphore, #tpu.memory_space<semaphore_mem>>)
      %dma_wait3A_149 = arith.constant 0 : i32
      %dma_wait3A_150 = arith.constant 1 : i32
      %dma_wait3A_151 = arith.constant 128 : i32
      %dma_wait3A_152 = arith.constant 0 : i32
      %dma_wait3A_153 = tpu.memref_slice %arg8[%dma_wait3A_151, %dma_wait3A_152] : memref<256x128xf32, #tpu.memory_space<vmem>> -> memref<128x128xf32, #tpu.memory_space<vmem>>
      %dma_wait3A_154 = arith.constant 0 : i32
      %dma_wait3A_155 = tpu.memref_slice %arg6[%dma_wait3A_149, %dma_wait3A_150, %dma_wait3A_154] : memref<2x8x128xi32, #tpu.memory_space<vmem>> -> memref<1x1x128xi32, #tpu.memory_space<vmem>>
      %dma_wait3A_156 = tpu.memref_squeeze %dma_wait3A_155 : memref<1x1x128xi32, #tpu.memory_space<vmem>> -> memref<128xi32, #tpu.memory_space<vmem>>
      %dma_wait3A_157 = arith.constant 0 : i32
      %dma_wait3A_158 = arith.constant 0 : i32
      %dma_wait3A_159 = tpu.memref_slice %arg2[%dma_wait3A_157, %dma_wait3A_158] : memref<10000x128xf32, #tpu.memory_space<hbm>> -> memref<10000x128xf32, #tpu.memory_space<hbm>>
      tpu.wait_indirect_dma semaphore(%arg13 : memref<!tpu.dma_semaphore, #tpu.memory_space<semaphore_mem>>) src(%dma_wait3A_159 : memref<10000x128xf32, #tpu.memory_space<hbm>>) dst(%dma_wait3A_153 : memref<128x128xf32, #tpu.memory_space<vmem>>)
      %run_scoped3A_160 = arith.constant 0 : i32
      %run_scoped3A_161 = arith.constant 1 : i32
      "tpu.region"() ({
        %run_scoped3A_532 = tpu.sem_alloc : memref<!tpu.dma_semaphore, #tpu.memory_space<semaphore_mem>>
        %dma_start3A_533 = arith.constant 128 : i32
        %dma_start3A_534 = arith.constant 0 : i32
        %dma_start3A_535 = tpu.memref_slice %arg8[%dma_start3A_533, %dma_start3A_534] : memref<256x128xf32, #tpu.memory_space<vmem>> -> memref<128x128xf32, #tpu.memory_space<vmem>>
        %dma_start3A_536 = arith.constant 0 : i32
        %dma_start3A_537 = tpu.memref_slice %arg7[%run_scoped3A_160, %run_scoped3A_161, %dma_start3A_536] : memref<2x8x128xi32, #tpu.memory_space<vmem>> -> memref<1x1x128xi32, #tpu.memory_space<vmem>>
        %dma_start3A_538 = tpu.memref_squeeze %dma_start3A_537 : memref<1x1x128xi32, #tpu.memory_space<vmem>> -> memref<128xi32, #tpu.memory_space<vmem>>
        %dma_start3A_539 = arith.constant 0 : i32
        %dma_start3A_540 = arith.constant 0 : i32
        %dma_start3A_541 = tpu.memref_slice %arg9[%dma_start3A_539, %dma_start3A_540] : memref<10240x128xf32, #tpu.memory_space<vmem_shared>> -> memref<10240x128xf32, #tpu.memory_space<vmem_shared>>
        tpu.enqueue_indirect_dma source(%dma_start3A_535 : memref<128x128xf32, #tpu.memory_space<vmem>>) target(%dma_start3A_541 : memref<10240x128xf32, #tpu.memory_space<vmem_shared>>) offsets(%dma_start3A_538 : memref<128xi32, #tpu.memory_space<vmem>>) semaphore(%run_scoped3A_532 : memref<!tpu.dma_semaphore, #tpu.memory_space<semaphore_mem>>) {add = true}
        %dma_wait3A_542 = arith.constant 128 : i32
        %dma_wait3A_543 = arith.constant 0 : i32
        %dma_wait3A_544 = tpu.memref_slice %arg8[%dma_wait3A_542, %dma_wait3A_543] : memref<256x128xf32, #tpu.memory_space<vmem>> -> memref<128x128xf32, #tpu.memory_space<vmem>>
        %dma_wait3A_545 = arith.constant 0 : i32
        %dma_wait3A_546 = tpu.memref_slice %arg7[%run_scoped3A_160, %run_scoped3A_161, %dma_wait3A_545] : memref<2x8x128xi32, #tpu.memory_space<vmem>> -> memref<1x1x128xi32, #tpu.memory_space<vmem>>
        %dma_wait3A_547 = tpu.memref_squeeze %dma_wait3A_546 : memref<1x1x128xi32, #tpu.memory_space<vmem>> -> memref<128xi32, #tpu.memory_space<vmem>>
        %dma_wait3A_548 = arith.constant 0 : i32
        %dma_wait3A_549 = arith.constant 0 : i32
        %dma_wait3A_550 = tpu.memref_slice %arg9[%dma_wait3A_548, %dma_wait3A_549] : memref<10240x128xf32, #tpu.memory_space<vmem_shared>> -> memref<10240x128xf32, #tpu.memory_space<vmem_shared>>
        tpu.wait_indirect_dma semaphore(%run_scoped3A_532 : memref<!tpu.dma_semaphore, #tpu.memory_space<semaphore_mem>>) src(%dma_wait3A_544 : memref<128x128xf32, #tpu.memory_space<vmem>>) dst(%dma_wait3A_550 : memref<10240x128xf32, #tpu.memory_space<vmem_shared>>)
        tpu.yield
      }) : () -> ()
      %dma_start3A_162 = arith.constant 0 : i32
      %dma_start3A_163 = arith.constant 3 : i32
      %dma_start3A_164 = arith.constant 128 : i32
      %dma_start3A_165 = arith.constant 0 : i32
      %dma_start3A_166 = tpu.memref_slice %arg8[%dma_start3A_164, %dma_start3A_165] : memref<256x128xf32, #tpu.memory_space<vmem>> -> memref<128x128xf32, #tpu.memory_space<vmem>>
      %dma_start3A_167 = arith.constant 0 : i32
      %dma_start3A_168 = tpu.memref_slice %arg6[%dma_start3A_162, %dma_start3A_163, %dma_start3A_167] : memref<2x8x128xi32, #tpu.memory_space<vmem>> -> memref<1x1x128xi32, #tpu.memory_space<vmem>>
      %dma_start3A_169 = tpu.memref_squeeze %dma_start3A_168 : memref<1x1x128xi32, #tpu.memory_space<vmem>> -> memref<128xi32, #tpu.memory_space<vmem>>
      %dma_start3A_170 = arith.constant 0 : i32
      %dma_start3A_171 = arith.constant 0 : i32
      %dma_start3A_172 = tpu.memref_slice %arg2[%dma_start3A_170, %dma_start3A_171] : memref<10000x128xf32, #tpu.memory_space<hbm>> -> memref<10000x128xf32, #tpu.memory_space<hbm>>
      tpu.enqueue_indirect_dma source(%dma_start3A_172 : memref<10000x128xf32, #tpu.memory_space<hbm>>) target(%dma_start3A_166 : memref<128x128xf32, #tpu.memory_space<vmem>>) offsets(%dma_start3A_169 : memref<128xi32, #tpu.memory_space<vmem>>) semaphore(%arg13 : memref<!tpu.dma_semaphore, #tpu.memory_space<semaphore_mem>>)
      %dma_wait3A_173 = arith.constant 0 : i32
      %dma_wait3A_174 = arith.constant 2 : i32
      %dma_wait3A_175 = arith.constant 0 : i32
      %dma_wait3A_176 = arith.constant 0 : i32
      %dma_wait3A_177 = tpu.memref_slice %arg8[%dma_wait3A_175, %dma_wait3A_176] : memref<256x128xf32, #tpu.memory_space<vmem>> -> memref<128x128xf32, #tpu.memory_space<vmem>>
      %dma_wait3A_178 = arith.constant 0 : i32
      %dma_wait3A_179 = tpu.memref_slice %arg6[%dma_wait3A_173, %dma_wait3A_174, %dma_wait3A_178] : memref<2x8x128xi32, #tpu.memory_space<vmem>> -> memref<1x1x128xi32, #tpu.memory_space<vmem>>
      %dma_wait3A_180 = tpu.memref_squeeze %dma_wait3A_179 : memref<1x1x128xi32, #tpu.memory_space<vmem>> -> memref<128xi32, #tpu.memory_space<vmem>>
      %dma_wait3A_181 = arith.constant 0 : i32
      %dma_wait3A_182 = arith.constant 0 : i32
      %dma_wait3A_183 = tpu.memref_slice %arg2[%dma_wait3A_181, %dma_wait3A_182] : memref<10000x128xf32, #tpu.memory_space<hbm>> -> memref<10000x128xf32, #tpu.memory_space<hbm>>
      tpu.wait_indirect_dma semaphore(%arg12 : memref<!tpu.dma_semaphore, #tpu.memory_space<semaphore_mem>>) src(%dma_wait3A_183 : memref<10000x128xf32, #tpu.memory_space<hbm>>) dst(%dma_wait3A_177 : memref<128x128xf32, #tpu.memory_space<vmem>>)
      %run_scoped3A_184 = arith.constant 0 : i32
      %run_scoped3A_185 = arith.constant 2 : i32
      "tpu.region"() ({
        %run_scoped3A_532 = tpu.sem_alloc : memref<!tpu.dma_semaphore, #tpu.memory_space<semaphore_mem>>
        %dma_start3A_533 = arith.constant 0 : i32
        %dma_start3A_534 = arith.constant 0 : i32
        %dma_start3A_535 = tpu.memref_slice %arg8[%dma_start3A_533, %dma_start3A_534] : memref<256x128xf32, #tpu.memory_space<vmem>> -> memref<128x128xf32, #tpu.memory_space<vmem>>
        %dma_start3A_536 = arith.constant 0 : i32
        %dma_start3A_537 = tpu.memref_slice %arg7[%run_scoped3A_184, %run_scoped3A_185, %dma_start3A_536] : memref<2x8x128xi32, #tpu.memory_space<vmem>> -> memref<1x1x128xi32, #tpu.memory_space<vmem>>
        %dma_start3A_538 = tpu.memref_squeeze %dma_start3A_537 : memref<1x1x128xi32, #tpu.memory_space<vmem>> -> memref<128xi32, #tpu.memory_space<vmem>>
        %dma_start3A_539 = arith.constant 0 : i32
        %dma_start3A_540 = arith.constant 0 : i32
        %dma_start3A_541 = tpu.memref_slice %arg9[%dma_start3A_539, %dma_start3A_540] : memref<10240x128xf32, #tpu.memory_space<vmem_shared>> -> memref<10240x128xf32, #tpu.memory_space<vmem_shared>>
        tpu.enqueue_indirect_dma source(%dma_start3A_535 : memref<128x128xf32, #tpu.memory_space<vmem>>) target(%dma_start3A_541 : memref<10240x128xf32, #tpu.memory_space<vmem_shared>>) offsets(%dma_start3A_538 : memref<128xi32, #tpu.memory_space<vmem>>) semaphore(%run_scoped3A_532 : memref<!tpu.dma_semaphore, #tpu.memory_space<semaphore_mem>>) {add = true}
        %dma_wait3A_542 = arith.constant 0 : i32
        %dma_wait3A_543 = arith.constant 0 : i32
        %dma_wait3A_544 = tpu.memref_slice %arg8[%dma_wait3A_542, %dma_wait3A_543] : memref<256x128xf32, #tpu.memory_space<vmem>> -> memref<128x128xf32, #tpu.memory_space<vmem>>
        %dma_wait3A_545 = arith.constant 0 : i32
        %dma_wait3A_546 = tpu.memref_slice %arg7[%run_scoped3A_184, %run_scoped3A_185, %dma_wait3A_545] : memref<2x8x128xi32, #tpu.memory_space<vmem>> -> memref<1x1x128xi32, #tpu.memory_space<vmem>>
        %dma_wait3A_547 = tpu.memref_squeeze %dma_wait3A_546 : memref<1x1x128xi32, #tpu.memory_space<vmem>> -> memref<128xi32, #tpu.memory_space<vmem>>
        %dma_wait3A_548 = arith.constant 0 : i32
        %dma_wait3A_549 = arith.constant 0 : i32
        %dma_wait3A_550 = tpu.memref_slice %arg9[%dma_wait3A_548, %dma_wait3A_549] : memref<10240x128xf32, #tpu.memory_space<vmem_shared>> -> memref<10240x128xf32, #tpu.memory_space<vmem_shared>>
        tpu.wait_indirect_dma semaphore(%run_scoped3A_532 : memref<!tpu.dma_semaphore, #tpu.memory_space<semaphore_mem>>) src(%dma_wait3A_544 : memref<128x128xf32, #tpu.memory_space<vmem>>) dst(%dma_wait3A_550 : memref<10240x128xf32, #tpu.memory_space<vmem_shared>>)
        tpu.yield
      }) : () -> ()
      %dma_start3A_186 = arith.constant 0 : i32
      %dma_start3A_187 = arith.constant 4 : i32
      %dma_start3A_188 = arith.constant 0 : i32
      %dma_start3A_189 = arith.constant 0 : i32
      %dma_start3A_190 = tpu.memref_slice %arg8[%dma_start3A_188, %dma_start3A_189] : memref<256x128xf32, #tpu.memory_space<vmem>> -> memref<128x128xf32, #tpu.memory_space<vmem>>
      %dma_start3A_191 = arith.constant 0 : i32
      %dma_start3A_192 = tpu.memref_slice %arg6[%dma_start3A_186, %dma_start3A_187, %dma_start3A_191] : memref<2x8x128xi32, #tpu.memory_space<vmem>> -> memref<1x1x128xi32, #tpu.memory_space<vmem>>
      %dma_start3A_193 = tpu.memref_squeeze %dma_start3A_192 : memref<1x1x128xi32, #tpu.memory_space<vmem>> -> memref<128xi32, #tpu.memory_space<vmem>>
      %dma_start3A_194 = arith.constant 0 : i32
      %dma_start3A_195 = arith.constant 0 : i32
      %dma_start3A_196 = tpu.memref_slice %arg2[%dma_start3A_194, %dma_start3A_195] : memref<10000x128xf32, #tpu.memory_space<hbm>> -> memref<10000x128xf32, #tpu.memory_space<hbm>>
      tpu.enqueue_indirect_dma source(%dma_start3A_196 : memref<10000x128xf32, #tpu.memory_space<hbm>>) target(%dma_start3A_190 : memref<128x128xf32, #tpu.memory_space<vmem>>) offsets(%dma_start3A_193 : memref<128xi32, #tpu.memory_space<vmem>>) semaphore(%arg12 : memref<!tpu.dma_semaphore, #tpu.memory_space<semaphore_mem>>)
      %dma_wait3A_197 = arith.constant 0 : i32
      %dma_wait3A_198 = arith.constant 3 : i32
      %dma_wait3A_199 = arith.constant 128 : i32
      %dma_wait3A_200 = arith.constant 0 : i32
      %dma_wait3A_201 = tpu.memref_slice %arg8[%dma_wait3A_199, %dma_wait3A_200] : memref<256x128xf32, #tpu.memory_space<vmem>> -> memref<128x128xf32, #tpu.memory_space<vmem>>
      %dma_wait3A_202 = arith.constant 0 : i32
      %dma_wait3A_203 = tpu.memref_slice %arg6[%dma_wait3A_197, %dma_wait3A_198, %dma_wait3A_202] : memref<2x8x128xi32, #tpu.memory_space<vmem>> -> memref<1x1x128xi32, #tpu.memory_space<vmem>>
      %dma_wait3A_204 = tpu.memref_squeeze %dma_wait3A_203 : memref<1x1x128xi32, #tpu.memory_space<vmem>> -> memref<128xi32, #tpu.memory_space<vmem>>
      %dma_wait3A_205 = arith.constant 0 : i32
      %dma_wait3A_206 = arith.constant 0 : i32
      %dma_wait3A_207 = tpu.memref_slice %arg2[%dma_wait3A_205, %dma_wait3A_206] : memref<10000x128xf32, #tpu.memory_space<hbm>> -> memref<10000x128xf32, #tpu.memory_space<hbm>>
      tpu.wait_indirect_dma semaphore(%arg13 : memref<!tpu.dma_semaphore, #tpu.memory_space<semaphore_mem>>) src(%dma_wait3A_207 : memref<10000x128xf32, #tpu.memory_space<hbm>>) dst(%dma_wait3A_201 : memref<128x128xf32, #tpu.memory_space<vmem>>)
      %run_scoped3A_208 = arith.constant 0 : i32
      %run_scoped3A_209 = arith.constant 3 : i32
      "tpu.region"() ({
        %run_scoped3A_532 = tpu.sem_alloc : memref<!tpu.dma_semaphore, #tpu.memory_space<semaphore_mem>>
        %dma_start3A_533 = arith.constant 128 : i32
        %dma_start3A_534 = arith.constant 0 : i32
        %dma_start3A_535 = tpu.memref_slice %arg8[%dma_start3A_533, %dma_start3A_534] : memref<256x128xf32, #tpu.memory_space<vmem>> -> memref<128x128xf32, #tpu.memory_space<vmem>>
        %dma_start3A_536 = arith.constant 0 : i32
        %dma_start3A_537 = tpu.memref_slice %arg7[%run_scoped3A_208, %run_scoped3A_209, %dma_start3A_536] : memref<2x8x128xi32, #tpu.memory_space<vmem>> -> memref<1x1x128xi32, #tpu.memory_space<vmem>>
        %dma_start3A_538 = tpu.memref_squeeze %dma_start3A_537 : memref<1x1x128xi32, #tpu.memory_space<vmem>> -> memref<128xi32, #tpu.memory_space<vmem>>
        %dma_start3A_539 = arith.constant 0 : i32
        %dma_start3A_540 = arith.constant 0 : i32
        %dma_start3A_541 = tpu.memref_slice %arg9[%dma_start3A_539, %dma_start3A_540] : memref<10240x128xf32, #tpu.memory_space<vmem_shared>> -> memref<10240x128xf32, #tpu.memory_space<vmem_shared>>
        tpu.enqueue_indirect_dma source(%dma_start3A_535 : memref<128x128xf32, #tpu.memory_space<vmem>>) target(%dma_start3A_541 : memref<10240x128xf32, #tpu.memory_space<vmem_shared>>) offsets(%dma_start3A_538 : memref<128xi32, #tpu.memory_space<vmem>>) semaphore(%run_scoped3A_532 : memref<!tpu.dma_semaphore, #tpu.memory_space<semaphore_mem>>) {add = true}
        %dma_wait3A_542 = arith.constant 128 : i32
        %dma_wait3A_543 = arith.constant 0 : i32
        %dma_wait3A_544 = tpu.memref_slice %arg8[%dma_wait3A_542, %dma_wait3A_543] : memref<256x128xf32, #tpu.memory_space<vmem>> -> memref<128x128xf32, #tpu.memory_space<vmem>>
        %dma_wait3A_545 = arith.constant 0 : i32
        %dma_wait3A_546 = tpu.memref_slice %arg7[%run_scoped3A_208, %run_scoped3A_209, %dma_wait3A_545] : memref<2x8x128xi32, #tpu.memory_space<vmem>> -> memref<1x1x128xi32, #tpu.memory_space<vmem>>
        %dma_wait3A_547 = tpu.memref_squeeze %dma_wait3A_546 : memref<1x1x128xi32, #tpu.memory_space<vmem>> -> memref<128xi32, #tpu.memory_space<vmem>>
        %dma_wait3A_548 = arith.constant 0 : i32
        %dma_wait3A_549 = arith.constant 0 : i32
        %dma_wait3A_550 = tpu.memref_slice %arg9[%dma_wait3A_548, %dma_wait3A_549] : memref<10240x128xf32, #tpu.memory_space<vmem_shared>> -> memref<10240x128xf32, #tpu.memory_space<vmem_shared>>
        tpu.wait_indirect_dma semaphore(%run_scoped3A_532 : memref<!tpu.dma_semaphore, #tpu.memory_space<semaphore_mem>>) src(%dma_wait3A_544 : memref<128x128xf32, #tpu.memory_space<vmem>>) dst(%dma_wait3A_550 : memref<10240x128xf32, #tpu.memory_space<vmem_shared>>)
        tpu.yield
      }) : () -> ()
      %dma_start3A_210 = arith.constant 0 : i32
      %dma_start3A_211 = arith.constant 5 : i32
      %dma_start3A_212 = arith.constant 128 : i32
      %dma_start3A_213 = arith.constant 0 : i32
      %dma_start3A_214 = tpu.memref_slice %arg8[%dma_start3A_212, %dma_start3A_213] : memref<256x128xf32, #tpu.memory_space<vmem>> -> memref<128x128xf32, #tpu.memory_space<vmem>>
      %dma_start3A_215 = arith.constant 0 : i32
      %dma_start3A_216 = tpu.memref_slice %arg6[%dma_start3A_210, %dma_start3A_211, %dma_start3A_215] : memref<2x8x128xi32, #tpu.memory_space<vmem>> -> memref<1x1x128xi32, #tpu.memory_space<vmem>>
      %dma_start3A_217 = tpu.memref_squeeze %dma_start3A_216 : memref<1x1x128xi32, #tpu.memory_space<vmem>> -> memref<128xi32, #tpu.memory_space<vmem>>
      %dma_start3A_218 = arith.constant 0 : i32
      %dma_start3A_219 = arith.constant 0 : i32
      %dma_start3A_220 = tpu.memref_slice %arg2[%dma_start3A_218, %dma_start3A_219] : memref<10000x128xf32, #tpu.memory_space<hbm>> -> memref<10000x128xf32, #tpu.memory_space<hbm>>
      tpu.enqueue_indirect_dma source(%dma_start3A_220 : memref<10000x128xf32, #tpu.memory_space<hbm>>) target(%dma_start3A_214 : memref<128x128xf32, #tpu.memory_space<vmem>>) offsets(%dma_start3A_217 : memref<128xi32, #tpu.memory_space<vmem>>) semaphore(%arg13 : memref<!tpu.dma_semaphore, #tpu.memory_space<semaphore_mem>>)
      %dma_wait3A_221 = arith.constant 0 : i32
      %dma_wait3A_222 = arith.constant 4 : i32
      %dma_wait3A_223 = arith.constant 0 : i32
      %dma_wait3A_224 = arith.constant 0 : i32
      %dma_wait3A_225 = tpu.memref_slice %arg8[%dma_wait3A_223, %dma_wait3A_224] : memref<256x128xf32, #tpu.memory_space<vmem>> -> memref<128x128xf32, #tpu.memory_space<vmem>>
      %dma_wait3A_226 = arith.constant 0 : i32
      %dma_wait3A_227 = tpu.memref_slice %arg6[%dma_wait3A_221, %dma_wait3A_222, %dma_wait3A_226] : memref<2x8x128xi32, #tpu.memory_space<vmem>> -> memref<1x1x128xi32, #tpu.memory_space<vmem>>
      %dma_wait3A_228 = tpu.memref_squeeze %dma_wait3A_227 : memref<1x1x128xi32, #tpu.memory_space<vmem>> -> memref<128xi32, #tpu.memory_space<vmem>>
      %dma_wait3A_229 = arith.constant 0 : i32
      %dma_wait3A_230 = arith.constant 0 : i32
      %dma_wait3A_231 = tpu.memref_slice %arg2[%dma_wait3A_229, %dma_wait3A_230] : memref<10000x128xf32, #tpu.memory_space<hbm>> -> memref<10000x128xf32, #tpu.memory_space<hbm>>
      tpu.wait_indirect_dma semaphore(%arg12 : memref<!tpu.dma_semaphore, #tpu.memory_space<semaphore_mem>>) src(%dma_wait3A_231 : memref<10000x128xf32, #tpu.memory_space<hbm>>) dst(%dma_wait3A_225 : memref<128x128xf32, #tpu.memory_space<vmem>>)
      %run_scoped3A_232 = arith.constant 0 : i32
      %run_scoped3A_233 = arith.constant 4 : i32
      "tpu.region"() ({
        %run_scoped3A_532 = tpu.sem_alloc : memref<!tpu.dma_semaphore, #tpu.memory_space<semaphore_mem>>
        %dma_start3A_533 = arith.constant 0 : i32
        %dma_start3A_534 = arith.constant 0 : i32
        %dma_start3A_535 = tpu.memref_slice %arg8[%dma_start3A_533, %dma_start3A_534] : memref<256x128xf32, #tpu.memory_space<vmem>> -> memref<128x128xf32, #tpu.memory_space<vmem>>
        %dma_start3A_536 = arith.constant 0 : i32
        %dma_start3A_537 = tpu.memref_slice %arg7[%run_scoped3A_232, %run_scoped3A_233, %dma_start3A_536] : memref<2x8x128xi32, #tpu.memory_space<vmem>> -> memref<1x1x128xi32, #tpu.memory_space<vmem>>
        %dma_start3A_538 = tpu.memref_squeeze %dma_start3A_537 : memref<1x1x128xi32, #tpu.memory_space<vmem>> -> memref<128xi32, #tpu.memory_space<vmem>>
        %dma_start3A_539 = arith.constant 0 : i32
        %dma_start3A_540 = arith.constant 0 : i32
        %dma_start3A_541 = tpu.memref_slice %arg9[%dma_start3A_539, %dma_start3A_540] : memref<10240x128xf32, #tpu.memory_space<vmem_shared>> -> memref<10240x128xf32, #tpu.memory_space<vmem_shared>>
        tpu.enqueue_indirect_dma source(%dma_start3A_535 : memref<128x128xf32, #tpu.memory_space<vmem>>) target(%dma_start3A_541 : memref<10240x128xf32, #tpu.memory_space<vmem_shared>>) offsets(%dma_start3A_538 : memref<128xi32, #tpu.memory_space<vmem>>) semaphore(%run_scoped3A_532 : memref<!tpu.dma_semaphore, #tpu.memory_space<semaphore_mem>>) {add = true}
        %dma_wait3A_542 = arith.constant 0 : i32
        %dma_wait3A_543 = arith.constant 0 : i32
        %dma_wait3A_544 = tpu.memref_slice %arg8[%dma_wait3A_542, %dma_wait3A_543] : memref<256x128xf32, #tpu.memory_space<vmem>> -> memref<128x128xf32, #tpu.memory_space<vmem>>
        %dma_wait3A_545 = arith.constant 0 : i32
        %dma_wait3A_546 = tpu.memref_slice %arg7[%run_scoped3A_232, %run_scoped3A_233, %dma_wait3A_545] : memref<2x8x128xi32, #tpu.memory_space<vmem>> -> memref<1x1x128xi32, #tpu.memory_space<vmem>>
        %dma_wait3A_547 = tpu.memref_squeeze %dma_wait3A_546 : memref<1x1x128xi32, #tpu.memory_space<vmem>> -> memref<128xi32, #tpu.memory_space<vmem>>
        %dma_wait3A_548 = arith.constant 0 : i32
        %dma_wait3A_549 = arith.constant 0 : i32
        %dma_wait3A_550 = tpu.memref_slice %arg9[%dma_wait3A_548, %dma_wait3A_549] : memref<10240x128xf32, #tpu.memory_space<vmem_shared>> -> memref<10240x128xf32, #tpu.memory_space<vmem_shared>>
        tpu.wait_indirect_dma semaphore(%run_scoped3A_532 : memref<!tpu.dma_semaphore, #tpu.memory_space<semaphore_mem>>) src(%dma_wait3A_544 : memref<128x128xf32, #tpu.memory_space<vmem>>) dst(%dma_wait3A_550 : memref<10240x128xf32, #tpu.memory_space<vmem_shared>>)
        tpu.yield
      }) : () -> ()
      %dma_start3A_234 = arith.constant 0 : i32
      %dma_start3A_235 = arith.constant 6 : i32
      %dma_start3A_236 = arith.constant 0 : i32
      %dma_start3A_237 = arith.constant 0 : i32
      %dma_start3A_238 = tpu.memref_slice %arg8[%dma_start3A_236, %dma_start3A_237] : memref<256x128xf32, #tpu.memory_space<vmem>> -> memref<128x128xf32, #tpu.memory_space<vmem>>
      %dma_start3A_239 = arith.constant 0 : i32
      %dma_start3A_240 = tpu.memref_slice %arg6[%dma_start3A_234, %dma_start3A_235, %dma_start3A_239] : memref<2x8x128xi32, #tpu.memory_space<vmem>> -> memref<1x1x128xi32, #tpu.memory_space<vmem>>
      %dma_start3A_241 = tpu.memref_squeeze %dma_start3A_240 : memref<1x1x128xi32, #tpu.memory_space<vmem>> -> memref<128xi32, #tpu.memory_space<vmem>>
      %dma_start3A_242 = arith.constant 0 : i32
      %dma_start3A_243 = arith.constant 0 : i32
      %dma_start3A_244 = tpu.memref_slice %arg2[%dma_start3A_242, %dma_start3A_243] : memref<10000x128xf32, #tpu.memory_space<hbm>> -> memref<10000x128xf32, #tpu.memory_space<hbm>>
      tpu.enqueue_indirect_dma source(%dma_start3A_244 : memref<10000x128xf32, #tpu.memory_space<hbm>>) target(%dma_start3A_238 : memref<128x128xf32, #tpu.memory_space<vmem>>) offsets(%dma_start3A_241 : memref<128xi32, #tpu.memory_space<vmem>>) semaphore(%arg12 : memref<!tpu.dma_semaphore, #tpu.memory_space<semaphore_mem>>)
      %dma_wait3A_245 = arith.constant 0 : i32
      %dma_wait3A_246 = arith.constant 5 : i32
      %dma_wait3A_247 = arith.constant 128 : i32
      %dma_wait3A_248 = arith.constant 0 : i32
      %dma_wait3A_249 = tpu.memref_slice %arg8[%dma_wait3A_247, %dma_wait3A_248] : memref<256x128xf32, #tpu.memory_space<vmem>> -> memref<128x128xf32, #tpu.memory_space<vmem>>
      %dma_wait3A_250 = arith.constant 0 : i32
      %dma_wait3A_251 = tpu.memref_slice %arg6[%dma_wait3A_245, %dma_wait3A_246, %dma_wait3A_250] : memref<2x8x128xi32, #tpu.memory_space<vmem>> -> memref<1x1x128xi32, #tpu.memory_space<vmem>>
      %dma_wait3A_252 = tpu.memref_squeeze %dma_wait3A_251 : memref<1x1x128xi32, #tpu.memory_space<vmem>> -> memref<128xi32, #tpu.memory_space<vmem>>
      %dma_wait3A_253 = arith.constant 0 : i32
      %dma_wait3A_254 = arith.constant 0 : i32
      %dma_wait3A_255 = tpu.memref_slice %arg2[%dma_wait3A_253, %dma_wait3A_254] : memref<10000x128xf32, #tpu.memory_space<hbm>> -> memref<10000x128xf32, #tpu.memory_space<hbm>>
      tpu.wait_indirect_dma semaphore(%arg13 : memref<!tpu.dma_semaphore, #tpu.memory_space<semaphore_mem>>) src(%dma_wait3A_255 : memref<10000x128xf32, #tpu.memory_space<hbm>>) dst(%dma_wait3A_249 : memref<128x128xf32, #tpu.memory_space<vmem>>)
      %run_scoped3A_256 = arith.constant 0 : i32
      %run_scoped3A_257 = arith.constant 5 : i32
      "tpu.region"() ({
        %run_scoped3A_532 = tpu.sem_alloc : memref<!tpu.dma_semaphore, #tpu.memory_space<semaphore_mem>>
        %dma_start3A_533 = arith.constant 128 : i32
        %dma_start3A_534 = arith.constant 0 : i32
        %dma_start3A_535 = tpu.memref_slice %arg8[%dma_start3A_533, %dma_start3A_534] : memref<256x128xf32, #tpu.memory_space<vmem>> -> memref<128x128xf32, #tpu.memory_space<vmem>>
        %dma_start3A_536 = arith.constant 0 : i32
        %dma_start3A_537 = tpu.memref_slice %arg7[%run_scoped3A_256, %run_scoped3A_257, %dma_start3A_536] : memref<2x8x128xi32, #tpu.memory_space<vmem>> -> memref<1x1x128xi32, #tpu.memory_space<vmem>>
        %dma_start3A_538 = tpu.memref_squeeze %dma_start3A_537 : memref<1x1x128xi32, #tpu.memory_space<vmem>> -> memref<128xi32, #tpu.memory_space<vmem>>
        %dma_start3A_539 = arith.constant 0 : i32
        %dma_start3A_540 = arith.constant 0 : i32
        %dma_start3A_541 = tpu.memref_slice %arg9[%dma_start3A_539, %dma_start3A_540] : memref<10240x128xf32, #tpu.memory_space<vmem_shared>> -> memref<10240x128xf32, #tpu.memory_space<vmem_shared>>
        tpu.enqueue_indirect_dma source(%dma_start3A_535 : memref<128x128xf32, #tpu.memory_space<vmem>>) target(%dma_start3A_541 : memref<10240x128xf32, #tpu.memory_space<vmem_shared>>) offsets(%dma_start3A_538 : memref<128xi32, #tpu.memory_space<vmem>>) semaphore(%run_scoped3A_532 : memref<!tpu.dma_semaphore, #tpu.memory_space<semaphore_mem>>) {add = true}
        %dma_wait3A_542 = arith.constant 128 : i32
        %dma_wait3A_543 = arith.constant 0 : i32
        %dma_wait3A_544 = tpu.memref_slice %arg8[%dma_wait3A_542, %dma_wait3A_543] : memref<256x128xf32, #tpu.memory_space<vmem>> -> memref<128x128xf32, #tpu.memory_space<vmem>>
        %dma_wait3A_545 = arith.constant 0 : i32
        %dma_wait3A_546 = tpu.memref_slice %arg7[%run_scoped3A_256, %run_scoped3A_257, %dma_wait3A_545] : memref<2x8x128xi32, #tpu.memory_space<vmem>> -> memref<1x1x128xi32, #tpu.memory_space<vmem>>
        %dma_wait3A_547 = tpu.memref_squeeze %dma_wait3A_546 : memref<1x1x128xi32, #tpu.memory_space<vmem>> -> memref<128xi32, #tpu.memory_space<vmem>>
        %dma_wait3A_548 = arith.constant 0 : i32
        %dma_wait3A_549 = arith.constant 0 : i32
        %dma_wait3A_550 = tpu.memref_slice %arg9[%dma_wait3A_548, %dma_wait3A_549] : memref<10240x128xf32, #tpu.memory_space<vmem_shared>> -> memref<10240x128xf32, #tpu.memory_space<vmem_shared>>
        tpu.wait_indirect_dma semaphore(%run_scoped3A_532 : memref<!tpu.dma_semaphore, #tpu.memory_space<semaphore_mem>>) src(%dma_wait3A_544 : memref<128x128xf32, #tpu.memory_space<vmem>>) dst(%dma_wait3A_550 : memref<10240x128xf32, #tpu.memory_space<vmem_shared>>)
        tpu.yield
      }) : () -> ()
      %dma_start3A_258 = arith.constant 0 : i32
      %dma_start3A_259 = arith.constant 7 : i32
      %dma_start3A_260 = arith.constant 128 : i32
      %dma_start3A_261 = arith.constant 0 : i32
      %dma_start3A_262 = tpu.memref_slice %arg8[%dma_start3A_260, %dma_start3A_261] : memref<256x128xf32, #tpu.memory_space<vmem>> -> memref<128x128xf32, #tpu.memory_space<vmem>>
      %dma_start3A_263 = arith.constant 0 : i32
      %dma_start3A_264 = tpu.memref_slice %arg6[%dma_start3A_258, %dma_start3A_259, %dma_start3A_263] : memref<2x8x128xi32, #tpu.memory_space<vmem>> -> memref<1x1x128xi32, #tpu.memory_space<vmem>>
      %dma_start3A_265 = tpu.memref_squeeze %dma_start3A_264 : memref<1x1x128xi32, #tpu.memory_space<vmem>> -> memref<128xi32, #tpu.memory_space<vmem>>
      %dma_start3A_266 = arith.constant 0 : i32
      %dma_start3A_267 = arith.constant 0 : i32
      %dma_start3A_268 = tpu.memref_slice %arg2[%dma_start3A_266, %dma_start3A_267] : memref<10000x128xf32, #tpu.memory_space<hbm>> -> memref<10000x128xf32, #tpu.memory_space<hbm>>
      tpu.enqueue_indirect_dma source(%dma_start3A_268 : memref<10000x128xf32, #tpu.memory_space<hbm>>) target(%dma_start3A_262 : memref<128x128xf32, #tpu.memory_space<vmem>>) offsets(%dma_start3A_265 : memref<128xi32, #tpu.memory_space<vmem>>) semaphore(%arg13 : memref<!tpu.dma_semaphore, #tpu.memory_space<semaphore_mem>>)
      %dma_wait3A_269 = arith.constant 0 : i32
      %dma_wait3A_270 = arith.constant 6 : i32
      %dma_wait3A_271 = arith.constant 0 : i32
      %dma_wait3A_272 = arith.constant 0 : i32
      %dma_wait3A_273 = tpu.memref_slice %arg8[%dma_wait3A_271, %dma_wait3A_272] : memref<256x128xf32, #tpu.memory_space<vmem>> -> memref<128x128xf32, #tpu.memory_space<vmem>>
      %dma_wait3A_274 = arith.constant 0 : i32
      %dma_wait3A_275 = tpu.memref_slice %arg6[%dma_wait3A_269, %dma_wait3A_270, %dma_wait3A_274] : memref<2x8x128xi32, #tpu.memory_space<vmem>> -> memref<1x1x128xi32, #tpu.memory_space<vmem>>
      %dma_wait3A_276 = tpu.memref_squeeze %dma_wait3A_275 : memref<1x1x128xi32, #tpu.memory_space<vmem>> -> memref<128xi32, #tpu.memory_space<vmem>>
      %dma_wait3A_277 = arith.constant 0 : i32
      %dma_wait3A_278 = arith.constant 0 : i32
      %dma_wait3A_279 = tpu.memref_slice %arg2[%dma_wait3A_277, %dma_wait3A_278] : memref<10000x128xf32, #tpu.memory_space<hbm>> -> memref<10000x128xf32, #tpu.memory_space<hbm>>
      tpu.wait_indirect_dma semaphore(%arg12 : memref<!tpu.dma_semaphore, #tpu.memory_space<semaphore_mem>>) src(%dma_wait3A_279 : memref<10000x128xf32, #tpu.memory_space<hbm>>) dst(%dma_wait3A_273 : memref<128x128xf32, #tpu.memory_space<vmem>>)
      %run_scoped3A_280 = arith.constant 0 : i32
      %run_scoped3A_281 = arith.constant 6 : i32
      "tpu.region"() ({
        %run_scoped3A_532 = tpu.sem_alloc : memref<!tpu.dma_semaphore, #tpu.memory_space<semaphore_mem>>
        %dma_start3A_533 = arith.constant 0 : i32
        %dma_start3A_534 = arith.constant 0 : i32
        %dma_start3A_535 = tpu.memref_slice %arg8[%dma_start3A_533, %dma_start3A_534] : memref<256x128xf32, #tpu.memory_space<vmem>> -> memref<128x128xf32, #tpu.memory_space<vmem>>
        %dma_start3A_536 = arith.constant 0 : i32
        %dma_start3A_537 = tpu.memref_slice %arg7[%run_scoped3A_280, %run_scoped3A_281, %dma_start3A_536] : memref<2x8x128xi32, #tpu.memory_space<vmem>> -> memref<1x1x128xi32, #tpu.memory_space<vmem>>
        %dma_start3A_538 = tpu.memref_squeeze %dma_start3A_537 : memref<1x1x128xi32, #tpu.memory_space<vmem>> -> memref<128xi32, #tpu.memory_space<vmem>>
        %dma_start3A_539 = arith.constant 0 : i32
        %dma_start3A_540 = arith.constant 0 : i32
        %dma_start3A_541 = tpu.memref_slice %arg9[%dma_start3A_539, %dma_start3A_540] : memref<10240x128xf32, #tpu.memory_space<vmem_shared>> -> memref<10240x128xf32, #tpu.memory_space<vmem_shared>>
        tpu.enqueue_indirect_dma source(%dma_start3A_535 : memref<128x128xf32, #tpu.memory_space<vmem>>) target(%dma_start3A_541 : memref<10240x128xf32, #tpu.memory_space<vmem_shared>>) offsets(%dma_start3A_538 : memref<128xi32, #tpu.memory_space<vmem>>) semaphore(%run_scoped3A_532 : memref<!tpu.dma_semaphore, #tpu.memory_space<semaphore_mem>>) {add = true}
        %dma_wait3A_542 = arith.constant 0 : i32
        %dma_wait3A_543 = arith.constant 0 : i32
        %dma_wait3A_544 = tpu.memref_slice %arg8[%dma_wait3A_542, %dma_wait3A_543] : memref<256x128xf32, #tpu.memory_space<vmem>> -> memref<128x128xf32, #tpu.memory_space<vmem>>
        %dma_wait3A_545 = arith.constant 0 : i32
        %dma_wait3A_546 = tpu.memref_slice %arg7[%run_scoped3A_280, %run_scoped3A_281, %dma_wait3A_545] : memref<2x8x128xi32, #tpu.memory_space<vmem>> -> memref<1x1x128xi32, #tpu.memory_space<vmem>>
        %dma_wait3A_547 = tpu.memref_squeeze %dma_wait3A_546 : memref<1x1x128xi32, #tpu.memory_space<vmem>> -> memref<128xi32, #tpu.memory_space<vmem>>
        %dma_wait3A_548 = arith.constant 0 : i32
        %dma_wait3A_549 = arith.constant 0 : i32
        %dma_wait3A_550 = tpu.memref_slice %arg9[%dma_wait3A_548, %dma_wait3A_549] : memref<10240x128xf32, #tpu.memory_space<vmem_shared>> -> memref<10240x128xf32, #tpu.memory_space<vmem_shared>>
        tpu.wait_indirect_dma semaphore(%run_scoped3A_532 : memref<!tpu.dma_semaphore, #tpu.memory_space<semaphore_mem>>) src(%dma_wait3A_544 : memref<128x128xf32, #tpu.memory_space<vmem>>) dst(%dma_wait3A_550 : memref<10240x128xf32, #tpu.memory_space<vmem_shared>>)
        tpu.yield
      }) : () -> ()
      %dma_wait3A_282 = arith.constant 0 : i32
      %dma_wait3A_283 = arith.constant 7 : i32
      %dma_wait3A_284 = arith.constant 128 : i32
      %dma_wait3A_285 = arith.constant 0 : i32
      %dma_wait3A_286 = tpu.memref_slice %arg8[%dma_wait3A_284, %dma_wait3A_285] : memref<256x128xf32, #tpu.memory_space<vmem>> -> memref<128x128xf32, #tpu.memory_space<vmem>>
      %dma_wait3A_287 = arith.constant 0 : i32
      %dma_wait3A_288 = tpu.memref_slice %arg6[%dma_wait3A_282, %dma_wait3A_283, %dma_wait3A_287] : memref<2x8x128xi32, #tpu.memory_space<vmem>> -> memref<1x1x128xi32, #tpu.memory_space<vmem>>
      %dma_wait3A_289 = tpu.memref_squeeze %dma_wait3A_288 : memref<1x1x128xi32, #tpu.memory_space<vmem>> -> memref<128xi32, #tpu.memory_space<vmem>>
      %dma_wait3A_290 = arith.constant 0 : i32
      %dma_wait3A_291 = arith.constant 0 : i32
      %dma_wait3A_292 = tpu.memref_slice %arg2[%dma_wait3A_290, %dma_wait3A_291] : memref<10000x128xf32, #tpu.memory_space<hbm>> -> memref<10000x128xf32, #tpu.memory_space<hbm>>
      tpu.wait_indirect_dma semaphore(%arg13 : memref<!tpu.dma_semaphore, #tpu.memory_space<semaphore_mem>>) src(%dma_wait3A_292 : memref<10000x128xf32, #tpu.memory_space<hbm>>) dst(%dma_wait3A_286 : memref<128x128xf32, #tpu.memory_space<vmem>>)
      %run_scoped3A_293 = arith.constant 0 : i32
      %run_scoped3A_294 = arith.constant 7 : i32
      "tpu.region"() ({
        %run_scoped3A_532 = tpu.sem_alloc : memref<!tpu.dma_semaphore, #tpu.memory_space<semaphore_mem>>
        %dma_start3A_533 = arith.constant 128 : i32
        %dma_start3A_534 = arith.constant 0 : i32
        %dma_start3A_535 = tpu.memref_slice %arg8[%dma_start3A_533, %dma_start3A_534] : memref<256x128xf32, #tpu.memory_space<vmem>> -> memref<128x128xf32, #tpu.memory_space<vmem>>
        %dma_start3A_536 = arith.constant 0 : i32
        %dma_start3A_537 = tpu.memref_slice %arg7[%run_scoped3A_293, %run_scoped3A_294, %dma_start3A_536] : memref<2x8x128xi32, #tpu.memory_space<vmem>> -> memref<1x1x128xi32, #tpu.memory_space<vmem>>
        %dma_start3A_538 = tpu.memref_squeeze %dma_start3A_537 : memref<1x1x128xi32, #tpu.memory_space<vmem>> -> memref<128xi32, #tpu.memory_space<vmem>>
        %dma_start3A_539 = arith.constant 0 : i32
        %dma_start3A_540 = arith.constant 0 : i32
        %dma_start3A_541 = tpu.memref_slice %arg9[%dma_start3A_539, %dma_start3A_540] : memref<10240x128xf32, #tpu.memory_space<vmem_shared>> -> memref<10240x128xf32, #tpu.memory_space<vmem_shared>>
        tpu.enqueue_indirect_dma source(%dma_start3A_535 : memref<128x128xf32, #tpu.memory_space<vmem>>) target(%dma_start3A_541 : memref<10240x128xf32, #tpu.memory_space<vmem_shared>>) offsets(%dma_start3A_538 : memref<128xi32, #tpu.memory_space<vmem>>) semaphore(%run_scoped3A_532 : memref<!tpu.dma_semaphore, #tpu.memory_space<semaphore_mem>>) {add = true}
        %dma_wait3A_542 = arith.constant 128 : i32
        %dma_wait3A_543 = arith.constant 0 : i32
        %dma_wait3A_544 = tpu.memref_slice %arg8[%dma_wait3A_542, %dma_wait3A_543] : memref<256x128xf32, #tpu.memory_space<vmem>> -> memref<128x128xf32, #tpu.memory_space<vmem>>
        %dma_wait3A_545 = arith.constant 0 : i32
        %dma_wait3A_546 = tpu.memref_slice %arg7[%run_scoped3A_293, %run_scoped3A_294, %dma_wait3A_545] : memref<2x8x128xi32, #tpu.memory_space<vmem>> -> memref<1x1x128xi32, #tpu.memory_space<vmem>>
        %dma_wait3A_547 = tpu.memref_squeeze %dma_wait3A_546 : memref<1x1x128xi32, #tpu.memory_space<vmem>> -> memref<128xi32, #tpu.memory_space<vmem>>
        %dma_wait3A_548 = arith.constant 0 : i32
        %dma_wait3A_549 = arith.constant 0 : i32
        %dma_wait3A_550 = tpu.memref_slice %arg9[%dma_wait3A_548, %dma_wait3A_549] : memref<10240x128xf32, #tpu.memory_space<vmem_shared>> -> memref<10240x128xf32, #tpu.memory_space<vmem_shared>>
        tpu.wait_indirect_dma semaphore(%run_scoped3A_532 : memref<!tpu.dma_semaphore, #tpu.memory_space<semaphore_mem>>) src(%dma_wait3A_544 : memref<128x128xf32, #tpu.memory_space<vmem>>) dst(%dma_wait3A_550 : memref<10240x128xf32, #tpu.memory_space<vmem_shared>>)
        tpu.yield
      }) : () -> ()
      %mul3A_295 = arith.constant 2 : i32
      %mul3A_296 = arith.muli %mul3A_295, %scan3A_62 : i32
      %add3A_297 = arith.constant 1 : i32
      %add3A_298 = arith.addi %mul3A_296, %add3A_297 : i32
      %mul3A_299 = arith.constant 8 : i32
      %mul3A_300 = arith.muli %add3A_298, %mul3A_299 : i32
      %dma_wait3A_301 = arith.constant 1 : i32
      %dma_wait3A_302 = arith.constant 0 : i32
      %dma_wait3A_303 = arith.constant 0 : i32
      %dma_wait3A_304 = tpu.memref_slice %arg6[%dma_wait3A_301, %dma_wait3A_302, %dma_wait3A_303] : memref<2x8x128xi32, #tpu.memory_space<vmem>> -> memref<1x8x128xi32, #tpu.memory_space<vmem>>
      %dma_wait3A_305 = tpu.memref_squeeze %dma_wait3A_304 : memref<1x8x128xi32, #tpu.memory_space<vmem>> -> memref<8x128xi32, #tpu.memory_space<vmem>>
      %dma_wait3A_306 = arith.constant 0 : i32
      %dma_wait3A_307 = tpu.memref_slice %arg3[%add3A, %mul3A_300, %dma_wait3A_306] : memref<32x80x128xi32, #tpu.memory_space<hbm>> -> memref<1x8x128xi32, #tpu.memory_space<hbm>>
      %dma_wait3A_308 = tpu.memref_squeeze %dma_wait3A_307 : memref<1x8x128xi32, #tpu.memory_space<hbm>> -> memref<8x128xi32, #tpu.memory_space<hbm>>
      %dma_wait3A_309 = arith.constant 0 : i32
      %dma_wait3A_310 = arith.constant 0 : i32
      %dma_wait3A_311 = tpu.memref_slice %arg6[%dma_wait3A_301, %dma_wait3A_309, %dma_wait3A_310] : memref<2x8x128xi32, #tpu.memory_space<vmem>> -> memref<1x8x128xi32, #tpu.memory_space<vmem>>
      %dma_wait3A_312 = tpu.memref_squeeze %dma_wait3A_311 : memref<1x8x128xi32, #tpu.memory_space<vmem>> -> memref<8x128xi32, #tpu.memory_space<vmem>>
      %dma_wait3A_313 = arith.constant 0 : i32
      %dma_wait3A_314 = tpu.memref_slice %arg3[%add3A, %mul3A_300, %dma_wait3A_313] : memref<32x80x128xi32, #tpu.memory_space<hbm>> -> memref<1x8x128xi32, #tpu.memory_space<hbm>>
      %dma_wait3A_315 = tpu.memref_squeeze %dma_wait3A_314 : memref<1x8x128xi32, #tpu.memory_space<hbm>> -> memref<8x128xi32, #tpu.memory_space<hbm>>
      tpu.wait_dma2 semaphore(%arg11 : memref<!tpu.dma_semaphore, #tpu.memory_space<semaphore_mem>>) src(%dma_wait3A_315 : memref<8x128xi32, #tpu.memory_space<hbm>>) dst(%dma_wait3A_312 : memref<8x128xi32, #tpu.memory_space<vmem>>)
      %mul3A_316 = arith.constant 8 : i32
      %mul3A_317 = arith.muli %add3A_298, %mul3A_316 : i32
      %dma_wait3A_318 = arith.constant 1 : i32
      %dma_wait3A_319 = arith.constant 0 : i32
      %dma_wait3A_320 = arith.constant 0 : i32
      %dma_wait3A_321 = tpu.memref_slice %arg7[%dma_wait3A_318, %dma_wait3A_319, %dma_wait3A_320] : memref<2x8x128xi32, #tpu.memory_space<vmem>> -> memref<1x8x128xi32, #tpu.memory_space<vmem>>
      %dma_wait3A_322 = tpu.memref_squeeze %dma_wait3A_321 : memref<1x8x128xi32, #tpu.memory_space<vmem>> -> memref<8x128xi32, #tpu.memory_space<vmem>>
      %dma_wait3A_323 = arith.constant 0 : i32
      %dma_wait3A_324 = tpu.memref_slice %arg4[%add3A, %mul3A_317, %dma_wait3A_323] : memref<32x80x128xi32, #tpu.memory_space<hbm>> -> memref<1x8x128xi32, #tpu.memory_space<hbm>>
      %dma_wait3A_325 = tpu.memref_squeeze %dma_wait3A_324 : memref<1x8x128xi32, #tpu.memory_space<hbm>> -> memref<8x128xi32, #tpu.memory_space<hbm>>
      %dma_wait3A_326 = arith.constant 0 : i32
      %dma_wait3A_327 = arith.constant 0 : i32
      %dma_wait3A_328 = tpu.memref_slice %arg7[%dma_wait3A_318, %dma_wait3A_326, %dma_wait3A_327] : memref<2x8x128xi32, #tpu.memory_space<vmem>> -> memref<1x8x128xi32, #tpu.memory_space<vmem>>
      %dma_wait3A_329 = tpu.memref_squeeze %dma_wait3A_328 : memref<1x8x128xi32, #tpu.memory_space<vmem>> -> memref<8x128xi32, #tpu.memory_space<vmem>>
      %dma_wait3A_330 = arith.constant 0 : i32
      %dma_wait3A_331 = tpu.memref_slice %arg4[%add3A, %mul3A_317, %dma_wait3A_330] : memref<32x80x128xi32, #tpu.memory_space<hbm>> -> memref<1x8x128xi32, #tpu.memory_space<hbm>>
      %dma_wait3A_332 = tpu.memref_squeeze %dma_wait3A_331 : memref<1x8x128xi32, #tpu.memory_space<hbm>> -> memref<8x128xi32, #tpu.memory_space<hbm>>
      tpu.wait_dma2 semaphore(%arg11 : memref<!tpu.dma_semaphore, #tpu.memory_space<semaphore_mem>>) src(%dma_wait3A_332 : memref<8x128xi32, #tpu.memory_space<hbm>>) dst(%dma_wait3A_329 : memref<8x128xi32, #tpu.memory_space<vmem>>)
      %add3A_333 = arith.constant 1 : i32
      %add3A_334 = arith.addi %add3A_298, %add3A_333 : i32
      %lt3A_335 = arith.constant 10 : i32
      %lt3A_336 = arith.cmpi slt, %add3A_334, %lt3A_335 : i32
      %convert_element_type3A_337 = arith.extui %lt3A_336 : i1 to i32
      %cond3A_338 = arith.constant 0 : i32
      %cond3A_339 = arith.cmpi ne, %convert_element_type3A_337, %cond3A_338 : i32
      scf.if %cond3A_339 {
        %add3A_532 = arith.constant 1 : i32
        %add3A_533 = arith.addi %add3A_298, %add3A_532 : i32
        %mul3A_534 = arith.constant 8 : i32
        %mul3A_535 = arith.muli %add3A_533, %mul3A_534 : i32
        %dma_start3A_536 = arith.constant 0 : i32
        %dma_start3A_537 = arith.constant 0 : i32
        %dma_start3A_538 = arith.constant 0 : i32
        %dma_start3A_539 = tpu.memref_slice %arg6[%dma_start3A_536, %dma_start3A_537, %dma_start3A_538] : memref<2x8x128xi32, #tpu.memory_space<vmem>> -> memref<1x8x128xi32, #tpu.memory_space<vmem>>
        %dma_start3A_540 = tpu.memref_squeeze %dma_start3A_539 : memref<1x8x128xi32, #tpu.memory_space<vmem>> -> memref<8x128xi32, #tpu.memory_space<vmem>>
        %dma_start3A_541 = arith.constant 0 : i32
        %dma_start3A_542 = tpu.memref_slice %arg3[%add3A, %mul3A_535, %dma_start3A_541] : memref<32x80x128xi32, #tpu.memory_space<hbm>> -> memref<1x8x128xi32, #tpu.memory_space<hbm>>
        %dma_start3A_543 = tpu.memref_squeeze %dma_start3A_542 : memref<1x8x128xi32, #tpu.memory_space<hbm>> -> memref<8x128xi32, #tpu.memory_space<hbm>>
        %dma_start3A_544 = arith.constant 0 : i32
        %dma_start3A_545 = arith.constant 0 : i32
        %dma_start3A_546 = tpu.memref_slice %arg6[%dma_start3A_536, %dma_start3A_544, %dma_start3A_545] : memref<2x8x128xi32, #tpu.memory_space<vmem>> -> memref<1x8x128xi32, #tpu.memory_space<vmem>>
        %dma_start3A_547 = tpu.memref_squeeze %dma_start3A_546 : memref<1x8x128xi32, #tpu.memory_space<vmem>> -> memref<8x128xi32, #tpu.memory_space<vmem>>
        %dma_start3A_548 = arith.constant 0 : i32
        %dma_start3A_549 = tpu.memref_slice %arg3[%add3A, %mul3A_535, %dma_start3A_548] : memref<32x80x128xi32, #tpu.memory_space<hbm>> -> memref<1x8x128xi32, #tpu.memory_space<hbm>>
        %dma_start3A_550 = tpu.memref_squeeze %dma_start3A_549 : memref<1x8x128xi32, #tpu.memory_space<hbm>> -> memref<8x128xi32, #tpu.memory_space<hbm>>
        tpu.enqueue_dma source(%dma_start3A_550 : memref<8x128xi32, #tpu.memory_space<hbm>>) target(%dma_start3A_547 : memref<8x128xi32, #tpu.memory_space<vmem>>) target_semaphore(%arg10 : memref<!tpu.dma_semaphore, #tpu.memory_space<semaphore_mem>>)
        %mul3A_551 = arith.constant 8 : i32
        %mul3A_552 = arith.muli %add3A_533, %mul3A_551 : i32
        %dma_start3A_553 = arith.constant 0 : i32
        %dma_start3A_554 = arith.constant 0 : i32
        %dma_start3A_555 = arith.constant 0 : i32
        %dma_start3A_556 = tpu.memref_slice %arg7[%dma_start3A_553, %dma_start3A_554, %dma_start3A_555] : memref<2x8x128xi32, #tpu.memory_space<vmem>> -> memref<1x8x128xi32, #tpu.memory_space<vmem>>
        %dma_start3A_557 = tpu.memref_squeeze %dma_start3A_556 : memref<1x8x128xi32, #tpu.memory_space<vmem>> -> memref<8x128xi32, #tpu.memory_space<vmem>>
        %dma_start3A_558 = arith.constant 0 : i32
        %dma_start3A_559 = tpu.memref_slice %arg4[%add3A, %mul3A_552, %dma_start3A_558] : memref<32x80x128xi32, #tpu.memory_space<hbm>> -> memref<1x8x128xi32, #tpu.memory_space<hbm>>
        %dma_start3A_560 = tpu.memref_squeeze %dma_start3A_559 : memref<1x8x128xi32, #tpu.memory_space<hbm>> -> memref<8x128xi32, #tpu.memory_space<hbm>>
        %dma_start3A_561 = arith.constant 0 : i32
        %dma_start3A_562 = arith.constant 0 : i32
        %dma_start3A_563 = tpu.memref_slice %arg7[%dma_start3A_553, %dma_start3A_561, %dma_start3A_562] : memref<2x8x128xi32, #tpu.memory_space<vmem>> -> memref<1x8x128xi32, #tpu.memory_space<vmem>>
        %dma_start3A_564 = tpu.memref_squeeze %dma_start3A_563 : memref<1x8x128xi32, #tpu.memory_space<vmem>> -> memref<8x128xi32, #tpu.memory_space<vmem>>
        %dma_start3A_565 = arith.constant 0 : i32
        %dma_start3A_566 = tpu.memref_slice %arg4[%add3A, %mul3A_552, %dma_start3A_565] : memref<32x80x128xi32, #tpu.memory_space<hbm>> -> memref<1x8x128xi32, #tpu.memory_space<hbm>>
        %dma_start3A_567 = tpu.memref_squeeze %dma_start3A_566 : memref<1x8x128xi32, #tpu.memory_space<hbm>> -> memref<8x128xi32, #tpu.memory_space<hbm>>
        tpu.enqueue_dma source(%dma_start3A_567 : memref<8x128xi32, #tpu.memory_space<hbm>>) target(%dma_start3A_564 : memref<8x128xi32, #tpu.memory_space<vmem>>) target_semaphore(%arg10 : memref<!tpu.dma_semaphore, #tpu.memory_space<semaphore_mem>>)
      } else {
      }
      %dma_start3A_340 = arith.constant 1 : i32
      %dma_start3A_341 = arith.constant 0 : i32
      %dma_start3A_342 = arith.constant 0 : i32
      %dma_start3A_343 = arith.constant 0 : i32
      %dma_start3A_344 = tpu.memref_slice %arg8[%dma_start3A_342, %dma_start3A_343] : memref<256x128xf32, #tpu.memory_space<vmem>> -> memref<128x128xf32, #tpu.memory_space<vmem>>
      %dma_start3A_345 = arith.constant 0 : i32
      %dma_start3A_346 = tpu.memref_slice %arg6[%dma_start3A_340, %dma_start3A_341, %dma_start3A_345] : memref<2x8x128xi32, #tpu.memory_space<vmem>> -> memref<1x1x128xi32, #tpu.memory_space<vmem>>
      %dma_start3A_347 = tpu.memref_squeeze %dma_start3A_346 : memref<1x1x128xi32, #tpu.memory_space<vmem>> -> memref<128xi32, #tpu.memory_space<vmem>>
      %dma_start3A_348 = arith.constant 0 : i32
      %dma_start3A_349 = arith.constant 0 : i32
      %dma_start3A_350 = tpu.memref_slice %arg2[%dma_start3A_348, %dma_start3A_349] : memref<10000x128xf32, #tpu.memory_space<hbm>> -> memref<10000x128xf32, #tpu.memory_space<hbm>>
      tpu.enqueue_indirect_dma source(%dma_start3A_350 : memref<10000x128xf32, #tpu.memory_space<hbm>>) target(%dma_start3A_344 : memref<128x128xf32, #tpu.memory_space<vmem>>) offsets(%dma_start3A_347 : memref<128xi32, #tpu.memory_space<vmem>>) semaphore(%arg12 : memref<!tpu.dma_semaphore, #tpu.memory_space<semaphore_mem>>)
      %dma_start3A_351 = arith.constant 1 : i32
      %dma_start3A_352 = arith.constant 1 : i32
      %dma_start3A_353 = arith.constant 128 : i32
      %dma_start3A_354 = arith.constant 0 : i32
      %dma_start3A_355 = tpu.memref_slice %arg8[%dma_start3A_353, %dma_start3A_354] : memref<256x128xf32, #tpu.memory_space<vmem>> -> memref<128x128xf32, #tpu.memory_space<vmem>>
      %dma_start3A_356 = arith.constant 0 : i32
      %dma_start3A_357 = tpu.memref_slice %arg6[%dma_start3A_351, %dma_start3A_352, %dma_start3A_356] : memref<2x8x128xi32, #tpu.memory_space<vmem>> -> memref<1x1x128xi32, #tpu.memory_space<vmem>>
      %dma_start3A_358 = tpu.memref_squeeze %dma_start3A_357 : memref<1x1x128xi32, #tpu.memory_space<vmem>> -> memref<128xi32, #tpu.memory_space<vmem>>
      %dma_start3A_359 = arith.constant 0 : i32
      %dma_start3A_360 = arith.constant 0 : i32
      %dma_start3A_361 = tpu.memref_slice %arg2[%dma_start3A_359, %dma_start3A_360] : memref<10000x128xf32, #tpu.memory_space<hbm>> -> memref<10000x128xf32, #tpu.memory_space<hbm>>
      tpu.enqueue_indirect_dma source(%dma_start3A_361 : memref<10000x128xf32, #tpu.memory_space<hbm>>) target(%dma_start3A_355 : memref<128x128xf32, #tpu.memory_space<vmem>>) offsets(%dma_start3A_358 : memref<128xi32, #tpu.memory_space<vmem>>) semaphore(%arg13 : memref<!tpu.dma_semaphore, #tpu.memory_space<semaphore_mem>>)
      %dma_wait3A_362 = arith.constant 1 : i32
      %dma_wait3A_363 = arith.constant 0 : i32
      %dma_wait3A_364 = arith.constant 0 : i32
      %dma_wait3A_365 = arith.constant 0 : i32
      %dma_wait3A_366 = tpu.memref_slice %arg8[%dma_wait3A_364, %dma_wait3A_365] : memref<256x128xf32, #tpu.memory_space<vmem>> -> memref<128x128xf32, #tpu.memory_space<vmem>>
      %dma_wait3A_367 = arith.constant 0 : i32
      %dma_wait3A_368 = tpu.memref_slice %arg6[%dma_wait3A_362, %dma_wait3A_363, %dma_wait3A_367] : memref<2x8x128xi32, #tpu.memory_space<vmem>> -> memref<1x1x128xi32, #tpu.memory_space<vmem>>
      %dma_wait3A_369 = tpu.memref_squeeze %dma_wait3A_368 : memref<1x1x128xi32, #tpu.memory_space<vmem>> -> memref<128xi32, #tpu.memory_space<vmem>>
      %dma_wait3A_370 = arith.constant 0 : i32
      %dma_wait3A_371 = arith.constant 0 : i32
      %dma_wait3A_372 = tpu.memref_slice %arg2[%dma_wait3A_370, %dma_wait3A_371] : memref<10000x128xf32, #tpu.memory_space<hbm>> -> memref<10000x128xf32, #tpu.memory_space<hbm>>
      tpu.wait_indirect_dma semaphore(%arg12 : memref<!tpu.dma_semaphore, #tpu.memory_space<semaphore_mem>>) src(%dma_wait3A_372 : memref<10000x128xf32, #tpu.memory_space<hbm>>) dst(%dma_wait3A_366 : memref<128x128xf32, #tpu.memory_space<vmem>>)
      %run_scoped3A_373 = arith.constant 1 : i32
      %run_scoped3A_374 = arith.constant 0 : i32
      "tpu.region"() ({
        %run_scoped3A_532 = tpu.sem_alloc : memref<!tpu.dma_semaphore, #tpu.memory_space<semaphore_mem>>
        %dma_start3A_533 = arith.constant 0 : i32
        %dma_start3A_534 = arith.constant 0 : i32
        %dma_start3A_535 = tpu.memref_slice %arg8[%dma_start3A_533, %dma_start3A_534] : memref<256x128xf32, #tpu.memory_space<vmem>> -> memref<128x128xf32, #tpu.memory_space<vmem>>
        %dma_start3A_536 = arith.constant 0 : i32
        %dma_start3A_537 = tpu.memref_slice %arg7[%run_scoped3A_373, %run_scoped3A_374, %dma_start3A_536] : memref<2x8x128xi32, #tpu.memory_space<vmem>> -> memref<1x1x128xi32, #tpu.memory_space<vmem>>
        %dma_start3A_538 = tpu.memref_squeeze %dma_start3A_537 : memref<1x1x128xi32, #tpu.memory_space<vmem>> -> memref<128xi32, #tpu.memory_space<vmem>>
        %dma_start3A_539 = arith.constant 0 : i32
        %dma_start3A_540 = arith.constant 0 : i32
        %dma_start3A_541 = tpu.memref_slice %arg9[%dma_start3A_539, %dma_start3A_540] : memref<10240x128xf32, #tpu.memory_space<vmem_shared>> -> memref<10240x128xf32, #tpu.memory_space<vmem_shared>>
        tpu.enqueue_indirect_dma source(%dma_start3A_535 : memref<128x128xf32, #tpu.memory_space<vmem>>) target(%dma_start3A_541 : memref<10240x128xf32, #tpu.memory_space<vmem_shared>>) offsets(%dma_start3A_538 : memref<128xi32, #tpu.memory_space<vmem>>) semaphore(%run_scoped3A_532 : memref<!tpu.dma_semaphore, #tpu.memory_space<semaphore_mem>>) {add = true}
        %dma_wait3A_542 = arith.constant 0 : i32
        %dma_wait3A_543 = arith.constant 0 : i32
        %dma_wait3A_544 = tpu.memref_slice %arg8[%dma_wait3A_542, %dma_wait3A_543] : memref<256x128xf32, #tpu.memory_space<vmem>> -> memref<128x128xf32, #tpu.memory_space<vmem>>
        %dma_wait3A_545 = arith.constant 0 : i32
        %dma_wait3A_546 = tpu.memref_slice %arg7[%run_scoped3A_373, %run_scoped3A_374, %dma_wait3A_545] : memref<2x8x128xi32, #tpu.memory_space<vmem>> -> memref<1x1x128xi32, #tpu.memory_space<vmem>>
        %dma_wait3A_547 = tpu.memref_squeeze %dma_wait3A_546 : memref<1x1x128xi32, #tpu.memory_space<vmem>> -> memref<128xi32, #tpu.memory_space<vmem>>
        %dma_wait3A_548 = arith.constant 0 : i32
        %dma_wait3A_549 = arith.constant 0 : i32
        %dma_wait3A_550 = tpu.memref_slice %arg9[%dma_wait3A_548, %dma_wait3A_549] : memref<10240x128xf32, #tpu.memory_space<vmem_shared>> -> memref<10240x128xf32, #tpu.memory_space<vmem_shared>>
        tpu.wait_indirect_dma semaphore(%run_scoped3A_532 : memref<!tpu.dma_semaphore, #tpu.memory_space<semaphore_mem>>) src(%dma_wait3A_544 : memref<128x128xf32, #tpu.memory_space<vmem>>) dst(%dma_wait3A_550 : memref<10240x128xf32, #tpu.memory_space<vmem_shared>>)
        tpu.yield
      }) : () -> ()
      %dma_start3A_375 = arith.constant 1 : i32
      %dma_start3A_376 = arith.constant 2 : i32
      %dma_start3A_377 = arith.constant 0 : i32
      %dma_start3A_378 = arith.constant 0 : i32
      %dma_start3A_379 = tpu.memref_slice %arg8[%dma_start3A_377, %dma_start3A_378] : memref<256x128xf32, #tpu.memory_space<vmem>> -> memref<128x128xf32, #tpu.memory_space<vmem>>
      %dma_start3A_380 = arith.constant 0 : i32
      %dma_start3A_381 = tpu.memref_slice %arg6[%dma_start3A_375, %dma_start3A_376, %dma_start3A_380] : memref<2x8x128xi32, #tpu.memory_space<vmem>> -> memref<1x1x128xi32, #tpu.memory_space<vmem>>
      %dma_start3A_382 = tpu.memref_squeeze %dma_start3A_381 : memref<1x1x128xi32, #tpu.memory_space<vmem>> -> memref<128xi32, #tpu.memory_space<vmem>>
      %dma_start3A_383 = arith.constant 0 : i32
      %dma_start3A_384 = arith.constant 0 : i32
      %dma_start3A_385 = tpu.memref_slice %arg2[%dma_start3A_383, %dma_start3A_384] : memref<10000x128xf32, #tpu.memory_space<hbm>> -> memref<10000x128xf32, #tpu.memory_space<hbm>>
      tpu.enqueue_indirect_dma source(%dma_start3A_385 : memref<10000x128xf32, #tpu.memory_space<hbm>>) target(%dma_start3A_379 : memref<128x128xf32, #tpu.memory_space<vmem>>) offsets(%dma_start3A_382 : memref<128xi32, #tpu.memory_space<vmem>>) semaphore(%arg12 : memref<!tpu.dma_semaphore, #tpu.memory_space<semaphore_mem>>)
      %dma_wait3A_386 = arith.constant 1 : i32
      %dma_wait3A_387 = arith.constant 1 : i32
      %dma_wait3A_388 = arith.constant 128 : i32
      %dma_wait3A_389 = arith.constant 0 : i32
      %dma_wait3A_390 = tpu.memref_slice %arg8[%dma_wait3A_388, %dma_wait3A_389] : memref<256x128xf32, #tpu.memory_space<vmem>> -> memref<128x128xf32, #tpu.memory_space<vmem>>
      %dma_wait3A_391 = arith.constant 0 : i32
      %dma_wait3A_392 = tpu.memref_slice %arg6[%dma_wait3A_386, %dma_wait3A_387, %dma_wait3A_391] : memref<2x8x128xi32, #tpu.memory_space<vmem>> -> memref<1x1x128xi32, #tpu.memory_space<vmem>>
      %dma_wait3A_393 = tpu.memref_squeeze %dma_wait3A_392 : memref<1x1x128xi32, #tpu.memory_space<vmem>> -> memref<128xi32, #tpu.memory_space<vmem>>
      %dma_wait3A_394 = arith.constant 0 : i32
      %dma_wait3A_395 = arith.constant 0 : i32
      %dma_wait3A_396 = tpu.memref_slice %arg2[%dma_wait3A_394, %dma_wait3A_395] : memref<10000x128xf32, #tpu.memory_space<hbm>> -> memref<10000x128xf32, #tpu.memory_space<hbm>>
      tpu.wait_indirect_dma semaphore(%arg13 : memref<!tpu.dma_semaphore, #tpu.memory_space<semaphore_mem>>) src(%dma_wait3A_396 : memref<10000x128xf32, #tpu.memory_space<hbm>>) dst(%dma_wait3A_390 : memref<128x128xf32, #tpu.memory_space<vmem>>)
      %run_scoped3A_397 = arith.constant 1 : i32
      %run_scoped3A_398 = arith.constant 1 : i32
      "tpu.region"() ({
        %run_scoped3A_532 = tpu.sem_alloc : memref<!tpu.dma_semaphore, #tpu.memory_space<semaphore_mem>>
        %dma_start3A_533 = arith.constant 128 : i32
        %dma_start3A_534 = arith.constant 0 : i32
        %dma_start3A_535 = tpu.memref_slice %arg8[%dma_start3A_533, %dma_start3A_534] : memref<256x128xf32, #tpu.memory_space<vmem>> -> memref<128x128xf32, #tpu.memory_space<vmem>>
        %dma_start3A_536 = arith.constant 0 : i32
        %dma_start3A_537 = tpu.memref_slice %arg7[%run_scoped3A_397, %run_scoped3A_398, %dma_start3A_536] : memref<2x8x128xi32, #tpu.memory_space<vmem>> -> memref<1x1x128xi32, #tpu.memory_space<vmem>>
        %dma_start3A_538 = tpu.memref_squeeze %dma_start3A_537 : memref<1x1x128xi32, #tpu.memory_space<vmem>> -> memref<128xi32, #tpu.memory_space<vmem>>
        %dma_start3A_539 = arith.constant 0 : i32
        %dma_start3A_540 = arith.constant 0 : i32
        %dma_start3A_541 = tpu.memref_slice %arg9[%dma_start3A_539, %dma_start3A_540] : memref<10240x128xf32, #tpu.memory_space<vmem_shared>> -> memref<10240x128xf32, #tpu.memory_space<vmem_shared>>
        tpu.enqueue_indirect_dma source(%dma_start3A_535 : memref<128x128xf32, #tpu.memory_space<vmem>>) target(%dma_start3A_541 : memref<10240x128xf32, #tpu.memory_space<vmem_shared>>) offsets(%dma_start3A_538 : memref<128xi32, #tpu.memory_space<vmem>>) semaphore(%run_scoped3A_532 : memref<!tpu.dma_semaphore, #tpu.memory_space<semaphore_mem>>) {add = true}
        %dma_wait3A_542 = arith.constant 128 : i32
        %dma_wait3A_543 = arith.constant 0 : i32
        %dma_wait3A_544 = tpu.memref_slice %arg8[%dma_wait3A_542, %dma_wait3A_543] : memref<256x128xf32, #tpu.memory_space<vmem>> -> memref<128x128xf32, #tpu.memory_space<vmem>>
        %dma_wait3A_545 = arith.constant 0 : i32
        %dma_wait3A_546 = tpu.memref_slice %arg7[%run_scoped3A_397, %run_scoped3A_398, %dma_wait3A_545] : memref<2x8x128xi32, #tpu.memory_space<vmem>> -> memref<1x1x128xi32, #tpu.memory_space<vmem>>
        %dma_wait3A_547 = tpu.memref_squeeze %dma_wait3A_546 : memref<1x1x128xi32, #tpu.memory_space<vmem>> -> memref<128xi32, #tpu.memory_space<vmem>>
        %dma_wait3A_548 = arith.constant 0 : i32
        %dma_wait3A_549 = arith.constant 0 : i32
        %dma_wait3A_550 = tpu.memref_slice %arg9[%dma_wait3A_548, %dma_wait3A_549] : memref<10240x128xf32, #tpu.memory_space<vmem_shared>> -> memref<10240x128xf32, #tpu.memory_space<vmem_shared>>
        tpu.wait_indirect_dma semaphore(%run_scoped3A_532 : memref<!tpu.dma_semaphore, #tpu.memory_space<semaphore_mem>>) src(%dma_wait3A_544 : memref<128x128xf32, #tpu.memory_space<vmem>>) dst(%dma_wait3A_550 : memref<10240x128xf32, #tpu.memory_space<vmem_shared>>)
        tpu.yield
      }) : () -> ()
      %dma_start3A_399 = arith.constant 1 : i32
      %dma_start3A_400 = arith.constant 3 : i32
      %dma_start3A_401 = arith.constant 128 : i32
      %dma_start3A_402 = arith.constant 0 : i32
      %dma_start3A_403 = tpu.memref_slice %arg8[%dma_start3A_401, %dma_start3A_402] : memref<256x128xf32, #tpu.memory_space<vmem>> -> memref<128x128xf32, #tpu.memory_space<vmem>>
      %dma_start3A_404 = arith.constant 0 : i32
      %dma_start3A_405 = tpu.memref_slice %arg6[%dma_start3A_399, %dma_start3A_400, %dma_start3A_404] : memref<2x8x128xi32, #tpu.memory_space<vmem>> -> memref<1x1x128xi32, #tpu.memory_space<vmem>>
      %dma_start3A_406 = tpu.memref_squeeze %dma_start3A_405 : memref<1x1x128xi32, #tpu.memory_space<vmem>> -> memref<128xi32, #tpu.memory_space<vmem>>
      %dma_start3A_407 = arith.constant 0 : i32
      %dma_start3A_408 = arith.constant 0 : i32
      %dma_start3A_409 = tpu.memref_slice %arg2[%dma_start3A_407, %dma_start3A_408] : memref<10000x128xf32, #tpu.memory_space<hbm>> -> memref<10000x128xf32, #tpu.memory_space<hbm>>
      tpu.enqueue_indirect_dma source(%dma_start3A_409 : memref<10000x128xf32, #tpu.memory_space<hbm>>) target(%dma_start3A_403 : memref<128x128xf32, #tpu.memory_space<vmem>>) offsets(%dma_start3A_406 : memref<128xi32, #tpu.memory_space<vmem>>) semaphore(%arg13 : memref<!tpu.dma_semaphore, #tpu.memory_space<semaphore_mem>>)
      %dma_wait3A_410 = arith.constant 1 : i32
      %dma_wait3A_411 = arith.constant 2 : i32
      %dma_wait3A_412 = arith.constant 0 : i32
      %dma_wait3A_413 = arith.constant 0 : i32
      %dma_wait3A_414 = tpu.memref_slice %arg8[%dma_wait3A_412, %dma_wait3A_413] : memref<256x128xf32, #tpu.memory_space<vmem>> -> memref<128x128xf32, #tpu.memory_space<vmem>>
      %dma_wait3A_415 = arith.constant 0 : i32
      %dma_wait3A_416 = tpu.memref_slice %arg6[%dma_wait3A_410, %dma_wait3A_411, %dma_wait3A_415] : memref<2x8x128xi32, #tpu.memory_space<vmem>> -> memref<1x1x128xi32, #tpu.memory_space<vmem>>
      %dma_wait3A_417 = tpu.memref_squeeze %dma_wait3A_416 : memref<1x1x128xi32, #tpu.memory_space<vmem>> -> memref<128xi32, #tpu.memory_space<vmem>>
      %dma_wait3A_418 = arith.constant 0 : i32
      %dma_wait3A_419 = arith.constant 0 : i32
      %dma_wait3A_420 = tpu.memref_slice %arg2[%dma_wait3A_418, %dma_wait3A_419] : memref<10000x128xf32, #tpu.memory_space<hbm>> -> memref<10000x128xf32, #tpu.memory_space<hbm>>
      tpu.wait_indirect_dma semaphore(%arg12 : memref<!tpu.dma_semaphore, #tpu.memory_space<semaphore_mem>>) src(%dma_wait3A_420 : memref<10000x128xf32, #tpu.memory_space<hbm>>) dst(%dma_wait3A_414 : memref<128x128xf32, #tpu.memory_space<vmem>>)
      %run_scoped3A_421 = arith.constant 1 : i32
      %run_scoped3A_422 = arith.constant 2 : i32
      "tpu.region"() ({
        %run_scoped3A_532 = tpu.sem_alloc : memref<!tpu.dma_semaphore, #tpu.memory_space<semaphore_mem>>
        %dma_start3A_533 = arith.constant 0 : i32
        %dma_start3A_534 = arith.constant 0 : i32
        %dma_start3A_535 = tpu.memref_slice %arg8[%dma_start3A_533, %dma_start3A_534] : memref<256x128xf32, #tpu.memory_space<vmem>> -> memref<128x128xf32, #tpu.memory_space<vmem>>
        %dma_start3A_536 = arith.constant 0 : i32
        %dma_start3A_537 = tpu.memref_slice %arg7[%run_scoped3A_421, %run_scoped3A_422, %dma_start3A_536] : memref<2x8x128xi32, #tpu.memory_space<vmem>> -> memref<1x1x128xi32, #tpu.memory_space<vmem>>
        %dma_start3A_538 = tpu.memref_squeeze %dma_start3A_537 : memref<1x1x128xi32, #tpu.memory_space<vmem>> -> memref<128xi32, #tpu.memory_space<vmem>>
        %dma_start3A_539 = arith.constant 0 : i32
        %dma_start3A_540 = arith.constant 0 : i32
        %dma_start3A_541 = tpu.memref_slice %arg9[%dma_start3A_539, %dma_start3A_540] : memref<10240x128xf32, #tpu.memory_space<vmem_shared>> -> memref<10240x128xf32, #tpu.memory_space<vmem_shared>>
        tpu.enqueue_indirect_dma source(%dma_start3A_535 : memref<128x128xf32, #tpu.memory_space<vmem>>) target(%dma_start3A_541 : memref<10240x128xf32, #tpu.memory_space<vmem_shared>>) offsets(%dma_start3A_538 : memref<128xi32, #tpu.memory_space<vmem>>) semaphore(%run_scoped3A_532 : memref<!tpu.dma_semaphore, #tpu.memory_space<semaphore_mem>>) {add = true}
        %dma_wait3A_542 = arith.constant 0 : i32
        %dma_wait3A_543 = arith.constant 0 : i32
        %dma_wait3A_544 = tpu.memref_slice %arg8[%dma_wait3A_542, %dma_wait3A_543] : memref<256x128xf32, #tpu.memory_space<vmem>> -> memref<128x128xf32, #tpu.memory_space<vmem>>
        %dma_wait3A_545 = arith.constant 0 : i32
        %dma_wait3A_546 = tpu.memref_slice %arg7[%run_scoped3A_421, %run_scoped3A_422, %dma_wait3A_545] : memref<2x8x128xi32, #tpu.memory_space<vmem>> -> memref<1x1x128xi32, #tpu.memory_space<vmem>>
        %dma_wait3A_547 = tpu.memref_squeeze %dma_wait3A_546 : memref<1x1x128xi32, #tpu.memory_space<vmem>> -> memref<128xi32, #tpu.memory_space<vmem>>
        %dma_wait3A_548 = arith.constant 0 : i32
        %dma_wait3A_549 = arith.constant 0 : i32
        %dma_wait3A_550 = tpu.memref_slice %arg9[%dma_wait3A_548, %dma_wait3A_549] : memref<10240x128xf32, #tpu.memory_space<vmem_shared>> -> memref<10240x128xf32, #tpu.memory_space<vmem_shared>>
        tpu.wait_indirect_dma semaphore(%run_scoped3A_532 : memref<!tpu.dma_semaphore, #tpu.memory_space<semaphore_mem>>) src(%dma_wait3A_544 : memref<128x128xf32, #tpu.memory_space<vmem>>) dst(%dma_wait3A_550 : memref<10240x128xf32, #tpu.memory_space<vmem_shared>>)
        tpu.yield
      }) : () -> ()
      %dma_start3A_423 = arith.constant 1 : i32
      %dma_start3A_424 = arith.constant 4 : i32
      %dma_start3A_425 = arith.constant 0 : i32
      %dma_start3A_426 = arith.constant 0 : i32
      %dma_start3A_427 = tpu.memref_slice %arg8[%dma_start3A_425, %dma_start3A_426] : memref<256x128xf32, #tpu.memory_space<vmem>> -> memref<128x128xf32, #tpu.memory_space<vmem>>
      %dma_start3A_428 = arith.constant 0 : i32
      %dma_start3A_429 = tpu.memref_slice %arg6[%dma_start3A_423, %dma_start3A_424, %dma_start3A_428] : memref<2x8x128xi32, #tpu.memory_space<vmem>> -> memref<1x1x128xi32, #tpu.memory_space<vmem>>
      %dma_start3A_430 = tpu.memref_squeeze %dma_start3A_429 : memref<1x1x128xi32, #tpu.memory_space<vmem>> -> memref<128xi32, #tpu.memory_space<vmem>>
      %dma_start3A_431 = arith.constant 0 : i32
      %dma_start3A_432 = arith.constant 0 : i32
      %dma_start3A_433 = tpu.memref_slice %arg2[%dma_start3A_431, %dma_start3A_432] : memref<10000x128xf32, #tpu.memory_space<hbm>> -> memref<10000x128xf32, #tpu.memory_space<hbm>>
      tpu.enqueue_indirect_dma source(%dma_start3A_433 : memref<10000x128xf32, #tpu.memory_space<hbm>>) target(%dma_start3A_427 : memref<128x128xf32, #tpu.memory_space<vmem>>) offsets(%dma_start3A_430 : memref<128xi32, #tpu.memory_space<vmem>>) semaphore(%arg12 : memref<!tpu.dma_semaphore, #tpu.memory_space<semaphore_mem>>)
      %dma_wait3A_434 = arith.constant 1 : i32
      %dma_wait3A_435 = arith.constant 3 : i32
      %dma_wait3A_436 = arith.constant 128 : i32
      %dma_wait3A_437 = arith.constant 0 : i32
      %dma_wait3A_438 = tpu.memref_slice %arg8[%dma_wait3A_436, %dma_wait3A_437] : memref<256x128xf32, #tpu.memory_space<vmem>> -> memref<128x128xf32, #tpu.memory_space<vmem>>
      %dma_wait3A_439 = arith.constant 0 : i32
      %dma_wait3A_440 = tpu.memref_slice %arg6[%dma_wait3A_434, %dma_wait3A_435, %dma_wait3A_439] : memref<2x8x128xi32, #tpu.memory_space<vmem>> -> memref<1x1x128xi32, #tpu.memory_space<vmem>>
      %dma_wait3A_441 = tpu.memref_squeeze %dma_wait3A_440 : memref<1x1x128xi32, #tpu.memory_space<vmem>> -> memref<128xi32, #tpu.memory_space<vmem>>
      %dma_wait3A_442 = arith.constant 0 : i32
      %dma_wait3A_443 = arith.constant 0 : i32
      %dma_wait3A_444 = tpu.memref_slice %arg2[%dma_wait3A_442, %dma_wait3A_443] : memref<10000x128xf32, #tpu.memory_space<hbm>> -> memref<10000x128xf32, #tpu.memory_space<hbm>>
      tpu.wait_indirect_dma semaphore(%arg13 : memref<!tpu.dma_semaphore, #tpu.memory_space<semaphore_mem>>) src(%dma_wait3A_444 : memref<10000x128xf32, #tpu.memory_space<hbm>>) dst(%dma_wait3A_438 : memref<128x128xf32, #tpu.memory_space<vmem>>)
      %run_scoped3A_445 = arith.constant 1 : i32
      %run_scoped3A_446 = arith.constant 3 : i32
      "tpu.region"() ({
        %run_scoped3A_532 = tpu.sem_alloc : memref<!tpu.dma_semaphore, #tpu.memory_space<semaphore_mem>>
        %dma_start3A_533 = arith.constant 128 : i32
        %dma_start3A_534 = arith.constant 0 : i32
        %dma_start3A_535 = tpu.memref_slice %arg8[%dma_start3A_533, %dma_start3A_534] : memref<256x128xf32, #tpu.memory_space<vmem>> -> memref<128x128xf32, #tpu.memory_space<vmem>>
        %dma_start3A_536 = arith.constant 0 : i32
        %dma_start3A_537 = tpu.memref_slice %arg7[%run_scoped3A_445, %run_scoped3A_446, %dma_start3A_536] : memref<2x8x128xi32, #tpu.memory_space<vmem>> -> memref<1x1x128xi32, #tpu.memory_space<vmem>>
        %dma_start3A_538 = tpu.memref_squeeze %dma_start3A_537 : memref<1x1x128xi32, #tpu.memory_space<vmem>> -> memref<128xi32, #tpu.memory_space<vmem>>
        %dma_start3A_539 = arith.constant 0 : i32
        %dma_start3A_540 = arith.constant 0 : i32
        %dma_start3A_541 = tpu.memref_slice %arg9[%dma_start3A_539, %dma_start3A_540] : memref<10240x128xf32, #tpu.memory_space<vmem_shared>> -> memref<10240x128xf32, #tpu.memory_space<vmem_shared>>
        tpu.enqueue_indirect_dma source(%dma_start3A_535 : memref<128x128xf32, #tpu.memory_space<vmem>>) target(%dma_start3A_541 : memref<10240x128xf32, #tpu.memory_space<vmem_shared>>) offsets(%dma_start3A_538 : memref<128xi32, #tpu.memory_space<vmem>>) semaphore(%run_scoped3A_532 : memref<!tpu.dma_semaphore, #tpu.memory_space<semaphore_mem>>) {add = true}
        %dma_wait3A_542 = arith.constant 128 : i32
        %dma_wait3A_543 = arith.constant 0 : i32
        %dma_wait3A_544 = tpu.memref_slice %arg8[%dma_wait3A_542, %dma_wait3A_543] : memref<256x128xf32, #tpu.memory_space<vmem>> -> memref<128x128xf32, #tpu.memory_space<vmem>>
        %dma_wait3A_545 = arith.constant 0 : i32
        %dma_wait3A_546 = tpu.memref_slice %arg7[%run_scoped3A_445, %run_scoped3A_446, %dma_wait3A_545] : memref<2x8x128xi32, #tpu.memory_space<vmem>> -> memref<1x1x128xi32, #tpu.memory_space<vmem>>
        %dma_wait3A_547 = tpu.memref_squeeze %dma_wait3A_546 : memref<1x1x128xi32, #tpu.memory_space<vmem>> -> memref<128xi32, #tpu.memory_space<vmem>>
        %dma_wait3A_548 = arith.constant 0 : i32
        %dma_wait3A_549 = arith.constant 0 : i32
        %dma_wait3A_550 = tpu.memref_slice %arg9[%dma_wait3A_548, %dma_wait3A_549] : memref<10240x128xf32, #tpu.memory_space<vmem_shared>> -> memref<10240x128xf32, #tpu.memory_space<vmem_shared>>
        tpu.wait_indirect_dma semaphore(%run_scoped3A_532 : memref<!tpu.dma_semaphore, #tpu.memory_space<semaphore_mem>>) src(%dma_wait3A_544 : memref<128x128xf32, #tpu.memory_space<vmem>>) dst(%dma_wait3A_550 : memref<10240x128xf32, #tpu.memory_space<vmem_shared>>)
        tpu.yield
      }) : () -> ()
      %dma_start3A_447 = arith.constant 1 : i32
      %dma_start3A_448 = arith.constant 5 : i32
      %dma_start3A_449 = arith.constant 128 : i32
      %dma_start3A_450 = arith.constant 0 : i32
      %dma_start3A_451 = tpu.memref_slice %arg8[%dma_start3A_449, %dma_start3A_450] : memref<256x128xf32, #tpu.memory_space<vmem>> -> memref<128x128xf32, #tpu.memory_space<vmem>>
      %dma_start3A_452 = arith.constant 0 : i32
      %dma_start3A_453 = tpu.memref_slice %arg6[%dma_start3A_447, %dma_start3A_448, %dma_start3A_452] : memref<2x8x128xi32, #tpu.memory_space<vmem>> -> memref<1x1x128xi32, #tpu.memory_space<vmem>>
      %dma_start3A_454 = tpu.memref_squeeze %dma_start3A_453 : memref<1x1x128xi32, #tpu.memory_space<vmem>> -> memref<128xi32, #tpu.memory_space<vmem>>
      %dma_start3A_455 = arith.constant 0 : i32
      %dma_start3A_456 = arith.constant 0 : i32
      %dma_start3A_457 = tpu.memref_slice %arg2[%dma_start3A_455, %dma_start3A_456] : memref<10000x128xf32, #tpu.memory_space<hbm>> -> memref<10000x128xf32, #tpu.memory_space<hbm>>
      tpu.enqueue_indirect_dma source(%dma_start3A_457 : memref<10000x128xf32, #tpu.memory_space<hbm>>) target(%dma_start3A_451 : memref<128x128xf32, #tpu.memory_space<vmem>>) offsets(%dma_start3A_454 : memref<128xi32, #tpu.memory_space<vmem>>) semaphore(%arg13 : memref<!tpu.dma_semaphore, #tpu.memory_space<semaphore_mem>>)
      %dma_wait3A_458 = arith.constant 1 : i32
      %dma_wait3A_459 = arith.constant 4 : i32
      %dma_wait3A_460 = arith.constant 0 : i32
      %dma_wait3A_461 = arith.constant 0 : i32
      %dma_wait3A_462 = tpu.memref_slice %arg8[%dma_wait3A_460, %dma_wait3A_461] : memref<256x128xf32, #tpu.memory_space<vmem>> -> memref<128x128xf32, #tpu.memory_space<vmem>>
      %dma_wait3A_463 = arith.constant 0 : i32
      %dma_wait3A_464 = tpu.memref_slice %arg6[%dma_wait3A_458, %dma_wait3A_459, %dma_wait3A_463] : memref<2x8x128xi32, #tpu.memory_space<vmem>> -> memref<1x1x128xi32, #tpu.memory_space<vmem>>
      %dma_wait3A_465 = tpu.memref_squeeze %dma_wait3A_464 : memref<1x1x128xi32, #tpu.memory_space<vmem>> -> memref<128xi32, #tpu.memory_space<vmem>>
      %dma_wait3A_466 = arith.constant 0 : i32
      %dma_wait3A_467 = arith.constant 0 : i32
      %dma_wait3A_468 = tpu.memref_slice %arg2[%dma_wait3A_466, %dma_wait3A_467] : memref<10000x128xf32, #tpu.memory_space<hbm>> -> memref<10000x128xf32, #tpu.memory_space<hbm>>
      tpu.wait_indirect_dma semaphore(%arg12 : memref<!tpu.dma_semaphore, #tpu.memory_space<semaphore_mem>>) src(%dma_wait3A_468 : memref<10000x128xf32, #tpu.memory_space<hbm>>) dst(%dma_wait3A_462 : memref<128x128xf32, #tpu.memory_space<vmem>>)
      %run_scoped3A_469 = arith.constant 1 : i32
      %run_scoped3A_470 = arith.constant 4 : i32
      "tpu.region"() ({
        %run_scoped3A_532 = tpu.sem_alloc : memref<!tpu.dma_semaphore, #tpu.memory_space<semaphore_mem>>
        %dma_start3A_533 = arith.constant 0 : i32
        %dma_start3A_534 = arith.constant 0 : i32
        %dma_start3A_535 = tpu.memref_slice %arg8[%dma_start3A_533, %dma_start3A_534] : memref<256x128xf32, #tpu.memory_space<vmem>> -> memref<128x128xf32, #tpu.memory_space<vmem>>
        %dma_start3A_536 = arith.constant 0 : i32
        %dma_start3A_537 = tpu.memref_slice %arg7[%run_scoped3A_469, %run_scoped3A_470, %dma_start3A_536] : memref<2x8x128xi32, #tpu.memory_space<vmem>> -> memref<1x1x128xi32, #tpu.memory_space<vmem>>
        %dma_start3A_538 = tpu.memref_squeeze %dma_start3A_537 : memref<1x1x128xi32, #tpu.memory_space<vmem>> -> memref<128xi32, #tpu.memory_space<vmem>>
        %dma_start3A_539 = arith.constant 0 : i32
        %dma_start3A_540 = arith.constant 0 : i32
        %dma_start3A_541 = tpu.memref_slice %arg9[%dma_start3A_539, %dma_start3A_540] : memref<10240x128xf32, #tpu.memory_space<vmem_shared>> -> memref<10240x128xf32, #tpu.memory_space<vmem_shared>>
        tpu.enqueue_indirect_dma source(%dma_start3A_535 : memref<128x128xf32, #tpu.memory_space<vmem>>) target(%dma_start3A_541 : memref<10240x128xf32, #tpu.memory_space<vmem_shared>>) offsets(%dma_start3A_538 : memref<128xi32, #tpu.memory_space<vmem>>) semaphore(%run_scoped3A_532 : memref<!tpu.dma_semaphore, #tpu.memory_space<semaphore_mem>>) {add = true}
        %dma_wait3A_542 = arith.constant 0 : i32
        %dma_wait3A_543 = arith.constant 0 : i32
        %dma_wait3A_544 = tpu.memref_slice %arg8[%dma_wait3A_542, %dma_wait3A_543] : memref<256x128xf32, #tpu.memory_space<vmem>> -> memref<128x128xf32, #tpu.memory_space<vmem>>
        %dma_wait3A_545 = arith.constant 0 : i32
        %dma_wait3A_546 = tpu.memref_slice %arg7[%run_scoped3A_469, %run_scoped3A_470, %dma_wait3A_545] : memref<2x8x128xi32, #tpu.memory_space<vmem>> -> memref<1x1x128xi32, #tpu.memory_space<vmem>>
        %dma_wait3A_547 = tpu.memref_squeeze %dma_wait3A_546 : memref<1x1x128xi32, #tpu.memory_space<vmem>> -> memref<128xi32, #tpu.memory_space<vmem>>
        %dma_wait3A_548 = arith.constant 0 : i32
        %dma_wait3A_549 = arith.constant 0 : i32
        %dma_wait3A_550 = tpu.memref_slice %arg9[%dma_wait3A_548, %dma_wait3A_549] : memref<10240x128xf32, #tpu.memory_space<vmem_shared>> -> memref<10240x128xf32, #tpu.memory_space<vmem_shared>>
        tpu.wait_indirect_dma semaphore(%run_scoped3A_532 : memref<!tpu.dma_semaphore, #tpu.memory_space<semaphore_mem>>) src(%dma_wait3A_544 : memref<128x128xf32, #tpu.memory_space<vmem>>) dst(%dma_wait3A_550 : memref<10240x128xf32, #tpu.memory_space<vmem_shared>>)
        tpu.yield
      }) : () -> ()
      %dma_start3A_471 = arith.constant 1 : i32
      %dma_start3A_472 = arith.constant 6 : i32
      %dma_start3A_473 = arith.constant 0 : i32
      %dma_start3A_474 = arith.constant 0 : i32
      %dma_start3A_475 = tpu.memref_slice %arg8[%dma_start3A_473, %dma_start3A_474] : memref<256x128xf32, #tpu.memory_space<vmem>> -> memref<128x128xf32, #tpu.memory_space<vmem>>
      %dma_start3A_476 = arith.constant 0 : i32
      %dma_start3A_477 = tpu.memref_slice %arg6[%dma_start3A_471, %dma_start3A_472, %dma_start3A_476] : memref<2x8x128xi32, #tpu.memory_space<vmem>> -> memref<1x1x128xi32, #tpu.memory_space<vmem>>
      %dma_start3A_478 = tpu.memref_squeeze %dma_start3A_477 : memref<1x1x128xi32, #tpu.memory_space<vmem>> -> memref<128xi32, #tpu.memory_space<vmem>>
      %dma_start3A_479 = arith.constant 0 : i32
      %dma_start3A_480 = arith.constant 0 : i32
      %dma_start3A_481 = tpu.memref_slice %arg2[%dma_start3A_479, %dma_start3A_480] : memref<10000x128xf32, #tpu.memory_space<hbm>> -> memref<10000x128xf32, #tpu.memory_space<hbm>>
      tpu.enqueue_indirect_dma source(%dma_start3A_481 : memref<10000x128xf32, #tpu.memory_space<hbm>>) target(%dma_start3A_475 : memref<128x128xf32, #tpu.memory_space<vmem>>) offsets(%dma_start3A_478 : memref<128xi32, #tpu.memory_space<vmem>>) semaphore(%arg12 : memref<!tpu.dma_semaphore, #tpu.memory_space<semaphore_mem>>)
      %dma_wait3A_482 = arith.constant 1 : i32
      %dma_wait3A_483 = arith.constant 5 : i32
      %dma_wait3A_484 = arith.constant 128 : i32
      %dma_wait3A_485 = arith.constant 0 : i32
      %dma_wait3A_486 = tpu.memref_slice %arg8[%dma_wait3A_484, %dma_wait3A_485] : memref<256x128xf32, #tpu.memory_space<vmem>> -> memref<128x128xf32, #tpu.memory_space<vmem>>
      %dma_wait3A_487 = arith.constant 0 : i32
      %dma_wait3A_488 = tpu.memref_slice %arg6[%dma_wait3A_482, %dma_wait3A_483, %dma_wait3A_487] : memref<2x8x128xi32, #tpu.memory_space<vmem>> -> memref<1x1x128xi32, #tpu.memory_space<vmem>>
      %dma_wait3A_489 = tpu.memref_squeeze %dma_wait3A_488 : memref<1x1x128xi32, #tpu.memory_space<vmem>> -> memref<128xi32, #tpu.memory_space<vmem>>
      %dma_wait3A_490 = arith.constant 0 : i32
      %dma_wait3A_491 = arith.constant 0 : i32
      %dma_wait3A_492 = tpu.memref_slice %arg2[%dma_wait3A_490, %dma_wait3A_491] : memref<10000x128xf32, #tpu.memory_space<hbm>> -> memref<10000x128xf32, #tpu.memory_space<hbm>>
      tpu.wait_indirect_dma semaphore(%arg13 : memref<!tpu.dma_semaphore, #tpu.memory_space<semaphore_mem>>) src(%dma_wait3A_492 : memref<10000x128xf32, #tpu.memory_space<hbm>>) dst(%dma_wait3A_486 : memref<128x128xf32, #tpu.memory_space<vmem>>)
      %run_scoped3A_493 = arith.constant 1 : i32
      %run_scoped3A_494 = arith.constant 5 : i32
      "tpu.region"() ({
        %run_scoped3A_532 = tpu.sem_alloc : memref<!tpu.dma_semaphore, #tpu.memory_space<semaphore_mem>>
        %dma_start3A_533 = arith.constant 128 : i32
        %dma_start3A_534 = arith.constant 0 : i32
        %dma_start3A_535 = tpu.memref_slice %arg8[%dma_start3A_533, %dma_start3A_534] : memref<256x128xf32, #tpu.memory_space<vmem>> -> memref<128x128xf32, #tpu.memory_space<vmem>>
        %dma_start3A_536 = arith.constant 0 : i32
        %dma_start3A_537 = tpu.memref_slice %arg7[%run_scoped3A_493, %run_scoped3A_494, %dma_start3A_536] : memref<2x8x128xi32, #tpu.memory_space<vmem>> -> memref<1x1x128xi32, #tpu.memory_space<vmem>>
        %dma_start3A_538 = tpu.memref_squeeze %dma_start3A_537 : memref<1x1x128xi32, #tpu.memory_space<vmem>> -> memref<128xi32, #tpu.memory_space<vmem>>
        %dma_start3A_539 = arith.constant 0 : i32
        %dma_start3A_540 = arith.constant 0 : i32
        %dma_start3A_541 = tpu.memref_slice %arg9[%dma_start3A_539, %dma_start3A_540] : memref<10240x128xf32, #tpu.memory_space<vmem_shared>> -> memref<10240x128xf32, #tpu.memory_space<vmem_shared>>
        tpu.enqueue_indirect_dma source(%dma_start3A_535 : memref<128x128xf32, #tpu.memory_space<vmem>>) target(%dma_start3A_541 : memref<10240x128xf32, #tpu.memory_space<vmem_shared>>) offsets(%dma_start3A_538 : memref<128xi32, #tpu.memory_space<vmem>>) semaphore(%run_scoped3A_532 : memref<!tpu.dma_semaphore, #tpu.memory_space<semaphore_mem>>) {add = true}
        %dma_wait3A_542 = arith.constant 128 : i32
        %dma_wait3A_543 = arith.constant 0 : i32
        %dma_wait3A_544 = tpu.memref_slice %arg8[%dma_wait3A_542, %dma_wait3A_543] : memref<256x128xf32, #tpu.memory_space<vmem>> -> memref<128x128xf32, #tpu.memory_space<vmem>>
        %dma_wait3A_545 = arith.constant 0 : i32
        %dma_wait3A_546 = tpu.memref_slice %arg7[%run_scoped3A_493, %run_scoped3A_494, %dma_wait3A_545] : memref<2x8x128xi32, #tpu.memory_space<vmem>> -> memref<1x1x128xi32, #tpu.memory_space<vmem>>
        %dma_wait3A_547 = tpu.memref_squeeze %dma_wait3A_546 : memref<1x1x128xi32, #tpu.memory_space<vmem>> -> memref<128xi32, #tpu.memory_space<vmem>>
        %dma_wait3A_548 = arith.constant 0 : i32
        %dma_wait3A_549 = arith.constant 0 : i32
        %dma_wait3A_550 = tpu.memref_slice %arg9[%dma_wait3A_548, %dma_wait3A_549] : memref<10240x128xf32, #tpu.memory_space<vmem_shared>> -> memref<10240x128xf32, #tpu.memory_space<vmem_shared>>
        tpu.wait_indirect_dma semaphore(%run_scoped3A_532 : memref<!tpu.dma_semaphore, #tpu.memory_space<semaphore_mem>>) src(%dma_wait3A_544 : memref<128x128xf32, #tpu.memory_space<vmem>>) dst(%dma_wait3A_550 : memref<10240x128xf32, #tpu.memory_space<vmem_shared>>)
        tpu.yield
      }) : () -> ()
      %dma_start3A_495 = arith.constant 1 : i32
      %dma_start3A_496 = arith.constant 7 : i32
      %dma_start3A_497 = arith.constant 128 : i32
      %dma_start3A_498 = arith.constant 0 : i32
      %dma_start3A_499 = tpu.memref_slice %arg8[%dma_start3A_497, %dma_start3A_498] : memref<256x128xf32, #tpu.memory_space<vmem>> -> memref<128x128xf32, #tpu.memory_space<vmem>>
      %dma_start3A_500 = arith.constant 0 : i32
      %dma_start3A_501 = tpu.memref_slice %arg6[%dma_start3A_495, %dma_start3A_496, %dma_start3A_500] : memref<2x8x128xi32, #tpu.memory_space<vmem>> -> memref<1x1x128xi32, #tpu.memory_space<vmem>>
      %dma_start3A_502 = tpu.memref_squeeze %dma_start3A_501 : memref<1x1x128xi32, #tpu.memory_space<vmem>> -> memref<128xi32, #tpu.memory_space<vmem>>
      %dma_start3A_503 = arith.constant 0 : i32
      %dma_start3A_504 = arith.constant 0 : i32
      %dma_start3A_505 = tpu.memref_slice %arg2[%dma_start3A_503, %dma_start3A_504] : memref<10000x128xf32, #tpu.memory_space<hbm>> -> memref<10000x128xf32, #tpu.memory_space<hbm>>
      tpu.enqueue_indirect_dma source(%dma_start3A_505 : memref<10000x128xf32, #tpu.memory_space<hbm>>) target(%dma_start3A_499 : memref<128x128xf32, #tpu.memory_space<vmem>>) offsets(%dma_start3A_502 : memref<128xi32, #tpu.memory_space<vmem>>) semaphore(%arg13 : memref<!tpu.dma_semaphore, #tpu.memory_space<semaphore_mem>>)
      %dma_wait3A_506 = arith.constant 1 : i32
      %dma_wait3A_507 = arith.constant 6 : i32
      %dma_wait3A_508 = arith.constant 0 : i32
      %dma_wait3A_509 = arith.constant 0 : i32
      %dma_wait3A_510 = tpu.memref_slice %arg8[%dma_wait3A_508, %dma_wait3A_509] : memref<256x128xf32, #tpu.memory_space<vmem>> -> memref<128x128xf32, #tpu.memory_space<vmem>>
      %dma_wait3A_511 = arith.constant 0 : i32
      %dma_wait3A_512 = tpu.memref_slice %arg6[%dma_wait3A_506, %dma_wait3A_507, %dma_wait3A_511] : memref<2x8x128xi32, #tpu.memory_space<vmem>> -> memref<1x1x128xi32, #tpu.memory_space<vmem>>
      %dma_wait3A_513 = tpu.memref_squeeze %dma_wait3A_512 : memref<1x1x128xi32, #tpu.memory_space<vmem>> -> memref<128xi32, #tpu.memory_space<vmem>>
      %dma_wait3A_514 = arith.constant 0 : i32
      %dma_wait3A_515 = arith.constant 0 : i32
      %dma_wait3A_516 = tpu.memref_slice %arg2[%dma_wait3A_514, %dma_wait3A_515] : memref<10000x128xf32, #tpu.memory_space<hbm>> -> memref<10000x128xf32, #tpu.memory_space<hbm>>
      tpu.wait_indirect_dma semaphore(%arg12 : memref<!tpu.dma_semaphore, #tpu.memory_space<semaphore_mem>>) src(%dma_wait3A_516 : memref<10000x128xf32, #tpu.memory_space<hbm>>) dst(%dma_wait3A_510 : memref<128x128xf32, #tpu.memory_space<vmem>>)
      %run_scoped3A_517 = arith.constant 1 : i32
      %run_scoped3A_518 = arith.constant 6 : i32
      "tpu.region"() ({
        %run_scoped3A_532 = tpu.sem_alloc : memref<!tpu.dma_semaphore, #tpu.memory_space<semaphore_mem>>
        %dma_start3A_533 = arith.constant 0 : i32
        %dma_start3A_534 = arith.constant 0 : i32
        %dma_start3A_535 = tpu.memref_slice %arg8[%dma_start3A_533, %dma_start3A_534] : memref<256x128xf32, #tpu.memory_space<vmem>> -> memref<128x128xf32, #tpu.memory_space<vmem>>
        %dma_start3A_536 = arith.constant 0 : i32
        %dma_start3A_537 = tpu.memref_slice %arg7[%run_scoped3A_517, %run_scoped3A_518, %dma_start3A_536] : memref<2x8x128xi32, #tpu.memory_space<vmem>> -> memref<1x1x128xi32, #tpu.memory_space<vmem>>
        %dma_start3A_538 = tpu.memref_squeeze %dma_start3A_537 : memref<1x1x128xi32, #tpu.memory_space<vmem>> -> memref<128xi32, #tpu.memory_space<vmem>>
        %dma_start3A_539 = arith.constant 0 : i32
        %dma_start3A_540 = arith.constant 0 : i32
        %dma_start3A_541 = tpu.memref_slice %arg9[%dma_start3A_539, %dma_start3A_540] : memref<10240x128xf32, #tpu.memory_space<vmem_shared>> -> memref<10240x128xf32, #tpu.memory_space<vmem_shared>>
        tpu.enqueue_indirect_dma source(%dma_start3A_535 : memref<128x128xf32, #tpu.memory_space<vmem>>) target(%dma_start3A_541 : memref<10240x128xf32, #tpu.memory_space<vmem_shared>>) offsets(%dma_start3A_538 : memref<128xi32, #tpu.memory_space<vmem>>) semaphore(%run_scoped3A_532 : memref<!tpu.dma_semaphore, #tpu.memory_space<semaphore_mem>>) {add = true}
        %dma_wait3A_542 = arith.constant 0 : i32
        %dma_wait3A_543 = arith.constant 0 : i32
        %dma_wait3A_544 = tpu.memref_slice %arg8[%dma_wait3A_542, %dma_wait3A_543] : memref<256x128xf32, #tpu.memory_space<vmem>> -> memref<128x128xf32, #tpu.memory_space<vmem>>
        %dma_wait3A_545 = arith.constant 0 : i32
        %dma_wait3A_546 = tpu.memref_slice %arg7[%run_scoped3A_517, %run_scoped3A_518, %dma_wait3A_545] : memref<2x8x128xi32, #tpu.memory_space<vmem>> -> memref<1x1x128xi32, #tpu.memory_space<vmem>>
        %dma_wait3A_547 = tpu.memref_squeeze %dma_wait3A_546 : memref<1x1x128xi32, #tpu.memory_space<vmem>> -> memref<128xi32, #tpu.memory_space<vmem>>
        %dma_wait3A_548 = arith.constant 0 : i32
        %dma_wait3A_549 = arith.constant 0 : i32
        %dma_wait3A_550 = tpu.memref_slice %arg9[%dma_wait3A_548, %dma_wait3A_549] : memref<10240x128xf32, #tpu.memory_space<vmem_shared>> -> memref<10240x128xf32, #tpu.memory_space<vmem_shared>>
        tpu.wait_indirect_dma semaphore(%run_scoped3A_532 : memref<!tpu.dma_semaphore, #tpu.memory_space<semaphore_mem>>) src(%dma_wait3A_544 : memref<128x128xf32, #tpu.memory_space<vmem>>) dst(%dma_wait3A_550 : memref<10240x128xf32, #tpu.memory_space<vmem_shared>>)
        tpu.yield
      }) : () -> ()
      %dma_wait3A_519 = arith.constant 1 : i32
      %dma_wait3A_520 = arith.constant 7 : i32
      %dma_wait3A_521 = arith.constant 128 : i32
      %dma_wait3A_522 = arith.constant 0 : i32
      %dma_wait3A_523 = tpu.memref_slice %arg8[%dma_wait3A_521, %dma_wait3A_522] : memref<256x128xf32, #tpu.memory_space<vmem>> -> memref<128x128xf32, #tpu.memory_space<vmem>>
      %dma_wait3A_524 = arith.constant 0 : i32
      %dma_wait3A_525 = tpu.memref_slice %arg6[%dma_wait3A_519, %dma_wait3A_520, %dma_wait3A_524] : memref<2x8x128xi32, #tpu.memory_space<vmem>> -> memref<1x1x128xi32, #tpu.memory_space<vmem>>
      %dma_wait3A_526 = tpu.memref_squeeze %dma_wait3A_525 : memref<1x1x128xi32, #tpu.memory_space<vmem>> -> memref<128xi32, #tpu.memory_space<vmem>>
      %dma_wait3A_527 = arith.constant 0 : i32
      %dma_wait3A_528 = arith.constant 0 : i32
      %dma_wait3A_529 = tpu.memref_slice %arg2[%dma_wait3A_527, %dma_wait3A_528] : memref<10000x128xf32, #tpu.memory_space<hbm>> -> memref<10000x128xf32, #tpu.memory_space<hbm>>
      tpu.wait_indirect_dma semaphore(%arg13 : memref<!tpu.dma_semaphore, #tpu.memory_space<semaphore_mem>>) src(%dma_wait3A_529 : memref<10000x128xf32, #tpu.memory_space<hbm>>) dst(%dma_wait3A_523 : memref<128x128xf32, #tpu.memory_space<vmem>>)
      %run_scoped3A_530 = arith.constant 1 : i32
      %run_scoped3A_531 = arith.constant 7 : i32
      "tpu.region"() ({
        %run_scoped3A_532 = tpu.sem_alloc : memref<!tpu.dma_semaphore, #tpu.memory_space<semaphore_mem>>
        %dma_start3A_533 = arith.constant 128 : i32
        %dma_start3A_534 = arith.constant 0 : i32
        %dma_start3A_535 = tpu.memref_slice %arg8[%dma_start3A_533, %dma_start3A_534] : memref<256x128xf32, #tpu.memory_space<vmem>> -> memref<128x128xf32, #tpu.memory_space<vmem>>
        %dma_start3A_536 = arith.constant 0 : i32
        %dma_start3A_537 = tpu.memref_slice %arg7[%run_scoped3A_530, %run_scoped3A_531, %dma_start3A_536] : memref<2x8x128xi32, #tpu.memory_space<vmem>> -> memref<1x1x128xi32, #tpu.memory_space<vmem>>
        %dma_start3A_538 = tpu.memref_squeeze %dma_start3A_537 : memref<1x1x128xi32, #tpu.memory_space<vmem>> -> memref<128xi32, #tpu.memory_space<vmem>>
        %dma_start3A_539 = arith.constant 0 : i32
        %dma_start3A_540 = arith.constant 0 : i32
        %dma_start3A_541 = tpu.memref_slice %arg9[%dma_start3A_539, %dma_start3A_540] : memref<10240x128xf32, #tpu.memory_space<vmem_shared>> -> memref<10240x128xf32, #tpu.memory_space<vmem_shared>>
        tpu.enqueue_indirect_dma source(%dma_start3A_535 : memref<128x128xf32, #tpu.memory_space<vmem>>) target(%dma_start3A_541 : memref<10240x128xf32, #tpu.memory_space<vmem_shared>>) offsets(%dma_start3A_538 : memref<128xi32, #tpu.memory_space<vmem>>) semaphore(%run_scoped3A_532 : memref<!tpu.dma_semaphore, #tpu.memory_space<semaphore_mem>>) {add = true}
        %dma_wait3A_542 = arith.constant 128 : i32
        %dma_wait3A_543 = arith.constant 0 : i32
        %dma_wait3A_544 = tpu.memref_slice %arg8[%dma_wait3A_542, %dma_wait3A_543] : memref<256x128xf32, #tpu.memory_space<vmem>> -> memref<128x128xf32, #tpu.memory_space<vmem>>
        %dma_wait3A_545 = arith.constant 0 : i32
        %dma_wait3A_546 = tpu.memref_slice %arg7[%run_scoped3A_530, %run_scoped3A_531, %dma_wait3A_545] : memref<2x8x128xi32, #tpu.memory_space<vmem>> -> memref<1x1x128xi32, #tpu.memory_space<vmem>>
        %dma_wait3A_547 = tpu.memref_squeeze %dma_wait3A_546 : memref<1x1x128xi32, #tpu.memory_space<vmem>> -> memref<128xi32, #tpu.memory_space<vmem>>
        %dma_wait3A_548 = arith.constant 0 : i32
        %dma_wait3A_549 = arith.constant 0 : i32
        %dma_wait3A_550 = tpu.memref_slice %arg9[%dma_wait3A_548, %dma_wait3A_549] : memref<10240x128xf32, #tpu.memory_space<vmem_shared>> -> memref<10240x128xf32, #tpu.memory_space<vmem_shared>>
        tpu.wait_indirect_dma semaphore(%run_scoped3A_532 : memref<!tpu.dma_semaphore, #tpu.memory_space<semaphore_mem>>) src(%dma_wait3A_544 : memref<128x128xf32, #tpu.memory_space<vmem>>) dst(%dma_wait3A_550 : memref<10240x128xf32, #tpu.memory_space<vmem_shared>>)
        tpu.yield
      }) : () -> ()
    }
    %scan3A_56 = arith.constant 5 : i32
    %barrier3A_57 = arith.constant 0 : index
    tpu.barrier barrier_id(%barrier3A_57)
    %mul3A_58 = arith.constant 640 : i32
    %mul3A_59 = arith.muli %arg1, %mul3A_58 : i32
    %mul3A_60 = arith.constant 640 : i32
    %mul3A_61 = arith.muli %arg1, %mul3A_60 : i32
    "tpu.region"() ({
      %run_scoped3A = tpu.sem_alloc : memref<!tpu.dma_semaphore, #tpu.memory_space<semaphore_mem>>
      %dma_start3A_62 = arith.constant 0 : i32
      %dma_start3A_63 = tpu.memref_slice %arg5[%arg0, %mul3A_61, %dma_start3A_62] : memref<2x10240x128xf32, #tpu.memory_space<hbm>> -> memref<1x640x128xf32, #tpu.memory_space<hbm>>
      %dma_start3A_64 = tpu.memref_squeeze %dma_start3A_63 : memref<1x640x128xf32, #tpu.memory_space<hbm>> -> memref<640x128xf32, #tpu.memory_space<hbm>>
      %dma_start3A_65 = arith.constant 0 : i32
      %dma_start3A_66 = tpu.memref_slice %arg9[%mul3A_59, %dma_start3A_65] : memref<10240x128xf32, #tpu.memory_space<vmem_shared>> -> memref<640x128xf32, #tpu.memory_space<vmem_shared>>
      tpu.enqueue_dma source(%dma_start3A_66 : memref<640x128xf32, #tpu.memory_space<vmem_shared>>) target(%dma_start3A_64 : memref<640x128xf32, #tpu.memory_space<hbm>>) target_semaphore(%run_scoped3A : memref<!tpu.dma_semaphore, #tpu.memory_space<semaphore_mem>>)
      %dma_wait3A = arith.constant 0 : i32
      %dma_wait3A_67 = tpu.memref_slice %arg5[%arg0, %mul3A_61, %dma_wait3A] : memref<2x10240x128xf32, #tpu.memory_space<hbm>> -> memref<1x640x128xf32, #tpu.memory_space<hbm>>
      %dma_wait3A_68 = tpu.memref_squeeze %dma_wait3A_67 : memref<1x640x128xf32, #tpu.memory_space<hbm>> -> memref<640x128xf32, #tpu.memory_space<hbm>>
      %dma_wait3A_69 = arith.constant 0 : i32
      %dma_wait3A_70 = tpu.memref_slice %arg9[%mul3A_59, %dma_wait3A_69] : memref<10240x128xf32, #tpu.memory_space<vmem_shared>> -> memref<640x128xf32, #tpu.memory_space<vmem_shared>>
      tpu.wait_dma2 semaphore(%run_scoped3A : memref<!tpu.dma_semaphore, #tpu.memory_space<semaphore_mem>>) src(%dma_wait3A_70 : memref<640x128xf32, #tpu.memory_space<vmem_shared>>) dst(%dma_wait3A_68 : memref<640x128xf32, #tpu.memory_space<hbm>>)
      tpu.yield
    }) : () -> ()
    return
  }
}

module attributes {stable_mosaic.version = 14 : i64} {
  func.func @_mm_scale_body(%arg0: i32, %arg1: memref<400x128xf32, #tpu.memory_space<vmem>>, %arg2: memref<128x128xf32, #tpu.memory_space<vmem>>, %arg3: memref<2x400x128xf32, #tpu.memory_space<vmem>>, %arg4: memref<400x128xf32, #tpu.memory_space<vmem>>) attributes {dimension_semantics = [#tpu.dimension_semantics<arbitrary>], iteration_bounds = array<i64: 25>, scalar_prefetch = 0 : i64, scratch_operands = 0 : i64, tpu.core_type = #tpu.core_type<tc>, window_params = [{transform_indices = @transform_0, window_bounds = array<i64: 400, 128>}, {pipeline_mode = #tpu.pipeline_mode<synchronous>, transform_indices = @transform_1, window_bounds = array<i64: 128, 128>}, {transform_indices = @transform_2, window_bounds = array<i64: 2, 400, 128>}, {transform_indices = @transform_3, window_bounds = array<i64: 400, 128>}]} {
    %get3A = arith.constant 0 : index
    %get3A_0 = arith.constant 0 : index
    %get3A_1 = arith.constant 0 : index
    %get3A_2 = vector.load %arg3[%get3A, %get3A_0, %get3A_1] : memref<2x400x128xf32, #tpu.memory_space<vmem>>, vector<2x400x128xf32>
    %slice3A = vector.extract_strided_slice %get3A_2 {offsets = [0, 0, 0], sizes = [1, 400, 128], strides = [1, 1, 1]} : vector<2x400x128xf32> to vector<1x400x128xf32>
    %squeeze3A = vector.shape_cast %slice3A : vector<1x400x128xf32> to vector<400x128xf32>
    %slice3A_3 = vector.extract_strided_slice %squeeze3A {offsets = [0, 0], sizes = [400, 1], strides = [1, 1]} : vector<400x128xf32> to vector<400x1xf32>
    %add3A = arith.constant 1.000000e+00 : f32
    %add3A_4 = vector.broadcast %add3A : f32 to vector<400x1xf32>
    %add3A_5 = arith.addf %add3A_4, %slice3A_3 : vector<400x1xf32>
    %slice3A_6 = vector.extract_strided_slice %get3A_2 {offsets = [1, 0, 0], sizes = [1, 400, 128], strides = [1, 1, 1]} : vector<2x400x128xf32> to vector<1x400x128xf32>
    %squeeze3A_7 = vector.shape_cast %slice3A_6 : vector<1x400x128xf32> to vector<400x128xf32>
    %slice3A_8 = vector.extract_strided_slice %squeeze3A_7 {offsets = [0, 0], sizes = [400, 1], strides = [1, 1]} : vector<400x128xf32> to vector<400x1xf32>
    %add3A_9 = arith.addf %add3A_5, %slice3A_8 : vector<400x1xf32>
    %rsqrt3A = math.rsqrt %add3A_9 : vector<400x1xf32>
    %get3A_10 = arith.constant 0 : index
    %get3A_11 = arith.constant 0 : index
    %get3A_12 = vector.load %arg1[%get3A_10, %get3A_11] : memref<400x128xf32, #tpu.memory_space<vmem>>, vector<400x128xf32>
    %get3A_13 = arith.constant 0 : index
    %get3A_14 = arith.constant 0 : index
    %get3A_15 = vector.load %arg2[%get3A_13, %get3A_14] : memref<128x128xf32, #tpu.memory_space<vmem>>, vector<128x128xf32>
    %dot_general3A = arith.constant dense<0.000000e+00> : vector<400x128xf32>
    %dot_general3A_16 = tpu.matmul %get3A_12, %get3A_15, %dot_general3A {dimension_numbers = #tpu.dot_dimension_numbers<[1], [0], [0], [1], [0, 0, 1, 1], [], []>, transpose_lhs_hint = false} : vector<400x128xf32>, vector<128x128xf32>, vector<400x128xf32> -> vector<400x128xf32>
    %mul3A = vector.broadcast %rsqrt3A : vector<400x1xf32> to vector<400x128xf32>
    %mul3A_17 = arith.mulf %dot_general3A_16, %mul3A : vector<400x128xf32>
    %swap3A = arith.constant 0 : index
    %swap3A_18 = arith.constant 0 : index
    %swap3A_19 = vector.load %arg4[%swap3A, %swap3A_18] : memref<400x128xf32, #tpu.memory_space<vmem>>, vector<400x128xf32>
    tpu.vector_store %arg4[%swap3A, %swap3A_18], %mul3A_17 {strides = array<i32>} : memref<400x128xf32, #tpu.memory_space<vmem>>, vector<400x128xf32>,
    return
  }
  func.func @transform_0(%arg0: i32) -> (i32, i32) {
    %c0_i32 = arith.constant 0 : i32
    %c0_i32_0 = arith.constant 0 : i32
    return %arg0, %c0_i32 : i32, i32
  }
  func.func @transform_1(%arg0: i32) -> (i32, i32) {
    %c0_i32 = arith.constant 0 : i32
    %c0_i32_0 = arith.constant 0 : i32
    %c0_i32_1 = arith.constant 0 : i32
    return %c0_i32, %c0_i32_0 : i32, i32
  }
  func.func @transform_2(%arg0: i32) -> (i32, i32, i32) {
    %c0_i32 = arith.constant 0 : i32
    %c0_i32_0 = arith.constant 0 : i32
    %c0_i32_1 = arith.constant 0 : i32
    return %c0_i32, %arg0, %c0_i32_0 : i32, i32, i32
  }
  func.func @transform_3(%arg0: i32) -> (i32, i32) {
    %c0_i32 = arith.constant 0 : i32
    %c0_i32_0 = arith.constant 0 : i32
    return %arg0, %c0_i32 : i32, i32
  }
}

module attributes {stable_mosaic.version = 14 : i64} {
  func.func @_mid_body(%arg0: i32, %arg1: memref<2x400x128xf32, #tpu.memory_space<vmem>>, %arg2: memref<400x128xf32, #tpu.memory_space<vmem>>, %arg3: memref<2x400x128xf32, #tpu.memory_space<vmem>>, %arg4: memref<1x128xf32, #tpu.memory_space<vmem>>, %arg5: memref<128x128xf32, #tpu.memory_space<vmem>>, %arg6: memref<400x128xf32, #tpu.memory_space<vmem>>) attributes {dimension_semantics = [#tpu.dimension_semantics<arbitrary>], iteration_bounds = array<i64: 25>, scalar_prefetch = 0 : i64, scratch_operands = 0 : i64, tpu.core_type = #tpu.core_type<tc>, window_params = [{transform_indices = @transform_0, window_bounds = array<i64: 2, 400, 128>}, {transform_indices = @transform_1, window_bounds = array<i64: 400, 128>}, {transform_indices = @transform_2, window_bounds = array<i64: 2, 400, 128>}, {pipeline_mode = #tpu.pipeline_mode<synchronous>, transform_indices = @transform_3, window_bounds = array<i64: 1, 128>}, {pipeline_mode = #tpu.pipeline_mode<synchronous>, transform_indices = @transform_4, window_bounds = array<i64: 128, 128>}, {transform_indices = @transform_5, window_bounds = array<i64: 400, 128>}]} {
    %get3A = arith.constant 0 : index
    %get3A_0 = arith.constant 0 : index
    %get3A_1 = arith.constant 0 : index
    %get3A_2 = vector.load %arg3[%get3A, %get3A_0, %get3A_1] : memref<2x400x128xf32, #tpu.memory_space<vmem>>, vector<2x400x128xf32>
    %slice3A = vector.extract_strided_slice %get3A_2 {offsets = [0, 0, 0], sizes = [1, 400, 128], strides = [1, 1, 1]} : vector<2x400x128xf32> to vector<1x400x128xf32>
    %squeeze3A = vector.shape_cast %slice3A : vector<1x400x128xf32> to vector<400x128xf32>
    %slice3A_3 = vector.extract_strided_slice %squeeze3A {offsets = [0, 0], sizes = [400, 1], strides = [1, 1]} : vector<400x128xf32> to vector<400x1xf32>
    %add3A = arith.constant 1.000000e+00 : f32
    %add3A_4 = vector.broadcast %add3A : f32 to vector<400x1xf32>
    %add3A_5 = arith.addf %add3A_4, %slice3A_3 : vector<400x1xf32>
    %slice3A_6 = vector.extract_strided_slice %get3A_2 {offsets = [1, 0, 0], sizes = [1, 400, 128], strides = [1, 1, 1]} : vector<2x400x128xf32> to vector<1x400x128xf32>
    %squeeze3A_7 = vector.shape_cast %slice3A_6 : vector<1x400x128xf32> to vector<400x128xf32>
    %slice3A_8 = vector.extract_strided_slice %squeeze3A_7 {offsets = [0, 0], sizes = [400, 1], strides = [1, 1]} : vector<400x128xf32> to vector<400x1xf32>
    %add3A_9 = arith.addf %add3A_5, %slice3A_8 : vector<400x1xf32>
    %rsqrt3A = math.rsqrt %add3A_9 : vector<400x1xf32>
    %get3A_10 = arith.constant 0 : index
    %get3A_11 = arith.constant 0 : index
    %get3A_12 = arith.constant 0 : index
    %get3A_13 = vector.load %arg1[%get3A_10, %get3A_11, %get3A_12] : memref<2x400x128xf32, #tpu.memory_space<vmem>>, vector<2x400x128xf32>
    %slice3A_14 = vector.extract_strided_slice %get3A_13 {offsets = [0, 0, 0], sizes = [1, 400, 128], strides = [1, 1, 1]} : vector<2x400x128xf32> to vector<1x400x128xf32>
    %squeeze3A_15 = vector.shape_cast %slice3A_14 : vector<1x400x128xf32> to vector<400x128xf32>
    %slice3A_16 = vector.extract_strided_slice %get3A_13 {offsets = [1, 0, 0], sizes = [1, 400, 128], strides = [1, 1, 1]} : vector<2x400x128xf32> to vector<1x400x128xf32>
    %squeeze3A_17 = vector.shape_cast %slice3A_16 : vector<1x400x128xf32> to vector<400x128xf32>
    %add3A_18 = arith.addf %squeeze3A_15, %squeeze3A_17 : vector<400x128xf32>
    %get3A_19 = arith.constant 0 : index
    %get3A_20 = arith.constant 0 : index
    %get3A_21 = vector.load %arg2[%get3A_19, %get3A_20] : memref<400x128xf32, #tpu.memory_space<vmem>>, vector<400x128xf32>
    %add3A_22 = arith.addf %add3A_18, %get3A_21 : vector<400x128xf32>
    %mul3A = vector.broadcast %rsqrt3A : vector<400x1xf32> to vector<400x128xf32>
    %mul3A_23 = arith.mulf %add3A_22, %mul3A : vector<400x128xf32>
    %get3A_24 = arith.constant 0 : index
    %get3A_25 = arith.constant 0 : index
    %get3A_26 = vector.load %arg4[%get3A_24, %get3A_25] : memref<1x128xf32, #tpu.memory_space<vmem>>, vector<1x128xf32>
    %add3A_27 = vector.broadcast %get3A_26 : vector<1x128xf32> to vector<400x128xf32>
    %add3A_28 = arith.addf %mul3A_23, %add3A_27 : vector<400x128xf32>
    %max3A = arith.constant 0.000000e+00 : f32
    %max3A_29 = vector.broadcast %max3A : f32 to vector<400x128xf32>
    %max3A_30 = arith.maximumf %add3A_28, %max3A_29 : vector<400x128xf32>
    %get3A_31 = arith.constant 0 : index
    %get3A_32 = arith.constant 0 : index
    %get3A_33 = vector.load %arg5[%get3A_31, %get3A_32] : memref<128x128xf32, #tpu.memory_space<vmem>>, vector<128x128xf32>
    %dot_general3A = arith.constant dense<0.000000e+00> : vector<400x128xf32>
    %dot_general3A_34 = tpu.matmul %max3A_30, %get3A_33, %dot_general3A {dimension_numbers = #tpu.dot_dimension_numbers<[1], [0], [0], [1], [0, 0, 1, 1], [], []>, transpose_lhs_hint = false} : vector<400x128xf32>, vector<128x128xf32>, vector<400x128xf32> -> vector<400x128xf32>
    %mul3A_35 = vector.broadcast %rsqrt3A : vector<400x1xf32> to vector<400x128xf32>
    %mul3A_36 = arith.mulf %dot_general3A_34, %mul3A_35 : vector<400x128xf32>
    %swap3A = arith.constant 0 : index
    %swap3A_37 = arith.constant 0 : index
    %swap3A_38 = vector.load %arg6[%swap3A, %swap3A_37] : memref<400x128xf32, #tpu.memory_space<vmem>>, vector<400x128xf32>
    tpu.vector_store %arg6[%swap3A, %swap3A_37], %mul3A_36 {strides = array<i32>} : memref<400x128xf32, #tpu.memory_space<vmem>>, vector<400x128xf32>,
    return
  }
  func.func @transform_0(%arg0: i32) -> (i32, i32, i32) {
    %c0_i32 = arith.constant 0 : i32
    %c0_i32_0 = arith.constant 0 : i32
    %c0_i32_1 = arith.constant 0 : i32
    return %c0_i32, %arg0, %c0_i32_0 : i32, i32, i32
  }
  func.func @transform_1(%arg0: i32) -> (i32, i32) {
    %c0_i32 = arith.constant 0 : i32
    %c0_i32_0 = arith.constant 0 : i32
    return %arg0, %c0_i32 : i32, i32
  }
  func.func @transform_2(%arg0: i32) -> (i32, i32, i32) {
    %c0_i32 = arith.constant 0 : i32
    %c0_i32_0 = arith.constant 0 : i32
    %c0_i32_1 = arith.constant 0 : i32
    return %c0_i32, %arg0, %c0_i32_0 : i32, i32, i32
  }
  func.func @transform_3(%arg0: i32) -> (i32, i32) {
    %c0_i32 = arith.constant 0 : i32
    %c0_i32_0 = arith.constant 0 : i32
    %c0_i32_1 = arith.constant 0 : i32
    return %c0_i32, %c0_i32_0 : i32, i32
  }
  func.func @transform_4(%arg0: i32) -> (i32, i32) {
    %c0_i32 = arith.constant 0 : i32
    %c0_i32_0 = arith.constant 0 : i32
    %c0_i32_1 = arith.constant 0 : i32
    return %c0_i32, %c0_i32_0 : i32, i32
  }
  func.func @transform_5(%arg0: i32) -> (i32, i32) {
    %c0_i32 = arith.constant 0 : i32
    %c0_i32_0 = arith.constant 0 : i32
    return %arg0, %c0_i32 : i32, i32
  }
}

module attributes {stable_mosaic.version = 14 : i64} {
  func.func @_fin_body(%arg0: i32, %arg1: memref<2x400x128xf32, #tpu.memory_space<vmem>>, %arg2: memref<400x128xf32, #tpu.memory_space<vmem>>, %arg3: memref<2x400x128xf32, #tpu.memory_space<vmem>>, %arg4: memref<1x128xf32, #tpu.memory_space<vmem>>, %arg5: memref<400x128xf32, #tpu.memory_space<vmem>>) attributes {dimension_semantics = [#tpu.dimension_semantics<arbitrary>], iteration_bounds = array<i64: 25>, scalar_prefetch = 0 : i64, scratch_operands = 0 : i64, tpu.core_type = #tpu.core_type<tc>, window_params = [{transform_indices = @transform_0, window_bounds = array<i64: 2, 400, 128>}, {transform_indices = @transform_1, window_bounds = array<i64: 400, 128>}, {transform_indices = @transform_2, window_bounds = array<i64: 2, 400, 128>}, {pipeline_mode = #tpu.pipeline_mode<synchronous>, transform_indices = @transform_3, window_bounds = array<i64: 1, 128>}, {transform_indices = @transform_4, window_bounds = array<i64: 400, 128>}]} {
    %get3A = arith.constant 0 : index
    %get3A_0 = arith.constant 0 : index
    %get3A_1 = arith.constant 0 : index
    %get3A_2 = vector.load %arg3[%get3A, %get3A_0, %get3A_1] : memref<2x400x128xf32, #tpu.memory_space<vmem>>, vector<2x400x128xf32>
    %slice3A = vector.extract_strided_slice %get3A_2 {offsets = [0, 0, 0], sizes = [1, 400, 128], strides = [1, 1, 1]} : vector<2x400x128xf32> to vector<1x400x128xf32>
    %squeeze3A = vector.shape_cast %slice3A : vector<1x400x128xf32> to vector<400x128xf32>
    %slice3A_3 = vector.extract_strided_slice %squeeze3A {offsets = [0, 0], sizes = [400, 1], strides = [1, 1]} : vector<400x128xf32> to vector<400x1xf32>
    %add3A = arith.constant 1.000000e+00 : f32
    %add3A_4 = vector.broadcast %add3A : f32 to vector<400x1xf32>
    %add3A_5 = arith.addf %add3A_4, %slice3A_3 : vector<400x1xf32>
    %slice3A_6 = vector.extract_strided_slice %get3A_2 {offsets = [1, 0, 0], sizes = [1, 400, 128], strides = [1, 1, 1]} : vector<2x400x128xf32> to vector<1x400x128xf32>
    %squeeze3A_7 = vector.shape_cast %slice3A_6 : vector<1x400x128xf32> to vector<400x128xf32>
    %slice3A_8 = vector.extract_strided_slice %squeeze3A_7 {offsets = [0, 0], sizes = [400, 1], strides = [1, 1]} : vector<400x128xf32> to vector<400x1xf32>
    %add3A_9 = arith.addf %add3A_5, %slice3A_8 : vector<400x1xf32>
    %rsqrt3A = math.rsqrt %add3A_9 : vector<400x1xf32>
    %get3A_10 = arith.constant 0 : index
    %get3A_11 = arith.constant 0 : index
    %get3A_12 = arith.constant 0 : index
    %get3A_13 = vector.load %arg1[%get3A_10, %get3A_11, %get3A_12] : memref<2x400x128xf32, #tpu.memory_space<vmem>>, vector<2x400x128xf32>
    %slice3A_14 = vector.extract_strided_slice %get3A_13 {offsets = [0, 0, 0], sizes = [1, 400, 128], strides = [1, 1, 1]} : vector<2x400x128xf32> to vector<1x400x128xf32>
    %squeeze3A_15 = vector.shape_cast %slice3A_14 : vector<1x400x128xf32> to vector<400x128xf32>
    %slice3A_16 = vector.extract_strided_slice %get3A_13 {offsets = [1, 0, 0], sizes = [1, 400, 128], strides = [1, 1, 1]} : vector<2x400x128xf32> to vector<1x400x128xf32>
    %squeeze3A_17 = vector.shape_cast %slice3A_16 : vector<1x400x128xf32> to vector<400x128xf32>
    %add3A_18 = arith.addf %squeeze3A_15, %squeeze3A_17 : vector<400x128xf32>
    %get3A_19 = arith.constant 0 : index
    %get3A_20 = arith.constant 0 : index
    %get3A_21 = vector.load %arg2[%get3A_19, %get3A_20] : memref<400x128xf32, #tpu.memory_space<vmem>>, vector<400x128xf32>
    %add3A_22 = arith.addf %add3A_18, %get3A_21 : vector<400x128xf32>
    %mul3A = vector.broadcast %rsqrt3A : vector<400x1xf32> to vector<400x128xf32>
    %mul3A_23 = arith.mulf %add3A_22, %mul3A : vector<400x128xf32>
    %get3A_24 = arith.constant 0 : index
    %get3A_25 = arith.constant 0 : index
    %get3A_26 = vector.load %arg4[%get3A_24, %get3A_25] : memref<1x128xf32, #tpu.memory_space<vmem>>, vector<1x128xf32>
    %add3A_27 = vector.broadcast %get3A_26 : vector<1x128xf32> to vector<400x128xf32>
    %add3A_28 = arith.addf %mul3A_23, %add3A_27 : vector<400x128xf32>
    %swap3A = arith.constant 0 : index
    %swap3A_29 = arith.constant 0 : index
    %swap3A_30 = vector.load %arg5[%swap3A, %swap3A_29] : memref<400x128xf32, #tpu.memory_space<vmem>>, vector<400x128xf32>
    tpu.vector_store %arg5[%swap3A, %swap3A_29], %add3A_28 {strides = array<i32>} : memref<400x128xf32, #tpu.memory_space<vmem>>, vector<400x128xf32>,
    return
  }
  func.func @transform_0(%arg0: i32) -> (i32, i32, i32) {
    %c0_i32 = arith.constant 0 : i32
    %c0_i32_0 = arith.constant 0 : i32
    %c0_i32_1 = arith.constant 0 : i32
    return %c0_i32, %arg0, %c0_i32_0 : i32, i32, i32
  }
  func.func @transform_1(%arg0: i32) -> (i32, i32) {
    %c0_i32 = arith.constant 0 : i32
    %c0_i32_0 = arith.constant 0 : i32
    return %arg0, %c0_i32 : i32, i32
  }
  func.func @transform_2(%arg0: i32) -> (i32, i32, i32) {
    %c0_i32 = arith.constant 0 : i32
    %c0_i32_0 = arith.constant 0 : i32
    %c0_i32_1 = arith.constant 0 : i32
    return %c0_i32, %arg0, %c0_i32_0 : i32, i32, i32
  }
  func.func @transform_3(%arg0: i32) -> (i32, i32) {
    %c0_i32 = arith.constant 0 : i32
    %c0_i32_0 = arith.constant 0 : i32
    %c0_i32_1 = arith.constant 0 : i32
    return %c0_i32, %c0_i32_0 : i32, i32
  }
  func.func @transform_4(%arg0: i32) -> (i32, i32) {
    %c0_i32 = arith.constant 0 : i32
    %c0_i32_0 = arith.constant 0 : i32
    return %arg0, %c0_i32 : i32, i32
  }
}

</mosaic_0001>

<sc_bundles>
// kernel: kernel.11.cloned.1.call-start
scs
__scs_entry_jumppad:
0x0: {  	(pc) =	sbr.rel $0x88, $3  }
0x1: {  	(tag) =	ssettag $0x0;
	lr =	simm.s32 $0x1  }
0x2: {  	[smem:$0x3F9B] =	sst lr;
	_ =	strace $0xD0000000  }
0x3: {  	_ = 	snop  }
0x4: {  	_ = 	snop  }
0x5: {  	_ = 	snop  }
0x6: {  	_ = 	snop  }
0x7: {  	_ = 	snop  }
__scs_overlays_trampoline_lowered:
0x8: {  	[smem:$0x3FAA] =	sst s0  }
0x9: {  	[smem:$0x3FAB] =	sst s1  }
0xa: {  	[smem:$0x3FAC] =	sst s2  }
0xb: {  	[smem:$0x3FAD] =	sst s3  }
0xc: {  	[smem:$0x3FAE] =	sst s4  }
0xd: {  	[smem:$0x3FAF] =	sst s5  }
0xe: {  	[smem:$0x3FB0] =	sst s6  }
0xf: {  	[smem:$0x3FB1] =	sst s7  }
0x10: {  	[smem:$0x3FB2] =	sst s8  }
0x11: {  	[smem:$0x3FB3] =	sst s9;
	s0 =	simm.s32 @!p0 $0x0  }
0x12: {  	s1 =	sld [smem:$0x3F99];
	s0 =	simm.s32 @p0 $0x1  }
0x13: {  	[smem:$0x3FB4] =	sst s0;
	s0 =	simm.s32 @!p1 $0x0  }
0x14: {  	s2 =	sld [smem:$0x3F98];
	s0 =	simm.s32 @p1 $0x1  }
0x15: {  	[smem:$0x3FB5] =	sst s0;
	s0 =	simm.s32 @!p2 $0x0  }
0x16: {  	s3 =	sld [smem:$0x3FDB];
	s0 =	simm.s32 @p2 $0x1  }
0x17: {  	s4 =	simm.s32 $0x1BF5;
	[smem:$0x3FB7] =	sst s0  }
0x18: {  	s0 =	sld [smem:$0x3F9A];
	_ =	swait.ge [sflag:s4], $0x0  }
0x19: {  	s7 =	sld [smem:$0x3F9B]  }
0x1a: {  	s8 =	sadd.s32 $0xFFFFE003, lr  }
0x1b: {  	s9 =	sadd.s32 $0xFFFFFEF7, lr;
	s5 =	simm.s32 $0xFFFFFFFF;
	p2 =	slt.u32 s8, $0xFFFFF086  }
0x1c: {  	p1 =	slt.u32 s9, $0xF7A;
	s5 =	simm.s32 @!p2 $0x0  }
0x1d: {  	s5 =	simm.s32 @p1 $0x1;
	p0 =	seq.s32 s7, s2  }
0x1e: {  	s7 =	smul.u32 @!p0 $0xF7A, s2;
	p2 =	seq.s32 @!p0 s5, $0x0  }
0x1f: {  	s9 =	smul.u32 $0xF7A, s1;
	s8 =	simm.s32 @!p0 $0x1BF5;
	p2 =	por !p2, p0  }
0x20: {  	[sflag:s8] =	ssyncset.s32 @!p0 $0xFFFFF086;
	s6 =	sadd.s32 @!p0 s3, s7;
	s7 =	simm.s32 @!p0 $0x108  }
0x21: {  	s3 =	sadd.s32 s3, s9;
	s6 =	sadd.s32 @!p0 $0x88, s6;
	s7 =	simm.s32 @p2 $0x1082  }
0x22: {  	[simem:s7], [sflag:s8] =	dma.local @!p0 [hbm:s6], $0xF7A  }
0x23: {  	s9 =	sor.u32 $0xD0000000, s2;
	s6 =	simm.s32 $0x108;
	_ =	swait.ge @!p0 [sflag:s8], $0x0  }
0x24: {  	s3 =	sadd.s32 $0x88, s3;
	s6 =	simm.s32 @!p1 $0x1082;
	[sflag:s4] =	ssyncset.s32 $0xFFFFF086  }
0x25: {  	[simem:s6], [sflag:s4] =	dma.local [hbm:s3], $0xF7A  }
0x26: {  	[smem:$0x3F9B] =	sst s1;
	(tag) =	ssettag s2;
	_ =	strace s9  }
0x27: {  	s1 =	sld [smem:$0x3FAB]  }
0x28: {  	s2 =	sld [smem:$0x3FAC]  }
0x29: {  	s4 =	sld [smem:$0x3FAE]  }
0x2a: {  	p0 =	seq.s32 s5, $0x0;
	s5 =	sld [smem:$0x3FAF]  }
0x2b: {  	s6 =	sld [smem:$0x3FB0]  }
0x2c: {  	s7 =	sld [smem:$0x3FB1]  }
0x2d: {  	s3 =	simm.s32 $0x108;
	s8 =	sld [smem:$0x3FB2]  }
0x2e: {  	s3 =	simm.s32 @!p0 $0x1082;
	s9 =	sld [smem:$0x3FB3]  }
0x2f: {  	lr =	sadd.s32 s0, s3;
	s0 =	sld [smem:$0x3FAA]  }
0x30: {  	s3 =	sld [smem:$0x3FAD]  }
0x31: {  	[smem:$0x3FB6] =	sst s10  }
0x32: {  	s10 =	sld [smem:$0x3FB4];
	_ =	sdelay $0x3  }
0x33: {  	p0 =	seq.s32 s10, $0x1;
	s10 =	sld [smem:$0x3FB6];
	_ =	sdelay $0x3  }
0x34: {  	[smem:$0x3FB6] =	sst s10  }
0x35: {  	s10 =	sld [smem:$0x3FB5];
	_ =	sdelay $0x3  }
0x36: {  	p1 =	seq.s32 s10, $0x1;
	s10 =	sld [smem:$0x3FB6];
	_ =	sdelay $0x3  }
0x37: {  	[smem:$0x3FB6] =	sst s10  }
0x38: {  	s10 =	sld [smem:$0x3FB7]  }
0x39: {  	_ = 	snop;
	(pc) =	sbr.ind lr, $3  }
0x3a: {  	_ = 	snop  }
0x3b: {  	_ = 	snop  }
0x3c: {  	p2 =	seq.s32 s10, $0x1;
	s10 =	sld [smem:$0x3FB6]  }
0x3d: {  	_ =	shalt  }
0x3e: {  	_ =	shalt  }
0x3f: {  	_ =	shalt  }
0x40: {  	_ =	shalt  }
0x41: {  	_ =	shalt  }
0x42: {  	_ =	shalt  }
0x43: {  	_ =	shalt  }
0x44: {  	_ =	shalt  }
0x45: {  	_ =	shalt  }
0x46: {  	_ =	shalt  }
0x47: {  	_ =	shalt  }
0x48: {  	_ =	shalt  }
0x49: {  	_ =	shalt  }
0x4a: {  	_ =	shalt  }
0x4b: {  	_ =	shalt  }
0x4c: {  	_ =	shalt  }
0x4d: {  	_ =	shalt  }
0x4e: {  	_ =	shalt  }
0x4f: {  	_ =	shalt  }
0x50: {  	_ =	shalt  }
0x51: {  	_ =	shalt  }
0x52: {  	_ =	shalt  }
0x53: {  	_ =	shalt  }
0x54: {  	_ =	shalt  }
0x55: {  	_ =	shalt  }
0x56: {  	_ =	shalt  }
0x57: {  	_ =	shalt  }
0x58: {  	_ =	shalt  }
0x59: {  	_ =	shalt  }
0x5a: {  	_ =	shalt  }
0x5b: {  	_ =	shalt  }
0x5c: {  	_ =	shalt  }
0x5d: {  	_ =	shalt  }
0x5e: {  	_ =	shalt  }
0x5f: {  	_ =	shalt  }
0x60: {  	_ =	shalt  }
0x61: {  	_ =	shalt  }
0x62: {  	_ =	shalt  }
0x63: {  	_ =	shalt  }
0x64: {  	_ =	shalt  }
0x65: {  	_ =	shalt  }
0x66: {  	_ =	shalt  }
0x67: {  	_ =	shalt  }
0x68: {  	_ =	shalt  }
0x69: {  	_ =	shalt  }
0x6a: {  	_ =	shalt  }
0x6b: {  	_ =	shalt  }
0x6c: {  	_ =	shalt  }
0x6d: {  	_ =	shalt  }
0x6e: {  	_ =	shalt  }
0x6f: {  	_ =	shalt  }
0x70: {  	_ =	shalt  }
0x71: {  	_ =	shalt  }
0x72: {  	_ =	shalt  }
0x73: {  	_ =	shalt  }
0x74: {  	_ =	shalt  }
0x75: {  	_ =	shalt  }
0x76: {  	_ =	shalt  }
0x77: {  	_ =	shalt  }
0x78: {  	_ =	shalt  }
0x79: {  	_ =	shalt  }
0x7a: {  	_ =	shalt  }
0x7b: {  	_ =	shalt  }
0x7c: {  	_ =	shalt  }
0x7d: {  	_ =	shalt  }
0x7e: {  	_ =	shalt  }
0x7f: {  	_ =	shalt  }
0x80: {  	_ =	shalt  }
0x81: {  	_ =	shalt  }
0x82: {  	_ =	shalt  }
0x83: {  	_ =	shalt  }
0x84: {  	_ =	shalt  }
0x85: {  	_ =	shalt  }
0x86: {  	_ =	shalt  }
0x87: {  	_ =	shalt  }
.Lfunc_end0:
.L_simem_size_0:
called_computation.1_lowered:
.L_overlay_start_0:
0x88: {  	s2 =	sld [smem:$0x3FD9]  }
0x89: {  	s3 =	sld [smem:$0x3FFE];
	_ =	sdelay $0x1  }
0x8a: {  	s1 =	srdreg.scid  }
0x8b: {  	s0 =	sand.u32 $0x1, s1  }
0x8c: {  	s17 =	sshll.u32 s0, $0xA;
	s2 =	sadd.s32 s3, s2  }
0x8d: {  	s2 =	sadd.s32 s2, s17  }
0x8e: {  	[smem:$0x3FC2] =	sst s2  }
0x8f: {  	_ = 	snop  }
0x90: {  	s2 =	sld [smem:$0x3FD0];
	(tm) =	ssettm $0x1  }
0x91: {  	s18 =	sld [smem:$0x3FFB];
	_ =	sdelay $0x3  }
0x92: {  	_ =	strace s18  }
0x93: {  	s3 =	sld [smem:$0x3FFC];
	_ =	sdelay $0x3  }
0x94: {  	_ =	strace s3  }
0x95: {  	s3 =	sld [smem:$0x3FFD];
	_ =	sdelay $0x3  }
0x96: {  	_ =	strace s3  }
0x97: {  	_ =	strace $0x8FFFFFFF  }
0x98: {  	s19 =	sld [smem:$0x3FDB];
	_ =	sdelay $0x1  }
0x99: {  	s4 =	simm.s32 $_scs_section_size  }
0x9a: {  	s5 =	simm.s32 $_size__tile_overlayer_lowered;
	s6 =	simm.s32 $_tile_overlayer_lowered  }
0x9b: {  	s22 =	simm.s32 $0x1BFF;
	s21 =	sshll.u32 s6, $0x1;
	s3 =	sadd.s32 s4, s19  }
0x9c: {  	s7 =	simm.s32 $0x0;
	s20 =	sshll.u32 s5, $0x1;
	s5 =	sadd.s32 s21, s3  }
0x9d: {  	[timem:s7], [sflag:s22] =	dma.local [hbm:s5], s20  }
0x9e: {  	_ =	swait.ge [sflag:s22], s20  }
0x9f: {  	s4 =	ssub.s32 $0x0, s20;
	[sflag:s22] =	ssyncset.done $0x0  }
0xa0: {  	[sflag:s22] =	ssyncadd.s32 s4;
	_ =	sdelay $0x1  }
0xa1: {  	s23 =	simm.s32 $0x1B8B  }
0xa2: {  	_ =	swait.ge [sflag:s23], $0x1  }
0xa3: {  	[sflag:s23] =	ssyncset.done $0x0  }
0xa4: {  	s25 =	simm.s32 $0x1B8E;
	s24 =	sld [smem:$0x3FFE];
	[sflag:s23] =	ssyncadd.s32 $0xFFFFFFFF  }
0xa5: {  	s26 =	simm.s32 $execute0_lowered;
	[smem:$0x3FD2] =	sst s25  }
0xa6: {  	s5 =	sshll.u32 s26, $0x1;
	_ =	strace $0x80000049;
	[dreg:$0x1] =	wrdreg $0xFFFFFFFF  }
0xa7: {  	s28 =	simm.s32 $_size_execute0_lowered;
	s3 =	sadd.s32 s3, s5;
	[dreg:$0x0] =	wrdreg $0x0  }
0xa8: {  	s5 =	sshll.u32 s28, $0x1;
	[dreg:$0x2] =	wrdreg s3  }
0xa9: {  	[dreg:$0x3] =	wrdreg s5  }
0xaa: {  	[dreg:$0x4] =	wrdreg $0xC0  }
0xab: {  	_ =	task [dreg:s7], $0x5FFFF  }
0xac: {  	[dreg:$0x1] =	wrdreg $0xFFFFFFFF  }
0xad: {  	[dreg:$0x0] =	wrdreg $0x60  }
0xae: {  	[dreg:$0x2] =	wrdreg s2  }
0xaf: {  	[dreg:$0x3] =	wrdreg s24  }
0xb0: {  	[dreg:$0x4] =	wrdreg $0x90000  }
0xb1: {  	[dreg:$0x5] =	wrdreg $0x9  }
0xb2: {  	_ =	task.clear_ibuf [dreg:s7], $0x6FFFF;
	_ =	strace $0x90000049  }
0xb3: {  	s29 =	simm.s32 $0x9;
	_ =	strace $0x8000004B  }
0xb4: {  	_ =	swait.ge [sflag:s29], $0x1  }
0xb5: {  	[sflag:s29] =	ssyncadd.s32 $0xFFFFFFFF  }
0xb6: {  	_ =	strace $0x9000004B  }
0xb7: {  	_ =	sfence  }
0xb8: {  	s30 =	sld [smem:$0x0];
	_ =	sdelay $0x2  }
0xb9: {  	s31 =	sshll.u32 s1, $0xD;
	s1 =	sshrl.u32 s1, $0x2  }
0xba: {  	s3 =	sand.u32 $0x4000, s31;
	s1 =	sadd.s32 s1, s30  }
0xbb: {  	s0 =	sor.u32 s3, s0;
	s1 =	sshll.u32 s1, $0x11  }
0xbc: {  	s0 =	sor.u32 s1, s0  }
0xbd: {  	s0 =	sadd.s32 $0x8F2B, s0  }
0xbe: {  	[sflag:s0] =	ssyncadd.remote.s32 $0x1  }
0xbf: {  	_ =	sfence.sel $0xFFFF  }
0xc0: {  	[dreg:$0x0] =	wrdreg $0xFFFFFFFF;
	(pc) =	sbr.abs _section_cstart, $3  }
0xc1: {  	[dreg:$0x1] =	wrdreg $0xFFFFFFFF  }
0xc2: {  	_ =	task.clear_ibuf [dreg:s7], $0x2FFFF;
	_ =	strace $0x9FFFFFFF  }
0xc3: {  	(tm) =	ssettm $0x7FFFFFFF  }
tec
execute0_lowered:
.L_overlay_start_1:
0x0: {  	(tag) =	ssettag $0x1  }
0x1: {  	s1 =	rddreg [dreg:$0x0]  }
0x2: {  	s0 =	rddreg [dreg:$0x1]  }
0x3: {  	s3 =	srdreg.scid;
	s2 =	rddreg [dreg:$0x2];
	s4 =	simm.s32 $0x0  }
0x4: {  	s12 =	stileid.u32;
	s17 =	simm.s32 $0x100;
	s18 =	simm.s32 $0x880  }
0x5: {  	s19 =	simm.s32 $0x180;
	s20 =	simm.s32 $0x900;
	s22 =	simm.s32 $0x200  }
0x6: {  	s23 =	simm.s32 $0x980;
	s25 =	simm.s32 $0x280;
	s28 =	simm.s32 $0xE80  }
0x7: {  	s29 =	simm.s32 $0x780;
	s30 =	simm.s32 $0xF00;
	[smem:$0x7FF] =	sst s4  }
0x8: {  	s9 =	smul.u32 $0x2800, s12;
	_ =	strace $0x8000004A;
	[dreg:$0x6] =	wrdreg s17  }
0x9: {  	s31 =	simm.s32 $0xF80;
	s10 =	smul.u32 $0x14000, s12;
	[dreg:$0x7] =	wrdreg s18  }
0xa: {  	s3 =	sand.u32 $0x1, s3;
	s16 =	smul.u32 $0x50000, s12;
	[dreg:$0x8] =	wrdreg s19  }
0xb: {  	s5 =	sadd.s32 $0x2400, s0;
	s7 =	smul.u32 $0x140000, s3;
	[dreg:$0x9] =	wrdreg s20  }
0xc: {  	s6 =	sadd.s32 $0xC400, s0;
	s8 =	smul.u32 $0x28000, s3;
	[dreg:$0xa] =	wrdreg s22  }
0xd: {  	s26 =	ssub.s32 $0x2, s3;
	s3 =	sshll.u32 s3, $0x4;
	[dreg:$0xb] =	wrdreg s23  }
0xe: {  	[dreg:$0xc] =	wrdreg s25;
	s17 =	simm.s32 $0xB80;
	s18 =	simm.s32 $0x480  }
0xf: {  	s19 =	simm.s32 $0x500;
	s20 =	simm.s32 $0xC80;
	[dreg:$0x12] =	wrdreg s17  }
0x10: {  	s22 =	simm.s32 $0xD00;
	s23 =	simm.s32 $0x600;
	[dreg:$0x13] =	wrdreg s18  }
0x11: {  	s25 =	simm.s32 $0x680;
	s11 =	sshrl.u32 s26, $0x1;
	[dreg:$0x14] =	wrdreg s19  }
0x12: {  	s3 =	sor.u32 s12, s3;
	s17 =	simm.s32 $0x800;
	[dreg:$0x15] =	wrdreg s20  }
0x13: {  	s18 =	simm.s32 $0x1;
	s19 =	simm.s32 $0x400;
	[dreg:$0x17] =	wrdreg s22  }
0x14: {  	s20 =	simm.s32 $0xC00;
	[dreg:$0x18] =	wrdreg s23;
	s22 =	simm.s32 $0x5000  }
0x15: {  	s23 =	simm.s32 $0x3;
	[dreg:$0x1a] =	wrdreg s25;
	s25 =	simm.s32 $0x2  }
0x16: {  	s8 =	sadd.s32 s9, s8;
	s7 =	sadd.s32 s10, s7;
	s9 =	ssub.s32 s26, s11  }
0x17: {  	s3 =	smul.u32 $0x2800, s3;
	s26 =	simm.s32 $0xA00;
	s13 =	sor.u32 $0x400, s8  }
0x18: {  	s7 =	sshrl.u32 s7, $0x3;
	[dreg:$0xd] =	wrdreg s26;
	s26 =	simm.s32 $0xE00  }
0x19: {  	s10 =	sshrl.u32 s13, $0x3;
	s13 =	simm.s32 $0x300;
	[dreg:$0x1b] =	wrdreg s26  }
0x1a: {  	s8 =	sadd.s32 $0x800, s8;
	s14 =	sadd.s32 s10, s6;
	[dreg:$0xe] =	wrdreg s13  }
0x1b: {  	s3 =	sshrl.u32 s3, $0x3;
	s15 =	sadd.s32 s10, s5;
	[dreg:$0x4] =	wrdreg s14  }
0x1c: {  	s0 =	sadd.s32 s7, s0;
	s12 =	sadd.s32 s5, s3;
	[dreg:$0x5] =	wrdreg s15  }
0x1d: {  	s26 =	simm.s32 $0x700;
	s3 =	sadd.s32 s6, s3;
	[dreg:$0x1e] =	wrdreg s12  }
0x1e: {  	s10 =	sshrl.u32 s16, $0x2;
	s16 =	simm.s32 $0xB00;
	[dreg:$0x1f] =	wrdreg s3  }
0x1f: {  	s13 =	smax.u32 s9, $0x1;
	s14 =	simm.s32 $0xA80;
	[dreg:$0x11] =	wrdreg s16  }
0x20: {  	s7 =	sadd.s32 s10, s2;
	s15 =	simm.s32 $0x380;
	[dreg:$0xf] =	wrdreg s14  }
0x21: {  	s12 =	sadd.s32 $0x66400, s0;
	s21 =	sadd.s32 $0x8000, s7;
	[dreg:$0x10] =	wrdreg s15  }
0x22: {  	s16 =	simm.s32 $0x5;
	s24 =	sadd.s32 $0x10000, s7;
	[dreg:$0x1c] =	wrdreg s21  }
0x23: {  	s0 =	simm.s32 $0x0;
	[dreg:$0x1d] =	wrdreg s24;
	s21 =	simm.s32 $0x580  }
0x24: {  	s15 =	simm.s32 $0x1000;
	s24 =	simm.s32 $0xD80;
	[dreg:$0x16] =	wrdreg s21  }
0x25: {  	v0 =	vimm.f32 $0.0e+00;
	s21 =	simm.s32 $0x80;
	[dreg:$0x19] =	wrdreg s24;
	s24 =	simm.s32 $0x4  }
.LBB2_1:
0x26: {  	s3 =	simm.s32 $0x0;
	s9 =	simm.s32 $0x200  }
.LBB2_2:
0x27: {  	p0 =	sne.s32 s9, $0x1FE00;
	[tilespmem:s3+$0x1070] =	vst v0  }
0x28: {  	[tilespmem:s3+$0x1000] =	vst v0  }
0x29: {  	[tilespmem:s3+$0x1010] =	vst v0  }
.Ltmp0:
0x2a: {  	[tilespmem:s3+$0x1020] =	vst v0;
	(pc) =	sbr.rel @p0 .LBB2_2-.Ltmp0, $4  }
0x2b: {  	[tilespmem:s3+$0x1030] =	vst v0  }
0x2c: {  	[tilespmem:s3+$0x1040] =	vst v0  }
0x2d: {  	[tilespmem:s3+$0x1050] =	vst v0  }
0x2e: {  	[tilespmem:s3+$0x1060] =	vst v0;
	s3 =	sshra.s32 s9, $0x2;
	s9 =	sadd.s32 $0x200, s9  }
0x2f: {  	[tilespmem:s3+$0x1070] =	vst v0  }
0x30: {  	[tilespmem:s3+$0x1000] =	vst v0  }
0x31: {  	[tilespmem:s3+$0x1010] =	vst v0  }
0x32: {  	[tilespmem:s3+$0x1020] =	vst v0  }
0x33: {  	[tilespmem:s3+$0x1030] =	vst v0  }
0x34: {  	[tilespmem:s3+$0x1040] =	vst v0  }
0x35: {  	[tilespmem:s3+$0x1050] =	vst v0  }
0x36: {  	[tilespmem:s3+$0x1060] =	vst v0  }
0x37: {  	[spmem:s7] =	stream.linear.scatter [tilespmem:s15], [sflag:$0x5], $0x8000, $0x38;
	[tilespmem:$0x1D000] =	vst v63  }
0x38: {  	_ =	swait.ge [sflag:s16], $0x8000  }
0x39: {  	[sflag:s16] =	ssyncset.done $0x0  }
0x3a: {  	s10 =	rddreg [dreg:$0x1c];
	[sflag:s16] =	ssyncadd.s32 $0xFFFF8000  }
0x3b: {  	[spmem:s10] =	stream.linear.scatter [tilespmem:s15], [sflag:$0x5], $0x8000, $0x38;
	[tilespmem:$0x1D000] =	vst v63  }
0x3c: {  	_ =	swait.ge [sflag:s16], $0x8000  }
0x3d: {  	[sflag:s16] =	ssyncset.done $0x0  }
0x3e: {  	s11 =	rddreg [dreg:$0x1d];
	[sflag:s16] =	ssyncadd.s32 $0xFFFF8000  }
0x3f: {  	[spmem:s11] =	stream.linear.scatter [tilespmem:s15], [sflag:$0x5], $0x4000, $0x38;
	[tilespmem:$0x1D000] =	vst v63  }
0x40: {  	_ =	swait.ge [sflag:s16], $0x4000  }
0x41: {  	[sflag:s16] =	ssyncset.done $0x0  }
0x42: {  	[sflag:s16] =	ssyncadd.s32 $0xFFFFC000  }
0x43: {  	[bflag:$0x0] =	sbarrier.arrive $0xFFFF  }
0x44: {  	s14 =	simm.s32 $0x0;
	s9 =	rddreg [dreg:$0x1e]  }
0x45: {  	[tilespmem:s14], [sflag:$0x1] =	stream.linear.gather [hbm4b:s9+s14], $0x400, $0x38;
	[tilespmem:$0x1D000] =	vst v63  }
0x46: {  	s10 =	rddreg [dreg:$0x1f]  }
0x47: {  	[tilespmem:s17], [sflag:$0x1] =	stream.linear.gather [hbm4b:s10+s14], $0x400, $0x38;
	[tilespmem:$0x1D000] =	vst v63  }
0x48: {  	_ =	swait.ge [sflag:s18], $0x400  }
0x49: {  	[sflag:s18] =	ssyncset.done $0x0  }
0x4a: {  	[sflag:s18] =	ssyncadd.s32 $0xFFFFFC00  }
0x4b: {  	_ =	swait.ge [sflag:s18], $0x400  }
0x4c: {  	s11 =	rddreg [dreg:$0x5];
	[sflag:s18] =	ssyncset.done $0x0  }
0x4d: {  	s14 =	rddreg [dreg:$0x4];
	[sflag:s18] =	ssyncadd.s32 $0xFFFFFC00;
	s3 =	sadd.s32 $0x0, s11  }
0x4e: {  	[tilespmem:s19], [sflag:$0x2] =	stream.linear.gather [hbm4b:s3+s4], $0x400, $0x38;
	[tilespmem:$0x1D000] =	vst v63  }
0x4f: {  	s10 =	sadd.s32 $0x0, s14  }
0x50: {  	[tilespmem:s20], [sflag:$0x2] =	stream.linear.gather [hbm4b:s10+s4], $0x400, $0x38;
	[tilespmem:$0x1D000] =	vst v63  }
0x51: {  	_ = 	snop  }
0x52: {  	[tilespmem:s15], [sflag:$0x3] =	stream.indirect.gather [hbm4b:s1+s21], $0x80, s4, s21, $0xb8;
	[tilespmem:$0x1D000] =	vst v63  }
0x53: {  	_ = 	snop  }
0x54: {  	[tilespmem:s22], [sflag:$0x4] =	stream.indirect.gather [hbm4b:s1+s21], $0x80, s21, s21, $0xb8;
	[tilespmem:$0x1D000] =	vst v63  }
0x55: {  	_ =	swait.ge [sflag:s23], $0x4000  }
0x56: {  	[sflag:s23] =	ssyncset.done $0x0  }
0x57: {  	[sflag:s23] =	ssyncadd.s32 $0xFFFFC000  }
0x58: {  	[spmem:s2] =	stream.indirect.scatter.add.f32 [tilespmem:s15], [sflag:$0x5], $0x80, s17, s21, $0xb8;
	[tilespmem:$0x1D000] =	vst v63  }
0x59: {  	_ =	swait.ge [sflag:s16], $0x4000  }
0x5a: {  	[sflag:s16] =	ssyncset.done $0x0  }
0x5b: {  	s11 =	rddreg [dreg:$0x6];
	[sflag:s16] =	ssyncadd.s32 $0xFFFFC000  }
0x5c: {  	[tilespmem:s15], [sflag:$0x3] =	stream.indirect.gather [hbm4b:s1+s21], $0x80, s11, s21, $0xb8;
	[tilespmem:$0x1D000] =	vst v63  }
0x5d: {  	_ =	swait.ge [sflag:s24], $0x4000  }
0x5e: {  	[sflag:s24] =	ssyncset.done $0x0  }
0x5f: {  	s14 =	rddreg [dreg:$0x7];
	[sflag:s24] =	ssyncadd.s32 $0xFFFFC000  }
0x60: {  	[spmem:s2] =	stream.indirect.scatter.add.f32 [tilespmem:s22], [sflag:$0x5], $0x80, s14, s21, $0xb8;
	[tilespmem:$0x1D000] =	vst v63  }
0x61: {  	_ =	swait.ge [sflag:s16], $0x4000  }
0x62: {  	[sflag:s16] =	ssyncset.done $0x0  }
0x63: {  	s9 =	rddreg [dreg:$0x8];
	[sflag:s16] =	ssyncadd.s32 $0xFFFFC000  }
0x64: {  	[tilespmem:s22], [sflag:$0x4] =	stream.indirect.gather [hbm4b:s1+s21], $0x80, s9, s21, $0xb8;
	[tilespmem:$0x1D000] =	vst v63  }
0x65: {  	_ =	swait.ge [sflag:s23], $0x4000  }
0x66: {  	[sflag:s23] =	ssyncset.done $0x0  }
0x67: {  	s10 =	rddreg [dreg:$0x9];
	[sflag:s23] =	ssyncadd.s32 $0xFFFFC000  }
0x68: {  	[spmem:s2] =	stream.indirect.scatter.add.f32 [tilespmem:s15], [sflag:$0x5], $0x80, s10, s21, $0xb8;
	[tilespmem:$0x1D000] =	vst v63  }
0x69: {  	_ =	swait.ge [sflag:s16], $0x4000  }
0x6a: {  	[sflag:s16] =	ssyncset.done $0x0  }
0x6b: {  	s11 =	rddreg [dreg:$0xa];
	[sflag:s16] =	ssyncadd.s32 $0xFFFFC000  }
0x6c: {  	[tilespmem:s15], [sflag:$0x3] =	stream.indirect.gather [hbm4b:s1+s21], $0x80, s11, s21, $0xb8;
	[tilespmem:$0x1D000] =	vst v63  }
0x6d: {  	_ =	swait.ge [sflag:s24], $0x4000  }
0x6e: {  	[sflag:s24] =	ssyncset.done $0x0  }
0x6f: {  	s14 =	rddreg [dreg:$0xb];
	[sflag:s24] =	ssyncadd.s32 $0xFFFFC000  }
0x70: {  	[spmem:s2] =	stream.indirect.scatter.add.f32 [tilespmem:s22], [sflag:$0x5], $0x80, s14, s21, $0xb8;
	[tilespmem:$0x1D000] =	vst v63  }
0x71: {  	_ =	swait.ge [sflag:s16], $0x4000  }
0x72: {  	[sflag:s16] =	ssyncset.done $0x0  }
0x73: {  	s9 =	rddreg [dreg:$0xc];
	[sflag:s16] =	ssyncadd.s32 $0xFFFFC000  }
0x74: {  	[tilespmem:s22], [sflag:$0x4] =	stream.indirect.gather [hbm4b:s1+s21], $0x80, s9, s21, $0xb8;
	[tilespmem:$0x1D000] =	vst v63  }
0x75: {  	_ =	swait.ge [sflag:s23], $0x4000  }
0x76: {  	[sflag:s23] =	ssyncset.done $0x0  }
0x77: {  	s10 =	rddreg [dreg:$0xd];
	[sflag:s23] =	ssyncadd.s32 $0xFFFFC000  }
0x78: {  	[spmem:s2] =	stream.indirect.scatter.add.f32 [tilespmem:s15], [sflag:$0x5], $0x80, s10, s21, $0xb8;
	[tilespmem:$0x1D000] =	vst v63  }
0x79: {  	_ =	swait.ge [sflag:s16], $0x4000  }
0x7a: {  	[sflag:s16] =	ssyncset.done $0x0  }
0x7b: {  	s11 =	rddreg [dreg:$0xe];
	[sflag:s16] =	ssyncadd.s32 $0xFFFFC000  }
0x7c: {  	[tilespmem:s15], [sflag:$0x3] =	stream.indirect.gather [hbm4b:s1+s21], $0x80, s11, s21, $0xb8;
	[tilespmem:$0x1D000] =	vst v63  }
0x7d: {  	_ =	swait.ge [sflag:s24], $0x4000  }
0x7e: {  	[sflag:s24] =	ssyncset.done $0x0  }
0x7f: {  	s14 =	rddreg [dreg:$0xf];
	[sflag:s24] =	ssyncadd.s32 $0xFFFFC000  }
0x80: {  	[spmem:s2] =	stream.indirect.scatter.add.f32 [tilespmem:s22], [sflag:$0x5], $0x80, s14, s21, $0xb8;
	[tilespmem:$0x1D000] =	vst v63  }
0x81: {  	_ =	swait.ge [sflag:s16], $0x4000  }
0x82: {  	[sflag:s16] =	ssyncset.done $0x0  }
0x83: {  	s9 =	rddreg [dreg:$0x10];
	[sflag:s16] =	ssyncadd.s32 $0xFFFFC000  }
0x84: {  	[tilespmem:s22], [sflag:$0x4] =	stream.indirect.gather [hbm4b:s1+s21], $0x80, s9, s21, $0xb8;
	[tilespmem:$0x1D000] =	vst v63  }
0x85: {  	_ =	swait.ge [sflag:s23], $0x4000  }
0x86: {  	[sflag:s23] =	ssyncset.done $0x0  }
0x87: {  	s10 =	rddreg [dreg:$0x11];
	[sflag:s23] =	ssyncadd.s32 $0xFFFFC000  }
0x88: {  	[spmem:s2] =	stream.indirect.scatter.add.f32 [tilespmem:s15], [sflag:$0x5], $0x80, s10, s21, $0xb8;
	[tilespmem:$0x1D000] =	vst v63  }
0x89: {  	_ =	swait.ge [sflag:s16], $0x4000  }
0x8a: {  	[sflag:s16] =	ssyncset.done $0x0  }
0x8b: {  	[sflag:s16] =	ssyncadd.s32 $0xFFFFC000  }
0x8c: {  	_ =	swait.ge [sflag:s24], $0x4000  }
0x8d: {  	[sflag:s24] =	ssyncset.done $0x0  }
0x8e: {  	s11 =	rddreg [dreg:$0x12];
	[sflag:s24] =	ssyncadd.s32 $0xFFFFC000  }
0x8f: {  	[spmem:s2] =	stream.indirect.scatter.add.f32 [tilespmem:s22], [sflag:$0x5], $0x80, s11, s21, $0xb8;
	[tilespmem:$0x1D000] =	vst v63  }
0x90: {  	_ =	swait.ge [sflag:s16], $0x4000  }
0x91: {  	[sflag:s16] =	ssyncset.done $0x0  }
0x92: {  	[sflag:s16] =	ssyncadd.s32 $0xFFFFC000  }
0x93: {  	_ =	swait.ge [sflag:s25], $0x400  }
0x94: {  	[sflag:s25] =	ssyncset.done $0x0  }
0x95: {  	[sflag:s25] =	ssyncadd.s32 $0xFFFFFC00  }
0x96: {  	p0 =	por $0x0, $0x0;
	_ =	swait.ge [sflag:s25], $0x400  }
0x97: {  	s3 =	sshrl.u32 @!p0 s8, $0x3;
	[sflag:s25] =	ssyncset.done $0x0  }
0x98: {  	s14 =	simm.s32 @!p0 $0x0;
	s9 =	sadd.s32 @!p0 s5, s3;
	[sflag:s25] =	ssyncadd.s32 $0xFFFFFC00  }
0x99: {  	[tilespmem:s14], [sflag:$0x1] =	stream.linear.gather @!p0 [hbm4b:s9+s14], $0x400, $0x38;
	[tilespmem:$0x1D000] =	vst v63  }
0x9a: {  	s3 =	sadd.s32 @!p0 s6, s3;
	s9 =	simm.s32 @!p0 $0x800  }
0x9b: {  	[tilespmem:s9], [sflag:$0x1] =	stream.linear.gather @!p0 [hbm4b:s3+s14], $0x400, $0x38;
	[tilespmem:$0x1D000] =	vst v63  }
0x9c: {  	_ = 	snop  }
0x9d: {  	[tilespmem:s15], [sflag:$0x3] =	stream.indirect.gather [hbm4b:s1+s21], $0x80, s19, s21, $0xb8;
	[tilespmem:$0x1D000] =	vst v63  }
0x9e: {  	s14 =	rddreg [dreg:$0x13]  }
0x9f: {  	[tilespmem:s22], [sflag:$0x4] =	stream.indirect.gather [hbm4b:s1+s21], $0x80, s14, s21, $0xb8;
	[tilespmem:$0x1D000] =	vst v63  }
0xa0: {  	_ =	swait.ge [sflag:s23], $0x4000  }
0xa1: {  	[sflag:s23] =	ssyncset.done $0x0  }
0xa2: {  	[sflag:s23] =	ssyncadd.s32 $0xFFFFC000  }
0xa3: {  	[spmem:s2] =	stream.indirect.scatter.add.f32 [tilespmem:s15], [sflag:$0x5], $0x80, s20, s21, $0xb8;
	[tilespmem:$0x1D000] =	vst v63  }
0xa4: {  	_ =	swait.ge [sflag:s16], $0x4000  }
0xa5: {  	[sflag:s16] =	ssyncset.done $0x0  }
0xa6: {  	s9 =	rddreg [dreg:$0x14];
	[sflag:s16] =	ssyncadd.s32 $0xFFFFC000  }
0xa7: {  	[tilespmem:s15], [sflag:$0x3] =	stream.indirect.gather [hbm4b:s1+s21], $0x80, s9, s21, $0xb8;
	[tilespmem:$0x1D000] =	vst v63  }
0xa8: {  	_ =	swait.ge [sflag:s24], $0x4000  }
0xa9: {  	[sflag:s24] =	ssyncset.done $0x0  }
0xaa: {  	s10 =	rddreg [dreg:$0x15];
	[sflag:s24] =	ssyncadd.s32 $0xFFFFC000  }
0xab: {  	[spmem:s2] =	stream.indirect.scatter.add.f32 [tilespmem:s22], [sflag:$0x5], $0x80, s10, s21, $0xb8;
	[tilespmem:$0x1D000] =	vst v63  }
0xac: {  	_ =	swait.ge [sflag:s16], $0x4000  }
0xad: {  	[sflag:s16] =	ssyncset.done $0x0  }
0xae: {  	s11 =	rddreg [dreg:$0x16];
	[sflag:s16] =	ssyncadd.s32 $0xFFFFC000  }
0xaf: {  	[tilespmem:s22], [sflag:$0x4] =	stream.indirect.gather [hbm4b:s1+s21], $0x80, s11, s21, $0xb8;
	[tilespmem:$0x1D000] =	vst v63  }
0xb0: {  	_ =	swait.ge [sflag:s23], $0x4000  }
0xb1: {  	[sflag:s23] =	ssyncset.done $0x0  }
0xb2: {  	s14 =	rddreg [dreg:$0x17];
	[sflag:s23] =	ssyncadd.s32 $0xFFFFC000  }
0xb3: {  	[spmem:s2] =	stream.indirect.scatter.add.f32 [tilespmem:s15], [sflag:$0x5], $0x80, s14, s21, $0xb8;
	[tilespmem:$0x1D000] =	vst v63  }
0xb4: {  	_ =	swait.ge [sflag:s16], $0x4000  }
0xb5: {  	[sflag:s16] =	ssyncset.done $0x0  }
0xb6: {  	s9 =	rddreg [dreg:$0x18];
	[sflag:s16] =	ssyncadd.s32 $0xFFFFC000  }
0xb7: {  	[tilespmem:s15], [sflag:$0x3] =	stream.indirect.gather [hbm4b:s1+s21], $0x80, s9, s21, $0xb8;
	[tilespmem:$0x1D000] =	vst v63  }
0xb8: {  	_ =	swait.ge [sflag:s24], $0x4000  }
0xb9: {  	[sflag:s24] =	ssyncset.done $0x0  }
0xba: {  	s10 =	rddreg [dreg:$0x19];
	[sflag:s24] =	ssyncadd.s32 $0xFFFFC000  }
0xbb: {  	[spmem:s2] =	stream.indirect.scatter.add.f32 [tilespmem:s22], [sflag:$0x5], $0x80, s10, s21, $0xb8;
	[tilespmem:$0x1D000] =	vst v63  }
0xbc: {  	_ =	swait.ge [sflag:s16], $0x4000  }
0xbd: {  	[sflag:s16] =	ssyncset.done $0x0  }
0xbe: {  	s11 =	rddreg [dreg:$0x1a];
	[sflag:s16] =	ssyncadd.s32 $0xFFFFC000  }
0xbf: {  	[tilespmem:s22], [sflag:$0x4] =	stream.indirect.gather [hbm4b:s1+s21], $0x80, s11, s21, $0xb8;
	[tilespmem:$0x1D000] =	vst v63  }
0xc0: {  	_ =	swait.ge [sflag:s23], $0x4000  }
0xc1: {  	[sflag:s23] =	ssyncset.done $0x0  }
0xc2: {  	s14 =	rddreg [dreg:$0x1b];
	[sflag:s23] =	ssyncadd.s32 $0xFFFFC000  }
0xc3: {  	[spmem:s2] =	stream.indirect.scatter.add.f32 [tilespmem:s15], [sflag:$0x5], $0x80, s14, s21, $0xb8;
	[tilespmem:$0x1D000] =	vst v63  }
0xc4: {  	_ =	swait.ge [sflag:s16], $0x4000  }
0xc5: {  	[sflag:s16] =	ssyncset.done $0x0  }
0xc6: {  	[sflag:s16] =	ssyncadd.s32 $0xFFFFC000  }
0xc7: {  	[tilespmem:s15], [sflag:$0x3] =	stream.indirect.gather [hbm4b:s1+s21], $0x80, s26, s21, $0xb8;
	[tilespmem:$0x1D000] =	vst v63  }
0xc8: {  	_ =	swait.ge [sflag:s24], $0x4000  }
0xc9: {  	[sflag:s24] =	ssyncset.done $0x0  }
0xca: {  	[sflag:s24] =	ssyncadd.s32 $0xFFFFC000  }
0xcb: {  	[spmem:s2] =	stream.indirect.scatter.add.f32 [tilespmem:s22], [sflag:$0x5], $0x80, s28, s21, $0xb8;
	[tilespmem:$0x1D000] =	vst v63  }
0xcc: {  	_ =	swait.ge [sflag:s16], $0x4000  }
0xcd: {  	[sflag:s16] =	ssyncset.done $0x0  }
0xce: {  	[sflag:s16] =	ssyncadd.s32 $0xFFFFC000  }
0xcf: {  	[tilespmem:s22], [sflag:$0x4] =	stream.indirect.gather [hbm4b:s1+s21], $0x80, s29, s21, $0xb8;
	[tilespmem:$0x1D000] =	vst v63  }
0xd0: {  	_ =	swait.ge [sflag:s23], $0x4000  }
0xd1: {  	[sflag:s23] =	ssyncset.done $0x0  }
0xd2: {  	[sflag:s23] =	ssyncadd.s32 $0xFFFFC000  }
0xd3: {  	[spmem:s2] =	stream.indirect.scatter.add.f32 [tilespmem:s15], [sflag:$0x5], $0x80, s30, s21, $0xb8;
	[tilespmem:$0x1D000] =	vst v63  }
0xd4: {  	_ =	swait.ge [sflag:s16], $0x4000  }
0xd5: {  	[sflag:s16] =	ssyncset.done $0x0  }
0xd6: {  	[sflag:s16] =	ssyncadd.s32 $0xFFFFC000  }
0xd7: {  	_ =	swait.ge [sflag:s24], $0x4000  }
0xd8: {  	[sflag:s24] =	ssyncset.done $0x0  }
0xd9: {  	[sflag:s24] =	ssyncadd.s32 $0xFFFFC000  }
0xda: {  	[spmem:s2] =	stream.indirect.scatter.add.f32 [tilespmem:s22], [sflag:$0x5], $0x80, s31, s21, $0xb8;
	[tilespmem:$0x1D000] =	vst v63  }
0xdb: {  	_ =	swait.ge [sflag:s16], $0x4000  }
0xdc: {  	s3 =	simm.s32 $0x100;
	s14 =	smov.u32 s8;
	[sflag:s16] =	ssyncset.done $0x0  }
.LBB2_4:
0xdd: {  	[sflag:s16] =	ssyncadd.s32 $0xFFFFC000  }
0xde: {  	_ =	swait.ge [sflag:s18], $0x400  }
0xdf: {  	[sflag:s18] =	ssyncset.done $0x0  }
0xe0: {  	[sflag:s18] =	ssyncadd.s32 $0xFFFFFC00  }
0xe1: {  	_ =	swait.ge [sflag:s18], $0x400  }
0xe2: {  	s9 =	smov.u32 s3;
	s10 =	rddreg [dreg:$0x5];
	[sflag:s18] =	ssyncset.done $0x0  }
0xe3: {  	s11 =	rddreg [dreg:$0x4];
	[sflag:s18] =	ssyncadd.s32 $0xFFFFFC00;
	s10 =	sadd.s32 s9, s10  }
0xe4: {  	[tilespmem:s19], [sflag:$0x2] =	stream.linear.gather [hbm4b:s10+s4], $0x400, $0x38;
	[tilespmem:$0x1D000] =	vst v63  }
0xe5: {  	s11 =	sadd.s32 s9, s11  }
0xe6: {  	[tilespmem:s20], [sflag:$0x2] =	stream.linear.gather [hbm4b:s11+s4], $0x400, $0x38;
	[tilespmem:$0x1D000] =	vst v63  }
0xe7: {  	_ = 	snop  }
0xe8: {  	[tilespmem:s15], [sflag:$0x3] =	stream.indirect.gather [hbm4b:s1+s21], $0x80, s4, s21, $0xb8;
	[tilespmem:$0x1D000] =	vst v63  }
0xe9: {  	_ = 	snop  }
0xea: {  	[tilespmem:s22], [sflag:$0x4] =	stream.indirect.gather [hbm4b:s1+s21], $0x80, s21, s21, $0xb8;
	[tilespmem:$0x1D000] =	vst v63  }
0xeb: {  	_ =	swait.ge [sflag:s23], $0x4000  }
0xec: {  	[sflag:s23] =	ssyncset.done $0x0  }
0xed: {  	[sflag:s23] =	ssyncadd.s32 $0xFFFFC000  }
0xee: {  	[spmem:s2] =	stream.indirect.scatter.add.f32 [tilespmem:s15], [sflag:$0x5], $0x80, s17, s21, $0xb8;
	[tilespmem:$0x1D000] =	vst v63  }
0xef: {  	_ =	swait.ge [sflag:s16], $0x4000  }
0xf0: {  	[sflag:s16] =	ssyncset.done $0x0  }
0xf1: {  	s11 =	rddreg [dreg:$0x6];
	[sflag:s16] =	ssyncadd.s32 $0xFFFFC000  }
0xf2: {  	[tilespmem:s15], [sflag:$0x3] =	stream.indirect.gather [hbm4b:s1+s21], $0x80, s11, s21, $0xb8;
	[tilespmem:$0x1D000] =	vst v63  }
0xf3: {  	_ =	swait.ge [sflag:s24], $0x4000  }
0xf4: {  	[sflag:s24] =	ssyncset.done $0x0  }
0xf5: {  	s11 =	rddreg [dreg:$0x7];
	[sflag:s24] =	ssyncadd.s32 $0xFFFFC000  }
0xf6: {  	[spmem:s2] =	stream.indirect.scatter.add.f32 [tilespmem:s22], [sflag:$0x5], $0x80, s11, s21, $0xb8;
	[tilespmem:$0x1D000] =	vst v63  }
0xf7: {  	_ =	swait.ge [sflag:s16], $0x4000  }
0xf8: {  	[sflag:s16] =	ssyncset.done $0x0  }
0xf9: {  	s11 =	rddreg [dreg:$0x8];
	[sflag:s16] =	ssyncadd.s32 $0xFFFFC000  }
0xfa: {  	[tilespmem:s22], [sflag:$0x4] =	stream.indirect.gather [hbm4b:s1+s21], $0x80, s11, s21, $0xb8;
	[tilespmem:$0x1D000] =	vst v63  }
0xfb: {  	_ =	swait.ge [sflag:s23], $0x4000  }
0xfc: {  	[sflag:s23] =	ssyncset.done $0x0  }
0xfd: {  	s11 =	rddreg [dreg:$0x9];
	[sflag:s23] =	ssyncadd.s32 $0xFFFFC000  }
0xfe: {  	[spmem:s2] =	stream.indirect.scatter.add.f32 [tilespmem:s15], [sflag:$0x5], $0x80, s11, s21, $0xb8;
	[tilespmem:$0x1D000] =	vst v63  }
0xff: {  	_ =	swait.ge [sflag:s16], $0x4000  }
0x100: {  	[sflag:s16] =	ssyncset.done $0x0  }
0x101: {  	s11 =	rddreg [dreg:$0xa];
	[sflag:s16] =	ssyncadd.s32 $0xFFFFC000  }
0x102: {  	[tilespmem:s15], [sflag:$0x3] =	stream.indirect.gather [hbm4b:s1+s21], $0x80, s11, s21, $0xb8;
	[tilespmem:$0x1D000] =	vst v63  }
0x103: {  	_ =	swait.ge [sflag:s24], $0x4000  }
0x104: {  	[sflag:s24] =	ssyncset.done $0x0  }
0x105: {  	s11 =	rddreg [dreg:$0xb];
	[sflag:s24] =	ssyncadd.s32 $0xFFFFC000  }
0x106: {  	[spmem:s2] =	stream.indirect.scatter.add.f32 [tilespmem:s22], [sflag:$0x5], $0x80, s11, s21, $0xb8;
	[tilespmem:$0x1D000] =	vst v63  }
0x107: {  	_ =	swait.ge [sflag:s16], $0x4000  }
0x108: {  	[sflag:s16] =	ssyncset.done $0x0  }
0x109: {  	s11 =	rddreg [dreg:$0xc];
	[sflag:s16] =	ssyncadd.s32 $0xFFFFC000  }
0x10a: {  	[tilespmem:s22], [sflag:$0x4] =	stream.indirect.gather [hbm4b:s1+s21], $0x80, s11, s21, $0xb8;
	[tilespmem:$0x1D000] =	vst v63  }
0x10b: {  	_ =	swait.ge [sflag:s23], $0x4000  }
0x10c: {  	[sflag:s23] =	ssyncset.done $0x0  }
0x10d: {  	s11 =	rddreg [dreg:$0xd];
	[sflag:s23] =	ssyncadd.s32 $0xFFFFC000  }
0x10e: {  	[spmem:s2] =	stream.indirect.scatter.add.f32 [tilespmem:s15], [sflag:$0x5], $0x80, s11, s21, $0xb8;
	[tilespmem:$0x1D000] =	vst v63  }
0x10f: {  	_ =	swait.ge [sflag:s16], $0x4000  }
0x110: {  	[sflag:s16] =	ssyncset.done $0x0  }
0x111: {  	s11 =	rddreg [dreg:$0xe];
	[sflag:s16] =	ssyncadd.s32 $0xFFFFC000  }
0x112: {  	[tilespmem:s15], [sflag:$0x3] =	stream.indirect.gather [hbm4b:s1+s21], $0x80, s11, s21, $0xb8;
	[tilespmem:$0x1D000] =	vst v63  }
0x113: {  	_ =	swait.ge [sflag:s24], $0x4000  }
0x114: {  	[sflag:s24] =	ssyncset.done $0x0  }
0x115: {  	s11 =	rddreg [dreg:$0xf];
	[sflag:s24] =	ssyncadd.s32 $0xFFFFC000  }
0x116: {  	[spmem:s2] =	stream.indirect.scatter.add.f32 [tilespmem:s22], [sflag:$0x5], $0x80, s11, s21, $0xb8;
	[tilespmem:$0x1D000] =	vst v63  }
0x117: {  	_ =	swait.ge [sflag:s16], $0x4000  }
0x118: {  	[sflag:s16] =	ssyncset.done $0x0  }
0x119: {  	s11 =	rddreg [dreg:$0x10];
	[sflag:s16] =	ssyncadd.s32 $0xFFFFC000  }
0x11a: {  	[tilespmem:s22], [sflag:$0x4] =	stream.indirect.gather [hbm4b:s1+s21], $0x80, s11, s21, $0xb8;
	[tilespmem:$0x1D000] =	vst v63  }
0x11b: {  	_ =	swait.ge [sflag:s23], $0x4000  }
0x11c: {  	[sflag:s23] =	ssyncset.done $0x0  }
0x11d: {  	s11 =	rddreg [dreg:$0x11];
	[sflag:s23] =	ssyncadd.s32 $0xFFFFC000  }
0x11e: {  	[spmem:s2] =	stream.indirect.scatter.add.f32 [tilespmem:s15], [sflag:$0x5], $0x80, s11, s21, $0xb8;
	[tilespmem:$0x1D000] =	vst v63  }
0x11f: {  	_ =	swait.ge [sflag:s16], $0x4000  }
0x120: {  	[sflag:s16] =	ssyncset.done $0x0  }
0x121: {  	[sflag:s16] =	ssyncadd.s32 $0xFFFFC000  }
0x122: {  	_ =	swait.ge [sflag:s24], $0x4000  }
0x123: {  	[sflag:s24] =	ssyncset.done $0x0  }
0x124: {  	s11 =	rddreg [dreg:$0x12];
	[sflag:s24] =	ssyncadd.s32 $0xFFFFC000  }
0x125: {  	[spmem:s2] =	stream.indirect.scatter.add.f32 [tilespmem:s22], [sflag:$0x5], $0x80, s11, s21, $0xb8;
	[tilespmem:$0x1D000] =	vst v63  }
0x126: {  	_ =	swait.ge [sflag:s16], $0x4000  }
0x127: {  	[sflag:s16] =	ssyncset.done $0x0  }
0x128: {  	[sflag:s16] =	ssyncadd.s32 $0xFFFFC000  }
0x129: {  	_ =	swait.ge [sflag:s25], $0x400  }
0x12a: {  	[sflag:s25] =	ssyncset.done $0x0  }
0x12b: {  	[sflag:s25] =	ssyncadd.s32 $0xFFFFFC00  }
0x12c: {  	s14 =	sadd.s32 $0x800, s14;
	p1 =	seq.s32 s9, $0x400;
	_ =	swait.ge [sflag:s25], $0x400  }
0x12d: {  	s9 =	sshrl.u32 @!p1 s14, $0x3;
	[sflag:s25] =	ssyncset.done $0x0  }
0x12e: {  	s10 =	sadd.s32 @!p1 s5, s9;
	s11 =	simm.s32 @!p1 $0x0;
	[sflag:s25] =	ssyncadd.s32 $0xFFFFFC00  }
0x12f: {  	[tilespmem:s11], [sflag:$0x1] =	stream.linear.gather @!p1 [hbm4b:s10+s11], $0x400, $0x38;
	[tilespmem:$0x1D000] =	vst v63  }
0x130: {  	s9 =	sadd.s32 @!p1 s6, s9;
	s10 =	simm.s32 @!p1 $0x800  }
0x131: {  	[tilespmem:s10], [sflag:$0x1] =	stream.linear.gather @!p1 [hbm4b:s9+s11], $0x400, $0x38;
	[tilespmem:$0x1D000] =	vst v63  }
0x132: {  	_ = 	snop  }
0x133: {  	[tilespmem:s15], [sflag:$0x3] =	stream.indirect.gather [hbm4b:s1+s21], $0x80, s19, s21, $0xb8;
	[tilespmem:$0x1D000] =	vst v63  }
0x134: {  	s11 =	rddreg [dreg:$0x13]  }
0x135: {  	[tilespmem:s22], [sflag:$0x4] =	stream.indirect.gather [hbm4b:s1+s21], $0x80, s11, s21, $0xb8;
	[tilespmem:$0x1D000] =	vst v63  }
0x136: {  	_ =	swait.ge [sflag:s23], $0x4000  }
0x137: {  	[sflag:s23] =	ssyncset.done $0x0  }
0x138: {  	[sflag:s23] =	ssyncadd.s32 $0xFFFFC000  }
0x139: {  	[spmem:s2] =	stream.indirect.scatter.add.f32 [tilespmem:s15], [sflag:$0x5], $0x80, s20, s21, $0xb8;
	[tilespmem:$0x1D000] =	vst v63  }
0x13a: {  	_ =	swait.ge [sflag:s16], $0x4000  }
0x13b: {  	[sflag:s16] =	ssyncset.done $0x0  }
0x13c: {  	s10 =	rddreg [dreg:$0x14];
	[sflag:s16] =	ssyncadd.s32 $0xFFFFC000  }
0x13d: {  	[tilespmem:s15], [sflag:$0x3] =	stream.indirect.gather [hbm4b:s1+s21], $0x80, s10, s21, $0xb8;
	[tilespmem:$0x1D000] =	vst v63  }
0x13e: {  	_ =	swait.ge [sflag:s24], $0x4000  }
0x13f: {  	[sflag:s24] =	ssyncset.done $0x0  }
0x140: {  	s11 =	rddreg [dreg:$0x15];
	[sflag:s24] =	ssyncadd.s32 $0xFFFFC000  }
0x141: {  	[spmem:s2] =	stream.indirect.scatter.add.f32 [tilespmem:s22], [sflag:$0x5], $0x80, s11, s21, $0xb8;
	[tilespmem:$0x1D000] =	vst v63  }
0x142: {  	_ =	swait.ge [sflag:s16], $0x4000  }
0x143: {  	[sflag:s16] =	ssyncset.done $0x0  }
0x144: {  	s10 =	rddreg [dreg:$0x16];
	[sflag:s16] =	ssyncadd.s32 $0xFFFFC000  }
0x145: {  	[tilespmem:s22], [sflag:$0x4] =	stream.indirect.gather [hbm4b:s1+s21], $0x80, s10, s21, $0xb8;
	[tilespmem:$0x1D000] =	vst v63  }
0x146: {  	_ =	swait.ge [sflag:s23], $0x4000  }
0x147: {  	[sflag:s23] =	ssyncset.done $0x0  }
0x148: {  	s11 =	rddreg [dreg:$0x17];
	[sflag:s23] =	ssyncadd.s32 $0xFFFFC000  }
0x149: {  	[spmem:s2] =	stream.indirect.scatter.add.f32 [tilespmem:s15], [sflag:$0x5], $0x80, s11, s21, $0xb8;
	[tilespmem:$0x1D000] =	vst v63  }
0x14a: {  	_ =	swait.ge [sflag:s16], $0x4000  }
0x14b: {  	[sflag:s16] =	ssyncset.done $0x0  }
0x14c: {  	s10 =	rddreg [dreg:$0x18];
	[sflag:s16] =	ssyncadd.s32 $0xFFFFC000  }
0x14d: {  	[tilespmem:s15], [sflag:$0x3] =	stream.indirect.gather [hbm4b:s1+s21], $0x80, s10, s21, $0xb8;
	[tilespmem:$0x1D000] =	vst v63  }
0x14e: {  	_ =	swait.ge [sflag:s24], $0x4000  }
0x14f: {  	[sflag:s24] =	ssyncset.done $0x0  }
0x150: {  	s11 =	rddreg [dreg:$0x19];
	[sflag:s24] =	ssyncadd.s32 $0xFFFFC000  }
0x151: {  	[spmem:s2] =	stream.indirect.scatter.add.f32 [tilespmem:s22], [sflag:$0x5], $0x80, s11, s21, $0xb8;
	[tilespmem:$0x1D000] =	vst v63  }
0x152: {  	_ =	swait.ge [sflag:s16], $0x4000  }
0x153: {  	[sflag:s16] =	ssyncset.done $0x0  }
0x154: {  	s10 =	rddreg [dreg:$0x1a];
	[sflag:s16] =	ssyncadd.s32 $0xFFFFC000  }
0x155: {  	[tilespmem:s22], [sflag:$0x4] =	stream.indirect.gather [hbm4b:s1+s21], $0x80, s10, s21, $0xb8;
	[tilespmem:$0x1D000] =	vst v63  }
0x156: {  	_ =	swait.ge [sflag:s23], $0x4000  }
0x157: {  	[sflag:s23] =	ssyncset.done $0x0  }
0x158: {  	s11 =	rddreg [dreg:$0x1b];
	[sflag:s23] =	ssyncadd.s32 $0xFFFFC000  }
0x159: {  	[spmem:s2] =	stream.indirect.scatter.add.f32 [tilespmem:s15], [sflag:$0x5], $0x80, s11, s21, $0xb8;
	[tilespmem:$0x1D000] =	vst v63  }
0x15a: {  	_ =	swait.ge [sflag:s16], $0x4000  }
0x15b: {  	[sflag:s16] =	ssyncset.done $0x0  }
0x15c: {  	[sflag:s16] =	ssyncadd.s32 $0xFFFFC000  }
0x15d: {  	[tilespmem:s15], [sflag:$0x3] =	stream.indirect.gather [hbm4b:s1+s21], $0x80, s26, s21, $0xb8;
	[tilespmem:$0x1D000] =	vst v63  }
0x15e: {  	_ =	swait.ge [sflag:s24], $0x4000  }
0x15f: {  	[sflag:s24] =	ssyncset.done $0x0  }
0x160: {  	[sflag:s24] =	ssyncadd.s32 $0xFFFFC000  }
0x161: {  	[spmem:s2] =	stream.indirect.scatter.add.f32 [tilespmem:s22], [sflag:$0x5], $0x80, s28, s21, $0xb8;
	[tilespmem:$0x1D000] =	vst v63  }
0x162: {  	_ =	swait.ge [sflag:s16], $0x4000  }
0x163: {  	[sflag:s16] =	ssyncset.done $0x0  }
0x164: {  	[sflag:s16] =	ssyncadd.s32 $0xFFFFC000  }
0x165: {  	[tilespmem:s22], [sflag:$0x4] =	stream.indirect.gather [hbm4b:s1+s21], $0x80, s29, s21, $0xb8;
	[tilespmem:$0x1D000] =	vst v63  }
0x166: {  	_ =	swait.ge [sflag:s23], $0x4000  }
0x167: {  	[sflag:s23] =	ssyncset.done $0x0  }
0x168: {  	[sflag:s23] =	ssyncadd.s32 $0xFFFFC000  }
0x169: {  	[spmem:s2] =	stream.indirect.scatter.add.f32 [tilespmem:s15], [sflag:$0x5], $0x80, s30, s21, $0xb8;
	[tilespmem:$0x1D000] =	vst v63  }
0x16a: {  	_ =	swait.ge [sflag:s16], $0x4000  }
0x16b: {  	[sflag:s16] =	ssyncset.done $0x0  }
0x16c: {  	s3 =	sadd.s32 $0x100, s3;
	[sflag:s16] =	ssyncadd.s32 $0xFFFFC000  }
0x16d: {  	p0 =	sne.s32 s3, $0x500;
	_ =	swait.ge [sflag:s24], $0x4000  }
.Ltmp1:
0x16e: {  	[sflag:s24] =	ssyncset.done $0x0;
	(pc) =	sbr.rel @p0 .LBB2_4-.Ltmp1, $4  }
0x16f: {  	[sflag:s24] =	ssyncadd.s32 $0xFFFFC000  }
0x170: {  	[spmem:s2] =	stream.indirect.scatter.add.f32 [tilespmem:s22], [sflag:$0x5], $0x80, s31, s21, $0xb8;
	[tilespmem:$0x1D000] =	vst v63  }
0x171: {  	_ =	swait.ge [sflag:s16], $0x4000  }
0x172: {  	[sflag:s16] =	ssyncset.done $0x0  }
0x173: {  	[sflag:s16] =	ssyncadd.s32 $0xFFFFC000;
	s3 =	stileid.u32;
	s0 =	sadd.s32 $0x1, s0  }
0x174: {  	s9 =	sshrl.u32 s7, $0x3;
	s3 =	sshll.u32 s3, $0x6;
	p0 =	sne.s32 s0, s13  }
.Ltmp2:
0x175: {  	[bflag:$0x0] =	sbarrier.arrive $0xFFFF;
	s3 =	sor.u32 $0x1C05, s3;
	(pc) =	sbr.rel @p0 .LBB2_1-.Ltmp2, $4  }
0x176: {  	[hbm:s12], [sflag:s3] =	dma.local [spmem:s9], $0x2800  }
0x177: {  	_ =	swait.ge [sflag:s16], $0x2800  }
0x178: {  	[sflag:s16] =	ssyncset.done $0x0  }
0x179: {  	[sflag:s16] =	ssyncadd.s32 $0xFFFFD800  }
0x17a: {  	_ =	sfence.sel $0x180000  }
0x17b: {  	[bflag:$0x0] =	sbarrier.arrive $0xFFFF  }
0x17c: {  	_ =	strace $0x9000004A  }
0x17d: {  	s0 =	stileid.u32;
	[bflag:$0x2] =	sbarrier.arrive $0xFFFF  }
0x17e: {  	p0 =	sne.s32 s0, $0x0;
	s0 =	rddreg [dreg:$0x3]  }
0x17f: {  	s0 =	sadd.s32 @!p0 $0x100000, s0  }
0x180: {  	[sflag:s0] =	ssyncadd.tile.s32 @!p0 $0x1;
	_ =	shalt  }
.Lfunc_end2:
_tile_overlayer_lowered:
.L_overlay_start_2:
0x181: {  	(tag) =	ssettag $0x2  }
0x182: {  	s0 =	rddreg [dreg:$0x0];
	s2 =	stileid.u32  }
0x183: {  	s1 =	rddreg [dreg:$0x1];
	p0 =	sne.s32 s2, $0x0  }
0x184: {  	s3 =	rddreg [dreg:$0x2];
	[bflag:$0x3] =	sbarrier.arrive $0xFFFF;
	s2 =	simm.s32 @!p0 $0x1C05  }
0x185: {  	[timem:s3], [sflag:s2] =	dma.local @!p0 [hbm:s0], s1  }
0x186: {  	s0 =	simm.s32 @!p0 $0x5  }
0x187: {  	_ =	swait.ge @!p0 [sflag:s0], s1  }
0x188: {  	s1 =	ssub.s32 @!p0 $0x0, s1;
	[sflag:s0] =	ssyncset.done @!p0 $0x0  }
0x189: {  	[sflag:s0] =	ssyncadd.s32 @!p0 s1  }
0x18a: {  	[bflag:$0x3] =	sbarrier.arrive $0xFFFF  }
0x18b: {  	_ =	shalt  }

// kernel: kernel.14.cloned.1.call-start
scs
__scs_entry_jumppad:
0x0: {  	(pc) =	sbr.rel $0x88, $3  }
0x1: {  	(tag) =	ssettag $0x0;
	lr =	simm.s32 $0x1  }
0x2: {  	[smem:$0x3F9B] =	sst lr;
	_ =	strace $0xD0000000  }
0x3: {  	_ = 	snop  }
0x4: {  	_ = 	snop  }
0x5: {  	_ = 	snop  }
0x6: {  	_ = 	snop  }
0x7: {  	_ = 	snop  }
__scs_overlays_trampoline_lowered:
0x8: {  	[smem:$0x3FAA] =	sst s0  }
0x9: {  	[smem:$0x3FAB] =	sst s1  }
0xa: {  	[smem:$0x3FAC] =	sst s2  }
0xb: {  	[smem:$0x3FAD] =	sst s3  }
0xc: {  	[smem:$0x3FAE] =	sst s4  }
0xd: {  	[smem:$0x3FAF] =	sst s5  }
0xe: {  	[smem:$0x3FB0] =	sst s6  }
0xf: {  	[smem:$0x3FB1] =	sst s7  }
0x10: {  	[smem:$0x3FB2] =	sst s8  }
0x11: {  	[smem:$0x3FB3] =	sst s9;
	s0 =	simm.s32 @!p0 $0x0  }
0x12: {  	s1 =	sld [smem:$0x3F99];
	s0 =	simm.s32 @p0 $0x1  }
0x13: {  	[smem:$0x3FB4] =	sst s0;
	s0 =	simm.s32 @!p1 $0x0  }
0x14: {  	s2 =	sld [smem:$0x3F98];
	s0 =	simm.s32 @p1 $0x1  }
0x15: {  	[smem:$0x3FB5] =	sst s0;
	s0 =	simm.s32 @!p2 $0x0  }
0x16: {  	s3 =	sld [smem:$0x3FDB];
	s0 =	simm.s32 @p2 $0x1  }
0x17: {  	s4 =	simm.s32 $0x1BF5;
	[smem:$0x3FB7] =	sst s0  }
0x18: {  	s0 =	sld [smem:$0x3F9A];
	_ =	swait.ge [sflag:s4], $0x0  }
0x19: {  	s7 =	sld [smem:$0x3F9B]  }
0x1a: {  	s8 =	sadd.s32 $0xFFFFE003, lr  }
0x1b: {  	s9 =	sadd.s32 $0xFFFFFEF7, lr;
	s5 =	simm.s32 $0xFFFFFFFF;
	p2 =	slt.u32 s8, $0xFFFFF086  }
0x1c: {  	p1 =	slt.u32 s9, $0xF7A;
	s5 =	simm.s32 @!p2 $0x0  }
0x1d: {  	s5 =	simm.s32 @p1 $0x1;
	p0 =	seq.s32 s7, s2  }
0x1e: {  	s7 =	smul.u32 @!p0 $0xF7A, s2;
	p2 =	seq.s32 @!p0 s5, $0x0  }
0x1f: {  	s9 =	smul.u32 $0xF7A, s1;
	s8 =	simm.s32 @!p0 $0x1BF5;
	p2 =	por !p2, p0  }
0x20: {  	[sflag:s8] =	ssyncset.s32 @!p0 $0xFFFFF086;
	s6 =	sadd.s32 @!p0 s3, s7;
	s7 =	simm.s32 @!p0 $0x108  }
0x21: {  	s3 =	sadd.s32 s3, s9;
	s6 =	sadd.s32 @!p0 $0x88, s6;
	s7 =	simm.s32 @p2 $0x1082  }
0x22: {  	[simem:s7], [sflag:s8] =	dma.local @!p0 [hbm:s6], $0xF7A  }
0x23: {  	s9 =	sor.u32 $0xD0000000, s2;
	s6 =	simm.s32 $0x108;
	_ =	swait.ge @!p0 [sflag:s8], $0x0  }
0x24: {  	s3 =	sadd.s32 $0x88, s3;
	s6 =	simm.s32 @!p1 $0x1082;
	[sflag:s4] =	ssyncset.s32 $0xFFFFF086  }
0x25: {  	[simem:s6], [sflag:s4] =	dma.local [hbm:s3], $0xF7A  }
0x26: {  	[smem:$0x3F9B] =	sst s1;
	(tag) =	ssettag s2;
	_ =	strace s9  }
0x27: {  	s1 =	sld [smem:$0x3FAB]  }
0x28: {  	s2 =	sld [smem:$0x3FAC]  }
0x29: {  	s4 =	sld [smem:$0x3FAE]  }
0x2a: {  	p0 =	seq.s32 s5, $0x0;
	s5 =	sld [smem:$0x3FAF]  }
0x2b: {  	s6 =	sld [smem:$0x3FB0]  }
0x2c: {  	s7 =	sld [smem:$0x3FB1]  }
0x2d: {  	s3 =	simm.s32 $0x108;
	s8 =	sld [smem:$0x3FB2]  }
0x2e: {  	s3 =	simm.s32 @!p0 $0x1082;
	s9 =	sld [smem:$0x3FB3]  }
0x2f: {  	lr =	sadd.s32 s0, s3;
	s0 =	sld [smem:$0x3FAA]  }
0x30: {  	s3 =	sld [smem:$0x3FAD]  }
0x31: {  	[smem:$0x3FB6] =	sst s10  }
0x32: {  	s10 =	sld [smem:$0x3FB4];
	_ =	sdelay $0x3  }
0x33: {  	p0 =	seq.s32 s10, $0x1;
	s10 =	sld [smem:$0x3FB6];
	_ =	sdelay $0x3  }
0x34: {  	[smem:$0x3FB6] =	sst s10  }
0x35: {  	s10 =	sld [smem:$0x3FB5];
	_ =	sdelay $0x3  }
0x36: {  	p1 =	seq.s32 s10, $0x1;
	s10 =	sld [smem:$0x3FB6];
	_ =	sdelay $0x3  }
0x37: {  	[smem:$0x3FB6] =	sst s10  }
0x38: {  	s10 =	sld [smem:$0x3FB7]  }
0x39: {  	_ = 	snop;
	(pc) =	sbr.ind lr, $3  }
0x3a: {  	_ = 	snop  }
0x3b: {  	_ = 	snop  }
0x3c: {  	p2 =	seq.s32 s10, $0x1;
	s10 =	sld [smem:$0x3FB6]  }
0x3d: {  	_ =	shalt  }
0x3e: {  	_ =	shalt  }
0x3f: {  	_ =	shalt  }
0x40: {  	_ =	shalt  }
0x41: {  	_ =	shalt  }
0x42: {  	_ =	shalt  }
0x43: {  	_ =	shalt  }
0x44: {  	_ =	shalt  }
0x45: {  	_ =	shalt  }
0x46: {  	_ =	shalt  }
0x47: {  	_ =	shalt  }
0x48: {  	_ =	shalt  }
0x49: {  	_ =	shalt  }
0x4a: {  	_ =	shalt  }
0x4b: {  	_ =	shalt  }
0x4c: {  	_ =	shalt  }
0x4d: {  	_ =	shalt  }
0x4e: {  	_ =	shalt  }
0x4f: {  	_ =	shalt  }
0x50: {  	_ =	shalt  }
0x51: {  	_ =	shalt  }
0x52: {  	_ =	shalt  }
0x53: {  	_ =	shalt  }
0x54: {  	_ =	shalt  }
0x55: {  	_ =	shalt  }
0x56: {  	_ =	shalt  }
0x57: {  	_ =	shalt  }
0x58: {  	_ =	shalt  }
0x59: {  	_ =	shalt  }
0x5a: {  	_ =	shalt  }
0x5b: {  	_ =	shalt  }
0x5c: {  	_ =	shalt  }
0x5d: {  	_ =	shalt  }
0x5e: {  	_ =	shalt  }
0x5f: {  	_ =	shalt  }
0x60: {  	_ =	shalt  }
0x61: {  	_ =	shalt  }
0x62: {  	_ =	shalt  }
0x63: {  	_ =	shalt  }
0x64: {  	_ =	shalt  }
0x65: {  	_ =	shalt  }
0x66: {  	_ =	shalt  }
0x67: {  	_ =	shalt  }
0x68: {  	_ =	shalt  }
0x69: {  	_ =	shalt  }
0x6a: {  	_ =	shalt  }
0x6b: {  	_ =	shalt  }
0x6c: {  	_ =	shalt  }
0x6d: {  	_ =	shalt  }
0x6e: {  	_ =	shalt  }
0x6f: {  	_ =	shalt  }
0x70: {  	_ =	shalt  }
0x71: {  	_ =	shalt  }
0x72: {  	_ =	shalt  }
0x73: {  	_ =	shalt  }
0x74: {  	_ =	shalt  }
0x75: {  	_ =	shalt  }
0x76: {  	_ =	shalt  }
0x77: {  	_ =	shalt  }
0x78: {  	_ =	shalt  }
0x79: {  	_ =	shalt  }
0x7a: {  	_ =	shalt  }
0x7b: {  	_ =	shalt  }
0x7c: {  	_ =	shalt  }
0x7d: {  	_ =	shalt  }
0x7e: {  	_ =	shalt  }
0x7f: {  	_ =	shalt  }
0x80: {  	_ =	shalt  }
0x81: {  	_ =	shalt  }
0x82: {  	_ =	shalt  }
0x83: {  	_ =	shalt  }
0x84: {  	_ =	shalt  }
0x85: {  	_ =	shalt  }
0x86: {  	_ =	shalt  }
0x87: {  	_ =	shalt  }
.Lfunc_end0:
.L_simem_size_0:
called_computation.2_lowered:
.L_overlay_start_0:
0x88: {  	s2 =	sld [smem:$0x3FD9]  }
0x89: {  	s3 =	sld [smem:$0x3FFE];
	_ =	sdelay $0x1  }
0x8a: {  	s1 =	srdreg.scid  }
0x8b: {  	s0 =	sand.u32 $0x1, s1  }
0x8c: {  	s17 =	sshll.u32 s0, $0xA;
	s2 =	sadd.s32 s3, s2  }
0x8d: {  	s2 =	sadd.s32 s2, s17  }
0x8e: {  	[smem:$0x3FC2] =	sst s2  }
0x8f: {  	_ = 	snop  }
0x90: {  	s2 =	sld [smem:$0x3FD0];
	(tm) =	ssettm $0x1  }
0x91: {  	s18 =	sld [smem:$0x3FFB];
	_ =	sdelay $0x3  }
0x92: {  	_ =	strace s18  }
0x93: {  	s3 =	sld [smem:$0x3FFC];
	_ =	sdelay $0x3  }
0x94: {  	_ =	strace s3  }
0x95: {  	s3 =	sld [smem:$0x3FFD];
	_ =	sdelay $0x3  }
0x96: {  	_ =	strace s3  }
0x97: {  	_ =	strace $0x8FFFFFFF  }
0x98: {  	s19 =	sld [smem:$0x3FDB];
	_ =	sdelay $0x1  }
0x99: {  	s4 =	simm.s32 $_scs_section_size  }
0x9a: {  	s5 =	simm.s32 $_size__tile_overlayer_lowered;
	s6 =	simm.s32 $_tile_overlayer_lowered  }
0x9b: {  	s22 =	simm.s32 $0x1BFF;
	s21 =	sshll.u32 s6, $0x1;
	s3 =	sadd.s32 s4, s19  }
0x9c: {  	s7 =	simm.s32 $0x0;
	s20 =	sshll.u32 s5, $0x1;
	s5 =	sadd.s32 s21, s3  }
0x9d: {  	[timem:s7], [sflag:s22] =	dma.local [hbm:s5], s20  }
0x9e: {  	_ =	swait.ge [sflag:s22], s20  }
0x9f: {  	s4 =	ssub.s32 $0x0, s20;
	[sflag:s22] =	ssyncset.done $0x0  }
0xa0: {  	[sflag:s22] =	ssyncadd.s32 s4;
	_ =	sdelay $0x1  }
0xa1: {  	s23 =	simm.s32 $0x1B8B  }
0xa2: {  	_ =	swait.ge [sflag:s23], $0x1  }
0xa3: {  	[sflag:s23] =	ssyncset.done $0x0  }
0xa4: {  	s25 =	simm.s32 $0x1B8E;
	s24 =	sld [smem:$0x3FFE];
	[sflag:s23] =	ssyncadd.s32 $0xFFFFFFFF  }
0xa5: {  	s26 =	simm.s32 $execute0_lowered;
	[smem:$0x3FD2] =	sst s25  }
0xa6: {  	s5 =	sshll.u32 s26, $0x1;
	_ =	strace $0x8000004C;
	[dreg:$0x1] =	wrdreg $0xFFFFFFFF  }
0xa7: {  	s28 =	simm.s32 $_size_execute0_lowered;
	s3 =	sadd.s32 s3, s5;
	[dreg:$0x0] =	wrdreg $0x0  }
0xa8: {  	s5 =	sshll.u32 s28, $0x1;
	[dreg:$0x2] =	wrdreg s3  }
0xa9: {  	[dreg:$0x3] =	wrdreg s5  }
0xaa: {  	[dreg:$0x4] =	wrdreg $0xC0  }
0xab: {  	_ =	task [dreg:s7], $0x5FFFF  }
0xac: {  	[dreg:$0x1] =	wrdreg $0xFFFFFFFF  }
0xad: {  	[dreg:$0x0] =	wrdreg $0x60  }
0xae: {  	[dreg:$0x2] =	wrdreg s2  }
0xaf: {  	[dreg:$0x3] =	wrdreg s24  }
0xb0: {  	[dreg:$0x4] =	wrdreg $0x90000  }
0xb1: {  	[dreg:$0x5] =	wrdreg $0x9  }
0xb2: {  	_ =	task.clear_ibuf [dreg:s7], $0x6FFFF;
	_ =	strace $0x9000004C  }
0xb3: {  	s29 =	simm.s32 $0x9;
	_ =	strace $0x8000004E  }
0xb4: {  	_ =	swait.ge [sflag:s29], $0x1  }
0xb5: {  	[sflag:s29] =	ssyncadd.s32 $0xFFFFFFFF  }
0xb6: {  	_ =	strace $0x9000004E  }
0xb7: {  	_ =	sfence  }
0xb8: {  	s30 =	sld [smem:$0x0];
	_ =	sdelay $0x2  }
0xb9: {  	s31 =	sshll.u32 s1, $0xD;
	s1 =	sshrl.u32 s1, $0x2  }
0xba: {  	s3 =	sand.u32 $0x4000, s31;
	s1 =	sadd.s32 s1, s30  }
0xbb: {  	s0 =	sor.u32 s3, s0;
	s1 =	sshll.u32 s1, $0x11  }
0xbc: {  	s0 =	sor.u32 s1, s0  }
0xbd: {  	s0 =	sadd.s32 $0x8F2B, s0  }
0xbe: {  	[sflag:s0] =	ssyncadd.remote.s32 $0x1  }
0xbf: {  	_ =	sfence.sel $0xFFFF  }
0xc0: {  	[dreg:$0x0] =	wrdreg $0xFFFFFFFF;
	(pc) =	sbr.abs _section_cstart, $3  }
0xc1: {  	[dreg:$0x1] =	wrdreg $0xFFFFFFFF  }
0xc2: {  	_ =	task.clear_ibuf [dreg:s7], $0x2FFFF;
	_ =	strace $0x9FFFFFFF  }
0xc3: {  	(tm) =	ssettm $0x7FFFFFFF  }
tec
execute0_lowered:
.L_overlay_start_1:
0x0: {  	(tag) =	ssettag $0x1  }
0x1: {  	s1 =	rddreg [dreg:$0x0]  }
0x2: {  	s0 =	rddreg [dreg:$0x1]  }
0x3: {  	s3 =	srdreg.scid;
	s2 =	rddreg [dreg:$0x2];
	s4 =	simm.s32 $0x0  }
0x4: {  	s12 =	stileid.u32;
	s17 =	simm.s32 $0x100;
	s18 =	simm.s32 $0x880  }
0x5: {  	s19 =	simm.s32 $0x180;
	s20 =	simm.s32 $0x900;
	s22 =	simm.s32 $0x200  }
0x6: {  	s23 =	simm.s32 $0x980;
	s25 =	simm.s32 $0x280;
	s28 =	simm.s32 $0xE80  }
0x7: {  	s29 =	simm.s32 $0x780;
	s30 =	simm.s32 $0xF00;
	[smem:$0x7FF] =	sst s4  }
0x8: {  	s9 =	smul.u32 $0x2800, s12;
	_ =	strace $0x8000004D;
	[dreg:$0x6] =	wrdreg s17  }
0x9: {  	s31 =	simm.s32 $0xF80;
	s10 =	smul.u32 $0x14000, s12;
	[dreg:$0x7] =	wrdreg s18  }
0xa: {  	s3 =	sand.u32 $0x1, s3;
	s16 =	smul.u32 $0x50000, s12;
	[dreg:$0x8] =	wrdreg s19  }
0xb: {  	s5 =	sadd.s32 $0x2400, s0;
	s7 =	smul.u32 $0x140000, s3;
	[dreg:$0x9] =	wrdreg s20  }
0xc: {  	s6 =	sadd.s32 $0xC400, s0;
	s8 =	smul.u32 $0x28000, s3;
	[dreg:$0xa] =	wrdreg s22  }
0xd: {  	s26 =	ssub.s32 $0x2, s3;
	s3 =	sshll.u32 s3, $0x4;
	[dreg:$0xb] =	wrdreg s23  }
0xe: {  	[dreg:$0xc] =	wrdreg s25;
	s17 =	simm.s32 $0xB80;
	s18 =	simm.s32 $0x480  }
0xf: {  	s19 =	simm.s32 $0x500;
	s20 =	simm.s32 $0xC80;
	[dreg:$0x12] =	wrdreg s17  }
0x10: {  	s22 =	simm.s32 $0xD00;
	s23 =	simm.s32 $0x600;
	[dreg:$0x13] =	wrdreg s18  }
0x11: {  	s25 =	simm.s32 $0x680;
	s11 =	sshrl.u32 s26, $0x1;
	[dreg:$0x14] =	wrdreg s19  }
0x12: {  	s3 =	sor.u32 s12, s3;
	s17 =	simm.s32 $0x800;
	[dreg:$0x15] =	wrdreg s20  }
0x13: {  	s18 =	simm.s32 $0x1;
	s19 =	simm.s32 $0x400;
	[dreg:$0x17] =	wrdreg s22  }
0x14: {  	s20 =	simm.s32 $0xC00;
	[dreg:$0x18] =	wrdreg s23;
	s22 =	simm.s32 $0x5000  }
0x15: {  	s23 =	simm.s32 $0x3;
	[dreg:$0x1a] =	wrdreg s25;
	s25 =	simm.s32 $0x2  }
0x16: {  	s8 =	sadd.s32 s9, s8;
	s7 =	sadd.s32 s10, s7;
	s9 =	ssub.s32 s26, s11  }
0x17: {  	s3 =	smul.u32 $0x2800, s3;
	s26 =	simm.s32 $0xA00;
	s13 =	sor.u32 $0x400, s8  }
0x18: {  	s7 =	sshrl.u32 s7, $0x3;
	[dreg:$0xd] =	wrdreg s26;
	s26 =	simm.s32 $0xE00  }
0x19: {  	s10 =	sshrl.u32 s13, $0x3;
	s13 =	simm.s32 $0x300;
	[dreg:$0x1b] =	wrdreg s26  }
0x1a: {  	s8 =	sadd.s32 $0x800, s8;
	s14 =	sadd.s32 s10, s6;
	[dreg:$0xe] =	wrdreg s13  }
0x1b: {  	s3 =	sshrl.u32 s3, $0x3;
	s15 =	sadd.s32 s10, s5;
	[dreg:$0x4] =	wrdreg s14  }
0x1c: {  	s0 =	sadd.s32 s7, s0;
	s12 =	sadd.s32 s5, s3;
	[dreg:$0x5] =	wrdreg s15  }
0x1d: {  	s26 =	simm.s32 $0x700;
	s3 =	sadd.s32 s6, s3;
	[dreg:$0x1e] =	wrdreg s12  }
0x1e: {  	s10 =	sshrl.u32 s16, $0x2;
	s16 =	simm.s32 $0xB00;
	[dreg:$0x1f] =	wrdreg s3  }
0x1f: {  	s13 =	smax.u32 s9, $0x1;
	s14 =	simm.s32 $0xA80;
	[dreg:$0x11] =	wrdreg s16  }
0x20: {  	s7 =	sadd.s32 s10, s2;
	s15 =	simm.s32 $0x380;
	[dreg:$0xf] =	wrdreg s14  }
0x21: {  	s12 =	sadd.s32 $0x66400, s0;
	s21 =	sadd.s32 $0x8000, s7;
	[dreg:$0x10] =	wrdreg s15  }
0x22: {  	s16 =	simm.s32 $0x5;
	s24 =	sadd.s32 $0x10000, s7;
	[dreg:$0x1c] =	wrdreg s21  }
0x23: {  	s0 =	simm.s32 $0x0;
	[dreg:$0x1d] =	wrdreg s24;
	s21 =	simm.s32 $0x580  }
0x24: {  	s15 =	simm.s32 $0x1000;
	s24 =	simm.s32 $0xD80;
	[dreg:$0x16] =	wrdreg s21  }
0x25: {  	v0 =	vimm.f32 $0.0e+00;
	s21 =	simm.s32 $0x80;
	[dreg:$0x19] =	wrdreg s24;
	s24 =	simm.s32 $0x4  }
.LBB2_1:
0x26: {  	s3 =	simm.s32 $0x0;
	s9 =	simm.s32 $0x200  }
.LBB2_2:
0x27: {  	p0 =	sne.s32 s9, $0x1FE00;
	[tilespmem:s3+$0x1070] =	vst v0  }
0x28: {  	[tilespmem:s3+$0x1000] =	vst v0  }
0x29: {  	[tilespmem:s3+$0x1010] =	vst v0  }
.Ltmp0:
0x2a: {  	[tilespmem:s3+$0x1020] =	vst v0;
	(pc) =	sbr.rel @p0 .LBB2_2-.Ltmp0, $4  }
0x2b: {  	[tilespmem:s3+$0x1030] =	vst v0  }
0x2c: {  	[tilespmem:s3+$0x1040] =	vst v0  }
0x2d: {  	[tilespmem:s3+$0x1050] =	vst v0  }
0x2e: {  	[tilespmem:s3+$0x1060] =	vst v0;
	s3 =	sshra.s32 s9, $0x2;
	s9 =	sadd.s32 $0x200, s9  }
0x2f: {  	[tilespmem:s3+$0x1070] =	vst v0  }
0x30: {  	[tilespmem:s3+$0x1000] =	vst v0  }
0x31: {  	[tilespmem:s3+$0x1010] =	vst v0  }
0x32: {  	[tilespmem:s3+$0x1020] =	vst v0  }
0x33: {  	[tilespmem:s3+$0x1030] =	vst v0  }
0x34: {  	[tilespmem:s3+$0x1040] =	vst v0  }
0x35: {  	[tilespmem:s3+$0x1050] =	vst v0  }
0x36: {  	[tilespmem:s3+$0x1060] =	vst v0  }
0x37: {  	[spmem:s7] =	stream.linear.scatter [tilespmem:s15], [sflag:$0x5], $0x8000, $0x38;
	[tilespmem:$0x1D000] =	vst v63  }
0x38: {  	_ =	swait.ge [sflag:s16], $0x8000  }
0x39: {  	[sflag:s16] =	ssyncset.done $0x0  }
0x3a: {  	s10 =	rddreg [dreg:$0x1c];
	[sflag:s16] =	ssyncadd.s32 $0xFFFF8000  }
0x3b: {  	[spmem:s10] =	stream.linear.scatter [tilespmem:s15], [sflag:$0x5], $0x8000, $0x38;
	[tilespmem:$0x1D000] =	vst v63  }
0x3c: {  	_ =	swait.ge [sflag:s16], $0x8000  }
0x3d: {  	[sflag:s16] =	ssyncset.done $0x0  }
0x3e: {  	s11 =	rddreg [dreg:$0x1d];
	[sflag:s16] =	ssyncadd.s32 $0xFFFF8000  }
0x3f: {  	[spmem:s11] =	stream.linear.scatter [tilespmem:s15], [sflag:$0x5], $0x4000, $0x38;
	[tilespmem:$0x1D000] =	vst v63  }
0x40: {  	_ =	swait.ge [sflag:s16], $0x4000  }
0x41: {  	[sflag:s16] =	ssyncset.done $0x0  }
0x42: {  	[sflag:s16] =	ssyncadd.s32 $0xFFFFC000  }
0x43: {  	[bflag:$0x0] =	sbarrier.arrive $0xFFFF  }
0x44: {  	s14 =	simm.s32 $0x0;
	s9 =	rddreg [dreg:$0x1e]  }
0x45: {  	[tilespmem:s14], [sflag:$0x1] =	stream.linear.gather [hbm4b:s9+s14], $0x400, $0x38;
	[tilespmem:$0x1D000] =	vst v63  }
0x46: {  	s10 =	rddreg [dreg:$0x1f]  }
0x47: {  	[tilespmem:s17], [sflag:$0x1] =	stream.linear.gather [hbm4b:s10+s14], $0x400, $0x38;
	[tilespmem:$0x1D000] =	vst v63  }
0x48: {  	_ =	swait.ge [sflag:s18], $0x400  }
0x49: {  	[sflag:s18] =	ssyncset.done $0x0  }
0x4a: {  	[sflag:s18] =	ssyncadd.s32 $0xFFFFFC00  }
0x4b: {  	_ =	swait.ge [sflag:s18], $0x400  }
0x4c: {  	s11 =	rddreg [dreg:$0x5];
	[sflag:s18] =	ssyncset.done $0x0  }
0x4d: {  	s14 =	rddreg [dreg:$0x4];
	[sflag:s18] =	ssyncadd.s32 $0xFFFFFC00;
	s3 =	sadd.s32 $0x0, s11  }
0x4e: {  	[tilespmem:s19], [sflag:$0x2] =	stream.linear.gather [hbm4b:s3+s4], $0x400, $0x38;
	[tilespmem:$0x1D000] =	vst v63  }
0x4f: {  	s10 =	sadd.s32 $0x0, s14  }
0x50: {  	[tilespmem:s20], [sflag:$0x2] =	stream.linear.gather [hbm4b:s10+s4], $0x400, $0x38;
	[tilespmem:$0x1D000] =	vst v63  }
0x51: {  	_ = 	snop  }
0x52: {  	[tilespmem:s15], [sflag:$0x3] =	stream.indirect.gather [hbm4b:s1+s21], $0x80, s4, s21, $0xb8;
	[tilespmem:$0x1D000] =	vst v63  }
0x53: {  	_ = 	snop  }
0x54: {  	[tilespmem:s22], [sflag:$0x4] =	stream.indirect.gather [hbm4b:s1+s21], $0x80, s21, s21, $0xb8;
	[tilespmem:$0x1D000] =	vst v63  }
0x55: {  	_ =	swait.ge [sflag:s23], $0x4000  }
0x56: {  	[sflag:s23] =	ssyncset.done $0x0  }
0x57: {  	[sflag:s23] =	ssyncadd.s32 $0xFFFFC000  }
0x58: {  	[spmem:s2] =	stream.indirect.scatter.add.f32 [tilespmem:s15], [sflag:$0x5], $0x80, s17, s21, $0xb8;
	[tilespmem:$0x1D000] =	vst v63  }
0x59: {  	_ =	swait.ge [sflag:s16], $0x4000  }
0x5a: {  	[sflag:s16] =	ssyncset.done $0x0  }
0x5b: {  	s11 =	rddreg [dreg:$0x6];
	[sflag:s16] =	ssyncadd.s32 $0xFFFFC000  }
0x5c: {  	[tilespmem:s15], [sflag:$0x3] =	stream.indirect.gather [hbm4b:s1+s21], $0x80, s11, s21, $0xb8;
	[tilespmem:$0x1D000] =	vst v63  }
0x5d: {  	_ =	swait.ge [sflag:s24], $0x4000  }
0x5e: {  	[sflag:s24] =	ssyncset.done $0x0  }
0x5f: {  	s14 =	rddreg [dreg:$0x7];
	[sflag:s24] =	ssyncadd.s32 $0xFFFFC000  }
0x60: {  	[spmem:s2] =	stream.indirect.scatter.add.f32 [tilespmem:s22], [sflag:$0x5], $0x80, s14, s21, $0xb8;
	[tilespmem:$0x1D000] =	vst v63  }
0x61: {  	_ =	swait.ge [sflag:s16], $0x4000  }
0x62: {  	[sflag:s16] =	ssyncset.done $0x0  }
0x63: {  	s9 =	rddreg [dreg:$0x8];
	[sflag:s16] =	ssyncadd.s32 $0xFFFFC000  }
0x64: {  	[tilespmem:s22], [sflag:$0x4] =	stream.indirect.gather [hbm4b:s1+s21], $0x80, s9, s21, $0xb8;
	[tilespmem:$0x1D000] =	vst v63  }
0x65: {  	_ =	swait.ge [sflag:s23], $0x4000  }
0x66: {  	[sflag:s23] =	ssyncset.done $0x0  }
0x67: {  	s10 =	rddreg [dreg:$0x9];
	[sflag:s23] =	ssyncadd.s32 $0xFFFFC000  }
0x68: {  	[spmem:s2] =	stream.indirect.scatter.add.f32 [tilespmem:s15], [sflag:$0x5], $0x80, s10, s21, $0xb8;
	[tilespmem:$0x1D000] =	vst v63  }
0x69: {  	_ =	swait.ge [sflag:s16], $0x4000  }
0x6a: {  	[sflag:s16] =	ssyncset.done $0x0  }
0x6b: {  	s11 =	rddreg [dreg:$0xa];
	[sflag:s16] =	ssyncadd.s32 $0xFFFFC000  }
0x6c: {  	[tilespmem:s15], [sflag:$0x3] =	stream.indirect.gather [hbm4b:s1+s21], $0x80, s11, s21, $0xb8;
	[tilespmem:$0x1D000] =	vst v63  }
0x6d: {  	_ =	swait.ge [sflag:s24], $0x4000  }
0x6e: {  	[sflag:s24] =	ssyncset.done $0x0  }
0x6f: {  	s14 =	rddreg [dreg:$0xb];
	[sflag:s24] =	ssyncadd.s32 $0xFFFFC000  }
0x70: {  	[spmem:s2] =	stream.indirect.scatter.add.f32 [tilespmem:s22], [sflag:$0x5], $0x80, s14, s21, $0xb8;
	[tilespmem:$0x1D000] =	vst v63  }
0x71: {  	_ =	swait.ge [sflag:s16], $0x4000  }
0x72: {  	[sflag:s16] =	ssyncset.done $0x0  }
0x73: {  	s9 =	rddreg [dreg:$0xc];
	[sflag:s16] =	ssyncadd.s32 $0xFFFFC000  }
0x74: {  	[tilespmem:s22], [sflag:$0x4] =	stream.indirect.gather [hbm4b:s1+s21], $0x80, s9, s21, $0xb8;
	[tilespmem:$0x1D000] =	vst v63  }
0x75: {  	_ =	swait.ge [sflag:s23], $0x4000  }
0x76: {  	[sflag:s23] =	ssyncset.done $0x0  }
0x77: {  	s10 =	rddreg [dreg:$0xd];
	[sflag:s23] =	ssyncadd.s32 $0xFFFFC000  }
0x78: {  	[spmem:s2] =	stream.indirect.scatter.add.f32 [tilespmem:s15], [sflag:$0x5], $0x80, s10, s21, $0xb8;
	[tilespmem:$0x1D000] =	vst v63  }
0x79: {  	_ =	swait.ge [sflag:s16], $0x4000  }
0x7a: {  	[sflag:s16] =	ssyncset.done $0x0  }
0x7b: {  	s11 =	rddreg [dreg:$0xe];
	[sflag:s16] =	ssyncadd.s32 $0xFFFFC000  }
0x7c: {  	[tilespmem:s15], [sflag:$0x3] =	stream.indirect.gather [hbm4b:s1+s21], $0x80, s11, s21, $0xb8;
	[tilespmem:$0x1D000] =	vst v63  }
0x7d: {  	_ =	swait.ge [sflag:s24], $0x4000  }
0x7e: {  	[sflag:s24] =	ssyncset.done $0x0  }
0x7f: {  	s14 =	rddreg [dreg:$0xf];
	[sflag:s24] =	ssyncadd.s32 $0xFFFFC000  }
0x80: {  	[spmem:s2] =	stream.indirect.scatter.add.f32 [tilespmem:s22], [sflag:$0x5], $0x80, s14, s21, $0xb8;
	[tilespmem:$0x1D000] =	vst v63  }
0x81: {  	_ =	swait.ge [sflag:s16], $0x4000  }
0x82: {  	[sflag:s16] =	ssyncset.done $0x0  }
0x83: {  	s9 =	rddreg [dreg:$0x10];
	[sflag:s16] =	ssyncadd.s32 $0xFFFFC000  }
0x84: {  	[tilespmem:s22], [sflag:$0x4] =	stream.indirect.gather [hbm4b:s1+s21], $0x80, s9, s21, $0xb8;
	[tilespmem:$0x1D000] =	vst v63  }
0x85: {  	_ =	swait.ge [sflag:s23], $0x4000  }
0x86: {  	[sflag:s23] =	ssyncset.done $0x0  }
0x87: {  	s10 =	rddreg [dreg:$0x11];
	[sflag:s23] =	ssyncadd.s32 $0xFFFFC000  }
0x88: {  	[spmem:s2] =	stream.indirect.scatter.add.f32 [tilespmem:s15], [sflag:$0x5], $0x80, s10, s21, $0xb8;
	[tilespmem:$0x1D000] =	vst v63  }
0x89: {  	_ =	swait.ge [sflag:s16], $0x4000  }
0x8a: {  	[sflag:s16] =	ssyncset.done $0x0  }
0x8b: {  	[sflag:s16] =	ssyncadd.s32 $0xFFFFC000  }
0x8c: {  	_ =	swait.ge [sflag:s24], $0x4000  }
0x8d: {  	[sflag:s24] =	ssyncset.done $0x0  }
0x8e: {  	s11 =	rddreg [dreg:$0x12];
	[sflag:s24] =	ssyncadd.s32 $0xFFFFC000  }
0x8f: {  	[spmem:s2] =	stream.indirect.scatter.add.f32 [tilespmem:s22], [sflag:$0x5], $0x80, s11, s21, $0xb8;
	[tilespmem:$0x1D000] =	vst v63  }
0x90: {  	_ =	swait.ge [sflag:s16], $0x4000  }
0x91: {  	[sflag:s16] =	ssyncset.done $0x0  }
0x92: {  	[sflag:s16] =	ssyncadd.s32 $0xFFFFC000  }
0x93: {  	_ =	swait.ge [sflag:s25], $0x400  }
0x94: {  	[sflag:s25] =	ssyncset.done $0x0  }
0x95: {  	[sflag:s25] =	ssyncadd.s32 $0xFFFFFC00  }
0x96: {  	p0 =	por $0x0, $0x0;
	_ =	swait.ge [sflag:s25], $0x400  }
0x97: {  	s3 =	sshrl.u32 @!p0 s8, $0x3;
	[sflag:s25] =	ssyncset.done $0x0  }
0x98: {  	s14 =	simm.s32 @!p0 $0x0;
	s9 =	sadd.s32 @!p0 s5, s3;
	[sflag:s25] =	ssyncadd.s32 $0xFFFFFC00  }
0x99: {  	[tilespmem:s14], [sflag:$0x1] =	stream.linear.gather @!p0 [hbm4b:s9+s14], $0x400, $0x38;
	[tilespmem:$0x1D000] =	vst v63  }
0x9a: {  	s3 =	sadd.s32 @!p0 s6, s3;
	s9 =	simm.s32 @!p0 $0x800  }
0x9b: {  	[tilespmem:s9], [sflag:$0x1] =	stream.linear.gather @!p0 [hbm4b:s3+s14], $0x400, $0x38;
	[tilespmem:$0x1D000] =	vst v63  }
0x9c: {  	_ = 	snop  }
0x9d: {  	[tilespmem:s15], [sflag:$0x3] =	stream.indirect.gather [hbm4b:s1+s21], $0x80, s19, s21, $0xb8;
	[tilespmem:$0x1D000] =	vst v63  }
0x9e: {  	s14 =	rddreg [dreg:$0x13]  }
0x9f: {  	[tilespmem:s22], [sflag:$0x4] =	stream.indirect.gather [hbm4b:s1+s21], $0x80, s14, s21, $0xb8;
	[tilespmem:$0x1D000] =	vst v63  }
0xa0: {  	_ =	swait.ge [sflag:s23], $0x4000  }
0xa1: {  	[sflag:s23] =	ssyncset.done $0x0  }
0xa2: {  	[sflag:s23] =	ssyncadd.s32 $0xFFFFC000  }
0xa3: {  	[spmem:s2] =	stream.indirect.scatter.add.f32 [tilespmem:s15], [sflag:$0x5], $0x80, s20, s21, $0xb8;
	[tilespmem:$0x1D000] =	vst v63  }
0xa4: {  	_ =	swait.ge [sflag:s16], $0x4000  }
0xa5: {  	[sflag:s16] =	ssyncset.done $0x0  }
0xa6: {  	s9 =	rddreg [dreg:$0x14];
	[sflag:s16] =	ssyncadd.s32 $0xFFFFC000  }
0xa7: {  	[tilespmem:s15], [sflag:$0x3] =	stream.indirect.gather [hbm4b:s1+s21], $0x80, s9, s21, $0xb8;
	[tilespmem:$0x1D000] =	vst v63  }
0xa8: {  	_ =	swait.ge [sflag:s24], $0x4000  }
0xa9: {  	[sflag:s24] =	ssyncset.done $0x0  }
0xaa: {  	s10 =	rddreg [dreg:$0x15];
	[sflag:s24] =	ssyncadd.s32 $0xFFFFC000  }
0xab: {  	[spmem:s2] =	stream.indirect.scatter.add.f32 [tilespmem:s22], [sflag:$0x5], $0x80, s10, s21, $0xb8;
	[tilespmem:$0x1D000] =	vst v63  }
0xac: {  	_ =	swait.ge [sflag:s16], $0x4000  }
0xad: {  	[sflag:s16] =	ssyncset.done $0x0  }
0xae: {  	s11 =	rddreg [dreg:$0x16];
	[sflag:s16] =	ssyncadd.s32 $0xFFFFC000  }
0xaf: {  	[tilespmem:s22], [sflag:$0x4] =	stream.indirect.gather [hbm4b:s1+s21], $0x80, s11, s21, $0xb8;
	[tilespmem:$0x1D000] =	vst v63  }
0xb0: {  	_ =	swait.ge [sflag:s23], $0x4000  }
0xb1: {  	[sflag:s23] =	ssyncset.done $0x0  }
0xb2: {  	s14 =	rddreg [dreg:$0x17];
	[sflag:s23] =	ssyncadd.s32 $0xFFFFC000  }
0xb3: {  	[spmem:s2] =	stream.indirect.scatter.add.f32 [tilespmem:s15], [sflag:$0x5], $0x80, s14, s21, $0xb8;
	[tilespmem:$0x1D000] =	vst v63  }
0xb4: {  	_ =	swait.ge [sflag:s16], $0x4000  }
0xb5: {  	[sflag:s16] =	ssyncset.done $0x0  }
0xb6: {  	s9 =	rddreg [dreg:$0x18];
	[sflag:s16] =	ssyncadd.s32 $0xFFFFC000  }
0xb7: {  	[tilespmem:s15], [sflag:$0x3] =	stream.indirect.gather [hbm4b:s1+s21], $0x80, s9, s21, $0xb8;
	[tilespmem:$0x1D000] =	vst v63  }
0xb8: {  	_ =	swait.ge [sflag:s24], $0x4000  }
0xb9: {  	[sflag:s24] =	ssyncset.done $0x0  }
0xba: {  	s10 =	rddreg [dreg:$0x19];
	[sflag:s24] =	ssyncadd.s32 $0xFFFFC000  }
0xbb: {  	[spmem:s2] =	stream.indirect.scatter.add.f32 [tilespmem:s22], [sflag:$0x5], $0x80, s10, s21, $0xb8;
	[tilespmem:$0x1D000] =	vst v63  }
0xbc: {  	_ =	swait.ge [sflag:s16], $0x4000  }
0xbd: {  	[sflag:s16] =	ssyncset.done $0x0  }
0xbe: {  	s11 =	rddreg [dreg:$0x1a];
	[sflag:s16] =	ssyncadd.s32 $0xFFFFC000  }
0xbf: {  	[tilespmem:s22], [sflag:$0x4] =	stream.indirect.gather [hbm4b:s1+s21], $0x80, s11, s21, $0xb8;
	[tilespmem:$0x1D000] =	vst v63  }
0xc0: {  	_ =	swait.ge [sflag:s23], $0x4000  }
0xc1: {  	[sflag:s23] =	ssyncset.done $0x0  }
0xc2: {  	s14 =	rddreg [dreg:$0x1b];
	[sflag:s23] =	ssyncadd.s32 $0xFFFFC000  }
0xc3: {  	[spmem:s2] =	stream.indirect.scatter.add.f32 [tilespmem:s15], [sflag:$0x5], $0x80, s14, s21, $0xb8;
	[tilespmem:$0x1D000] =	vst v63  }
0xc4: {  	_ =	swait.ge [sflag:s16], $0x4000  }
0xc5: {  	[sflag:s16] =	ssyncset.done $0x0  }
0xc6: {  	[sflag:s16] =	ssyncadd.s32 $0xFFFFC000  }
0xc7: {  	[tilespmem:s15], [sflag:$0x3] =	stream.indirect.gather [hbm4b:s1+s21], $0x80, s26, s21, $0xb8;
	[tilespmem:$0x1D000] =	vst v63  }
0xc8: {  	_ =	swait.ge [sflag:s24], $0x4000  }
0xc9: {  	[sflag:s24] =	ssyncset.done $0x0  }
0xca: {  	[sflag:s24] =	ssyncadd.s32 $0xFFFFC000  }
0xcb: {  	[spmem:s2] =	stream.indirect.scatter.add.f32 [tilespmem:s22], [sflag:$0x5], $0x80, s28, s21, $0xb8;
	[tilespmem:$0x1D000] =	vst v63  }
0xcc: {  	_ =	swait.ge [sflag:s16], $0x4000  }
0xcd: {  	[sflag:s16] =	ssyncset.done $0x0  }
0xce: {  	[sflag:s16] =	ssyncadd.s32 $0xFFFFC000  }
0xcf: {  	[tilespmem:s22], [sflag:$0x4] =	stream.indirect.gather [hbm4b:s1+s21], $0x80, s29, s21, $0xb8;
	[tilespmem:$0x1D000] =	vst v63  }
0xd0: {  	_ =	swait.ge [sflag:s23], $0x4000  }
0xd1: {  	[sflag:s23] =	ssyncset.done $0x0  }
0xd2: {  	[sflag:s23] =	ssyncadd.s32 $0xFFFFC000  }
0xd3: {  	[spmem:s2] =	stream.indirect.scatter.add.f32 [tilespmem:s15], [sflag:$0x5], $0x80, s30, s21, $0xb8;
	[tilespmem:$0x1D000] =	vst v63  }
0xd4: {  	_ =	swait.ge [sflag:s16], $0x4000  }
0xd5: {  	[sflag:s16] =	ssyncset.done $0x0  }
0xd6: {  	[sflag:s16] =	ssyncadd.s32 $0xFFFFC000  }
0xd7: {  	_ =	swait.ge [sflag:s24], $0x4000  }
0xd8: {  	[sflag:s24] =	ssyncset.done $0x0  }
0xd9: {  	[sflag:s24] =	ssyncadd.s32 $0xFFFFC000  }
0xda: {  	[spmem:s2] =	stream.indirect.scatter.add.f32 [tilespmem:s22], [sflag:$0x5], $0x80, s31, s21, $0xb8;
	[tilespmem:$0x1D000] =	vst v63  }
0xdb: {  	_ =	swait.ge [sflag:s16], $0x4000  }
0xdc: {  	s3 =	simm.s32 $0x100;
	s14 =	smov.u32 s8;
	[sflag:s16] =	ssyncset.done $0x0  }
.LBB2_4:
0xdd: {  	[sflag:s16] =	ssyncadd.s32 $0xFFFFC000  }
0xde: {  	_ =	swait.ge [sflag:s18], $0x400  }
0xdf: {  	[sflag:s18] =	ssyncset.done $0x0  }
0xe0: {  	[sflag:s18] =	ssyncadd.s32 $0xFFFFFC00  }
0xe1: {  	_ =	swait.ge [sflag:s18], $0x400  }
0xe2: {  	s9 =	smov.u32 s3;
	s10 =	rddreg [dreg:$0x5];
	[sflag:s18] =	ssyncset.done $0x0  }
0xe3: {  	s11 =	rddreg [dreg:$0x4];
	[sflag:s18] =	ssyncadd.s32 $0xFFFFFC00;
	s10 =	sadd.s32 s9, s10  }
0xe4: {  	[tilespmem:s19], [sflag:$0x2] =	stream.linear.gather [hbm4b:s10+s4], $0x400, $0x38;
	[tilespmem:$0x1D000] =	vst v63  }
0xe5: {  	s11 =	sadd.s32 s9, s11  }
0xe6: {  	[tilespmem:s20], [sflag:$0x2] =	stream.linear.gather [hbm4b:s11+s4], $0x400, $0x38;
	[tilespmem:$0x1D000] =	vst v63  }
0xe7: {  	_ = 	snop  }
0xe8: {  	[tilespmem:s15], [sflag:$0x3] =	stream.indirect.gather [hbm4b:s1+s21], $0x80, s4, s21, $0xb8;
	[tilespmem:$0x1D000] =	vst v63  }
0xe9: {  	_ = 	snop  }
0xea: {  	[tilespmem:s22], [sflag:$0x4] =	stream.indirect.gather [hbm4b:s1+s21], $0x80, s21, s21, $0xb8;
	[tilespmem:$0x1D000] =	vst v63  }
0xeb: {  	_ =	swait.ge [sflag:s23], $0x4000  }
0xec: {  	[sflag:s23] =	ssyncset.done $0x0  }
0xed: {  	[sflag:s23] =	ssyncadd.s32 $0xFFFFC000  }
0xee: {  	[spmem:s2] =	stream.indirect.scatter.add.f32 [tilespmem:s15], [sflag:$0x5], $0x80, s17, s21, $0xb8;
	[tilespmem:$0x1D000] =	vst v63  }
0xef: {  	_ =	swait.ge [sflag:s16], $0x4000  }
0xf0: {  	[sflag:s16] =	ssyncset.done $0x0  }
0xf1: {  	s11 =	rddreg [dreg:$0x6];
	[sflag:s16] =	ssyncadd.s32 $0xFFFFC000  }
0xf2: {  	[tilespmem:s15], [sflag:$0x3] =	stream.indirect.gather [hbm4b:s1+s21], $0x80, s11, s21, $0xb8;
	[tilespmem:$0x1D000] =	vst v63  }
0xf3: {  	_ =	swait.ge [sflag:s24], $0x4000  }
0xf4: {  	[sflag:s24] =	ssyncset.done $0x0  }
0xf5: {  	s11 =	rddreg [dreg:$0x7];
	[sflag:s24] =	ssyncadd.s32 $0xFFFFC000  }
0xf6: {  	[spmem:s2] =	stream.indirect.scatter.add.f32 [tilespmem:s22], [sflag:$0x5], $0x80, s11, s21, $0xb8;
	[tilespmem:$0x1D000] =	vst v63  }
0xf7: {  	_ =	swait.ge [sflag:s16], $0x4000  }
0xf8: {  	[sflag:s16] =	ssyncset.done $0x0  }
0xf9: {  	s11 =	rddreg [dreg:$0x8];
	[sflag:s16] =	ssyncadd.s32 $0xFFFFC000  }
0xfa: {  	[tilespmem:s22], [sflag:$0x4] =	stream.indirect.gather [hbm4b:s1+s21], $0x80, s11, s21, $0xb8;
	[tilespmem:$0x1D000] =	vst v63  }
0xfb: {  	_ =	swait.ge [sflag:s23], $0x4000  }
0xfc: {  	[sflag:s23] =	ssyncset.done $0x0  }
0xfd: {  	s11 =	rddreg [dreg:$0x9];
	[sflag:s23] =	ssyncadd.s32 $0xFFFFC000  }
0xfe: {  	[spmem:s2] =	stream.indirect.scatter.add.f32 [tilespmem:s15], [sflag:$0x5], $0x80, s11, s21, $0xb8;
	[tilespmem:$0x1D000] =	vst v63  }
0xff: {  	_ =	swait.ge [sflag:s16], $0x4000  }
0x100: {  	[sflag:s16] =	ssyncset.done $0x0  }
0x101: {  	s11 =	rddreg [dreg:$0xa];
	[sflag:s16] =	ssyncadd.s32 $0xFFFFC000  }
0x102: {  	[tilespmem:s15], [sflag:$0x3] =	stream.indirect.gather [hbm4b:s1+s21], $0x80, s11, s21, $0xb8;
	[tilespmem:$0x1D000] =	vst v63  }
0x103: {  	_ =	swait.ge [sflag:s24], $0x4000  }
0x104: {  	[sflag:s24] =	ssyncset.done $0x0  }
0x105: {  	s11 =	rddreg [dreg:$0xb];
	[sflag:s24] =	ssyncadd.s32 $0xFFFFC000  }
0x106: {  	[spmem:s2] =	stream.indirect.scatter.add.f32 [tilespmem:s22], [sflag:$0x5], $0x80, s11, s21, $0xb8;
	[tilespmem:$0x1D000] =	vst v63  }
0x107: {  	_ =	swait.ge [sflag:s16], $0x4000  }
0x108: {  	[sflag:s16] =	ssyncset.done $0x0  }
0x109: {  	s11 =	rddreg [dreg:$0xc];
	[sflag:s16] =	ssyncadd.s32 $0xFFFFC000  }
0x10a: {  	[tilespmem:s22], [sflag:$0x4] =	stream.indirect.gather [hbm4b:s1+s21], $0x80, s11, s21, $0xb8;
	[tilespmem:$0x1D000] =	vst v63  }
0x10b: {  	_ =	swait.ge [sflag:s23], $0x4000  }
0x10c: {  	[sflag:s23] =	ssyncset.done $0x0  }
0x10d: {  	s11 =	rddreg [dreg:$0xd];
	[sflag:s23] =	ssyncadd.s32 $0xFFFFC000  }
0x10e: {  	[spmem:s2] =	stream.indirect.scatter.add.f32 [tilespmem:s15], [sflag:$0x5], $0x80, s11, s21, $0xb8;
	[tilespmem:$0x1D000] =	vst v63  }
0x10f: {  	_ =	swait.ge [sflag:s16], $0x4000  }
0x110: {  	[sflag:s16] =	ssyncset.done $0x0  }
0x111: {  	s11 =	rddreg [dreg:$0xe];
	[sflag:s16] =	ssyncadd.s32 $0xFFFFC000  }
0x112: {  	[tilespmem:s15], [sflag:$0x3] =	stream.indirect.gather [hbm4b:s1+s21], $0x80, s11, s21, $0xb8;
	[tilespmem:$0x1D000] =	vst v63  }
0x113: {  	_ =	swait.ge [sflag:s24], $0x4000  }
0x114: {  	[sflag:s24] =	ssyncset.done $0x0  }
0x115: {  	s11 =	rddreg [dreg:$0xf];
	[sflag:s24] =	ssyncadd.s32 $0xFFFFC000  }
0x116: {  	[spmem:s2] =	stream.indirect.scatter.add.f32 [tilespmem:s22], [sflag:$0x5], $0x80, s11, s21, $0xb8;
	[tilespmem:$0x1D000] =	vst v63  }
0x117: {  	_ =	swait.ge [sflag:s16], $0x4000  }
0x118: {  	[sflag:s16] =	ssyncset.done $0x0  }
0x119: {  	s11 =	rddreg [dreg:$0x10];
	[sflag:s16] =	ssyncadd.s32 $0xFFFFC000  }
0x11a: {  	[tilespmem:s22], [sflag:$0x4] =	stream.indirect.gather [hbm4b:s1+s21], $0x80, s11, s21, $0xb8;
	[tilespmem:$0x1D000] =	vst v63  }
0x11b: {  	_ =	swait.ge [sflag:s23], $0x4000  }
0x11c: {  	[sflag:s23] =	ssyncset.done $0x0  }
0x11d: {  	s11 =	rddreg [dreg:$0x11];
	[sflag:s23] =	ssyncadd.s32 $0xFFFFC000  }
0x11e: {  	[spmem:s2] =	stream.indirect.scatter.add.f32 [tilespmem:s15], [sflag:$0x5], $0x80, s11, s21, $0xb8;
	[tilespmem:$0x1D000] =	vst v63  }
0x11f: {  	_ =	swait.ge [sflag:s16], $0x4000  }
0x120: {  	[sflag:s16] =	ssyncset.done $0x0  }
0x121: {  	[sflag:s16] =	ssyncadd.s32 $0xFFFFC000  }
0x122: {  	_ =	swait.ge [sflag:s24], $0x4000  }
0x123: {  	[sflag:s24] =	ssyncset.done $0x0  }
0x124: {  	s11 =	rddreg [dreg:$0x12];
	[sflag:s24] =	ssyncadd.s32 $0xFFFFC000  }
0x125: {  	[spmem:s2] =	stream.indirect.scatter.add.f32 [tilespmem:s22], [sflag:$0x5], $0x80, s11, s21, $0xb8;
	[tilespmem:$0x1D000] =	vst v63  }
0x126: {  	_ =	swait.ge [sflag:s16], $0x4000  }
0x127: {  	[sflag:s16] =	ssyncset.done $0x0  }
0x128: {  	[sflag:s16] =	ssyncadd.s32 $0xFFFFC000  }
0x129: {  	_ =	swait.ge [sflag:s25], $0x400  }
0x12a: {  	[sflag:s25] =	ssyncset.done $0x0  }
0x12b: {  	[sflag:s25] =	ssyncadd.s32 $0xFFFFFC00  }
0x12c: {  	s14 =	sadd.s32 $0x800, s14;
	p1 =	seq.s32 s9, $0x400;
	_ =	swait.ge [sflag:s25], $0x400  }
0x12d: {  	s9 =	sshrl.u32 @!p1 s14, $0x3;
	[sflag:s25] =	ssyncset.done $0x0  }
0x12e: {  	s10 =	sadd.s32 @!p1 s5, s9;
	s11 =	simm.s32 @!p1 $0x0;
	[sflag:s25] =	ssyncadd.s32 $0xFFFFFC00  }
0x12f: {  	[tilespmem:s11], [sflag:$0x1] =	stream.linear.gather @!p1 [hbm4b:s10+s11], $0x400, $0x38;
	[tilespmem:$0x1D000] =	vst v63  }
0x130: {  	s9 =	sadd.s32 @!p1 s6, s9;
	s10 =	simm.s32 @!p1 $0x800  }
0x131: {  	[tilespmem:s10], [sflag:$0x1] =	stream.linear.gather @!p1 [hbm4b:s9+s11], $0x400, $0x38;
	[tilespmem:$0x1D000] =	vst v63  }
0x132: {  	_ = 	snop  }
0x133: {  	[tilespmem:s15], [sflag:$0x3] =	stream.indirect.gather [hbm4b:s1+s21], $0x80, s19, s21, $0xb8;
	[tilespmem:$0x1D000] =	vst v63  }
0x134: {  	s11 =	rddreg [dreg:$0x13]  }
0x135: {  	[tilespmem:s22], [sflag:$0x4] =	stream.indirect.gather [hbm4b:s1+s21], $0x80, s11, s21, $0xb8;
	[tilespmem:$0x1D000] =	vst v63  }
0x136: {  	_ =	swait.ge [sflag:s23], $0x4000  }
0x137: {  	[sflag:s23] =	ssyncset.done $0x0  }
0x138: {  	[sflag:s23] =	ssyncadd.s32 $0xFFFFC000  }
0x139: {  	[spmem:s2] =	stream.indirect.scatter.add.f32 [tilespmem:s15], [sflag:$0x5], $0x80, s20, s21, $0xb8;
	[tilespmem:$0x1D000] =	vst v63  }
0x13a: {  	_ =	swait.ge [sflag:s16], $0x4000  }
0x13b: {  	[sflag:s16] =	ssyncset.done $0x0  }
0x13c: {  	s10 =	rddreg [dreg:$0x14];
	[sflag:s16] =	ssyncadd.s32 $0xFFFFC000  }
0x13d: {  	[tilespmem:s15], [sflag:$0x3] =	stream.indirect.gather [hbm4b:s1+s21], $0x80, s10, s21, $0xb8;
	[tilespmem:$0x1D000] =	vst v63  }
0x13e: {  	_ =	swait.ge [sflag:s24], $0x4000  }
0x13f: {  	[sflag:s24] =	ssyncset.done $0x0  }
0x140: {  	s11 =	rddreg [dreg:$0x15];
	[sflag:s24] =	ssyncadd.s32 $0xFFFFC000  }
0x141: {  	[spmem:s2] =	stream.indirect.scatter.add.f32 [tilespmem:s22], [sflag:$0x5], $0x80, s11, s21, $0xb8;
	[tilespmem:$0x1D000] =	vst v63  }
0x142: {  	_ =	swait.ge [sflag:s16], $0x4000  }
0x143: {  	[sflag:s16] =	ssyncset.done $0x0  }
0x144: {  	s10 =	rddreg [dreg:$0x16];
	[sflag:s16] =	ssyncadd.s32 $0xFFFFC000  }
0x145: {  	[tilespmem:s22], [sflag:$0x4] =	stream.indirect.gather [hbm4b:s1+s21], $0x80, s10, s21, $0xb8;
	[tilespmem:$0x1D000] =	vst v63  }
0x146: {  	_ =	swait.ge [sflag:s23], $0x4000  }
0x147: {  	[sflag:s23] =	ssyncset.done $0x0  }
0x148: {  	s11 =	rddreg [dreg:$0x17];
	[sflag:s23] =	ssyncadd.s32 $0xFFFFC000  }
0x149: {  	[spmem:s2] =	stream.indirect.scatter.add.f32 [tilespmem:s15], [sflag:$0x5], $0x80, s11, s21, $0xb8;
	[tilespmem:$0x1D000] =	vst v63  }
0x14a: {  	_ =	swait.ge [sflag:s16], $0x4000  }
0x14b: {  	[sflag:s16] =	ssyncset.done $0x0  }
0x14c: {  	s10 =	rddreg [dreg:$0x18];
	[sflag:s16] =	ssyncadd.s32 $0xFFFFC000  }
0x14d: {  	[tilespmem:s15], [sflag:$0x3] =	stream.indirect.gather [hbm4b:s1+s21], $0x80, s10, s21, $0xb8;
	[tilespmem:$0x1D000] =	vst v63  }
0x14e: {  	_ =	swait.ge [sflag:s24], $0x4000  }
0x14f: {  	[sflag:s24] =	ssyncset.done $0x0  }
0x150: {  	s11 =	rddreg [dreg:$0x19];
	[sflag:s24] =	ssyncadd.s32 $0xFFFFC000  }
0x151: {  	[spmem:s2] =	stream.indirect.scatter.add.f32 [tilespmem:s22], [sflag:$0x5], $0x80, s11, s21, $0xb8;
	[tilespmem:$0x1D000] =	vst v63  }
0x152: {  	_ =	swait.ge [sflag:s16], $0x4000  }
0x153: {  	[sflag:s16] =	ssyncset.done $0x0  }
0x154: {  	s10 =	rddreg [dreg:$0x1a];
	[sflag:s16] =	ssyncadd.s32 $0xFFFFC000  }
0x155: {  	[tilespmem:s22], [sflag:$0x4] =	stream.indirect.gather [hbm4b:s1+s21], $0x80, s10, s21, $0xb8;
	[tilespmem:$0x1D000] =	vst v63  }
0x156: {  	_ =	swait.ge [sflag:s23], $0x4000  }
0x157: {  	[sflag:s23] =	ssyncset.done $0x0  }
0x158: {  	s11 =	rddreg [dreg:$0x1b];
	[sflag:s23] =	ssyncadd.s32 $0xFFFFC000  }
0x159: {  	[spmem:s2] =	stream.indirect.scatter.add.f32 [tilespmem:s15], [sflag:$0x5], $0x80, s11, s21, $0xb8;
	[tilespmem:$0x1D000] =	vst v63  }
0x15a: {  	_ =	swait.ge [sflag:s16], $0x4000  }
0x15b: {  	[sflag:s16] =	ssyncset.done $0x0  }
0x15c: {  	[sflag:s16] =	ssyncadd.s32 $0xFFFFC000  }
0x15d: {  	[tilespmem:s15], [sflag:$0x3] =	stream.indirect.gather [hbm4b:s1+s21], $0x80, s26, s21, $0xb8;
	[tilespmem:$0x1D000] =	vst v63  }
0x15e: {  	_ =	swait.ge [sflag:s24], $0x4000  }
0x15f: {  	[sflag:s24] =	ssyncset.done $0x0  }
0x160: {  	[sflag:s24] =	ssyncadd.s32 $0xFFFFC000  }
0x161: {  	[spmem:s2] =	stream.indirect.scatter.add.f32 [tilespmem:s22], [sflag:$0x5], $0x80, s28, s21, $0xb8;
	[tilespmem:$0x1D000] =	vst v63  }
0x162: {  	_ =	swait.ge [sflag:s16], $0x4000  }
0x163: {  	[sflag:s16] =	ssyncset.done $0x0  }
0x164: {  	[sflag:s16] =	ssyncadd.s32 $0xFFFFC000  }
0x165: {  	[tilespmem:s22], [sflag:$0x4] =	stream.indirect.gather [hbm4b:s1+s21], $0x80, s29, s21, $0xb8;
	[tilespmem:$0x1D000] =	vst v63  }
0x166: {  	_ =	swait.ge [sflag:s23], $0x4000  }
0x167: {  	[sflag:s23] =	ssyncset.done $0x0  }
0x168: {  	[sflag:s23] =	ssyncadd.s32 $0xFFFFC000  }
0x169: {  	[spmem:s2] =	stream.indirect.scatter.add.f32 [tilespmem:s15], [sflag:$0x5], $0x80, s30, s21, $0xb8;
	[tilespmem:$0x1D000] =	vst v63  }
0x16a: {  	_ =	swait.ge [sflag:s16], $0x4000  }
0x16b: {  	[sflag:s16] =	ssyncset.done $0x0  }
0x16c: {  	s3 =	sadd.s32 $0x100, s3;
	[sflag:s16] =	ssyncadd.s32 $0xFFFFC000  }
0x16d: {  	p0 =	sne.s32 s3, $0x500;
	_ =	swait.ge [sflag:s24], $0x4000  }
.Ltmp1:
0x16e: {  	[sflag:s24] =	ssyncset.done $0x0;
	(pc) =	sbr.rel @p0 .LBB2_4-.Ltmp1, $4  }
0x16f: {  	[sflag:s24] =	ssyncadd.s32 $0xFFFFC000  }
0x170: {  	[spmem:s2] =	stream.indirect.scatter.add.f32 [tilespmem:s22], [sflag:$0x5], $0x80, s31, s21, $0xb8;
	[tilespmem:$0x1D000] =	vst v63  }
0x171: {  	_ =	swait.ge [sflag:s16], $0x4000  }
0x172: {  	[sflag:s16] =	ssyncset.done $0x0  }
0x173: {  	[sflag:s16] =	ssyncadd.s32 $0xFFFFC000;
	s3 =	stileid.u32;
	s0 =	sadd.s32 $0x1, s0  }
0x174: {  	s9 =	sshrl.u32 s7, $0x3;
	s3 =	sshll.u32 s3, $0x6;
	p0 =	sne.s32 s0, s13  }
.Ltmp2:
0x175: {  	[bflag:$0x0] =	sbarrier.arrive $0xFFFF;
	s3 =	sor.u32 $0x1C05, s3;
	(pc) =	sbr.rel @p0 .LBB2_1-.Ltmp2, $4  }
0x176: {  	[hbm:s12], [sflag:s3] =	dma.local [spmem:s9], $0x2800  }
0x177: {  	_ =	swait.ge [sflag:s16], $0x2800  }
0x178: {  	[sflag:s16] =	ssyncset.done $0x0  }
0x179: {  	[sflag:s16] =	ssyncadd.s32 $0xFFFFD800  }
0x17a: {  	_ =	sfence.sel $0x180000  }
0x17b: {  	[bflag:$0x0] =	sbarrier.arrive $0xFFFF  }
0x17c: {  	_ =	strace $0x9000004D  }
0x17d: {  	s0 =	stileid.u32;
	[bflag:$0x2] =	sbarrier.arrive $0xFFFF  }
0x17e: {  	p0 =	sne.s32 s0, $0x0;
	s0 =	rddreg [dreg:$0x3]  }
0x17f: {  	s0 =	sadd.s32 @!p0 $0x100000, s0  }
0x180: {  	[sflag:s0] =	ssyncadd.tile.s32 @!p0 $0x1;
	_ =	shalt  }
.Lfunc_end2:
_tile_overlayer_lowered:
.L_overlay_start_2:
0x181: {  	(tag) =	ssettag $0x2  }
0x182: {  	s0 =	rddreg [dreg:$0x0];
	s2 =	stileid.u32  }
0x183: {  	s1 =	rddreg [dreg:$0x1];
	p0 =	sne.s32 s2, $0x0  }
0x184: {  	s3 =	rddreg [dreg:$0x2];
	[bflag:$0x3] =	sbarrier.arrive $0xFFFF;
	s2 =	simm.s32 @!p0 $0x1C05  }
0x185: {  	[timem:s3], [sflag:s2] =	dma.local @!p0 [hbm:s0], s1  }
0x186: {  	s0 =	simm.s32 @!p0 $0x5  }
0x187: {  	_ =	swait.ge @!p0 [sflag:s0], s1  }
0x188: {  	s1 =	ssub.s32 @!p0 $0x0, s1;
	[sflag:s0] =	ssyncset.done @!p0 $0x0  }
0x189: {  	[sflag:s0] =	ssyncadd.s32 @!p0 s1  }
0x18a: {  	[bflag:$0x3] =	sbarrier.arrive $0xFFFF  }
0x18b: {  	_ =	shalt  }

// kernel: kernel.8.cloned.1.call-start
scs
__scs_entry_jumppad:
0x0: {  	(pc) =	sbr.rel $0x88, $3  }
0x1: {  	(tag) =	ssettag $0x0;
	lr =	simm.s32 $0x1  }
0x2: {  	[smem:$0x3F9B] =	sst lr;
	_ =	strace $0xD0000000  }
0x3: {  	_ = 	snop  }
0x4: {  	_ = 	snop  }
0x5: {  	_ = 	snop  }
0x6: {  	_ = 	snop  }
0x7: {  	_ = 	snop  }
__scs_overlays_trampoline_lowered:
0x8: {  	[smem:$0x3FAA] =	sst s0  }
0x9: {  	[smem:$0x3FAB] =	sst s1  }
0xa: {  	[smem:$0x3FAC] =	sst s2  }
0xb: {  	[smem:$0x3FAD] =	sst s3  }
0xc: {  	[smem:$0x3FAE] =	sst s4  }
0xd: {  	[smem:$0x3FAF] =	sst s5  }
0xe: {  	[smem:$0x3FB0] =	sst s6  }
0xf: {  	[smem:$0x3FB1] =	sst s7  }
0x10: {  	[smem:$0x3FB2] =	sst s8  }
0x11: {  	[smem:$0x3FB3] =	sst s9;
	s0 =	simm.s32 @!p0 $0x0  }
0x12: {  	s1 =	sld [smem:$0x3F99];
	s0 =	simm.s32 @p0 $0x1  }
0x13: {  	[smem:$0x3FB4] =	sst s0;
	s0 =	simm.s32 @!p1 $0x0  }
0x14: {  	s2 =	sld [smem:$0x3F98];
	s0 =	simm.s32 @p1 $0x1  }
0x15: {  	[smem:$0x3FB5] =	sst s0;
	s0 =	simm.s32 @!p2 $0x0  }
0x16: {  	s3 =	sld [smem:$0x3FDB];
	s0 =	simm.s32 @p2 $0x1  }
0x17: {  	s4 =	simm.s32 $0x1BF5;
	[smem:$0x3FB7] =	sst s0  }
0x18: {  	s0 =	sld [smem:$0x3F9A];
	_ =	swait.ge [sflag:s4], $0x0  }
0x19: {  	s7 =	sld [smem:$0x3F9B]  }
0x1a: {  	s8 =	sadd.s32 $0xFFFFE003, lr  }
0x1b: {  	s9 =	sadd.s32 $0xFFFFFEF7, lr;
	s5 =	simm.s32 $0xFFFFFFFF;
	p2 =	slt.u32 s8, $0xFFFFF086  }
0x1c: {  	p1 =	slt.u32 s9, $0xF7A;
	s5 =	simm.s32 @!p2 $0x0  }
0x1d: {  	s5 =	simm.s32 @p1 $0x1;
	p0 =	seq.s32 s7, s2  }
0x1e: {  	s7 =	smul.u32 @!p0 $0xF7A, s2;
	p2 =	seq.s32 @!p0 s5, $0x0  }
0x1f: {  	s9 =	smul.u32 $0xF7A, s1;
	s8 =	simm.s32 @!p0 $0x1BF5;
	p2 =	por !p2, p0  }
0x20: {  	[sflag:s8] =	ssyncset.s32 @!p0 $0xFFFFF086;
	s6 =	sadd.s32 @!p0 s3, s7;
	s7 =	simm.s32 @!p0 $0x108  }
0x21: {  	s3 =	sadd.s32 s3, s9;
	s6 =	sadd.s32 @!p0 $0x88, s6;
	s7 =	simm.s32 @p2 $0x1082  }
0x22: {  	[simem:s7], [sflag:s8] =	dma.local @!p0 [hbm:s6], $0xF7A  }
0x23: {  	s9 =	sor.u32 $0xD0000000, s2;
	s6 =	simm.s32 $0x108;
	_ =	swait.ge @!p0 [sflag:s8], $0x0  }
0x24: {  	s3 =	sadd.s32 $0x88, s3;
	s6 =	simm.s32 @!p1 $0x1082;
	[sflag:s4] =	ssyncset.s32 $0xFFFFF086  }
0x25: {  	[simem:s6], [sflag:s4] =	dma.local [hbm:s3], $0xF7A  }
0x26: {  	[smem:$0x3F9B] =	sst s1;
	(tag) =	ssettag s2;
	_ =	strace s9  }
0x27: {  	s1 =	sld [smem:$0x3FAB]  }
0x28: {  	s2 =	sld [smem:$0x3FAC]  }
0x29: {  	s4 =	sld [smem:$0x3FAE]  }
0x2a: {  	p0 =	seq.s32 s5, $0x0;
	s5 =	sld [smem:$0x3FAF]  }
0x2b: {  	s6 =	sld [smem:$0x3FB0]  }
0x2c: {  	s7 =	sld [smem:$0x3FB1]  }
0x2d: {  	s3 =	simm.s32 $0x108;
	s8 =	sld [smem:$0x3FB2]  }
0x2e: {  	s3 =	simm.s32 @!p0 $0x1082;
	s9 =	sld [smem:$0x3FB3]  }
0x2f: {  	lr =	sadd.s32 s0, s3;
	s0 =	sld [smem:$0x3FAA]  }
0x30: {  	s3 =	sld [smem:$0x3FAD]  }
0x31: {  	[smem:$0x3FB6] =	sst s10  }
0x32: {  	s10 =	sld [smem:$0x3FB4];
	_ =	sdelay $0x3  }
0x33: {  	p0 =	seq.s32 s10, $0x1;
	s10 =	sld [smem:$0x3FB6];
	_ =	sdelay $0x3  }
0x34: {  	[smem:$0x3FB6] =	sst s10  }
0x35: {  	s10 =	sld [smem:$0x3FB5];
	_ =	sdelay $0x3  }
0x36: {  	p1 =	seq.s32 s10, $0x1;
	s10 =	sld [smem:$0x3FB6];
	_ =	sdelay $0x3  }
0x37: {  	[smem:$0x3FB6] =	sst s10  }
0x38: {  	s10 =	sld [smem:$0x3FB7]  }
0x39: {  	_ = 	snop;
	(pc) =	sbr.ind lr, $3  }
0x3a: {  	_ = 	snop  }
0x3b: {  	_ = 	snop  }
0x3c: {  	p2 =	seq.s32 s10, $0x1;
	s10 =	sld [smem:$0x3FB6]  }
0x3d: {  	_ =	shalt  }
0x3e: {  	_ =	shalt  }
0x3f: {  	_ =	shalt  }
0x40: {  	_ =	shalt  }
0x41: {  	_ =	shalt  }
0x42: {  	_ =	shalt  }
0x43: {  	_ =	shalt  }
0x44: {  	_ =	shalt  }
0x45: {  	_ =	shalt  }
0x46: {  	_ =	shalt  }
0x47: {  	_ =	shalt  }
0x48: {  	_ =	shalt  }
0x49: {  	_ =	shalt  }
0x4a: {  	_ =	shalt  }
0x4b: {  	_ =	shalt  }
0x4c: {  	_ =	shalt  }
0x4d: {  	_ =	shalt  }
0x4e: {  	_ =	shalt  }
0x4f: {  	_ =	shalt  }
0x50: {  	_ =	shalt  }
0x51: {  	_ =	shalt  }
0x52: {  	_ =	shalt  }
0x53: {  	_ =	shalt  }
0x54: {  	_ =	shalt  }
0x55: {  	_ =	shalt  }
0x56: {  	_ =	shalt  }
0x57: {  	_ =	shalt  }
0x58: {  	_ =	shalt  }
0x59: {  	_ =	shalt  }
0x5a: {  	_ =	shalt  }
0x5b: {  	_ =	shalt  }
0x5c: {  	_ =	shalt  }
0x5d: {  	_ =	shalt  }
0x5e: {  	_ =	shalt  }
0x5f: {  	_ =	shalt  }
0x60: {  	_ =	shalt  }
0x61: {  	_ =	shalt  }
0x62: {  	_ =	shalt  }
0x63: {  	_ =	shalt  }
0x64: {  	_ =	shalt  }
0x65: {  	_ =	shalt  }
0x66: {  	_ =	shalt  }
0x67: {  	_ =	shalt  }
0x68: {  	_ =	shalt  }
0x69: {  	_ =	shalt  }
0x6a: {  	_ =	shalt  }
0x6b: {  	_ =	shalt  }
0x6c: {  	_ =	shalt  }
0x6d: {  	_ =	shalt  }
0x6e: {  	_ =	shalt  }
0x6f: {  	_ =	shalt  }
0x70: {  	_ =	shalt  }
0x71: {  	_ =	shalt  }
0x72: {  	_ =	shalt  }
0x73: {  	_ =	shalt  }
0x74: {  	_ =	shalt  }
0x75: {  	_ =	shalt  }
0x76: {  	_ =	shalt  }
0x77: {  	_ =	shalt  }
0x78: {  	_ =	shalt  }
0x79: {  	_ =	shalt  }
0x7a: {  	_ =	shalt  }
0x7b: {  	_ =	shalt  }
0x7c: {  	_ =	shalt  }
0x7d: {  	_ =	shalt  }
0x7e: {  	_ =	shalt  }
0x7f: {  	_ =	shalt  }
0x80: {  	_ =	shalt  }
0x81: {  	_ =	shalt  }
0x82: {  	_ =	shalt  }
0x83: {  	_ =	shalt  }
0x84: {  	_ =	shalt  }
0x85: {  	_ =	shalt  }
0x86: {  	_ =	shalt  }
0x87: {  	_ =	shalt  }
.Lfunc_end0:
.L_simem_size_0:
called_computation_lowered:
.L_overlay_start_0:
0x88: {  	s2 =	sld [smem:$0x3FD9]  }
0x89: {  	s3 =	sld [smem:$0x3FFE];
	_ =	sdelay $0x1  }
0x8a: {  	s1 =	srdreg.scid  }
0x8b: {  	s0 =	sand.u32 $0x1, s1  }
0x8c: {  	s17 =	sshll.u32 s0, $0xA;
	s2 =	sadd.s32 s3, s2  }
0x8d: {  	s2 =	sadd.s32 s2, s17  }
0x8e: {  	[smem:$0x3FC2] =	sst s2  }
0x8f: {  	_ = 	snop  }
0x90: {  	s2 =	sld [smem:$0x3FD0];
	(tm) =	ssettm $0x1  }
0x91: {  	s18 =	sld [smem:$0x3FFB];
	_ =	sdelay $0x3  }
0x92: {  	_ =	strace s18  }
0x93: {  	s3 =	sld [smem:$0x3FFC];
	_ =	sdelay $0x3  }
0x94: {  	_ =	strace s3  }
0x95: {  	s3 =	sld [smem:$0x3FFD];
	_ =	sdelay $0x3  }
0x96: {  	_ =	strace s3  }
0x97: {  	_ =	strace $0x8FFFFFFF  }
0x98: {  	s19 =	sld [smem:$0x3FDB];
	_ =	sdelay $0x1  }
0x99: {  	s4 =	simm.s32 $_scs_section_size  }
0x9a: {  	s5 =	simm.s32 $_size__tile_overlayer_lowered;
	s6 =	simm.s32 $_tile_overlayer_lowered  }
0x9b: {  	s22 =	simm.s32 $0x1BFF;
	s21 =	sshll.u32 s6, $0x1;
	s3 =	sadd.s32 s4, s19  }
0x9c: {  	s7 =	simm.s32 $0x0;
	s20 =	sshll.u32 s5, $0x1;
	s5 =	sadd.s32 s21, s3  }
0x9d: {  	[timem:s7], [sflag:s22] =	dma.local [hbm:s5], s20  }
0x9e: {  	_ =	swait.ge [sflag:s22], s20  }
0x9f: {  	s4 =	ssub.s32 $0x0, s20;
	[sflag:s22] =	ssyncset.done $0x0  }
0xa0: {  	[sflag:s22] =	ssyncadd.s32 s4;
	_ =	sdelay $0x1  }
0xa1: {  	s23 =	simm.s32 $0x1B8B  }
0xa2: {  	_ =	swait.ge [sflag:s23], $0x1  }
0xa3: {  	[sflag:s23] =	ssyncset.done $0x0  }
0xa4: {  	s25 =	simm.s32 $0x1B8E;
	s24 =	sld [smem:$0x3FFE];
	[sflag:s23] =	ssyncadd.s32 $0xFFFFFFFF  }
0xa5: {  	s26 =	simm.s32 $execute0_lowered;
	[smem:$0x3FD2] =	sst s25  }
0xa6: {  	s5 =	sshll.u32 s26, $0x1;
	_ =	strace $0x80000046;
	[dreg:$0x1] =	wrdreg $0xFFFFFFFF  }
0xa7: {  	s28 =	simm.s32 $_size_execute0_lowered;
	s3 =	sadd.s32 s3, s5;
	[dreg:$0x0] =	wrdreg $0x0  }
0xa8: {  	s5 =	sshll.u32 s28, $0x1;
	[dreg:$0x2] =	wrdreg s3  }
0xa9: {  	[dreg:$0x3] =	wrdreg s5  }
0xaa: {  	[dreg:$0x4] =	wrdreg $0xC0  }
0xab: {  	_ =	task [dreg:s7], $0x5FFFF  }
0xac: {  	[dreg:$0x1] =	wrdreg $0xFFFFFFFF  }
0xad: {  	[dreg:$0x0] =	wrdreg $0x60  }
0xae: {  	[dreg:$0x2] =	wrdreg s2  }
0xaf: {  	[dreg:$0x3] =	wrdreg s24  }
0xb0: {  	[dreg:$0x4] =	wrdreg $0x90000  }
0xb1: {  	[dreg:$0x5] =	wrdreg $0x9  }
0xb2: {  	_ =	task.clear_ibuf [dreg:s7], $0x6FFFF;
	_ =	strace $0x90000046  }
0xb3: {  	s29 =	simm.s32 $0x9;
	_ =	strace $0x80000048  }
0xb4: {  	_ =	swait.ge [sflag:s29], $0x1  }
0xb5: {  	[sflag:s29] =	ssyncadd.s32 $0xFFFFFFFF  }
0xb6: {  	_ =	strace $0x90000048  }
0xb7: {  	_ =	sfence  }
0xb8: {  	s30 =	sld [smem:$0x0];
	_ =	sdelay $0x2  }
0xb9: {  	s31 =	sshll.u32 s1, $0xD;
	s1 =	sshrl.u32 s1, $0x2  }
0xba: {  	s3 =	sand.u32 $0x4000, s31;
	s1 =	sadd.s32 s1, s30  }
0xbb: {  	s0 =	sor.u32 s3, s0;
	s1 =	sshll.u32 s1, $0x11  }
0xbc: {  	s0 =	sor.u32 s1, s0  }
0xbd: {  	s0 =	sadd.s32 $0x8F2B, s0  }
0xbe: {  	[sflag:s0] =	ssyncadd.remote.s32 $0x1  }
0xbf: {  	_ =	sfence.sel $0xFFFF  }
0xc0: {  	[dreg:$0x0] =	wrdreg $0xFFFFFFFF;
	(pc) =	sbr.abs _section_cstart, $3  }
0xc1: {  	[dreg:$0x1] =	wrdreg $0xFFFFFFFF  }
0xc2: {  	_ =	task.clear_ibuf [dreg:s7], $0x2FFFF;
	_ =	strace $0x9FFFFFFF  }
0xc3: {  	(tm) =	ssettm $0x7FFFFFFF  }
tec
execute0_lowered:
.L_overlay_start_1:
0x0: {  	(tag) =	ssettag $0x1  }
0x1: {  	s1 =	rddreg [dreg:$0x0]  }
0x2: {  	s0 =	rddreg [dreg:$0x1]  }
0x3: {  	s3 =	srdreg.scid;
	s2 =	rddreg [dreg:$0x2];
	s4 =	simm.s32 $0x0  }
0x4: {  	s12 =	stileid.u32;
	s17 =	simm.s32 $0x100;
	s18 =	simm.s32 $0x880  }
0x5: {  	s19 =	simm.s32 $0x180;
	s20 =	simm.s32 $0x900;
	s22 =	simm.s32 $0x200  }
0x6: {  	s23 =	simm.s32 $0x980;
	s25 =	simm.s32 $0x280;
	s28 =	simm.s32 $0xE80  }
0x7: {  	s29 =	simm.s32 $0x780;
	s30 =	simm.s32 $0xF00;
	[smem:$0x7FF] =	sst s4  }
0x8: {  	s9 =	smul.u32 $0x2800, s12;
	_ =	strace $0x80000047;
	[dreg:$0x6] =	wrdreg s17  }
0x9: {  	s31 =	simm.s32 $0xF80;
	s10 =	smul.u32 $0x14000, s12;
	[dreg:$0x7] =	wrdreg s18  }
0xa: {  	s3 =	sand.u32 $0x1, s3;
	s16 =	smul.u32 $0x50000, s12;
	[dreg:$0x8] =	wrdreg s19  }
0xb: {  	s5 =	sadd.s32 $0x2400, s0;
	s7 =	smul.u32 $0x140000, s3;
	[dreg:$0x9] =	wrdreg s20  }
0xc: {  	s6 =	sadd.s32 $0xC400, s0;
	s8 =	smul.u32 $0x28000, s3;
	[dreg:$0xa] =	wrdreg s22  }
0xd: {  	s26 =	ssub.s32 $0x2, s3;
	s3 =	sshll.u32 s3, $0x4;
	[dreg:$0xb] =	wrdreg s23  }
0xe: {  	[dreg:$0xc] =	wrdreg s25;
	s17 =	simm.s32 $0xB80;
	s18 =	simm.s32 $0x480  }
0xf: {  	s19 =	simm.s32 $0x500;
	s20 =	simm.s32 $0xC80;
	[dreg:$0x12] =	wrdreg s17  }
0x10: {  	s22 =	simm.s32 $0xD00;
	s23 =	simm.s32 $0x600;
	[dreg:$0x13] =	wrdreg s18  }
0x11: {  	s25 =	simm.s32 $0x680;
	s11 =	sshrl.u32 s26, $0x1;
	[dreg:$0x14] =	wrdreg s19  }
0x12: {  	s3 =	sor.u32 s12, s3;
	s17 =	simm.s32 $0x800;
	[dreg:$0x15] =	wrdreg s20  }
0x13: {  	s18 =	simm.s32 $0x1;
	s19 =	simm.s32 $0x400;
	[dreg:$0x17] =	wrdreg s22  }
0x14: {  	s20 =	simm.s32 $0xC00;
	[dreg:$0x18] =	wrdreg s23;
	s22 =	simm.s32 $0x5000  }
0x15: {  	s23 =	simm.s32 $0x3;
	[dreg:$0x1a] =	wrdreg s25;
	s25 =	simm.s32 $0x2  }
0x16: {  	s8 =	sadd.s32 s9, s8;
	s7 =	sadd.s32 s10, s7;
	s9 =	ssub.s32 s26, s11  }
0x17: {  	s3 =	smul.u32 $0x2800, s3;
	s26 =	simm.s32 $0xA00;
	s13 =	sor.u32 $0x400, s8  }
0x18: {  	s7 =	sshrl.u32 s7, $0x3;
	[dreg:$0xd] =	wrdreg s26;
	s26 =	simm.s32 $0xE00  }
0x19: {  	s10 =	sshrl.u32 s13, $0x3;
	s13 =	simm.s32 $0x300;
	[dreg:$0x1b] =	wrdreg s26  }
0x1a: {  	s8 =	sadd.s32 $0x800, s8;
	s14 =	sadd.s32 s10, s6;
	[dreg:$0xe] =	wrdreg s13  }
0x1b: {  	s3 =	sshrl.u32 s3, $0x3;
	s15 =	sadd.s32 s10, s5;
	[dreg:$0x4] =	wrdreg s14  }
0x1c: {  	s0 =	sadd.s32 s7, s0;
	s12 =	sadd.s32 s5, s3;
	[dreg:$0x5] =	wrdreg s15  }
0x1d: {  	s26 =	simm.s32 $0x700;
	s3 =	sadd.s32 s6, s3;
	[dreg:$0x1e] =	wrdreg s12  }
0x1e: {  	s10 =	sshrl.u32 s16, $0x2;
	s16 =	simm.s32 $0xB00;
	[dreg:$0x1f] =	wrdreg s3  }
0x1f: {  	s13 =	smax.u32 s9, $0x1;
	s14 =	simm.s32 $0xA80;
	[dreg:$0x11] =	wrdreg s16  }
0x20: {  	s7 =	sadd.s32 s10, s2;
	s15 =	simm.s32 $0x380;
	[dreg:$0xf] =	wrdreg s14  }
0x21: {  	s12 =	sadd.s32 $0x16400, s0;
	s21 =	sadd.s32 $0x8000, s7;
	[dreg:$0x10] =	wrdreg s15  }
0x22: {  	s16 =	simm.s32 $0x5;
	s24 =	sadd.s32 $0x10000, s7;
	[dreg:$0x1c] =	wrdreg s21  }
0x23: {  	s0 =	simm.s32 $0x0;
	[dreg:$0x1d] =	wrdreg s24;
	s21 =	simm.s32 $0x580  }
0x24: {  	s15 =	simm.s32 $0x1000;
	s24 =	simm.s32 $0xD80;
	[dreg:$0x16] =	wrdreg s21  }
0x25: {  	v0 =	vimm.f32 $0.0e+00;
	s21 =	simm.s32 $0x80;
	[dreg:$0x19] =	wrdreg s24;
	s24 =	simm.s32 $0x4  }
.LBB2_1:
0x26: {  	s3 =	simm.s32 $0x0;
	s9 =	simm.s32 $0x200  }
.LBB2_2:
0x27: {  	p0 =	sne.s32 s9, $0x1FE00;
	[tilespmem:s3+$0x1070] =	vst v0  }
0x28: {  	[tilespmem:s3+$0x1000] =	vst v0  }
0x29: {  	[tilespmem:s3+$0x1010] =	vst v0  }
.Ltmp0:
0x2a: {  	[tilespmem:s3+$0x1020] =	vst v0;
	(pc) =	sbr.rel @p0 .LBB2_2-.Ltmp0, $4  }
0x2b: {  	[tilespmem:s3+$0x1030] =	vst v0  }
0x2c: {  	[tilespmem:s3+$0x1040] =	vst v0  }
0x2d: {  	[tilespmem:s3+$0x1050] =	vst v0  }
0x2e: {  	[tilespmem:s3+$0x1060] =	vst v0;
	s3 =	sshra.s32 s9, $0x2;
	s9 =	sadd.s32 $0x200, s9  }
0x2f: {  	[tilespmem:s3+$0x1070] =	vst v0  }
0x30: {  	[tilespmem:s3+$0x1000] =	vst v0  }
0x31: {  	[tilespmem:s3+$0x1010] =	vst v0  }
0x32: {  	[tilespmem:s3+$0x1020] =	vst v0  }
0x33: {  	[tilespmem:s3+$0x1030] =	vst v0  }
0x34: {  	[tilespmem:s3+$0x1040] =	vst v0  }
0x35: {  	[tilespmem:s3+$0x1050] =	vst v0  }
0x36: {  	[tilespmem:s3+$0x1060] =	vst v0  }
0x37: {  	[spmem:s7] =	stream.linear.scatter [tilespmem:s15], [sflag:$0x5], $0x8000, $0x38;
	[tilespmem:$0x1D000] =	vst v63  }
0x38: {  	_ =	swait.ge [sflag:s16], $0x8000  }
0x39: {  	[sflag:s16] =	ssyncset.done $0x0  }
0x3a: {  	s10 =	rddreg [dreg:$0x1c];
	[sflag:s16] =	ssyncadd.s32 $0xFFFF8000  }
0x3b: {  	[spmem:s10] =	stream.linear.scatter [tilespmem:s15], [sflag:$0x5], $0x8000, $0x38;
	[tilespmem:$0x1D000] =	vst v63  }
0x3c: {  	_ =	swait.ge [sflag:s16], $0x8000  }
0x3d: {  	[sflag:s16] =	ssyncset.done $0x0  }
0x3e: {  	s11 =	rddreg [dreg:$0x1d];
	[sflag:s16] =	ssyncadd.s32 $0xFFFF8000  }
0x3f: {  	[spmem:s11] =	stream.linear.scatter [tilespmem:s15], [sflag:$0x5], $0x4000, $0x38;
	[tilespmem:$0x1D000] =	vst v63  }
0x40: {  	_ =	swait.ge [sflag:s16], $0x4000  }
0x41: {  	[sflag:s16] =	ssyncset.done $0x0  }
0x42: {  	[sflag:s16] =	ssyncadd.s32 $0xFFFFC000  }
0x43: {  	[bflag:$0x0] =	sbarrier.arrive $0xFFFF  }
0x44: {  	s14 =	simm.s32 $0x0;
	s9 =	rddreg [dreg:$0x1e]  }
0x45: {  	[tilespmem:s14], [sflag:$0x1] =	stream.linear.gather [hbm4b:s9+s14], $0x400, $0x38;
	[tilespmem:$0x1D000] =	vst v63  }
0x46: {  	s10 =	rddreg [dreg:$0x1f]  }
0x47: {  	[tilespmem:s17], [sflag:$0x1] =	stream.linear.gather [hbm4b:s10+s14], $0x400, $0x38;
	[tilespmem:$0x1D000] =	vst v63  }
0x48: {  	_ =	swait.ge [sflag:s18], $0x400  }
0x49: {  	[sflag:s18] =	ssyncset.done $0x0  }
0x4a: {  	[sflag:s18] =	ssyncadd.s32 $0xFFFFFC00  }
0x4b: {  	_ =	swait.ge [sflag:s18], $0x400  }
0x4c: {  	s11 =	rddreg [dreg:$0x5];
	[sflag:s18] =	ssyncset.done $0x0  }
0x4d: {  	s14 =	rddreg [dreg:$0x4];
	[sflag:s18] =	ssyncadd.s32 $0xFFFFFC00;
	s3 =	sadd.s32 $0x0, s11  }
0x4e: {  	[tilespmem:s19], [sflag:$0x2] =	stream.linear.gather [hbm4b:s3+s4], $0x400, $0x38;
	[tilespmem:$0x1D000] =	vst v63  }
0x4f: {  	s10 =	sadd.s32 $0x0, s14  }
0x50: {  	[tilespmem:s20], [sflag:$0x2] =	stream.linear.gather [hbm4b:s10+s4], $0x400, $0x38;
	[tilespmem:$0x1D000] =	vst v63  }
0x51: {  	_ = 	snop  }
0x52: {  	[tilespmem:s15], [sflag:$0x3] =	stream.indirect.gather [hbm4b:s1+s21], $0x80, s4, s21, $0xb8;
	[tilespmem:$0x1D000] =	vst v63  }
0x53: {  	_ = 	snop  }
0x54: {  	[tilespmem:s22], [sflag:$0x4] =	stream.indirect.gather [hbm4b:s1+s21], $0x80, s21, s21, $0xb8;
	[tilespmem:$0x1D000] =	vst v63  }
0x55: {  	_ =	swait.ge [sflag:s23], $0x4000  }
0x56: {  	[sflag:s23] =	ssyncset.done $0x0  }
0x57: {  	[sflag:s23] =	ssyncadd.s32 $0xFFFFC000  }
0x58: {  	[spmem:s2] =	stream.indirect.scatter.add.f32 [tilespmem:s15], [sflag:$0x5], $0x80, s17, s21, $0xb8;
	[tilespmem:$0x1D000] =	vst v63  }
0x59: {  	_ =	swait.ge [sflag:s16], $0x4000  }
0x5a: {  	[sflag:s16] =	ssyncset.done $0x0  }
0x5b: {  	s11 =	rddreg [dreg:$0x6];
	[sflag:s16] =	ssyncadd.s32 $0xFFFFC000  }
0x5c: {  	[tilespmem:s15], [sflag:$0x3] =	stream.indirect.gather [hbm4b:s1+s21], $0x80, s11, s21, $0xb8;
	[tilespmem:$0x1D000] =	vst v63  }
0x5d: {  	_ =	swait.ge [sflag:s24], $0x4000  }
0x5e: {  	[sflag:s24] =	ssyncset.done $0x0  }
0x5f: {  	s14 =	rddreg [dreg:$0x7];
	[sflag:s24] =	ssyncadd.s32 $0xFFFFC000  }
0x60: {  	[spmem:s2] =	stream.indirect.scatter.add.f32 [tilespmem:s22], [sflag:$0x5], $0x80, s14, s21, $0xb8;
	[tilespmem:$0x1D000] =	vst v63  }
0x61: {  	_ =	swait.ge [sflag:s16], $0x4000  }
0x62: {  	[sflag:s16] =	ssyncset.done $0x0  }
0x63: {  	s9 =	rddreg [dreg:$0x8];
	[sflag:s16] =	ssyncadd.s32 $0xFFFFC000  }
0x64: {  	[tilespmem:s22], [sflag:$0x4] =	stream.indirect.gather [hbm4b:s1+s21], $0x80, s9, s21, $0xb8;
	[tilespmem:$0x1D000] =	vst v63  }
0x65: {  	_ =	swait.ge [sflag:s23], $0x4000  }
0x66: {  	[sflag:s23] =	ssyncset.done $0x0  }
0x67: {  	s10 =	rddreg [dreg:$0x9];
	[sflag:s23] =	ssyncadd.s32 $0xFFFFC000  }
0x68: {  	[spmem:s2] =	stream.indirect.scatter.add.f32 [tilespmem:s15], [sflag:$0x5], $0x80, s10, s21, $0xb8;
	[tilespmem:$0x1D000] =	vst v63  }
0x69: {  	_ =	swait.ge [sflag:s16], $0x4000  }
0x6a: {  	[sflag:s16] =	ssyncset.done $0x0  }
0x6b: {  	s11 =	rddreg [dreg:$0xa];
	[sflag:s16] =	ssyncadd.s32 $0xFFFFC000  }
0x6c: {  	[tilespmem:s15], [sflag:$0x3] =	stream.indirect.gather [hbm4b:s1+s21], $0x80, s11, s21, $0xb8;
	[tilespmem:$0x1D000] =	vst v63  }
0x6d: {  	_ =	swait.ge [sflag:s24], $0x4000  }
0x6e: {  	[sflag:s24] =	ssyncset.done $0x0  }
0x6f: {  	s14 =	rddreg [dreg:$0xb];
	[sflag:s24] =	ssyncadd.s32 $0xFFFFC000  }
0x70: {  	[spmem:s2] =	stream.indirect.scatter.add.f32 [tilespmem:s22], [sflag:$0x5], $0x80, s14, s21, $0xb8;
	[tilespmem:$0x1D000] =	vst v63  }
0x71: {  	_ =	swait.ge [sflag:s16], $0x4000  }
0x72: {  	[sflag:s16] =	ssyncset.done $0x0  }
0x73: {  	s9 =	rddreg [dreg:$0xc];
	[sflag:s16] =	ssyncadd.s32 $0xFFFFC000  }
0x74: {  	[tilespmem:s22], [sflag:$0x4] =	stream.indirect.gather [hbm4b:s1+s21], $0x80, s9, s21, $0xb8;
	[tilespmem:$0x1D000] =	vst v63  }
0x75: {  	_ =	swait.ge [sflag:s23], $0x4000  }
0x76: {  	[sflag:s23] =	ssyncset.done $0x0  }
0x77: {  	s10 =	rddreg [dreg:$0xd];
	[sflag:s23] =	ssyncadd.s32 $0xFFFFC000  }
0x78: {  	[spmem:s2] =	stream.indirect.scatter.add.f32 [tilespmem:s15], [sflag:$0x5], $0x80, s10, s21, $0xb8;
	[tilespmem:$0x1D000] =	vst v63  }
0x79: {  	_ =	swait.ge [sflag:s16], $0x4000  }
0x7a: {  	[sflag:s16] =	ssyncset.done $0x0  }
0x7b: {  	s11 =	rddreg [dreg:$0xe];
	[sflag:s16] =	ssyncadd.s32 $0xFFFFC000  }
0x7c: {  	[tilespmem:s15], [sflag:$0x3] =	stream.indirect.gather [hbm4b:s1+s21], $0x80, s11, s21, $0xb8;
	[tilespmem:$0x1D000] =	vst v63  }
0x7d: {  	_ =	swait.ge [sflag:s24], $0x4000  }
0x7e: {  	[sflag:s24] =	ssyncset.done $0x0  }
0x7f: {  	s14 =	rddreg [dreg:$0xf];
	[sflag:s24] =	ssyncadd.s32 $0xFFFFC000  }
0x80: {  	[spmem:s2] =	stream.indirect.scatter.add.f32 [tilespmem:s22], [sflag:$0x5], $0x80, s14, s21, $0xb8;
	[tilespmem:$0x1D000] =	vst v63  }
0x81: {  	_ =	swait.ge [sflag:s16], $0x4000  }
0x82: {  	[sflag:s16] =	ssyncset.done $0x0  }
0x83: {  	s9 =	rddreg [dreg:$0x10];
	[sflag:s16] =	ssyncadd.s32 $0xFFFFC000  }
0x84: {  	[tilespmem:s22], [sflag:$0x4] =	stream.indirect.gather [hbm4b:s1+s21], $0x80, s9, s21, $0xb8;
	[tilespmem:$0x1D000] =	vst v63  }
0x85: {  	_ =	swait.ge [sflag:s23], $0x4000  }
0x86: {  	[sflag:s23] =	ssyncset.done $0x0  }
0x87: {  	s10 =	rddreg [dreg:$0x11];
	[sflag:s23] =	ssyncadd.s32 $0xFFFFC000  }
0x88: {  	[spmem:s2] =	stream.indirect.scatter.add.f32 [tilespmem:s15], [sflag:$0x5], $0x80, s10, s21, $0xb8;
	[tilespmem:$0x1D000] =	vst v63  }
0x89: {  	_ =	swait.ge [sflag:s16], $0x4000  }
0x8a: {  	[sflag:s16] =	ssyncset.done $0x0  }
0x8b: {  	[sflag:s16] =	ssyncadd.s32 $0xFFFFC000  }
0x8c: {  	_ =	swait.ge [sflag:s24], $0x4000  }
0x8d: {  	[sflag:s24] =	ssyncset.done $0x0  }
0x8e: {  	s11 =	rddreg [dreg:$0x12];
	[sflag:s24] =	ssyncadd.s32 $0xFFFFC000  }
0x8f: {  	[spmem:s2] =	stream.indirect.scatter.add.f32 [tilespmem:s22], [sflag:$0x5], $0x80, s11, s21, $0xb8;
	[tilespmem:$0x1D000] =	vst v63  }
0x90: {  	_ =	swait.ge [sflag:s16], $0x4000  }
0x91: {  	[sflag:s16] =	ssyncset.done $0x0  }
0x92: {  	[sflag:s16] =	ssyncadd.s32 $0xFFFFC000  }
0x93: {  	_ =	swait.ge [sflag:s25], $0x400  }
0x94: {  	[sflag:s25] =	ssyncset.done $0x0  }
0x95: {  	[sflag:s25] =	ssyncadd.s32 $0xFFFFFC00  }
0x96: {  	p0 =	por $0x0, $0x0;
	_ =	swait.ge [sflag:s25], $0x400  }
0x97: {  	s3 =	sshrl.u32 @!p0 s8, $0x3;
	[sflag:s25] =	ssyncset.done $0x0  }
0x98: {  	s14 =	simm.s32 @!p0 $0x0;
	s9 =	sadd.s32 @!p0 s5, s3;
	[sflag:s25] =	ssyncadd.s32 $0xFFFFFC00  }
0x99: {  	[tilespmem:s14], [sflag:$0x1] =	stream.linear.gather @!p0 [hbm4b:s9+s14], $0x400, $0x38;
	[tilespmem:$0x1D000] =	vst v63  }
0x9a: {  	s3 =	sadd.s32 @!p0 s6, s3;
	s9 =	simm.s32 @!p0 $0x800  }
0x9b: {  	[tilespmem:s9], [sflag:$0x1] =	stream.linear.gather @!p0 [hbm4b:s3+s14], $0x400, $0x38;
	[tilespmem:$0x1D000] =	vst v63  }
0x9c: {  	_ = 	snop  }
0x9d: {  	[tilespmem:s15], [sflag:$0x3] =	stream.indirect.gather [hbm4b:s1+s21], $0x80, s19, s21, $0xb8;
	[tilespmem:$0x1D000] =	vst v63  }
0x9e: {  	s14 =	rddreg [dreg:$0x13]  }
0x9f: {  	[tilespmem:s22], [sflag:$0x4] =	stream.indirect.gather [hbm4b:s1+s21], $0x80, s14, s21, $0xb8;
	[tilespmem:$0x1D000] =	vst v63  }
0xa0: {  	_ =	swait.ge [sflag:s23], $0x4000  }
0xa1: {  	[sflag:s23] =	ssyncset.done $0x0  }
0xa2: {  	[sflag:s23] =	ssyncadd.s32 $0xFFFFC000  }
0xa3: {  	[spmem:s2] =	stream.indirect.scatter.add.f32 [tilespmem:s15], [sflag:$0x5], $0x80, s20, s21, $0xb8;
	[tilespmem:$0x1D000] =	vst v63  }
0xa4: {  	_ =	swait.ge [sflag:s16], $0x4000  }
0xa5: {  	[sflag:s16] =	ssyncset.done $0x0  }
0xa6: {  	s9 =	rddreg [dreg:$0x14];
	[sflag:s16] =	ssyncadd.s32 $0xFFFFC000  }
0xa7: {  	[tilespmem:s15], [sflag:$0x3] =	stream.indirect.gather [hbm4b:s1+s21], $0x80, s9, s21, $0xb8;
	[tilespmem:$0x1D000] =	vst v63  }
0xa8: {  	_ =	swait.ge [sflag:s24], $0x4000  }
0xa9: {  	[sflag:s24] =	ssyncset.done $0x0  }
0xaa: {  	s10 =	rddreg [dreg:$0x15];
	[sflag:s24] =	ssyncadd.s32 $0xFFFFC000  }
0xab: {  	[spmem:s2] =	stream.indirect.scatter.add.f32 [tilespmem:s22], [sflag:$0x5], $0x80, s10, s21, $0xb8;
	[tilespmem:$0x1D000] =	vst v63  }
0xac: {  	_ =	swait.ge [sflag:s16], $0x4000  }
0xad: {  	[sflag:s16] =	ssyncset.done $0x0  }
0xae: {  	s11 =	rddreg [dreg:$0x16];
	[sflag:s16] =	ssyncadd.s32 $0xFFFFC000  }
0xaf: {  	[tilespmem:s22], [sflag:$0x4] =	stream.indirect.gather [hbm4b:s1+s21], $0x80, s11, s21, $0xb8;
	[tilespmem:$0x1D000] =	vst v63  }
0xb0: {  	_ =	swait.ge [sflag:s23], $0x4000  }
0xb1: {  	[sflag:s23] =	ssyncset.done $0x0  }
0xb2: {  	s14 =	rddreg [dreg:$0x17];
	[sflag:s23] =	ssyncadd.s32 $0xFFFFC000  }
0xb3: {  	[spmem:s2] =	stream.indirect.scatter.add.f32 [tilespmem:s15], [sflag:$0x5], $0x80, s14, s21, $0xb8;
	[tilespmem:$0x1D000] =	vst v63  }
0xb4: {  	_ =	swait.ge [sflag:s16], $0x4000  }
0xb5: {  	[sflag:s16] =	ssyncset.done $0x0  }
0xb6: {  	s9 =	rddreg [dreg:$0x18];
	[sflag:s16] =	ssyncadd.s32 $0xFFFFC000  }
0xb7: {  	[tilespmem:s15], [sflag:$0x3] =	stream.indirect.gather [hbm4b:s1+s21], $0x80, s9, s21, $0xb8;
	[tilespmem:$0x1D000] =	vst v63  }
0xb8: {  	_ =	swait.ge [sflag:s24], $0x4000  }
0xb9: {  	[sflag:s24] =	ssyncset.done $0x0  }
0xba: {  	s10 =	rddreg [dreg:$0x19];
	[sflag:s24] =	ssyncadd.s32 $0xFFFFC000  }
0xbb: {  	[spmem:s2] =	stream.indirect.scatter.add.f32 [tilespmem:s22], [sflag:$0x5], $0x80, s10, s21, $0xb8;
	[tilespmem:$0x1D000] =	vst v63  }
0xbc: {  	_ =	swait.ge [sflag:s16], $0x4000  }
0xbd: {  	[sflag:s16] =	ssyncset.done $0x0  }
0xbe: {  	s11 =	rddreg [dreg:$0x1a];
	[sflag:s16] =	ssyncadd.s32 $0xFFFFC000  }
0xbf: {  	[tilespmem:s22], [sflag:$0x4] =	stream.indirect.gather [hbm4b:s1+s21], $0x80, s11, s21, $0xb8;
	[tilespmem:$0x1D000] =	vst v63  }
0xc0: {  	_ =	swait.ge [sflag:s23], $0x4000  }
0xc1: {  	[sflag:s23] =	ssyncset.done $0x0  }
0xc2: {  	s14 =	rddreg [dreg:$0x1b];
	[sflag:s23] =	ssyncadd.s32 $0xFFFFC000  }
0xc3: {  	[spmem:s2] =	stream.indirect.scatter.add.f32 [tilespmem:s15], [sflag:$0x5], $0x80, s14, s21, $0xb8;
	[tilespmem:$0x1D000] =	vst v63  }
0xc4: {  	_ =	swait.ge [sflag:s16], $0x4000  }
0xc5: {  	[sflag:s16] =	ssyncset.done $0x0  }
0xc6: {  	[sflag:s16] =	ssyncadd.s32 $0xFFFFC000  }
0xc7: {  	[tilespmem:s15], [sflag:$0x3] =	stream.indirect.gather [hbm4b:s1+s21], $0x80, s26, s21, $0xb8;
	[tilespmem:$0x1D000] =	vst v63  }
0xc8: {  	_ =	swait.ge [sflag:s24], $0x4000  }
0xc9: {  	[sflag:s24] =	ssyncset.done $0x0  }
0xca: {  	[sflag:s24] =	ssyncadd.s32 $0xFFFFC000  }
0xcb: {  	[spmem:s2] =	stream.indirect.scatter.add.f32 [tilespmem:s22], [sflag:$0x5], $0x80, s28, s21, $0xb8;
	[tilespmem:$0x1D000] =	vst v63  }
0xcc: {  	_ =	swait.ge [sflag:s16], $0x4000  }
0xcd: {  	[sflag:s16] =	ssyncset.done $0x0  }
0xce: {  	[sflag:s16] =	ssyncadd.s32 $0xFFFFC000  }
0xcf: {  	[tilespmem:s22], [sflag:$0x4] =	stream.indirect.gather [hbm4b:s1+s21], $0x80, s29, s21, $0xb8;
	[tilespmem:$0x1D000] =	vst v63  }
0xd0: {  	_ =	swait.ge [sflag:s23], $0x4000  }
0xd1: {  	[sflag:s23] =	ssyncset.done $0x0  }
0xd2: {  	[sflag:s23] =	ssyncadd.s32 $0xFFFFC000  }
0xd3: {  	[spmem:s2] =	stream.indirect.scatter.add.f32 [tilespmem:s15], [sflag:$0x5], $0x80, s30, s21, $0xb8;
	[tilespmem:$0x1D000] =	vst v63  }
0xd4: {  	_ =	swait.ge [sflag:s16], $0x4000  }
0xd5: {  	[sflag:s16] =	ssyncset.done $0x0  }
0xd6: {  	[sflag:s16] =	ssyncadd.s32 $0xFFFFC000  }
0xd7: {  	_ =	swait.ge [sflag:s24], $0x4000  }
0xd8: {  	[sflag:s24] =	ssyncset.done $0x0  }
0xd9: {  	[sflag:s24] =	ssyncadd.s32 $0xFFFFC000  }
0xda: {  	[spmem:s2] =	stream.indirect.scatter.add.f32 [tilespmem:s22], [sflag:$0x5], $0x80, s31, s21, $0xb8;
	[tilespmem:$0x1D000] =	vst v63  }
0xdb: {  	_ =	swait.ge [sflag:s16], $0x4000  }
0xdc: {  	s3 =	simm.s32 $0x100;
	s14 =	smov.u32 s8;
	[sflag:s16] =	ssyncset.done $0x0  }
.LBB2_4:
0xdd: {  	[sflag:s16] =	ssyncadd.s32 $0xFFFFC000  }
0xde: {  	_ =	swait.ge [sflag:s18], $0x400  }
0xdf: {  	[sflag:s18] =	ssyncset.done $0x0  }
0xe0: {  	[sflag:s18] =	ssyncadd.s32 $0xFFFFFC00  }
0xe1: {  	_ =	swait.ge [sflag:s18], $0x400  }
0xe2: {  	s9 =	smov.u32 s3;
	s10 =	rddreg [dreg:$0x5];
	[sflag:s18] =	ssyncset.done $0x0  }
0xe3: {  	s11 =	rddreg [dreg:$0x4];
	[sflag:s18] =	ssyncadd.s32 $0xFFFFFC00;
	s10 =	sadd.s32 s9, s10  }
0xe4: {  	[tilespmem:s19], [sflag:$0x2] =	stream.linear.gather [hbm4b:s10+s4], $0x400, $0x38;
	[tilespmem:$0x1D000] =	vst v63  }
0xe5: {  	s11 =	sadd.s32 s9, s11  }
0xe6: {  	[tilespmem:s20], [sflag:$0x2] =	stream.linear.gather [hbm4b:s11+s4], $0x400, $0x38;
	[tilespmem:$0x1D000] =	vst v63  }
0xe7: {  	_ = 	snop  }
0xe8: {  	[tilespmem:s15], [sflag:$0x3] =	stream.indirect.gather [hbm4b:s1+s21], $0x80, s4, s21, $0xb8;
	[tilespmem:$0x1D000] =	vst v63  }
0xe9: {  	_ = 	snop  }
0xea: {  	[tilespmem:s22], [sflag:$0x4] =	stream.indirect.gather [hbm4b:s1+s21], $0x80, s21, s21, $0xb8;
	[tilespmem:$0x1D000] =	vst v63  }
0xeb: {  	_ =	swait.ge [sflag:s23], $0x4000  }
0xec: {  	[sflag:s23] =	ssyncset.done $0x0  }
0xed: {  	[sflag:s23] =	ssyncadd.s32 $0xFFFFC000  }
0xee: {  	[spmem:s2] =	stream.indirect.scatter.add.f32 [tilespmem:s15], [sflag:$0x5], $0x80, s17, s21, $0xb8;
	[tilespmem:$0x1D000] =	vst v63  }
0xef: {  	_ =	swait.ge [sflag:s16], $0x4000  }
0xf0: {  	[sflag:s16] =	ssyncset.done $0x0  }
0xf1: {  	s11 =	rddreg [dreg:$0x6];
	[sflag:s16] =	ssyncadd.s32 $0xFFFFC000  }
0xf2: {  	[tilespmem:s15], [sflag:$0x3] =	stream.indirect.gather [hbm4b:s1+s21], $0x80, s11, s21, $0xb8;
	[tilespmem:$0x1D000] =	vst v63  }
0xf3: {  	_ =	swait.ge [sflag:s24], $0x4000  }
0xf4: {  	[sflag:s24] =	ssyncset.done $0x0  }
0xf5: {  	s11 =	rddreg [dreg:$0x7];
	[sflag:s24] =	ssyncadd.s32 $0xFFFFC000  }
0xf6: {  	[spmem:s2] =	stream.indirect.scatter.add.f32 [tilespmem:s22], [sflag:$0x5], $0x80, s11, s21, $0xb8;
	[tilespmem:$0x1D000] =	vst v63  }
0xf7: {  	_ =	swait.ge [sflag:s16], $0x4000  }
0xf8: {  	[sflag:s16] =	ssyncset.done $0x0  }
0xf9: {  	s11 =	rddreg [dreg:$0x8];
	[sflag:s16] =	ssyncadd.s32 $0xFFFFC000  }
0xfa: {  	[tilespmem:s22], [sflag:$0x4] =	stream.indirect.gather [hbm4b:s1+s21], $0x80, s11, s21, $0xb8;
	[tilespmem:$0x1D000] =	vst v63  }
0xfb: {  	_ =	swait.ge [sflag:s23], $0x4000  }
0xfc: {  	[sflag:s23] =	ssyncset.done $0x0  }
0xfd: {  	s11 =	rddreg [dreg:$0x9];
	[sflag:s23] =	ssyncadd.s32 $0xFFFFC000  }
0xfe: {  	[spmem:s2] =	stream.indirect.scatter.add.f32 [tilespmem:s15], [sflag:$0x5], $0x80, s11, s21, $0xb8;
	[tilespmem:$0x1D000] =	vst v63  }
0xff: {  	_ =	swait.ge [sflag:s16], $0x4000  }
0x100: {  	[sflag:s16] =	ssyncset.done $0x0  }
0x101: {  	s11 =	rddreg [dreg:$0xa];
	[sflag:s16] =	ssyncadd.s32 $0xFFFFC000  }
0x102: {  	[tilespmem:s15], [sflag:$0x3] =	stream.indirect.gather [hbm4b:s1+s21], $0x80, s11, s21, $0xb8;
	[tilespmem:$0x1D000] =	vst v63  }
0x103: {  	_ =	swait.ge [sflag:s24], $0x4000  }
0x104: {  	[sflag:s24] =	ssyncset.done $0x0  }
0x105: {  	s11 =	rddreg [dreg:$0xb];
	[sflag:s24] =	ssyncadd.s32 $0xFFFFC000  }
0x106: {  	[spmem:s2] =	stream.indirect.scatter.add.f32 [tilespmem:s22], [sflag:$0x5], $0x80, s11, s21, $0xb8;
	[tilespmem:$0x1D000] =	vst v63  }
0x107: {  	_ =	swait.ge [sflag:s16], $0x4000  }
0x108: {  	[sflag:s16] =	ssyncset.done $0x0  }
0x109: {  	s11 =	rddreg [dreg:$0xc];
	[sflag:s16] =	ssyncadd.s32 $0xFFFFC000  }
0x10a: {  	[tilespmem:s22], [sflag:$0x4] =	stream.indirect.gather [hbm4b:s1+s21], $0x80, s11, s21, $0xb8;
	[tilespmem:$0x1D000] =	vst v63  }
0x10b: {  	_ =	swait.ge [sflag:s23], $0x4000  }
0x10c: {  	[sflag:s23] =	ssyncset.done $0x0  }
0x10d: {  	s11 =	rddreg [dreg:$0xd];
	[sflag:s23] =	ssyncadd.s32 $0xFFFFC000  }
0x10e: {  	[spmem:s2] =	stream.indirect.scatter.add.f32 [tilespmem:s15], [sflag:$0x5], $0x80, s11, s21, $0xb8;
	[tilespmem:$0x1D000] =	vst v63  }
0x10f: {  	_ =	swait.ge [sflag:s16], $0x4000  }
0x110: {  	[sflag:s16] =	ssyncset.done $0x0  }
0x111: {  	s11 =	rddreg [dreg:$0xe];
	[sflag:s16] =	ssyncadd.s32 $0xFFFFC000  }
0x112: {  	[tilespmem:s15], [sflag:$0x3] =	stream.indirect.gather [hbm4b:s1+s21], $0x80, s11, s21, $0xb8;
	[tilespmem:$0x1D000] =	vst v63  }
0x113: {  	_ =	swait.ge [sflag:s24], $0x4000  }
0x114: {  	[sflag:s24] =	ssyncset.done $0x0  }
0x115: {  	s11 =	rddreg [dreg:$0xf];
	[sflag:s24] =	ssyncadd.s32 $0xFFFFC000  }
0x116: {  	[spmem:s2] =	stream.indirect.scatter.add.f32 [tilespmem:s22], [sflag:$0x5], $0x80, s11, s21, $0xb8;
	[tilespmem:$0x1D000] =	vst v63  }
0x117: {  	_ =	swait.ge [sflag:s16], $0x4000  }
0x118: {  	[sflag:s16] =	ssyncset.done $0x0  }
0x119: {  	s11 =	rddreg [dreg:$0x10];
	[sflag:s16] =	ssyncadd.s32 $0xFFFFC000  }
0x11a: {  	[tilespmem:s22], [sflag:$0x4] =	stream.indirect.gather [hbm4b:s1+s21], $0x80, s11, s21, $0xb8;
	[tilespmem:$0x1D000] =	vst v63  }
0x11b: {  	_ =	swait.ge [sflag:s23], $0x4000  }
0x11c: {  	[sflag:s23] =	ssyncset.done $0x0  }
0x11d: {  	s11 =	rddreg [dreg:$0x11];
	[sflag:s23] =	ssyncadd.s32 $0xFFFFC000  }
0x11e: {  	[spmem:s2] =	stream.indirect.scatter.add.f32 [tilespmem:s15], [sflag:$0x5], $0x80, s11, s21, $0xb8;
	[tilespmem:$0x1D000] =	vst v63  }
0x11f: {  	_ =	swait.ge [sflag:s16], $0x4000  }
0x120: {  	[sflag:s16] =	ssyncset.done $0x0  }
0x121: {  	[sflag:s16] =	ssyncadd.s32 $0xFFFFC000  }
0x122: {  	_ =	swait.ge [sflag:s24], $0x4000  }
0x123: {  	[sflag:s24] =	ssyncset.done $0x0  }
0x124: {  	s11 =	rddreg [dreg:$0x12];
	[sflag:s24] =	ssyncadd.s32 $0xFFFFC000  }
0x125: {  	[spmem:s2] =	stream.indirect.scatter.add.f32 [tilespmem:s22], [sflag:$0x5], $0x80, s11, s21, $0xb8;
	[tilespmem:$0x1D000] =	vst v63  }
0x126: {  	_ =	swait.ge [sflag:s16], $0x4000  }
0x127: {  	[sflag:s16] =	ssyncset.done $0x0  }
0x128: {  	[sflag:s16] =	ssyncadd.s32 $0xFFFFC000  }
0x129: {  	_ =	swait.ge [sflag:s25], $0x400  }
0x12a: {  	[sflag:s25] =	ssyncset.done $0x0  }
0x12b: {  	[sflag:s25] =	ssyncadd.s32 $0xFFFFFC00  }
0x12c: {  	s14 =	sadd.s32 $0x800, s14;
	p1 =	seq.s32 s9, $0x400;
	_ =	swait.ge [sflag:s25], $0x400  }
0x12d: {  	s9 =	sshrl.u32 @!p1 s14, $0x3;
	[sflag:s25] =	ssyncset.done $0x0  }
0x12e: {  	s10 =	sadd.s32 @!p1 s5, s9;
	s11 =	simm.s32 @!p1 $0x0;
	[sflag:s25] =	ssyncadd.s32 $0xFFFFFC00  }
0x12f: {  	[tilespmem:s11], [sflag:$0x1] =	stream.linear.gather @!p1 [hbm4b:s10+s11], $0x400, $0x38;
	[tilespmem:$0x1D000] =	vst v63  }
0x130: {  	s9 =	sadd.s32 @!p1 s6, s9;
	s10 =	simm.s32 @!p1 $0x800  }
0x131: {  	[tilespmem:s10], [sflag:$0x1] =	stream.linear.gather @!p1 [hbm4b:s9+s11], $0x400, $0x38;
	[tilespmem:$0x1D000] =	vst v63  }
0x132: {  	_ = 	snop  }
0x133: {  	[tilespmem:s15], [sflag:$0x3] =	stream.indirect.gather [hbm4b:s1+s21], $0x80, s19, s21, $0xb8;
	[tilespmem:$0x1D000] =	vst v63  }
0x134: {  	s11 =	rddreg [dreg:$0x13]  }
0x135: {  	[tilespmem:s22], [sflag:$0x4] =	stream.indirect.gather [hbm4b:s1+s21], $0x80, s11, s21, $0xb8;
	[tilespmem:$0x1D000] =	vst v63  }
0x136: {  	_ =	swait.ge [sflag:s23], $0x4000  }
0x137: {  	[sflag:s23] =	ssyncset.done $0x0  }
0x138: {  	[sflag:s23] =	ssyncadd.s32 $0xFFFFC000  }
0x139: {  	[spmem:s2] =	stream.indirect.scatter.add.f32 [tilespmem:s15], [sflag:$0x5], $0x80, s20, s21, $0xb8;
	[tilespmem:$0x1D000] =	vst v63  }
0x13a: {  	_ =	swait.ge [sflag:s16], $0x4000  }
0x13b: {  	[sflag:s16] =	ssyncset.done $0x0  }
0x13c: {  	s10 =	rddreg [dreg:$0x14];
	[sflag:s16] =	ssyncadd.s32 $0xFFFFC000  }
0x13d: {  	[tilespmem:s15], [sflag:$0x3] =	stream.indirect.gather [hbm4b:s1+s21], $0x80, s10, s21, $0xb8;
	[tilespmem:$0x1D000] =	vst v63  }
0x13e: {  	_ =	swait.ge [sflag:s24], $0x4000  }
0x13f: {  	[sflag:s24] =	ssyncset.done $0x0  }
0x140: {  	s11 =	rddreg [dreg:$0x15];
	[sflag:s24] =	ssyncadd.s32 $0xFFFFC000  }
0x141: {  	[spmem:s2] =	stream.indirect.scatter.add.f32 [tilespmem:s22], [sflag:$0x5], $0x80, s11, s21, $0xb8;
	[tilespmem:$0x1D000] =	vst v63  }
0x142: {  	_ =	swait.ge [sflag:s16], $0x4000  }
0x143: {  	[sflag:s16] =	ssyncset.done $0x0  }
0x144: {  	s10 =	rddreg [dreg:$0x16];
	[sflag:s16] =	ssyncadd.s32 $0xFFFFC000  }
0x145: {  	[tilespmem:s22], [sflag:$0x4] =	stream.indirect.gather [hbm4b:s1+s21], $0x80, s10, s21, $0xb8;
	[tilespmem:$0x1D000] =	vst v63  }
0x146: {  	_ =	swait.ge [sflag:s23], $0x4000  }
0x147: {  	[sflag:s23] =	ssyncset.done $0x0  }
0x148: {  	s11 =	rddreg [dreg:$0x17];
	[sflag:s23] =	ssyncadd.s32 $0xFFFFC000  }
0x149: {  	[spmem:s2] =	stream.indirect.scatter.add.f32 [tilespmem:s15], [sflag:$0x5], $0x80, s11, s21, $0xb8;
	[tilespmem:$0x1D000] =	vst v63  }
0x14a: {  	_ =	swait.ge [sflag:s16], $0x4000  }
0x14b: {  	[sflag:s16] =	ssyncset.done $0x0  }
0x14c: {  	s10 =	rddreg [dreg:$0x18];
	[sflag:s16] =	ssyncadd.s32 $0xFFFFC000  }
0x14d: {  	[tilespmem:s15], [sflag:$0x3] =	stream.indirect.gather [hbm4b:s1+s21], $0x80, s10, s21, $0xb8;
	[tilespmem:$0x1D000] =	vst v63  }
0x14e: {  	_ =	swait.ge [sflag:s24], $0x4000  }
0x14f: {  	[sflag:s24] =	ssyncset.done $0x0  }
0x150: {  	s11 =	rddreg [dreg:$0x19];
	[sflag:s24] =	ssyncadd.s32 $0xFFFFC000  }
0x151: {  	[spmem:s2] =	stream.indirect.scatter.add.f32 [tilespmem:s22], [sflag:$0x5], $0x80, s11, s21, $0xb8;
	[tilespmem:$0x1D000] =	vst v63  }
0x152: {  	_ =	swait.ge [sflag:s16], $0x4000  }
0x153: {  	[sflag:s16] =	ssyncset.done $0x0  }
0x154: {  	s10 =	rddreg [dreg:$0x1a];
	[sflag:s16] =	ssyncadd.s32 $0xFFFFC000  }
0x155: {  	[tilespmem:s22], [sflag:$0x4] =	stream.indirect.gather [hbm4b:s1+s21], $0x80, s10, s21, $0xb8;
	[tilespmem:$0x1D000] =	vst v63  }
0x156: {  	_ =	swait.ge [sflag:s23], $0x4000  }
0x157: {  	[sflag:s23] =	ssyncset.done $0x0  }
0x158: {  	s11 =	rddreg [dreg:$0x1b];
	[sflag:s23] =	ssyncadd.s32 $0xFFFFC000  }
0x159: {  	[spmem:s2] =	stream.indirect.scatter.add.f32 [tilespmem:s15], [sflag:$0x5], $0x80, s11, s21, $0xb8;
	[tilespmem:$0x1D000] =	vst v63  }
0x15a: {  	_ =	swait.ge [sflag:s16], $0x4000  }
0x15b: {  	[sflag:s16] =	ssyncset.done $0x0  }
0x15c: {  	[sflag:s16] =	ssyncadd.s32 $0xFFFFC000  }
0x15d: {  	[tilespmem:s15], [sflag:$0x3] =	stream.indirect.gather [hbm4b:s1+s21], $0x80, s26, s21, $0xb8;
	[tilespmem:$0x1D000] =	vst v63  }
0x15e: {  	_ =	swait.ge [sflag:s24], $0x4000  }
0x15f: {  	[sflag:s24] =	ssyncset.done $0x0  }
0x160: {  	[sflag:s24] =	ssyncadd.s32 $0xFFFFC000  }
0x161: {  	[spmem:s2] =	stream.indirect.scatter.add.f32 [tilespmem:s22], [sflag:$0x5], $0x80, s28, s21, $0xb8;
	[tilespmem:$0x1D000] =	vst v63  }
0x162: {  	_ =	swait.ge [sflag:s16], $0x4000  }
0x163: {  	[sflag:s16] =	ssyncset.done $0x0  }
0x164: {  	[sflag:s16] =	ssyncadd.s32 $0xFFFFC000  }
0x165: {  	[tilespmem:s22], [sflag:$0x4] =	stream.indirect.gather [hbm4b:s1+s21], $0x80, s29, s21, $0xb8;
	[tilespmem:$0x1D000] =	vst v63  }
0x166: {  	_ =	swait.ge [sflag:s23], $0x4000  }
0x167: {  	[sflag:s23] =	ssyncset.done $0x0  }
0x168: {  	[sflag:s23] =	ssyncadd.s32 $0xFFFFC000  }
0x169: {  	[spmem:s2] =	stream.indirect.scatter.add.f32 [tilespmem:s15], [sflag:$0x5], $0x80, s30, s21, $0xb8;
	[tilespmem:$0x1D000] =	vst v63  }
0x16a: {  	_ =	swait.ge [sflag:s16], $0x4000  }
0x16b: {  	[sflag:s16] =	ssyncset.done $0x0  }
0x16c: {  	s3 =	sadd.s32 $0x100, s3;
	[sflag:s16] =	ssyncadd.s32 $0xFFFFC000  }
0x16d: {  	p0 =	sne.s32 s3, $0x500;
	_ =	swait.ge [sflag:s24], $0x4000  }
.Ltmp1:
0x16e: {  	[sflag:s24] =	ssyncset.done $0x0;
	(pc) =	sbr.rel @p0 .LBB2_4-.Ltmp1, $4  }
0x16f: {  	[sflag:s24] =	ssyncadd.s32 $0xFFFFC000  }
0x170: {  	[spmem:s2] =	stream.indirect.scatter.add.f32 [tilespmem:s22], [sflag:$0x5], $0x80, s31, s21, $0xb8;
	[tilespmem:$0x1D000] =	vst v63  }
0x171: {  	_ =	swait.ge [sflag:s16], $0x4000  }
0x172: {  	[sflag:s16] =	ssyncset.done $0x0  }
0x173: {  	[sflag:s16] =	ssyncadd.s32 $0xFFFFC000;
	s3 =	stileid.u32;
	s0 =	sadd.s32 $0x1, s0  }
0x174: {  	s9 =	sshrl.u32 s7, $0x3;
	s3 =	sshll.u32 s3, $0x6;
	p0 =	sne.s32 s0, s13  }
.Ltmp2:
0x175: {  	[bflag:$0x0] =	sbarrier.arrive $0xFFFF;
	s3 =	sor.u32 $0x1C05, s3;
	(pc) =	sbr.rel @p0 .LBB2_1-.Ltmp2, $4  }
0x176: {  	[hbm:s12], [sflag:s3] =	dma.local [spmem:s9], $0x2800  }
0x177: {  	_ =	swait.ge [sflag:s16], $0x2800  }
0x178: {  	[sflag:s16] =	ssyncset.done $0x0  }
0x179: {  	[sflag:s16] =	ssyncadd.s32 $0xFFFFD800  }
0x17a: {  	_ =	sfence.sel $0x180000  }
0x17b: {  	[bflag:$0x0] =	sbarrier.arrive $0xFFFF  }
0x17c: {  	_ =	strace $0x90000047  }
0x17d: {  	s0 =	stileid.u32;
	[bflag:$0x2] =	sbarrier.arrive $0xFFFF  }
0x17e: {  	p0 =	sne.s32 s0, $0x0;
	s0 =	rddreg [dreg:$0x3]  }
0x17f: {  	s0 =	sadd.s32 @!p0 $0x100000, s0  }
0x180: {  	[sflag:s0] =	ssyncadd.tile.s32 @!p0 $0x1;
	_ =	shalt  }
.Lfunc_end2:
_tile_overlayer_lowered:
.L_overlay_start_2:
0x181: {  	(tag) =	ssettag $0x2  }
0x182: {  	s0 =	rddreg [dreg:$0x0];
	s2 =	stileid.u32  }
0x183: {  	s1 =	rddreg [dreg:$0x1];
	p0 =	sne.s32 s2, $0x0  }
0x184: {  	s3 =	rddreg [dreg:$0x2];
	[bflag:$0x3] =	sbarrier.arrive $0xFFFF;
	s2 =	simm.s32 @!p0 $0x1C05  }
0x185: {  	[timem:s3], [sflag:s2] =	dma.local @!p0 [hbm:s0], s1  }
0x186: {  	s0 =	simm.s32 @!p0 $0x5  }
0x187: {  	_ =	swait.ge @!p0 [sflag:s0], s1  }
0x188: {  	s1 =	ssub.s32 @!p0 $0x0, s1;
	[sflag:s0] =	ssyncset.done @!p0 $0x0  }
0x189: {  	[sflag:s0] =	ssyncadd.s32 @!p0 s1  }
0x18a: {  	[bflag:$0x3] =	sbarrier.arrive $0xFFFF  }
0x18b: {  	_ =	shalt  }

</sc_bundles>
